<compile_context>
chip_gen: v7x
topology: tpu7x:2x2x1
jax: 0.10.2.dev20260603
libtpu: 0.0.44.dev20260713+nightly
codegen_flags: <defaults>
</compile_context>

<pallas_src>
import jax
import jax.numpy as jnp
from jax import lax
from jax.experimental import pallas as pl
from jax.experimental.pallas import tpu as pltpu
from jax.experimental.pallas import tpu_sc as plsc

IN_DIM = 16384
OUT_DIM = 16384
BATCH = 1024

NC = 2
NS = 16
L = 16
NW = NC * NS
RPW = OUT_DIM // NW
G = 16
NCH = RPW // G

_CA = (0, 0, 1, 1, 0, 0, 1, 1, -1, -1, 0, 0, -1, -1, 0, 0)
_CB = (0, 0, 0, 0, 1, 1, 1, 1, -1, -1, -1, -1, 0, 0, 0, 0)
_CAB = (0, 1, -1, 0, -1, 0, -2, -1, 1, 2, 0, 1, 0, 1, -1, 0)


def _bcast_lane(vec, gl):
    dnums = lax.GatherDimensionNumbers(offset_dims=(),
                                       collapsed_slice_dims=(0,),
                                       start_index_map=(0,))
    return lax.gather(vec, gl[:, None], dnums, slice_sizes=(1,),
                      mode=lax.GatherScatterMode.PROMISE_IN_BOUNDS)


def _sc_body(xt_hbm, wt_hbm, ia_hbm, ib_hbm, tf_hbm, out_hbm,
             idxa_v, idxb_v, w_v, coef_v, tf_v,
             a0_v, b0_v, o0_v, a1_v, b1_v, o1_v,
             sem_a0, sem_b0, sem_o0, sem_a1, sem_b1, sem_o1):
    cc = lax.axis_index("c")
    ss = lax.axis_index("s")
    wid = ss * NC + cc
    base = wid * RPW

    pltpu.sync_copy(ia_hbm.at[pl.ds(base, RPW)], idxa_v)
    pltpu.sync_copy(ib_hbm.at[pl.ds(base, RPW)], idxb_v)
    pltpu.sync_copy(wt_hbm.at[:, pl.ds(base, RPW)], w_v)
    pltpu.sync_copy(tf_hbm, tf_v)
    one = jnp.full((L,), 1.0, jnp.float32)
    zero = jnp.zeros((L,), jnp.float32)
    tsel = jnp.where(tf_v[...] != 0, one, zero)

    def coef_body(gi, carry):
        sl = pl.ds(gi * L, L)
        cols = [w_v[k, sl] for k in range(16)]
        m = cols[0]
        for k in range(1, 16):
            m = jnp.maximum(m, cols[k])
        e = [jnp.exp(c - m) for c in cols]
        s = e[0]
        for k in range(1, 16):
            s = s + e[k]
        r = 1.0 / s
        p = [ek * r for ek in e]
        idxv = jnp.full((L,), 16, jnp.int32)
        for k in range(15, -1, -1):
            idxv = jnp.where(cols[k] == m, jnp.full((L,), k, jnp.int32), idxv)
        pe = []
        for k in range(16):
            ph = jnp.where(idxv == k, one, zero)
            pe.append(tsel * p[k] + (1.0 - tsel) * ph)
        c0 = pe[8]
        for k in range(9, 16):
            c0 = c0 + pe[k]
        ca = jnp.zeros((L,), jnp.float32)
        cb = jnp.zeros((L,), jnp.float32)
        cab = jnp.zeros((L,), jnp.float32)
        for k in range(16):
            if _CA[k]:
                ca = ca + float(_CA[k]) * pe[k]
            if _CB[k]:
                cb = cb + float(_CB[k]) * pe[k]
            if _CAB[k]:
                cab = cab + float(_CAB[k]) * pe[k]
        coef_v[pl.ds(gi * L, L)] = c0
        coef_v[pl.ds(RPW + gi * L, L)] = ca
        coef_v[pl.ds(2 * RPW + gi * L, L)] = cb
        coef_v[pl.ds(3 * RPW + gi * L, L)] = cab
        return carry

    z16 = jnp.zeros((L,), jnp.int32)

    def start_gathers(k, a_v, b_v, sem_a, sem_b):
        iav = idxa_v[pl.ds(k * G, G)]
        ibv = idxb_v[pl.ds(k * G, G)]
        pltpu.make_async_copy(xt_hbm.at[iav], a_v, sem_a).start()
        pltpu.make_async_copy(xt_hbm.at[ibv], b_v, sem_b).start()

    start_gathers(0, a0_v, b0_v, sem_a0, sem_b0)
    start_gathers(1, a1_v, b1_v, sem_a1, sem_b1)
    lax.fori_loop(0, RPW // L, coef_body, 0)

    def compute_chunk(k, a_v, b_v, o_v):
        c0v = coef_v[pl.ds(k * G, L)]
        cav = coef_v[pl.ds(RPW + k * G, L)]
        cbv = coef_v[pl.ds(2 * RPW + k * G, L)]
        cabv = coef_v[pl.ds(3 * RPW + k * G, L)]

        def g_body(g, carry2):
            gl = z16 + g
            c0 = _bcast_lane(c0v, gl)
            ca = _bcast_lane(cav, gl)
            cb = _bcast_lane(cbv, gl)
            cab = _bcast_lane(cabv, gl)

            for t in range(BATCH // L):
                sl = pl.ds(t * L, L)
                a = a_v[g, sl]
                b = b_v[g, sl]
                o_v[g, sl] = (c0 + ca * a) + (cb * b + cab * (a * b))
            return carry2

        lax.fori_loop(0, G, g_body, 0)

    bufs = ((a0_v, b0_v, o0_v, sem_a0, sem_b0, sem_o0),
            (a1_v, b1_v, o1_v, sem_a1, sem_b1, sem_o1))

    def pair_body(kp, carry):
        for ab in (0, 1):
            a_v, b_v, o_v, sem_a, sem_b, sem_o = bufs[ab]
            k = kp * 2 + ab
            pltpu.make_async_copy(xt_hbm.at[z16], a_v, sem_a).wait()
            pltpu.make_async_copy(xt_hbm.at[z16], b_v, sem_b).wait()

            @pl.when(kp > 0)
            def _():
                pltpu.make_async_copy(o_v, out_hbm.at[pl.ds(base, G)],
                                      sem_o).wait()

            compute_chunk(k, a_v, b_v, o_v)
            pltpu.make_async_copy(o_v, out_hbm.at[pl.ds(base + k * G, G)],
                                  sem_o).start()

            @pl.when(k + 2 < NCH)
            def _():
                start_gathers(k + 2, a_v, b_v, sem_a, sem_b)
        return carry

    lax.fori_loop(0, NCH // 2, pair_body, 0)
    for ab in (0, 1):
        a_v, b_v, o_v, sem_a, sem_b, sem_o = bufs[ab]
        pltpu.make_async_copy(o_v, out_hbm.at[pl.ds(base, G)], sem_o).wait()


def _build_sc_call():
    mesh = plsc.VectorSubcoreMesh(core_axis_name="c", subcore_axis_name="s",
                                  num_cores=NC, num_subcores=NS)
    return pl.kernel(
        _sc_body,
        out_type=jax.ShapeDtypeStruct((OUT_DIM, BATCH), jnp.float32),
        mesh=mesh,
        scratch_types=[
            pltpu.VMEM((RPW,), jnp.int32),
            pltpu.VMEM((RPW,), jnp.int32),
            pltpu.VMEM((16, RPW), jnp.float32),
            pltpu.VMEM((4 * RPW,), jnp.float32),
            pltpu.VMEM((L,), jnp.int32),
            pltpu.VMEM((G, BATCH), jnp.float32),
            pltpu.VMEM((G, BATCH), jnp.float32),
            pltpu.VMEM((G, BATCH), jnp.float32),
            pltpu.VMEM((G, BATCH), jnp.float32),
            pltpu.VMEM((G, BATCH), jnp.float32),
            pltpu.VMEM((G, BATCH), jnp.float32),
            pltpu.SemaphoreType.DMA,
            pltpu.SemaphoreType.DMA,
            pltpu.SemaphoreType.DMA,
            pltpu.SemaphoreType.DMA,
            pltpu.SemaphoreType.DMA,
            pltpu.SemaphoreType.DMA,
        ],
    )


def kernel(x, weights, idx_a, idx_b, training):
    xt = x.T
    wt = weights.T
    tf = jnp.full((L,), jnp.asarray(training, jnp.int32).reshape(()))
    out_t = _build_sc_call()(xt, wt, idx_a.astype(jnp.int32),
                             idx_b.astype(jnp.int32), tf)
    return out_t.T

# --- scband reference (transcript-rebuilt; emitter-appended) ---
"""Pipeline reference for scband-logic-layer-82042465289181 (READ-ONLY COPY).

The authoritative reference and input builder live on the scoring server;
editing this copy changes nothing except your own understanding.
"""

import jax, jax.numpy as jnp
import numpy as np

IN_DIM = 16384
OUT_DIM = 16384
BATCH = 1024


def _make_connections(in_dim, out_dim, seed=0):
    rng = np.random.default_rng(seed)
    c = rng.permutation(2 * out_dim) % in_dim
    c = rng.permutation(in_dim)[c]
    c = c.reshape(2, out_dim)
    return c[0].astype(np.int32), c[1].astype(np.int32)


def bin_op_s(a, b, w):
    # a, b: [B, out_dim]; w: [out_dim, 16] (probabilities over the 16 binary gates)
    ab = a * b
    terms = [
        jnp.zeros_like(a),          # 0: False
        ab,                          # 1: a AND b
        a - ab,                      # 2: a AND NOT b
        a,                           # 3: a
        b - ab,                      # 4: NOT a AND b
        b,                           # 5: b
        a + b - 2.0 * ab,            # 6: XOR
        a + b - ab,                  # 7: OR
        1.0 - (a + b - ab),          # 8: NOR
        1.0 - (a + b - 2.0 * ab),    # 9: XNOR
        1.0 - b,                     # 10: NOT b
        1.0 - b + ab,                # 11: a OR NOT b
        1.0 - a,                     # 12: NOT a
        1.0 - a + ab,                # 13: NOT a OR b
        1.0 - ab,                    # 14: NAND
        jnp.ones_like(a),            # 15: True
    ]
    out = jnp.zeros_like(a)
    for i, t in enumerate(terms):
        out = out + w[..., i] * t
    return out


def setup_inputs(seed: int = 0) -> dict:
    key = jax.random.key(seed)
    k_x, k_w = jax.random.split(key)
    x = jax.random.uniform(k_x, (BATCH, IN_DIM), dtype=jnp.float32)
    weights = jax.random.normal(k_w, (OUT_DIM, 16), dtype=jnp.float32)
    a_idx, b_idx = _make_connections(IN_DIM, OUT_DIM, seed=0)
    return {
        "x": x,
        "weights": weights,
        "idx_a": jnp.asarray(a_idx),
        "idx_b": jnp.asarray(b_idx),
        "training": True,
    }


def reference(x, weights, idx_a, idx_b, training):
    # grad_factor == 1.0 -> GradFactor is a no-op
    a = jnp.take(x, idx_a, axis=-1)
    b = jnp.take(x, idx_b, axis=-1)
    w_soft = jax.nn.softmax(weights, axis=-1)
    w_hard = jax.nn.one_hot(jnp.argmax(weights, axis=-1), 16, dtype=jnp.float32)
    w = jnp.where(training, w_soft, w_hard)
    return bin_op_s(a, b, w)

if __name__ == "__main__":
    import jax
    _d = setup_inputs()
    print(jax.jit(kernel)(*tuple(_d.values())))

</pallas_src>

<mosaic_0001>
#map = affine_map<(d0, d1) -> (0, 0)>
#map1 = affine_map<(d0, d1) -> (0)>
module attributes {stable_mosaic.version = 14 : i64} {
  func.func @_sc_body(%arg0: i32, %arg1: i32, %arg2: memref<16384x1024xf32, #tpu.memory_space<hbm>>, %arg3: memref<16x16384xf32, #tpu.memory_space<hbm>>, %arg4: memref<16384xi32, #tpu.memory_space<hbm>>, %arg5: memref<16384xi32, #tpu.memory_space<hbm>>, %arg6: memref<16xi32, #tpu.memory_space<hbm>>, %arg7: memref<16384x1024xf32, #tpu.memory_space<hbm>>, %arg8: memref<512xi32, #tpu.memory_space<vmem>>, %arg9: memref<512xi32, #tpu.memory_space<vmem>>, %arg10: memref<16x512xf32, #tpu.memory_space<vmem>>, %arg11: memref<2048xf32, #tpu.memory_space<vmem>>, %arg12: memref<16xi32, #tpu.memory_space<vmem>>, %arg13: memref<16x1024xf32, #tpu.memory_space<vmem>>, %arg14: memref<16x1024xf32, #tpu.memory_space<vmem>>, %arg15: memref<16x1024xf32, #tpu.memory_space<vmem>>, %arg16: memref<16x1024xf32, #tpu.memory_space<vmem>>, %arg17: memref<16x1024xf32, #tpu.memory_space<vmem>>, %arg18: memref<16x1024xf32, #tpu.memory_space<vmem>>, %arg19: memref<!tpu.dma_semaphore, #tpu.memory_space<semaphore_mem>>, %arg20: memref<!tpu.dma_semaphore, #tpu.memory_space<semaphore_mem>>, %arg21: memref<!tpu.dma_semaphore, #tpu.memory_space<semaphore_mem>>, %arg22: memref<!tpu.dma_semaphore, #tpu.memory_space<semaphore_mem>>, %arg23: memref<!tpu.dma_semaphore, #tpu.memory_space<semaphore_mem>>, %arg24: memref<!tpu.dma_semaphore, #tpu.memory_space<semaphore_mem>>) attributes {dimension_semantics = [#tpu.dimension_semantics<core_parallel>, #tpu.dimension_semantics<subcore_parallel>], iteration_bounds = array<i64: 2, 16>, scalar_prefetch = 0 : i64, scratch_operands = 17 : i64, tpu.core_type = #tpu.core_type<sc_vector_subcore>, window_params = [{transform_indices = #map}, {transform_indices = #map}, {transform_indices = #map1}, {transform_indices = #map1}, {transform_indices = #map1}, {transform_indices = #map}]} {
    %mul3A = arith.constant 2 : i32
    %mul3A_0 = arith.muli %arg1, %mul3A : i32
    %add3A = arith.addi %mul3A_0, %arg0 : i32
    %mul3A_1 = arith.constant 512 : i32
    %mul3A_2 = arith.muli %add3A, %mul3A_1 : i32
    "tpu.region"() ({
      %run_scoped3A = tpu.sem_alloc : memref<!tpu.dma_semaphore, #tpu.memory_space<semaphore_mem>>
      %dma_start3A_53 = tpu.memref_slice %arg4[%mul3A_2] : memref<16384xi32, #tpu.memory_space<hbm>> -> memref<512xi32, #tpu.memory_space<hbm>>
      %dma_start3A_54 = tpu.memref_slice %arg4[%mul3A_2] : memref<16384xi32, #tpu.memory_space<hbm>> -> memref<512xi32, #tpu.memory_space<hbm>>
      tpu.enqueue_dma source(%dma_start3A_54 : memref<512xi32, #tpu.memory_space<hbm>>) target(%arg8 : memref<512xi32, #tpu.memory_space<vmem>>) target_semaphore(%run_scoped3A : memref<!tpu.dma_semaphore, #tpu.memory_space<semaphore_mem>>)
      %dma_wait3A_55 = tpu.memref_slice %arg4[%mul3A_2] : memref<16384xi32, #tpu.memory_space<hbm>> -> memref<512xi32, #tpu.memory_space<hbm>>
      %dma_wait3A_56 = tpu.memref_slice %arg4[%mul3A_2] : memref<16384xi32, #tpu.memory_space<hbm>> -> memref<512xi32, #tpu.memory_space<hbm>>
      tpu.wait_dma2 semaphore(%run_scoped3A : memref<!tpu.dma_semaphore, #tpu.memory_space<semaphore_mem>>) src(%dma_wait3A_56 : memref<512xi32, #tpu.memory_space<hbm>>) dst(%arg8 : memref<512xi32, #tpu.memory_space<vmem>>)
      tpu.yield
    }) : () -> ()
    "tpu.region"() ({
      %run_scoped3A = tpu.sem_alloc : memref<!tpu.dma_semaphore, #tpu.memory_space<semaphore_mem>>
      %dma_start3A_53 = tpu.memref_slice %arg5[%mul3A_2] : memref<16384xi32, #tpu.memory_space<hbm>> -> memref<512xi32, #tpu.memory_space<hbm>>
      %dma_start3A_54 = tpu.memref_slice %arg5[%mul3A_2] : memref<16384xi32, #tpu.memory_space<hbm>> -> memref<512xi32, #tpu.memory_space<hbm>>
      tpu.enqueue_dma source(%dma_start3A_54 : memref<512xi32, #tpu.memory_space<hbm>>) target(%arg9 : memref<512xi32, #tpu.memory_space<vmem>>) target_semaphore(%run_scoped3A : memref<!tpu.dma_semaphore, #tpu.memory_space<semaphore_mem>>)
      %dma_wait3A_55 = tpu.memref_slice %arg5[%mul3A_2] : memref<16384xi32, #tpu.memory_space<hbm>> -> memref<512xi32, #tpu.memory_space<hbm>>
      %dma_wait3A_56 = tpu.memref_slice %arg5[%mul3A_2] : memref<16384xi32, #tpu.memory_space<hbm>> -> memref<512xi32, #tpu.memory_space<hbm>>
      tpu.wait_dma2 semaphore(%run_scoped3A : memref<!tpu.dma_semaphore, #tpu.memory_space<semaphore_mem>>) src(%dma_wait3A_56 : memref<512xi32, #tpu.memory_space<hbm>>) dst(%arg9 : memref<512xi32, #tpu.memory_space<vmem>>)
      tpu.yield
    }) : () -> ()
    "tpu.region"() ({
      %run_scoped3A = tpu.sem_alloc : memref<!tpu.dma_semaphore, #tpu.memory_space<semaphore_mem>>
      %dma_start3A_53 = arith.constant 0 : i32
      %dma_start3A_54 = tpu.memref_slice %arg3[%dma_start3A_53, %mul3A_2] : memref<16x16384xf32, #tpu.memory_space<hbm>> -> memref<16x512xf32, #tpu.memory_space<hbm>>
      %dma_start3A_55 = arith.constant 0 : i32
      %dma_start3A_56 = tpu.memref_slice %arg3[%dma_start3A_55, %mul3A_2] : memref<16x16384xf32, #tpu.memory_space<hbm>> -> memref<16x512xf32, #tpu.memory_space<hbm>>
      tpu.enqueue_dma source(%dma_start3A_56 : memref<16x512xf32, #tpu.memory_space<hbm>>) target(%arg10 : memref<16x512xf32, #tpu.memory_space<vmem>>) target_semaphore(%run_scoped3A : memref<!tpu.dma_semaphore, #tpu.memory_space<semaphore_mem>>)
      %dma_wait3A_57 = arith.constant 0 : i32
      %dma_wait3A_58 = tpu.memref_slice %arg3[%dma_wait3A_57, %mul3A_2] : memref<16x16384xf32, #tpu.memory_space<hbm>> -> memref<16x512xf32, #tpu.memory_space<hbm>>
      %dma_wait3A_59 = arith.constant 0 : i32
      %dma_wait3A_60 = tpu.memref_slice %arg3[%dma_wait3A_59, %mul3A_2] : memref<16x16384xf32, #tpu.memory_space<hbm>> -> memref<16x512xf32, #tpu.memory_space<hbm>>
      tpu.wait_dma2 semaphore(%run_scoped3A : memref<!tpu.dma_semaphore, #tpu.memory_space<semaphore_mem>>) src(%dma_wait3A_60 : memref<16x512xf32, #tpu.memory_space<hbm>>) dst(%arg10 : memref<16x512xf32, #tpu.memory_space<vmem>>)
      tpu.yield
    }) : () -> ()
    "tpu.region"() ({
      %run_scoped3A = tpu.sem_alloc : memref<!tpu.dma_semaphore, #tpu.memory_space<semaphore_mem>>
      tpu.enqueue_dma source(%arg6 : memref<16xi32, #tpu.memory_space<hbm>>) target(%arg12 : memref<16xi32, #tpu.memory_space<vmem>>) target_semaphore(%run_scoped3A : memref<!tpu.dma_semaphore, #tpu.memory_space<semaphore_mem>>)
      tpu.wait_dma2 semaphore(%run_scoped3A : memref<!tpu.dma_semaphore, #tpu.memory_space<semaphore_mem>>) src(%arg6 : memref<16xi32, #tpu.memory_space<hbm>>) dst(%arg12 : memref<16xi32, #tpu.memory_space<vmem>>)
      tpu.yield
    }) : () -> ()
    %broadcast_in_dim3A = arith.constant 1.000000e+00 : f32
    %broadcast_in_dim3A_3 = vector.broadcast %broadcast_in_dim3A : f32 to vector<16xf32>
    %broadcast_in_dim3A_4 = arith.constant 0.000000e+00 : f32
    %broadcast_in_dim3A_5 = vector.broadcast %broadcast_in_dim3A_4 : f32 to vector<16xf32>
    %get3A = arith.constant 0 : index
    %get3A_6 = tpu.vector_load %arg12[%get3A] {strides = array<i32>} : memref<16xi32, #tpu.memory_space<vmem>>, vector<16xi32>,
    %get3A_7 = vector.shape_cast %get3A_6 : vector<16xi32> to vector<16xi32>
    %ne3A = arith.constant 0 : i32
    %ne3A_8 = vector.broadcast %ne3A : i32 to vector<16xi32>
    %ne3A_9 = arith.cmpi ne, %get3A_7, %ne3A_8 : vector<16xi32>
    %select_n3A = arith.select %ne3A_9, %broadcast_in_dim3A_3, %broadcast_in_dim3A_5 : vector<16xi1>, vector<16xf32>
    %broadcast_in_dim3A_10 = arith.constant 0 : i32
    %broadcast_in_dim3A_11 = vector.broadcast %broadcast_in_dim3A_10 : i32 to vector<16xi32>
    %get3A_12 = arith.constant 0 : index
    %get3A_13 = tpu.vector_load %arg8[%get3A_12] {strides = array<i32>} : memref<512xi32, #tpu.memory_space<vmem>>, vector<16xi32>,
    %get3A_14 = vector.shape_cast %get3A_13 : vector<16xi32> to vector<16xi32>
    %get3A_15 = arith.constant 0 : index
    %get3A_16 = tpu.vector_load %arg9[%get3A_15] {strides = array<i32>} : memref<512xi32, #tpu.memory_space<vmem>>, vector<16xi32>,
    %get3A_17 = vector.shape_cast %get3A_16 : vector<16xi32> to vector<16xi32>
    %dma_start3A = arith.constant 0 : i32
    %dma_start3A_18 = arith.constant 0 : i32
    %dma_start3A_19 = tpu.memref_slice %arg2[%dma_start3A, %dma_start3A_18] : memref<16384x1024xf32, #tpu.memory_space<hbm>> -> memref<16384x1024xf32, #tpu.memory_space<hbm>>
    tpu.enqueue_indirect_dma source(%dma_start3A_19 : memref<16384x1024xf32, #tpu.memory_space<hbm>>) target(%arg13 : memref<16x1024xf32, #tpu.memory_space<vmem>>) offsets(%get3A_14 : vector<16xi32>) semaphore(%arg19 : memref<!tpu.dma_semaphore, #tpu.memory_space<semaphore_mem>>)
    %dma_start3A_20 = arith.constant 0 : i32
    %dma_start3A_21 = arith.constant 0 : i32
    %dma_start3A_22 = tpu.memref_slice %arg2[%dma_start3A_20, %dma_start3A_21] : memref<16384x1024xf32, #tpu.memory_space<hbm>> -> memref<16384x1024xf32, #tpu.memory_space<hbm>>
    tpu.enqueue_indirect_dma source(%dma_start3A_22 : memref<16384x1024xf32, #tpu.memory_space<hbm>>) target(%arg14 : memref<16x1024xf32, #tpu.memory_space<vmem>>) offsets(%get3A_17 : vector<16xi32>) semaphore(%arg20 : memref<!tpu.dma_semaphore, #tpu.memory_space<semaphore_mem>>)
    %get3A_23 = arith.constant 16 : index
    %get3A_24 = tpu.vector_load %arg8[%get3A_23] {strides = array<i32>} : memref<512xi32, #tpu.memory_space<vmem>>, vector<16xi32>,
    %get3A_25 = vector.shape_cast %get3A_24 : vector<16xi32> to vector<16xi32>
    %get3A_26 = arith.constant 16 : index
    %get3A_27 = tpu.vector_load %arg9[%get3A_26] {strides = array<i32>} : memref<512xi32, #tpu.memory_space<vmem>>, vector<16xi32>,
    %get3A_28 = vector.shape_cast %get3A_27 : vector<16xi32> to vector<16xi32>
    %dma_start3A_29 = arith.constant 0 : i32
    %dma_start3A_30 = arith.constant 0 : i32
    %dma_start3A_31 = tpu.memref_slice %arg2[%dma_start3A_29, %dma_start3A_30] : memref<16384x1024xf32, #tpu.memory_space<hbm>> -> memref<16384x1024xf32, #tpu.memory_space<hbm>>
    tpu.enqueue_indirect_dma source(%dma_start3A_31 : memref<16384x1024xf32, #tpu.memory_space<hbm>>) target(%arg16 : memref<16x1024xf32, #tpu.memory_space<vmem>>) offsets(%get3A_25 : vector<16xi32>) semaphore(%arg22 : memref<!tpu.dma_semaphore, #tpu.memory_space<semaphore_mem>>)
    %dma_start3A_32 = arith.constant 0 : i32
    %dma_start3A_33 = arith.constant 0 : i32
    %dma_start3A_34 = tpu.memref_slice %arg2[%dma_start3A_32, %dma_start3A_33] : memref<16384x1024xf32, #tpu.memory_space<hbm>> -> memref<16384x1024xf32, #tpu.memory_space<hbm>>
    tpu.enqueue_indirect_dma source(%dma_start3A_34 : memref<16384x1024xf32, #tpu.memory_space<hbm>>) target(%arg17 : memref<16x1024xf32, #tpu.memory_space<vmem>>) offsets(%get3A_28 : vector<16xi32>) semaphore(%arg23 : memref<!tpu.dma_semaphore, #tpu.memory_space<semaphore_mem>>)
    %scan3A = arith.constant 0 : i32
    %scan3A_35 = arith.constant 0 : i32
    %scan3A_36 = arith.constant 32 : i32
    %scan3A_37 = arith.addi %scan3A_35, %scan3A_36 : i32
    %scan3A_38 = arith.constant 1 : i32
    scf.for %scan3A_53 = %scan3A_35 to %scan3A_37 step %scan3A_38  : i32 {
      %mul3A_54 = arith.constant 16 : i32
      %mul3A_55 = arith.muli %scan3A_53, %mul3A_54 : i32
      %get3A_56 = arith.constant 0 : i32
      %get3A_57 = arith.index_cast %get3A_56 : i32 to index
      %get3A_58 = arith.index_cast %mul3A_55 : i32 to index
      %get3A_59 = tpu.vector_load %arg10[%get3A_57, %get3A_58] {strides = array<i32>} : memref<16x512xf32, #tpu.memory_space<vmem>>, vector<1x16xf32>,
      %get3A_60 = vector.shape_cast %get3A_59 : vector<1x16xf32> to vector<16xf32>
      %get3A_61 = arith.constant 1 : i32
      %get3A_62 = arith.index_cast %get3A_61 : i32 to index
      %get3A_63 = arith.index_cast %mul3A_55 : i32 to index
      %get3A_64 = tpu.vector_load %arg10[%get3A_62, %get3A_63] {strides = array<i32>} : memref<16x512xf32, #tpu.memory_space<vmem>>, vector<1x16xf32>,
      %get3A_65 = vector.shape_cast %get3A_64 : vector<1x16xf32> to vector<16xf32>
      %get3A_66 = arith.constant 2 : i32
      %get3A_67 = arith.index_cast %get3A_66 : i32 to index
      %get3A_68 = arith.index_cast %mul3A_55 : i32 to index
      %get3A_69 = tpu.vector_load %arg10[%get3A_67, %get3A_68] {strides = array<i32>} : memref<16x512xf32, #tpu.memory_space<vmem>>, vector<1x16xf32>,
      %get3A_70 = vector.shape_cast %get3A_69 : vector<1x16xf32> to vector<16xf32>
      %get3A_71 = arith.constant 3 : i32
      %get3A_72 = arith.index_cast %get3A_71 : i32 to index
      %get3A_73 = arith.index_cast %mul3A_55 : i32 to index
      %get3A_74 = tpu.vector_load %arg10[%get3A_72, %get3A_73] {strides = array<i32>} : memref<16x512xf32, #tpu.memory_space<vmem>>, vector<1x16xf32>,
      %get3A_75 = vector.shape_cast %get3A_74 : vector<1x16xf32> to vector<16xf32>
      %get3A_76 = arith.constant 4 : i32
      %get3A_77 = arith.index_cast %get3A_76 : i32 to index
      %get3A_78 = arith.index_cast %mul3A_55 : i32 to index
      %get3A_79 = tpu.vector_load %arg10[%get3A_77, %get3A_78] {strides = array<i32>} : memref<16x512xf32, #tpu.memory_space<vmem>>, vector<1x16xf32>,
      %get3A_80 = vector.shape_cast %get3A_79 : vector<1x16xf32> to vector<16xf32>
      %get3A_81 = arith.constant 5 : i32
      %get3A_82 = arith.index_cast %get3A_81 : i32 to index
      %get3A_83 = arith.index_cast %mul3A_55 : i32 to index
      %get3A_84 = tpu.vector_load %arg10[%get3A_82, %get3A_83] {strides = array<i32>} : memref<16x512xf32, #tpu.memory_space<vmem>>, vector<1x16xf32>,
      %get3A_85 = vector.shape_cast %get3A_84 : vector<1x16xf32> to vector<16xf32>
      %get3A_86 = arith.constant 6 : i32
      %get3A_87 = arith.index_cast %get3A_86 : i32 to index
      %get3A_88 = arith.index_cast %mul3A_55 : i32 to index
      %get3A_89 = tpu.vector_load %arg10[%get3A_87, %get3A_88] {strides = array<i32>} : memref<16x512xf32, #tpu.memory_space<vmem>>, vector<1x16xf32>,
      %get3A_90 = vector.shape_cast %get3A_89 : vector<1x16xf32> to vector<16xf32>
      %get3A_91 = arith.constant 7 : i32
      %get3A_92 = arith.index_cast %get3A_91 : i32 to index
      %get3A_93 = arith.index_cast %mul3A_55 : i32 to index
      %get3A_94 = tpu.vector_load %arg10[%get3A_92, %get3A_93] {strides = array<i32>} : memref<16x512xf32, #tpu.memory_space<vmem>>, vector<1x16xf32>,
      %get3A_95 = vector.shape_cast %get3A_94 : vector<1x16xf32> to vector<16xf32>
      %get3A_96 = arith.constant 8 : i32
      %get3A_97 = arith.index_cast %get3A_96 : i32 to index
      %get3A_98 = arith.index_cast %mul3A_55 : i32 to index
      %get3A_99 = tpu.vector_load %arg10[%get3A_97, %get3A_98] {strides = array<i32>} : memref<16x512xf32, #tpu.memory_space<vmem>>, vector<1x16xf32>,
      %get3A_100 = vector.shape_cast %get3A_99 : vector<1x16xf32> to vector<16xf32>
      %get3A_101 = arith.constant 9 : i32
      %get3A_102 = arith.index_cast %get3A_101 : i32 to index
      %get3A_103 = arith.index_cast %mul3A_55 : i32 to index
      %get3A_104 = tpu.vector_load %arg10[%get3A_102, %get3A_103] {strides = array<i32>} : memref<16x512xf32, #tpu.memory_space<vmem>>, vector<1x16xf32>,
      %get3A_105 = vector.shape_cast %get3A_104 : vector<1x16xf32> to vector<16xf32>
      %get3A_106 = arith.constant 10 : i32
      %get3A_107 = arith.index_cast %get3A_106 : i32 to index
      %get3A_108 = arith.index_cast %mul3A_55 : i32 to index
      %get3A_109 = tpu.vector_load %arg10[%get3A_107, %get3A_108] {strides = array<i32>} : memref<16x512xf32, #tpu.memory_space<vmem>>, vector<1x16xf32>,
      %get3A_110 = vector.shape_cast %get3A_109 : vector<1x16xf32> to vector<16xf32>
      %get3A_111 = arith.constant 11 : i32
      %get3A_112 = arith.index_cast %get3A_111 : i32 to index
      %get3A_113 = arith.index_cast %mul3A_55 : i32 to index
      %get3A_114 = tpu.vector_load %arg10[%get3A_112, %get3A_113] {strides = array<i32>} : memref<16x512xf32, #tpu.memory_space<vmem>>, vector<1x16xf32>,
      %get3A_115 = vector.shape_cast %get3A_114 : vector<1x16xf32> to vector<16xf32>
      %get3A_116 = arith.constant 12 : i32
      %get3A_117 = arith.index_cast %get3A_116 : i32 to index
      %get3A_118 = arith.index_cast %mul3A_55 : i32 to index
      %get3A_119 = tpu.vector_load %arg10[%get3A_117, %get3A_118] {strides = array<i32>} : memref<16x512xf32, #tpu.memory_space<vmem>>, vector<1x16xf32>,
      %get3A_120 = vector.shape_cast %get3A_119 : vector<1x16xf32> to vector<16xf32>
      %get3A_121 = arith.constant 13 : i32
      %get3A_122 = arith.index_cast %get3A_121 : i32 to index
      %get3A_123 = arith.index_cast %mul3A_55 : i32 to index
      %get3A_124 = tpu.vector_load %arg10[%get3A_122, %get3A_123] {strides = array<i32>} : memref<16x512xf32, #tpu.memory_space<vmem>>, vector<1x16xf32>,
      %get3A_125 = vector.shape_cast %get3A_124 : vector<1x16xf32> to vector<16xf32>
      %get3A_126 = arith.constant 14 : i32
      %get3A_127 = arith.index_cast %get3A_126 : i32 to index
      %get3A_128 = arith.index_cast %mul3A_55 : i32 to index
      %get3A_129 = tpu.vector_load %arg10[%get3A_127, %get3A_128] {strides = array<i32>} : memref<16x512xf32, #tpu.memory_space<vmem>>, vector<1x16xf32>,
      %get3A_130 = vector.shape_cast %get3A_129 : vector<1x16xf32> to vector<16xf32>
      %get3A_131 = arith.constant 15 : i32
      %get3A_132 = arith.index_cast %get3A_131 : i32 to index
      %get3A_133 = arith.index_cast %mul3A_55 : i32 to index
      %get3A_134 = tpu.vector_load %arg10[%get3A_132, %get3A_133] {strides = array<i32>} : memref<16x512xf32, #tpu.memory_space<vmem>>, vector<1x16xf32>,
      %get3A_135 = vector.shape_cast %get3A_134 : vector<1x16xf32> to vector<16xf32>
      %max3A = arith.maximumf %get3A_60, %get3A_65 : vector<16xf32>
      %max3A_136 = arith.maximumf %max3A, %get3A_70 : vector<16xf32>
      %max3A_137 = arith.maximumf %max3A_136, %get3A_75 : vector<16xf32>
      %max3A_138 = arith.maximumf %max3A_137, %get3A_80 : vector<16xf32>
      %max3A_139 = arith.maximumf %max3A_138, %get3A_85 : vector<16xf32>
      %max3A_140 = arith.maximumf %max3A_139, %get3A_90 : vector<16xf32>
      %max3A_141 = arith.maximumf %max3A_140, %get3A_95 : vector<16xf32>
      %max3A_142 = arith.maximumf %max3A_141, %get3A_100 : vector<16xf32>
      %max3A_143 = arith.maximumf %max3A_142, %get3A_105 : vector<16xf32>
      %max3A_144 = arith.maximumf %max3A_143, %get3A_110 : vector<16xf32>
      %max3A_145 = arith.maximumf %max3A_144, %get3A_115 : vector<16xf32>
      %max3A_146 = arith.maximumf %max3A_145, %get3A_120 : vector<16xf32>
      %max3A_147 = arith.maximumf %max3A_146, %get3A_125 : vector<16xf32>
      %max3A_148 = arith.maximumf %max3A_147, %get3A_130 : vector<16xf32>
      %max3A_149 = arith.maximumf %max3A_148, %get3A_135 : vector<16xf32>
      %sub3A = arith.subf %get3A_60, %max3A_149 : vector<16xf32>
      %exp3A = math.exp %sub3A : vector<16xf32>
      %sub3A_150 = arith.subf %get3A_65, %max3A_149 : vector<16xf32>
      %exp3A_151 = math.exp %sub3A_150 : vector<16xf32>
      %sub3A_152 = arith.subf %get3A_70, %max3A_149 : vector<16xf32>
      %exp3A_153 = math.exp %sub3A_152 : vector<16xf32>
      %sub3A_154 = arith.subf %get3A_75, %max3A_149 : vector<16xf32>
      %exp3A_155 = math.exp %sub3A_154 : vector<16xf32>
      %sub3A_156 = arith.subf %get3A_80, %max3A_149 : vector<16xf32>
      %exp3A_157 = math.exp %sub3A_156 : vector<16xf32>
      %sub3A_158 = arith.subf %get3A_85, %max3A_149 : vector<16xf32>
      %exp3A_159 = math.exp %sub3A_158 : vector<16xf32>
      %sub3A_160 = arith.subf %get3A_90, %max3A_149 : vector<16xf32>
      %exp3A_161 = math.exp %sub3A_160 : vector<16xf32>
      %sub3A_162 = arith.subf %get3A_95, %max3A_149 : vector<16xf32>
      %exp3A_163 = math.exp %sub3A_162 : vector<16xf32>
      %sub3A_164 = arith.subf %get3A_100, %max3A_149 : vector<16xf32>
      %exp3A_165 = math.exp %sub3A_164 : vector<16xf32>
      %sub3A_166 = arith.subf %get3A_105, %max3A_149 : vector<16xf32>
      %exp3A_167 = math.exp %sub3A_166 : vector<16xf32>
      %sub3A_168 = arith.subf %get3A_110, %max3A_149 : vector<16xf32>
      %exp3A_169 = math.exp %sub3A_168 : vector<16xf32>
      %sub3A_170 = arith.subf %get3A_115, %max3A_149 : vector<16xf32>
      %exp3A_171 = math.exp %sub3A_170 : vector<16xf32>
      %sub3A_172 = arith.subf %get3A_120, %max3A_149 : vector<16xf32>
      %exp3A_173 = math.exp %sub3A_172 : vector<16xf32>
      %sub3A_174 = arith.subf %get3A_125, %max3A_149 : vector<16xf32>
      %exp3A_175 = math.exp %sub3A_174 : vector<16xf32>
      %sub3A_176 = arith.subf %get3A_130, %max3A_149 : vector<16xf32>
      %exp3A_177 = math.exp %sub3A_176 : vector<16xf32>
      %sub3A_178 = arith.subf %get3A_135, %max3A_149 : vector<16xf32>
      %exp3A_179 = math.exp %sub3A_178 : vector<16xf32>
      %add3A_180 = arith.addf %exp3A, %exp3A_151 : vector<16xf32>
      %add3A_181 = arith.addf %add3A_180, %exp3A_153 : vector<16xf32>
      %add3A_182 = arith.addf %add3A_181, %exp3A_155 : vector<16xf32>
      %add3A_183 = arith.addf %add3A_182, %exp3A_157 : vector<16xf32>
      %add3A_184 = arith.addf %add3A_183, %exp3A_159 : vector<16xf32>
      %add3A_185 = arith.addf %add3A_184, %exp3A_161 : vector<16xf32>
      %add3A_186 = arith.addf %add3A_185, %exp3A_163 : vector<16xf32>
      %add3A_187 = arith.addf %add3A_186, %exp3A_165 : vector<16xf32>
      %add3A_188 = arith.addf %add3A_187, %exp3A_167 : vector<16xf32>
      %add3A_189 = arith.addf %add3A_188, %exp3A_169 : vector<16xf32>
      %add3A_190 = arith.addf %add3A_189, %exp3A_171 : vector<16xf32>
      %add3A_191 = arith.addf %add3A_190, %exp3A_173 : vector<16xf32>
      %add3A_192 = arith.addf %add3A_191, %exp3A_175 : vector<16xf32>
      %add3A_193 = arith.addf %add3A_192, %exp3A_177 : vector<16xf32>
      %add3A_194 = arith.addf %add3A_193, %exp3A_179 : vector<16xf32>
      %div3A = arith.constant 1.000000e+00 : f32
      %div3A_195 = vector.broadcast %div3A : f32 to vector<16xf32>
      %div3A_196 = arith.divf %div3A_195, %add3A_194 : vector<16xf32>
      %mul3A_197 = arith.mulf %exp3A, %div3A_196 : vector<16xf32>
      %mul3A_198 = arith.mulf %exp3A_151, %div3A_196 : vector<16xf32>
      %mul3A_199 = arith.mulf %exp3A_153, %div3A_196 : vector<16xf32>
      %mul3A_200 = arith.mulf %exp3A_155, %div3A_196 : vector<16xf32>
      %mul3A_201 = arith.mulf %exp3A_157, %div3A_196 : vector<16xf32>
      %mul3A_202 = arith.mulf %exp3A_159, %div3A_196 : vector<16xf32>
      %mul3A_203 = arith.mulf %exp3A_161, %div3A_196 : vector<16xf32>
      %mul3A_204 = arith.mulf %exp3A_163, %div3A_196 : vector<16xf32>
      %mul3A_205 = arith.mulf %exp3A_165, %div3A_196 : vector<16xf32>
      %mul3A_206 = arith.mulf %exp3A_167, %div3A_196 : vector<16xf32>
      %mul3A_207 = arith.mulf %exp3A_169, %div3A_196 : vector<16xf32>
      %mul3A_208 = arith.mulf %exp3A_171, %div3A_196 : vector<16xf32>
      %mul3A_209 = arith.mulf %exp3A_173, %div3A_196 : vector<16xf32>
      %mul3A_210 = arith.mulf %exp3A_175, %div3A_196 : vector<16xf32>
      %mul3A_211 = arith.mulf %exp3A_177, %div3A_196 : vector<16xf32>
      %mul3A_212 = arith.mulf %exp3A_179, %div3A_196 : vector<16xf32>
      %broadcast_in_dim3A_213 = arith.constant 16 : i32
      %broadcast_in_dim3A_214 = vector.broadcast %broadcast_in_dim3A_213 : i32 to vector<16xi32>
      %eq3A = arith.cmpf oeq, %get3A_135, %max3A_149 : vector<16xf32>
      %broadcast_in_dim3A_215 = arith.constant 15 : i32
      %broadcast_in_dim3A_216 = vector.broadcast %broadcast_in_dim3A_215 : i32 to vector<16xi32>
      %select_n3A_217 = arith.select %eq3A, %broadcast_in_dim3A_216, %broadcast_in_dim3A_214 : vector<16xi1>, vector<16xi32>
      %eq3A_218 = arith.cmpf oeq, %get3A_130, %max3A_149 : vector<16xf32>
      %broadcast_in_dim3A_219 = arith.constant 14 : i32
      %broadcast_in_dim3A_220 = vector.broadcast %broadcast_in_dim3A_219 : i32 to vector<16xi32>
      %select_n3A_221 = arith.select %eq3A_218, %broadcast_in_dim3A_220, %select_n3A_217 : vector<16xi1>, vector<16xi32>
      %eq3A_222 = arith.cmpf oeq, %get3A_125, %max3A_149 : vector<16xf32>
      %broadcast_in_dim3A_223 = arith.constant 13 : i32
      %broadcast_in_dim3A_224 = vector.broadcast %broadcast_in_dim3A_223 : i32 to vector<16xi32>
      %select_n3A_225 = arith.select %eq3A_222, %broadcast_in_dim3A_224, %select_n3A_221 : vector<16xi1>, vector<16xi32>
      %eq3A_226 = arith.cmpf oeq, %get3A_120, %max3A_149 : vector<16xf32>
      %broadcast_in_dim3A_227 = arith.constant 12 : i32
      %broadcast_in_dim3A_228 = vector.broadcast %broadcast_in_dim3A_227 : i32 to vector<16xi32>
      %select_n3A_229 = arith.select %eq3A_226, %broadcast_in_dim3A_228, %select_n3A_225 : vector<16xi1>, vector<16xi32>
      %eq3A_230 = arith.cmpf oeq, %get3A_115, %max3A_149 : vector<16xf32>
      %broadcast_in_dim3A_231 = arith.constant 11 : i32
      %broadcast_in_dim3A_232 = vector.broadcast %broadcast_in_dim3A_231 : i32 to vector<16xi32>
      %select_n3A_233 = arith.select %eq3A_230, %broadcast_in_dim3A_232, %select_n3A_229 : vector<16xi1>, vector<16xi32>
      %eq3A_234 = arith.cmpf oeq, %get3A_110, %max3A_149 : vector<16xf32>
      %broadcast_in_dim3A_235 = arith.constant 10 : i32
      %broadcast_in_dim3A_236 = vector.broadcast %broadcast_in_dim3A_235 : i32 to vector<16xi32>
      %select_n3A_237 = arith.select %eq3A_234, %broadcast_in_dim3A_236, %select_n3A_233 : vector<16xi1>, vector<16xi32>
      %eq3A_238 = arith.cmpf oeq, %get3A_105, %max3A_149 : vector<16xf32>
      %broadcast_in_dim3A_239 = arith.constant 9 : i32
      %broadcast_in_dim3A_240 = vector.broadcast %broadcast_in_dim3A_239 : i32 to vector<16xi32>
      %select_n3A_241 = arith.select %eq3A_238, %broadcast_in_dim3A_240, %select_n3A_237 : vector<16xi1>, vector<16xi32>
      %eq3A_242 = arith.cmpf oeq, %get3A_100, %max3A_149 : vector<16xf32>
      %broadcast_in_dim3A_243 = arith.constant 8 : i32
      %broadcast_in_dim3A_244 = vector.broadcast %broadcast_in_dim3A_243 : i32 to vector<16xi32>
      %select_n3A_245 = arith.select %eq3A_242, %broadcast_in_dim3A_244, %select_n3A_241 : vector<16xi1>, vector<16xi32>
      %eq3A_246 = arith.cmpf oeq, %get3A_95, %max3A_149 : vector<16xf32>
      %broadcast_in_dim3A_247 = arith.constant 7 : i32
      %broadcast_in_dim3A_248 = vector.broadcast %broadcast_in_dim3A_247 : i32 to vector<16xi32>
      %select_n3A_249 = arith.select %eq3A_246, %broadcast_in_dim3A_248, %select_n3A_245 : vector<16xi1>, vector<16xi32>
      %eq3A_250 = arith.cmpf oeq, %get3A_90, %max3A_149 : vector<16xf32>
      %broadcast_in_dim3A_251 = arith.constant 6 : i32
      %broadcast_in_dim3A_252 = vector.broadcast %broadcast_in_dim3A_251 : i32 to vector<16xi32>
      %select_n3A_253 = arith.select %eq3A_250, %broadcast_in_dim3A_252, %select_n3A_249 : vector<16xi1>, vector<16xi32>
      %eq3A_254 = arith.cmpf oeq, %get3A_85, %max3A_149 : vector<16xf32>
      %broadcast_in_dim3A_255 = arith.constant 5 : i32
      %broadcast_in_dim3A_256 = vector.broadcast %broadcast_in_dim3A_255 : i32 to vector<16xi32>
      %select_n3A_257 = arith.select %eq3A_254, %broadcast_in_dim3A_256, %select_n3A_253 : vector<16xi1>, vector<16xi32>
      %eq3A_258 = arith.cmpf oeq, %get3A_80, %max3A_149 : vector<16xf32>
      %broadcast_in_dim3A_259 = arith.constant 4 : i32
      %broadcast_in_dim3A_260 = vector.broadcast %broadcast_in_dim3A_259 : i32 to vector<16xi32>
      %select_n3A_261 = arith.select %eq3A_258, %broadcast_in_dim3A_260, %select_n3A_257 : vector<16xi1>, vector<16xi32>
      %eq3A_262 = arith.cmpf oeq, %get3A_75, %max3A_149 : vector<16xf32>
      %broadcast_in_dim3A_263 = arith.constant 3 : i32
      %broadcast_in_dim3A_264 = vector.broadcast %broadcast_in_dim3A_263 : i32 to vector<16xi32>
      %select_n3A_265 = arith.select %eq3A_262, %broadcast_in_dim3A_264, %select_n3A_261 : vector<16xi1>, vector<16xi32>
      %eq3A_266 = arith.cmpf oeq, %get3A_70, %max3A_149 : vector<16xf32>
      %broadcast_in_dim3A_267 = arith.constant 2 : i32
      %broadcast_in_dim3A_268 = vector.broadcast %broadcast_in_dim3A_267 : i32 to vector<16xi32>
      %select_n3A_269 = arith.select %eq3A_266, %broadcast_in_dim3A_268, %select_n3A_265 : vector<16xi1>, vector<16xi32>
      %eq3A_270 = arith.cmpf oeq, %get3A_65, %max3A_149 : vector<16xf32>
      %broadcast_in_dim3A_271 = arith.constant 1 : i32
      %broadcast_in_dim3A_272 = vector.broadcast %broadcast_in_dim3A_271 : i32 to vector<16xi32>
      %select_n3A_273 = arith.select %eq3A_270, %broadcast_in_dim3A_272, %select_n3A_269 : vector<16xi1>, vector<16xi32>
      %eq3A_274 = arith.cmpf oeq, %get3A_60, %max3A_149 : vector<16xf32>
      %broadcast_in_dim3A_275 = arith.constant 0 : i32
      %broadcast_in_dim3A_276 = vector.broadcast %broadcast_in_dim3A_275 : i32 to vector<16xi32>
      %select_n3A_277 = arith.select %eq3A_274, %broadcast_in_dim3A_276, %select_n3A_273 : vector<16xi1>, vector<16xi32>
      %eq3A_278 = arith.constant 0 : i32
      %eq3A_279 = vector.broadcast %eq3A_278 : i32 to vector<16xi32>
      %eq3A_280 = arith.cmpi eq, %select_n3A_277, %eq3A_279 : vector<16xi32>
      %select_n3A_281 = arith.select %eq3A_280, %broadcast_in_dim3A_3, %broadcast_in_dim3A_5 : vector<16xi1>, vector<16xf32>
      %mul3A_282 = arith.mulf %select_n3A, %mul3A_197 : vector<16xf32>
      %sub3A_283 = arith.constant 1.000000e+00 : f32
      %sub3A_284 = vector.broadcast %sub3A_283 : f32 to vector<16xf32>
      %sub3A_285 = arith.subf %sub3A_284, %select_n3A : vector<16xf32>
      %mul3A_286 = arith.mulf %sub3A_285, %select_n3A_281 : vector<16xf32>
      %add3A_287 = arith.addf %mul3A_282, %mul3A_286 : vector<16xf32>
      %eq3A_288 = arith.constant 1 : i32
      %eq3A_289 = vector.broadcast %eq3A_288 : i32 to vector<16xi32>
      %eq3A_290 = arith.cmpi eq, %select_n3A_277, %eq3A_289 : vector<16xi32>
      %select_n3A_291 = arith.select %eq3A_290, %broadcast_in_dim3A_3, %broadcast_in_dim3A_5 : vector<16xi1>, vector<16xf32>
      %mul3A_292 = arith.mulf %select_n3A, %mul3A_198 : vector<16xf32>
      %sub3A_293 = arith.constant 1.000000e+00 : f32
      %sub3A_294 = vector.broadcast %sub3A_293 : f32 to vector<16xf32>
      %sub3A_295 = arith.subf %sub3A_294, %select_n3A : vector<16xf32>
      %mul3A_296 = arith.mulf %sub3A_295, %select_n3A_291 : vector<16xf32>
      %add3A_297 = arith.addf %mul3A_292, %mul3A_296 : vector<16xf32>
      %eq3A_298 = arith.constant 2 : i32
      %eq3A_299 = vector.broadcast %eq3A_298 : i32 to vector<16xi32>
      %eq3A_300 = arith.cmpi eq, %select_n3A_277, %eq3A_299 : vector<16xi32>
      %select_n3A_301 = arith.select %eq3A_300, %broadcast_in_dim3A_3, %broadcast_in_dim3A_5 : vector<16xi1>, vector<16xf32>
      %mul3A_302 = arith.mulf %select_n3A, %mul3A_199 : vector<16xf32>
      %sub3A_303 = arith.constant 1.000000e+00 : f32
      %sub3A_304 = vector.broadcast %sub3A_303 : f32 to vector<16xf32>
      %sub3A_305 = arith.subf %sub3A_304, %select_n3A : vector<16xf32>
      %mul3A_306 = arith.mulf %sub3A_305, %select_n3A_301 : vector<16xf32>
      %add3A_307 = arith.addf %mul3A_302, %mul3A_306 : vector<16xf32>
      %eq3A_308 = arith.constant 3 : i32
      %eq3A_309 = vector.broadcast %eq3A_308 : i32 to vector<16xi32>
      %eq3A_310 = arith.cmpi eq, %select_n3A_277, %eq3A_309 : vector<16xi32>
      %select_n3A_311 = arith.select %eq3A_310, %broadcast_in_dim3A_3, %broadcast_in_dim3A_5 : vector<16xi1>, vector<16xf32>
      %mul3A_312 = arith.mulf %select_n3A, %mul3A_200 : vector<16xf32>
      %sub3A_313 = arith.constant 1.000000e+00 : f32
      %sub3A_314 = vector.broadcast %sub3A_313 : f32 to vector<16xf32>
      %sub3A_315 = arith.subf %sub3A_314, %select_n3A : vector<16xf32>
      %mul3A_316 = arith.mulf %sub3A_315, %select_n3A_311 : vector<16xf32>
      %add3A_317 = arith.addf %mul3A_312, %mul3A_316 : vector<16xf32>
      %eq3A_318 = arith.constant 4 : i32
      %eq3A_319 = vector.broadcast %eq3A_318 : i32 to vector<16xi32>
      %eq3A_320 = arith.cmpi eq, %select_n3A_277, %eq3A_319 : vector<16xi32>
      %select_n3A_321 = arith.select %eq3A_320, %broadcast_in_dim3A_3, %broadcast_in_dim3A_5 : vector<16xi1>, vector<16xf32>
      %mul3A_322 = arith.mulf %select_n3A, %mul3A_201 : vector<16xf32>
      %sub3A_323 = arith.constant 1.000000e+00 : f32
      %sub3A_324 = vector.broadcast %sub3A_323 : f32 to vector<16xf32>
      %sub3A_325 = arith.subf %sub3A_324, %select_n3A : vector<16xf32>
      %mul3A_326 = arith.mulf %sub3A_325, %select_n3A_321 : vector<16xf32>
      %add3A_327 = arith.addf %mul3A_322, %mul3A_326 : vector<16xf32>
      %eq3A_328 = arith.constant 5 : i32
      %eq3A_329 = vector.broadcast %eq3A_328 : i32 to vector<16xi32>
      %eq3A_330 = arith.cmpi eq, %select_n3A_277, %eq3A_329 : vector<16xi32>
      %select_n3A_331 = arith.select %eq3A_330, %broadcast_in_dim3A_3, %broadcast_in_dim3A_5 : vector<16xi1>, vector<16xf32>
      %mul3A_332 = arith.mulf %select_n3A, %mul3A_202 : vector<16xf32>
      %sub3A_333 = arith.constant 1.000000e+00 : f32
      %sub3A_334 = vector.broadcast %sub3A_333 : f32 to vector<16xf32>
      %sub3A_335 = arith.subf %sub3A_334, %select_n3A : vector<16xf32>
      %mul3A_336 = arith.mulf %sub3A_335, %select_n3A_331 : vector<16xf32>
      %add3A_337 = arith.addf %mul3A_332, %mul3A_336 : vector<16xf32>
      %eq3A_338 = arith.constant 6 : i32
      %eq3A_339 = vector.broadcast %eq3A_338 : i32 to vector<16xi32>
      %eq3A_340 = arith.cmpi eq, %select_n3A_277, %eq3A_339 : vector<16xi32>
      %select_n3A_341 = arith.select %eq3A_340, %broadcast_in_dim3A_3, %broadcast_in_dim3A_5 : vector<16xi1>, vector<16xf32>
      %mul3A_342 = arith.mulf %select_n3A, %mul3A_203 : vector<16xf32>
      %sub3A_343 = arith.constant 1.000000e+00 : f32
      %sub3A_344 = vector.broadcast %sub3A_343 : f32 to vector<16xf32>
      %sub3A_345 = arith.subf %sub3A_344, %select_n3A : vector<16xf32>
      %mul3A_346 = arith.mulf %sub3A_345, %select_n3A_341 : vector<16xf32>
      %add3A_347 = arith.addf %mul3A_342, %mul3A_346 : vector<16xf32>
      %eq3A_348 = arith.constant 7 : i32
      %eq3A_349 = vector.broadcast %eq3A_348 : i32 to vector<16xi32>
      %eq3A_350 = arith.cmpi eq, %select_n3A_277, %eq3A_349 : vector<16xi32>
      %select_n3A_351 = arith.select %eq3A_350, %broadcast_in_dim3A_3, %broadcast_in_dim3A_5 : vector<16xi1>, vector<16xf32>
      %mul3A_352 = arith.mulf %select_n3A, %mul3A_204 : vector<16xf32>
      %sub3A_353 = arith.constant 1.000000e+00 : f32
      %sub3A_354 = vector.broadcast %sub3A_353 : f32 to vector<16xf32>
      %sub3A_355 = arith.subf %sub3A_354, %select_n3A : vector<16xf32>
      %mul3A_356 = arith.mulf %sub3A_355, %select_n3A_351 : vector<16xf32>
      %add3A_357 = arith.addf %mul3A_352, %mul3A_356 : vector<16xf32>
      %eq3A_358 = arith.constant 8 : i32
      %eq3A_359 = vector.broadcast %eq3A_358 : i32 to vector<16xi32>
      %eq3A_360 = arith.cmpi eq, %select_n3A_277, %eq3A_359 : vector<16xi32>
      %select_n3A_361 = arith.select %eq3A_360, %broadcast_in_dim3A_3, %broadcast_in_dim3A_5 : vector<16xi1>, vector<16xf32>
      %mul3A_362 = arith.mulf %select_n3A, %mul3A_205 : vector<16xf32>
      %sub3A_363 = arith.constant 1.000000e+00 : f32
      %sub3A_364 = vector.broadcast %sub3A_363 : f32 to vector<16xf32>
      %sub3A_365 = arith.subf %sub3A_364, %select_n3A : vector<16xf32>
      %mul3A_366 = arith.mulf %sub3A_365, %select_n3A_361 : vector<16xf32>
      %add3A_367 = arith.addf %mul3A_362, %mul3A_366 : vector<16xf32>
      %eq3A_368 = arith.constant 9 : i32
      %eq3A_369 = vector.broadcast %eq3A_368 : i32 to vector<16xi32>
      %eq3A_370 = arith.cmpi eq, %select_n3A_277, %eq3A_369 : vector<16xi32>
      %select_n3A_371 = arith.select %eq3A_370, %broadcast_in_dim3A_3, %broadcast_in_dim3A_5 : vector<16xi1>, vector<16xf32>
      %mul3A_372 = arith.mulf %select_n3A, %mul3A_206 : vector<16xf32>
      %sub3A_373 = arith.constant 1.000000e+00 : f32
      %sub3A_374 = vector.broadcast %sub3A_373 : f32 to vector<16xf32>
      %sub3A_375 = arith.subf %sub3A_374, %select_n3A : vector<16xf32>
      %mul3A_376 = arith.mulf %sub3A_375, %select_n3A_371 : vector<16xf32>
      %add3A_377 = arith.addf %mul3A_372, %mul3A_376 : vector<16xf32>
      %eq3A_378 = arith.constant 10 : i32
      %eq3A_379 = vector.broadcast %eq3A_378 : i32 to vector<16xi32>
      %eq3A_380 = arith.cmpi eq, %select_n3A_277, %eq3A_379 : vector<16xi32>
      %select_n3A_381 = arith.select %eq3A_380, %broadcast_in_dim3A_3, %broadcast_in_dim3A_5 : vector<16xi1>, vector<16xf32>
      %mul3A_382 = arith.mulf %select_n3A, %mul3A_207 : vector<16xf32>
      %sub3A_383 = arith.constant 1.000000e+00 : f32
      %sub3A_384 = vector.broadcast %sub3A_383 : f32 to vector<16xf32>
      %sub3A_385 = arith.subf %sub3A_384, %select_n3A : vector<16xf32>
      %mul3A_386 = arith.mulf %sub3A_385, %select_n3A_381 : vector<16xf32>
      %add3A_387 = arith.addf %mul3A_382, %mul3A_386 : vector<16xf32>
      %eq3A_388 = arith.constant 11 : i32
      %eq3A_389 = vector.broadcast %eq3A_388 : i32 to vector<16xi32>
      %eq3A_390 = arith.cmpi eq, %select_n3A_277, %eq3A_389 : vector<16xi32>
      %select_n3A_391 = arith.select %eq3A_390, %broadcast_in_dim3A_3, %broadcast_in_dim3A_5 : vector<16xi1>, vector<16xf32>
      %mul3A_392 = arith.mulf %select_n3A, %mul3A_208 : vector<16xf32>
      %sub3A_393 = arith.constant 1.000000e+00 : f32
      %sub3A_394 = vector.broadcast %sub3A_393 : f32 to vector<16xf32>
      %sub3A_395 = arith.subf %sub3A_394, %select_n3A : vector<16xf32>
      %mul3A_396 = arith.mulf %sub3A_395, %select_n3A_391 : vector<16xf32>
      %add3A_397 = arith.addf %mul3A_392, %mul3A_396 : vector<16xf32>
      %eq3A_398 = arith.constant 12 : i32
      %eq3A_399 = vector.broadcast %eq3A_398 : i32 to vector<16xi32>
      %eq3A_400 = arith.cmpi eq, %select_n3A_277, %eq3A_399 : vector<16xi32>
      %select_n3A_401 = arith.select %eq3A_400, %broadcast_in_dim3A_3, %broadcast_in_dim3A_5 : vector<16xi1>, vector<16xf32>
      %mul3A_402 = arith.mulf %select_n3A, %mul3A_209 : vector<16xf32>
      %sub3A_403 = arith.constant 1.000000e+00 : f32
      %sub3A_404 = vector.broadcast %sub3A_403 : f32 to vector<16xf32>
      %sub3A_405 = arith.subf %sub3A_404, %select_n3A : vector<16xf32>
      %mul3A_406 = arith.mulf %sub3A_405, %select_n3A_401 : vector<16xf32>
      %add3A_407 = arith.addf %mul3A_402, %mul3A_406 : vector<16xf32>
      %eq3A_408 = arith.constant 13 : i32
      %eq3A_409 = vector.broadcast %eq3A_408 : i32 to vector<16xi32>
      %eq3A_410 = arith.cmpi eq, %select_n3A_277, %eq3A_409 : vector<16xi32>
      %select_n3A_411 = arith.select %eq3A_410, %broadcast_in_dim3A_3, %broadcast_in_dim3A_5 : vector<16xi1>, vector<16xf32>
      %mul3A_412 = arith.mulf %select_n3A, %mul3A_210 : vector<16xf32>
      %sub3A_413 = arith.constant 1.000000e+00 : f32
      %sub3A_414 = vector.broadcast %sub3A_413 : f32 to vector<16xf32>
      %sub3A_415 = arith.subf %sub3A_414, %select_n3A : vector<16xf32>
      %mul3A_416 = arith.mulf %sub3A_415, %select_n3A_411 : vector<16xf32>
      %add3A_417 = arith.addf %mul3A_412, %mul3A_416 : vector<16xf32>
      %eq3A_418 = arith.constant 14 : i32
      %eq3A_419 = vector.broadcast %eq3A_418 : i32 to vector<16xi32>
      %eq3A_420 = arith.cmpi eq, %select_n3A_277, %eq3A_419 : vector<16xi32>
      %select_n3A_421 = arith.select %eq3A_420, %broadcast_in_dim3A_3, %broadcast_in_dim3A_5 : vector<16xi1>, vector<16xf32>
      %mul3A_422 = arith.mulf %select_n3A, %mul3A_211 : vector<16xf32>
      %sub3A_423 = arith.constant 1.000000e+00 : f32
      %sub3A_424 = vector.broadcast %sub3A_423 : f32 to vector<16xf32>
      %sub3A_425 = arith.subf %sub3A_424, %select_n3A : vector<16xf32>
      %mul3A_426 = arith.mulf %sub3A_425, %select_n3A_421 : vector<16xf32>
      %add3A_427 = arith.addf %mul3A_422, %mul3A_426 : vector<16xf32>
      %eq3A_428 = arith.constant 15 : i32
      %eq3A_429 = vector.broadcast %eq3A_428 : i32 to vector<16xi32>
      %eq3A_430 = arith.cmpi eq, %select_n3A_277, %eq3A_429 : vector<16xi32>
      %select_n3A_431 = arith.select %eq3A_430, %broadcast_in_dim3A_3, %broadcast_in_dim3A_5 : vector<16xi1>, vector<16xf32>
      %mul3A_432 = arith.mulf %select_n3A, %mul3A_212 : vector<16xf32>
      %sub3A_433 = arith.constant 1.000000e+00 : f32
      %sub3A_434 = vector.broadcast %sub3A_433 : f32 to vector<16xf32>
      %sub3A_435 = arith.subf %sub3A_434, %select_n3A : vector<16xf32>
      %mul3A_436 = arith.mulf %sub3A_435, %select_n3A_431 : vector<16xf32>
      %add3A_437 = arith.addf %mul3A_432, %mul3A_436 : vector<16xf32>
      %add3A_438 = arith.addf %add3A_367, %add3A_377 : vector<16xf32>
      %add3A_439 = arith.addf %add3A_438, %add3A_387 : vector<16xf32>
      %add3A_440 = arith.addf %add3A_439, %add3A_397 : vector<16xf32>
      %add3A_441 = arith.addf %add3A_440, %add3A_407 : vector<16xf32>
      %add3A_442 = arith.addf %add3A_441, %add3A_417 : vector<16xf32>
      %add3A_443 = arith.addf %add3A_442, %add3A_427 : vector<16xf32>
      %add3A_444 = arith.addf %add3A_443, %add3A_437 : vector<16xf32>
      %broadcast_in_dim3A_445 = arith.constant 0.000000e+00 : f32
      %broadcast_in_dim3A_446 = vector.broadcast %broadcast_in_dim3A_445 : f32 to vector<16xf32>
      %broadcast_in_dim3A_447 = arith.constant 0.000000e+00 : f32
      %broadcast_in_dim3A_448 = vector.broadcast %broadcast_in_dim3A_447 : f32 to vector<16xf32>
      %broadcast_in_dim3A_449 = arith.constant 0.000000e+00 : f32
      %broadcast_in_dim3A_450 = vector.broadcast %broadcast_in_dim3A_449 : f32 to vector<16xf32>
      %mul3A_451 = arith.constant 1.000000e+00 : f32
      %mul3A_452 = vector.broadcast %mul3A_451 : f32 to vector<16xf32>
      %mul3A_453 = arith.mulf %mul3A_452, %add3A_297 : vector<16xf32>
      %add3A_454 = arith.addf %broadcast_in_dim3A_450, %mul3A_453 : vector<16xf32>
      %mul3A_455 = arith.constant 1.000000e+00 : f32
      %mul3A_456 = vector.broadcast %mul3A_455 : f32 to vector<16xf32>
      %mul3A_457 = arith.mulf %mul3A_456, %add3A_307 : vector<16xf32>
      %add3A_458 = arith.addf %broadcast_in_dim3A_446, %mul3A_457 : vector<16xf32>
      %mul3A_459 = arith.constant -1.000000e+00 : f32
      %mul3A_460 = vector.broadcast %mul3A_459 : f32 to vector<16xf32>
      %mul3A_461 = arith.mulf %mul3A_460, %add3A_307 : vector<16xf32>
      %add3A_462 = arith.addf %add3A_454, %mul3A_461 : vector<16xf32>
      %mul3A_463 = arith.constant 1.000000e+00 : f32
      %mul3A_464 = vector.broadcast %mul3A_463 : f32 to vector<16xf32>
      %mul3A_465 = arith.mulf %mul3A_464, %add3A_317 : vector<16xf32>
      %add3A_466 = arith.addf %add3A_458, %mul3A_465 : vector<16xf32>
      %mul3A_467 = arith.constant 1.000000e+00 : f32
      %mul3A_468 = vector.broadcast %mul3A_467 : f32 to vector<16xf32>
      %mul3A_469 = arith.mulf %mul3A_468, %add3A_327 : vector<16xf32>
      %add3A_470 = arith.addf %broadcast_in_dim3A_448, %mul3A_469 : vector<16xf32>
      %mul3A_471 = arith.constant -1.000000e+00 : f32
      %mul3A_472 = vector.broadcast %mul3A_471 : f32 to vector<16xf32>
      %mul3A_473 = arith.mulf %mul3A_472, %add3A_327 : vector<16xf32>
      %add3A_474 = arith.addf %add3A_462, %mul3A_473 : vector<16xf32>
      %mul3A_475 = arith.constant 1.000000e+00 : f32
      %mul3A_476 = vector.broadcast %mul3A_475 : f32 to vector<16xf32>
      %mul3A_477 = arith.mulf %mul3A_476, %add3A_337 : vector<16xf32>
      %add3A_478 = arith.addf %add3A_470, %mul3A_477 : vector<16xf32>
      %mul3A_479 = arith.constant 1.000000e+00 : f32
      %mul3A_480 = vector.broadcast %mul3A_479 : f32 to vector<16xf32>
      %mul3A_481 = arith.mulf %mul3A_480, %add3A_347 : vector<16xf32>
      %add3A_482 = arith.addf %add3A_466, %mul3A_481 : vector<16xf32>
      %mul3A_483 = arith.constant 1.000000e+00 : f32
      %mul3A_484 = vector.broadcast %mul3A_483 : f32 to vector<16xf32>
      %mul3A_485 = arith.mulf %mul3A_484, %add3A_347 : vector<16xf32>
      %add3A_486 = arith.addf %add3A_478, %mul3A_485 : vector<16xf32>
      %mul3A_487 = arith.constant -2.000000e+00 : f32
      %mul3A_488 = vector.broadcast %mul3A_487 : f32 to vector<16xf32>
      %mul3A_489 = arith.mulf %mul3A_488, %add3A_347 : vector<16xf32>
      %add3A_490 = arith.addf %add3A_474, %mul3A_489 : vector<16xf32>
      %mul3A_491 = arith.constant 1.000000e+00 : f32
      %mul3A_492 = vector.broadcast %mul3A_491 : f32 to vector<16xf32>
      %mul3A_493 = arith.mulf %mul3A_492, %add3A_357 : vector<16xf32>
      %add3A_494 = arith.addf %add3A_482, %mul3A_493 : vector<16xf32>
      %mul3A_495 = arith.constant 1.000000e+00 : f32
      %mul3A_496 = vector.broadcast %mul3A_495 : f32 to vector<16xf32>
      %mul3A_497 = arith.mulf %mul3A_496, %add3A_357 : vector<16xf32>
      %add3A_498 = arith.addf %add3A_486, %mul3A_497 : vector<16xf32>
      %mul3A_499 = arith.constant -1.000000e+00 : f32
      %mul3A_500 = vector.broadcast %mul3A_499 : f32 to vector<16xf32>
      %mul3A_501 = arith.mulf %mul3A_500, %add3A_357 : vector<16xf32>
      %add3A_502 = arith.addf %add3A_490, %mul3A_501 : vector<16xf32>
      %mul3A_503 = arith.constant -1.000000e+00 : f32
      %mul3A_504 = vector.broadcast %mul3A_503 : f32 to vector<16xf32>
      %mul3A_505 = arith.mulf %mul3A_504, %add3A_367 : vector<16xf32>
      %add3A_506 = arith.addf %add3A_494, %mul3A_505 : vector<16xf32>
      %mul3A_507 = arith.constant -1.000000e+00 : f32
      %mul3A_508 = vector.broadcast %mul3A_507 : f32 to vector<16xf32>
      %mul3A_509 = arith.mulf %mul3A_508, %add3A_367 : vector<16xf32>
      %add3A_510 = arith.addf %add3A_498, %mul3A_509 : vector<16xf32>
      %mul3A_511 = arith.constant 1.000000e+00 : f32
      %mul3A_512 = vector.broadcast %mul3A_511 : f32 to vector<16xf32>
      %mul3A_513 = arith.mulf %mul3A_512, %add3A_367 : vector<16xf32>
      %add3A_514 = arith.addf %add3A_502, %mul3A_513 : vector<16xf32>
      %mul3A_515 = arith.constant -1.000000e+00 : f32
      %mul3A_516 = vector.broadcast %mul3A_515 : f32 to vector<16xf32>
      %mul3A_517 = arith.mulf %mul3A_516, %add3A_377 : vector<16xf32>
      %add3A_518 = arith.addf %add3A_506, %mul3A_517 : vector<16xf32>
      %mul3A_519 = arith.constant -1.000000e+00 : f32
      %mul3A_520 = vector.broadcast %mul3A_519 : f32 to vector<16xf32>
      %mul3A_521 = arith.mulf %mul3A_520, %add3A_377 : vector<16xf32>
      %add3A_522 = arith.addf %add3A_510, %mul3A_521 : vector<16xf32>
      %mul3A_523 = arith.constant 2.000000e+00 : f32
      %mul3A_524 = vector.broadcast %mul3A_523 : f32 to vector<16xf32>
      %mul3A_525 = arith.mulf %mul3A_524, %add3A_377 : vector<16xf32>
      %add3A_526 = arith.addf %add3A_514, %mul3A_525 : vector<16xf32>
      %mul3A_527 = arith.constant -1.000000e+00 : f32
      %mul3A_528 = vector.broadcast %mul3A_527 : f32 to vector<16xf32>
      %mul3A_529 = arith.mulf %mul3A_528, %add3A_387 : vector<16xf32>
      %add3A_530 = arith.addf %add3A_522, %mul3A_529 : vector<16xf32>
      %mul3A_531 = arith.constant -1.000000e+00 : f32
      %mul3A_532 = vector.broadcast %mul3A_531 : f32 to vector<16xf32>
      %mul3A_533 = arith.mulf %mul3A_532, %add3A_397 : vector<16xf32>
      %add3A_534 = arith.addf %add3A_530, %mul3A_533 : vector<16xf32>
      %mul3A_535 = arith.constant 1.000000e+00 : f32
      %mul3A_536 = vector.broadcast %mul3A_535 : f32 to vector<16xf32>
      %mul3A_537 = arith.mulf %mul3A_536, %add3A_397 : vector<16xf32>
      %add3A_538 = arith.addf %add3A_526, %mul3A_537 : vector<16xf32>
      %mul3A_539 = arith.constant -1.000000e+00 : f32
      %mul3A_540 = vector.broadcast %mul3A_539 : f32 to vector<16xf32>
      %mul3A_541 = arith.mulf %mul3A_540, %add3A_407 : vector<16xf32>
      %add3A_542 = arith.addf %add3A_518, %mul3A_541 : vector<16xf32>
      %mul3A_543 = arith.constant -1.000000e+00 : f32
      %mul3A_544 = vector.broadcast %mul3A_543 : f32 to vector<16xf32>
      %mul3A_545 = arith.mulf %mul3A_544, %add3A_417 : vector<16xf32>
      %add3A_546 = arith.addf %add3A_542, %mul3A_545 : vector<16xf32>
      %mul3A_547 = arith.constant 1.000000e+00 : f32
      %mul3A_548 = vector.broadcast %mul3A_547 : f32 to vector<16xf32>
      %mul3A_549 = arith.mulf %mul3A_548, %add3A_417 : vector<16xf32>
      %add3A_550 = arith.addf %add3A_538, %mul3A_549 : vector<16xf32>
      %mul3A_551 = arith.constant -1.000000e+00 : f32
      %mul3A_552 = vector.broadcast %mul3A_551 : f32 to vector<16xf32>
      %mul3A_553 = arith.mulf %mul3A_552, %add3A_427 : vector<16xf32>
      %add3A_554 = arith.addf %add3A_550, %mul3A_553 : vector<16xf32>
      %mul3A_555 = arith.constant 16 : i32
      %mul3A_556 = arith.muli %scan3A_53, %mul3A_555 : i32
      %swap3A = arith.index_cast %mul3A_556 : i32 to index
      %swap3A_557 = tpu.vector_load %arg11[%swap3A] {strides = array<i32>} : memref<2048xf32, #tpu.memory_space<vmem>>, vector<16xf32>,
      %swap3A_558 = vector.shape_cast %swap3A_557 : vector<16xf32> to vector<16xf32>
      %swap3A_559 = vector.shape_cast %add3A_444 : vector<16xf32> to vector<16xf32>
      tpu.vector_store %arg11[%swap3A], %swap3A_559 {strides = array<i32>} : memref<2048xf32, #tpu.memory_space<vmem>>, vector<16xf32>,
      %mul3A_560 = arith.constant 16 : i32
      %mul3A_561 = arith.muli %scan3A_53, %mul3A_560 : i32
      %add3A_562 = arith.constant 512 : i32
      %add3A_563 = arith.addi %add3A_562, %mul3A_561 : i32
      %swap3A_564 = arith.index_cast %add3A_563 : i32 to index
      %swap3A_565 = tpu.vector_load %arg11[%swap3A_564] {strides = array<i32>} : memref<2048xf32, #tpu.memory_space<vmem>>, vector<16xf32>,
      %swap3A_566 = vector.shape_cast %swap3A_565 : vector<16xf32> to vector<16xf32>
      %swap3A_567 = vector.shape_cast %add3A_546 : vector<16xf32> to vector<16xf32>
      tpu.vector_store %arg11[%swap3A_564], %swap3A_567 {strides = array<i32>} : memref<2048xf32, #tpu.memory_space<vmem>>, vector<16xf32>,
      %mul3A_568 = arith.constant 16 : i32
      %mul3A_569 = arith.muli %scan3A_53, %mul3A_568 : i32
      %add3A_570 = arith.constant 1024 : i32
      %add3A_571 = arith.addi %add3A_570, %mul3A_569 : i32
      %swap3A_572 = arith.index_cast %add3A_571 : i32 to index
      %swap3A_573 = tpu.vector_load %arg11[%swap3A_572] {strides = array<i32>} : memref<2048xf32, #tpu.memory_space<vmem>>, vector<16xf32>,
      %swap3A_574 = vector.shape_cast %swap3A_573 : vector<16xf32> to vector<16xf32>
      %swap3A_575 = vector.shape_cast %add3A_534 : vector<16xf32> to vector<16xf32>
      tpu.vector_store %arg11[%swap3A_572], %swap3A_575 {strides = array<i32>} : memref<2048xf32, #tpu.memory_space<vmem>>, vector<16xf32>,
      %mul3A_576 = arith.constant 16 : i32
      %mul3A_577 = arith.muli %scan3A_53, %mul3A_576 : i32
      %add3A_578 = arith.constant 1536 : i32
      %add3A_579 = arith.addi %add3A_578, %mul3A_577 : i32
      %swap3A_580 = arith.index_cast %add3A_579 : i32 to index
      %swap3A_581 = tpu.vector_load %arg11[%swap3A_580] {strides = array<i32>} : memref<2048xf32, #tpu.memory_space<vmem>>, vector<16xf32>,
      %swap3A_582 = vector.shape_cast %swap3A_581 : vector<16xf32> to vector<16xf32>
      %swap3A_583 = vector.shape_cast %add3A_554 : vector<16xf32> to vector<16xf32>
      tpu.vector_store %arg11[%swap3A_580], %swap3A_583 {strides = array<i32>} : memref<2048xf32, #tpu.memory_space<vmem>>, vector<16xf32>,
    }
    %scan3A_39 = arith.constant 32 : i32
    %scan3A_40 = arith.constant 0 : i32
    %scan3A_41 = arith.constant 0 : i32
    %scan3A_42 = arith.constant 16 : i32
    %scan3A_43 = arith.addi %scan3A_41, %scan3A_42 : i32
    %scan3A_44 = arith.constant 1 : i32
    scf.for %scan3A_53 = %scan3A_41 to %scan3A_43 step %scan3A_44  : i32 {
      %mul3A_54 = arith.constant 2 : i32
      %mul3A_55 = arith.muli %scan3A_53, %mul3A_54 : i32
      %add3A_56 = arith.constant 0 : i32
      %add3A_57 = arith.addi %mul3A_55, %add3A_56 : i32
      %dma_wait3A_58 = arith.constant 0 : i32
      %dma_wait3A_59 = arith.constant 0 : i32
      %dma_wait3A_60 = tpu.memref_slice %arg2[%dma_wait3A_58, %dma_wait3A_59] : memref<16384x1024xf32, #tpu.memory_space<hbm>> -> memref<16384x1024xf32, #tpu.memory_space<hbm>>
      tpu.wait_indirect_dma semaphore(%arg19 : memref<!tpu.dma_semaphore, #tpu.memory_space<semaphore_mem>>) src(%dma_wait3A_60 : memref<16384x1024xf32, #tpu.memory_space<hbm>>) dst(%arg13 : memref<16x1024xf32, #tpu.memory_space<vmem>>)
      %dma_wait3A_61 = arith.constant 0 : i32
      %dma_wait3A_62 = arith.constant 0 : i32
      %dma_wait3A_63 = tpu.memref_slice %arg2[%dma_wait3A_61, %dma_wait3A_62] : memref<16384x1024xf32, #tpu.memory_space<hbm>> -> memref<16384x1024xf32, #tpu.memory_space<hbm>>
      tpu.wait_indirect_dma semaphore(%arg20 : memref<!tpu.dma_semaphore, #tpu.memory_space<semaphore_mem>>) src(%dma_wait3A_63 : memref<16384x1024xf32, #tpu.memory_space<hbm>>) dst(%arg14 : memref<16x1024xf32, #tpu.memory_space<vmem>>)
      %gt3A = arith.constant 0 : i32
      %gt3A_64 = arith.cmpi sgt, %scan3A_53, %gt3A : i32
      %convert_element_type3A = arith.extui %gt3A_64 : i1 to i32
      %cond3A = arith.constant 0 : i32
      %cond3A_65 = arith.cmpi ne, %convert_element_type3A, %cond3A : i32
      scf.if %cond3A_65 {
        %dma_wait3A_172 = arith.constant 0 : i32
        %dma_wait3A_173 = tpu.memref_slice %arg7[%mul3A_2, %dma_wait3A_172] : memref<16384x1024xf32, #tpu.memory_space<hbm>> -> memref<16x1024xf32, #tpu.memory_space<hbm>>
        %dma_wait3A_174 = arith.constant 0 : i32
        %dma_wait3A_175 = tpu.memref_slice %arg7[%mul3A_2, %dma_wait3A_174] : memref<16384x1024xf32, #tpu.memory_space<hbm>> -> memref<16x1024xf32, #tpu.memory_space<hbm>>
        tpu.wait_dma2 semaphore(%arg21 : memref<!tpu.dma_semaphore, #tpu.memory_space<semaphore_mem>>) src(%arg15 : memref<16x1024xf32, #tpu.memory_space<vmem>>) dst(%dma_wait3A_175 : memref<16x1024xf32, #tpu.memory_space<hbm>>)
      } else {
      }
      %mul3A_66 = arith.constant 16 : i32
      %mul3A_67 = arith.muli %add3A_57, %mul3A_66 : i32
      %get3A_68 = arith.index_cast %mul3A_67 : i32 to index
      %get3A_69 = tpu.vector_load %arg11[%get3A_68] {strides = array<i32>} : memref<2048xf32, #tpu.memory_space<vmem>>, vector<16xf32>,
      %get3A_70 = vector.shape_cast %get3A_69 : vector<16xf32> to vector<16xf32>
      %mul3A_71 = arith.constant 16 : i32
      %mul3A_72 = arith.muli %add3A_57, %mul3A_71 : i32
      %add3A_73 = arith.constant 512 : i32
      %add3A_74 = arith.addi %add3A_73, %mul3A_72 : i32
      %get3A_75 = arith.index_cast %add3A_74 : i32 to index
      %get3A_76 = tpu.vector_load %arg11[%get3A_75] {strides = array<i32>} : memref<2048xf32, #tpu.memory_space<vmem>>, vector<16xf32>,
      %get3A_77 = vector.shape_cast %get3A_76 : vector<16xf32> to vector<16xf32>
      %mul3A_78 = arith.constant 16 : i32
      %mul3A_79 = arith.muli %add3A_57, %mul3A_78 : i32
      %add3A_80 = arith.constant 1024 : i32
      %add3A_81 = arith.addi %add3A_80, %mul3A_79 : i32
      %get3A_82 = arith.index_cast %add3A_81 : i32 to index
      %get3A_83 = tpu.vector_load %arg11[%get3A_82] {strides = array<i32>} : memref<2048xf32, #tpu.memory_space<vmem>>, vector<16xf32>,
      %get3A_84 = vector.shape_cast %get3A_83 : vector<16xf32> to vector<16xf32>
      %mul3A_85 = arith.constant 16 : i32
      %mul3A_86 = arith.muli %add3A_57, %mul3A_85 : i32
      %add3A_87 = arith.constant 1536 : i32
      %add3A_88 = arith.addi %add3A_87, %mul3A_86 : i32
      %get3A_89 = arith.index_cast %add3A_88 : i32 to index
      %get3A_90 = tpu.vector_load %arg11[%get3A_89] {strides = array<i32>} : memref<2048xf32, #tpu.memory_space<vmem>>, vector<16xf32>,
      %get3A_91 = vector.shape_cast %get3A_90 : vector<16xf32> to vector<16xf32>
      %scan3A_92 = arith.constant 0 : i32
      %scan3A_93 = arith.constant 0 : i32
      %scan3A_94 = arith.constant 16 : i32
      %scan3A_95 = arith.addi %scan3A_93, %scan3A_94 : i32
      %scan3A_96 = arith.constant 1 : i32
      scf.for %scan3A_172 = %scan3A_93 to %scan3A_95 step %scan3A_96  : i32 {
        %add3A_173 = vector.broadcast %scan3A_172 : i32 to vector<16xi32>
        %add3A_174 = arith.addi %broadcast_in_dim3A_11, %add3A_173 : vector<16xi32>
        %broadcast_in_dim3A_175 = vector.shape_cast %add3A_174 : vector<16xi32> to vector<16x1xi32>
        %gather3A = vector.shape_cast %broadcast_in_dim3A_175 : vector<16x1xi32> to vector<16xi32>
        %gather3A_176 = tpu.dynamic_gather %get3A_70[%gather3A] in [0] : vector<16xf32>, vector<16xi32> -> vector<16xf32>
        %broadcast_in_dim3A_177 = vector.shape_cast %add3A_174 : vector<16xi32> to vector<16x1xi32>
        %gather3A_178 = vector.shape_cast %broadcast_in_dim3A_177 : vector<16x1xi32> to vector<16xi32>
        %gather3A_179 = tpu.dynamic_gather %get3A_77[%gather3A_178] in [0] : vector<16xf32>, vector<16xi32> -> vector<16xf32>
        %broadcast_in_dim3A_180 = vector.shape_cast %add3A_174 : vector<16xi32> to vector<16x1xi32>
        %gather3A_181 = vector.shape_cast %broadcast_in_dim3A_180 : vector<16x1xi32> to vector<16xi32>
        %gather3A_182 = tpu.dynamic_gather %get3A_84[%gather3A_181] in [0] : vector<16xf32>, vector<16xi32> -> vector<16xf32>
        %broadcast_in_dim3A_183 = vector.shape_cast %add3A_174 : vector<16xi32> to vector<16x1xi32>
        %gather3A_184 = vector.shape_cast %broadcast_in_dim3A_183 : vector<16x1xi32> to vector<16xi32>
        %gather3A_185 = tpu.dynamic_gather %get3A_91[%gather3A_184] in [0] : vector<16xf32>, vector<16xi32> -> vector<16xf32>
        %get3A_186 = arith.index_cast %scan3A_172 : i32 to index
        %get3A_187 = arith.constant 0 : index
        %get3A_188 = tpu.vector_load %arg13[%get3A_186, %get3A_187] {strides = array<i32>} : memref<16x1024xf32, #tpu.memory_space<vmem>>, vector<1x16xf32>,
        %get3A_189 = vector.shape_cast %get3A_188 : vector<1x16xf32> to vector<16xf32>
        %get3A_190 = arith.index_cast %scan3A_172 : i32 to index
        %get3A_191 = arith.constant 0 : index
        %get3A_192 = tpu.vector_load %arg14[%get3A_190, %get3A_191] {strides = array<i32>} : memref<16x1024xf32, #tpu.memory_space<vmem>>, vector<1x16xf32>,
        %get3A_193 = vector.shape_cast %get3A_192 : vector<1x16xf32> to vector<16xf32>
        %mul3A_194 = arith.mulf %gather3A_179, %get3A_189 : vector<16xf32>
        %add3A_195 = arith.addf %gather3A_176, %mul3A_194 : vector<16xf32>
        %mul3A_196 = arith.mulf %gather3A_182, %get3A_193 : vector<16xf32>
        %mul3A_197 = arith.mulf %get3A_189, %get3A_193 : vector<16xf32>
        %mul3A_198 = arith.mulf %gather3A_185, %mul3A_197 : vector<16xf32>
        %add3A_199 = arith.addf %mul3A_196, %mul3A_198 : vector<16xf32>
        %add3A_200 = arith.addf %add3A_195, %add3A_199 : vector<16xf32>
        %swap3A = arith.index_cast %scan3A_172 : i32 to index
        %swap3A_201 = arith.constant 0 : index
        %swap3A_202 = tpu.vector_load %arg15[%swap3A, %swap3A_201] {strides = array<i32>} : memref<16x1024xf32, #tpu.memory_space<vmem>>, vector<1x16xf32>,
        %swap3A_203 = vector.shape_cast %swap3A_202 : vector<1x16xf32> to vector<16xf32>
        %swap3A_204 = vector.shape_cast %add3A_200 : vector<16xf32> to vector<1x16xf32>
        tpu.vector_store %arg15[%swap3A, %swap3A_201], %swap3A_204 {strides = array<i32>} : memref<16x1024xf32, #tpu.memory_space<vmem>>, vector<1x16xf32>,
        %get3A_205 = arith.index_cast %scan3A_172 : i32 to index
        %get3A_206 = arith.constant 16 : index
        %get3A_207 = tpu.vector_load %arg13[%get3A_205, %get3A_206] {strides = array<i32>} : memref<16x1024xf32, #tpu.memory_space<vmem>>, vector<1x16xf32>,
        %get3A_208 = vector.shape_cast %get3A_207 : vector<1x16xf32> to vector<16xf32>
        %get3A_209 = arith.index_cast %scan3A_172 : i32 to index
        %get3A_210 = arith.constant 16 : index
        %get3A_211 = tpu.vector_load %arg14[%get3A_209, %get3A_210] {strides = array<i32>} : memref<16x1024xf32, #tpu.memory_space<vmem>>, vector<1x16xf32>,
        %get3A_212 = vector.shape_cast %get3A_211 : vector<1x16xf32> to vector<16xf32>
        %mul3A_213 = arith.mulf %gather3A_179, %get3A_208 : vector<16xf32>
        %add3A_214 = arith.addf %gather3A_176, %mul3A_213 : vector<16xf32>
        %mul3A_215 = arith.mulf %gather3A_182, %get3A_212 : vector<16xf32>
        %mul3A_216 = arith.mulf %get3A_208, %get3A_212 : vector<16xf32>
        %mul3A_217 = arith.mulf %gather3A_185, %mul3A_216 : vector<16xf32>
        %add3A_218 = arith.addf %mul3A_215, %mul3A_217 : vector<16xf32>
        %add3A_219 = arith.addf %add3A_214, %add3A_218 : vector<16xf32>
        %swap3A_220 = arith.index_cast %scan3A_172 : i32 to index
        %swap3A_221 = arith.constant 16 : index
        %swap3A_222 = tpu.vector_load %arg15[%swap3A_220, %swap3A_221] {strides = array<i32>} : memref<16x1024xf32, #tpu.memory_space<vmem>>, vector<1x16xf32>,
        %swap3A_223 = vector.shape_cast %swap3A_222 : vector<1x16xf32> to vector<16xf32>
        %swap3A_224 = vector.shape_cast %add3A_219 : vector<16xf32> to vector<1x16xf32>
        tpu.vector_store %arg15[%swap3A_220, %swap3A_221], %swap3A_224 {strides = array<i32>} : memref<16x1024xf32, #tpu.memory_space<vmem>>, vector<1x16xf32>,
        %get3A_225 = arith.index_cast %scan3A_172 : i32 to index
        %get3A_226 = arith.constant 32 : index
        %get3A_227 = tpu.vector_load %arg13[%get3A_225, %get3A_226] {strides = array<i32>} : memref<16x1024xf32, #tpu.memory_space<vmem>>, vector<1x16xf32>,
        %get3A_228 = vector.shape_cast %get3A_227 : vector<1x16xf32> to vector<16xf32>
        %get3A_229 = arith.index_cast %scan3A_172 : i32 to index
        %get3A_230 = arith.constant 32 : index
        %get3A_231 = tpu.vector_load %arg14[%get3A_229, %get3A_230] {strides = array<i32>} : memref<16x1024xf32, #tpu.memory_space<vmem>>, vector<1x16xf32>,
        %get3A_232 = vector.shape_cast %get3A_231 : vector<1x16xf32> to vector<16xf32>
        %mul3A_233 = arith.mulf %gather3A_179, %get3A_228 : vector<16xf32>
        %add3A_234 = arith.addf %gather3A_176, %mul3A_233 : vector<16xf32>
        %mul3A_235 = arith.mulf %gather3A_182, %get3A_232 : vector<16xf32>
        %mul3A_236 = arith.mulf %get3A_228, %get3A_232 : vector<16xf32>
        %mul3A_237 = arith.mulf %gather3A_185, %mul3A_236 : vector<16xf32>
        %add3A_238 = arith.addf %mul3A_235, %mul3A_237 : vector<16xf32>
        %add3A_239 = arith.addf %add3A_234, %add3A_238 : vector<16xf32>
        %swap3A_240 = arith.index_cast %scan3A_172 : i32 to index
        %swap3A_241 = arith.constant 32 : index
        %swap3A_242 = tpu.vector_load %arg15[%swap3A_240, %swap3A_241] {strides = array<i32>} : memref<16x1024xf32, #tpu.memory_space<vmem>>, vector<1x16xf32>,
        %swap3A_243 = vector.shape_cast %swap3A_242 : vector<1x16xf32> to vector<16xf32>
        %swap3A_244 = vector.shape_cast %add3A_239 : vector<16xf32> to vector<1x16xf32>
        tpu.vector_store %arg15[%swap3A_240, %swap3A_241], %swap3A_244 {strides = array<i32>} : memref<16x1024xf32, #tpu.memory_space<vmem>>, vector<1x16xf32>,
        %get3A_245 = arith.index_cast %scan3A_172 : i32 to index
        %get3A_246 = arith.constant 48 : index
        %get3A_247 = tpu.vector_load %arg13[%get3A_245, %get3A_246] {strides = array<i32>} : memref<16x1024xf32, #tpu.memory_space<vmem>>, vector<1x16xf32>,
        %get3A_248 = vector.shape_cast %get3A_247 : vector<1x16xf32> to vector<16xf32>
        %get3A_249 = arith.index_cast %scan3A_172 : i32 to index
        %get3A_250 = arith.constant 48 : index
        %get3A_251 = tpu.vector_load %arg14[%get3A_249, %get3A_250] {strides = array<i32>} : memref<16x1024xf32, #tpu.memory_space<vmem>>, vector<1x16xf32>,
        %get3A_252 = vector.shape_cast %get3A_251 : vector<1x16xf32> to vector<16xf32>
        %mul3A_253 = arith.mulf %gather3A_179, %get3A_248 : vector<16xf32>
        %add3A_254 = arith.addf %gather3A_176, %mul3A_253 : vector<16xf32>
        %mul3A_255 = arith.mulf %gather3A_182, %get3A_252 : vector<16xf32>
        %mul3A_256 = arith.mulf %get3A_248, %get3A_252 : vector<16xf32>
        %mul3A_257 = arith.mulf %gather3A_185, %mul3A_256 : vector<16xf32>
        %add3A_258 = arith.addf %mul3A_255, %mul3A_257 : vector<16xf32>
        %add3A_259 = arith.addf %add3A_254, %add3A_258 : vector<16xf32>
        %swap3A_260 = arith.index_cast %scan3A_172 : i32 to index
        %swap3A_261 = arith.constant 48 : index
        %swap3A_262 = tpu.vector_load %arg15[%swap3A_260, %swap3A_261] {strides = array<i32>} : memref<16x1024xf32, #tpu.memory_space<vmem>>, vector<1x16xf32>,
        %swap3A_263 = vector.shape_cast %swap3A_262 : vector<1x16xf32> to vector<16xf32>
        %swap3A_264 = vector.shape_cast %add3A_259 : vector<16xf32> to vector<1x16xf32>
        tpu.vector_store %arg15[%swap3A_260, %swap3A_261], %swap3A_264 {strides = array<i32>} : memref<16x1024xf32, #tpu.memory_space<vmem>>, vector<1x16xf32>,
        %get3A_265 = arith.index_cast %scan3A_172 : i32 to index
        %get3A_266 = arith.constant 64 : index
        %get3A_267 = tpu.vector_load %arg13[%get3A_265, %get3A_266] {strides = array<i32>} : memref<16x1024xf32, #tpu.memory_space<vmem>>, vector<1x16xf32>,
        %get3A_268 = vector.shape_cast %get3A_267 : vector<1x16xf32> to vector<16xf32>
        %get3A_269 = arith.index_cast %scan3A_172 : i32 to index
        %get3A_270 = arith.constant 64 : index
        %get3A_271 = tpu.vector_load %arg14[%get3A_269, %get3A_270] {strides = array<i32>} : memref<16x1024xf32, #tpu.memory_space<vmem>>, vector<1x16xf32>,
        %get3A_272 = vector.shape_cast %get3A_271 : vector<1x16xf32> to vector<16xf32>
        %mul3A_273 = arith.mulf %gather3A_179, %get3A_268 : vector<16xf32>
        %add3A_274 = arith.addf %gather3A_176, %mul3A_273 : vector<16xf32>
        %mul3A_275 = arith.mulf %gather3A_182, %get3A_272 : vector<16xf32>
        %mul3A_276 = arith.mulf %get3A_268, %get3A_272 : vector<16xf32>
        %mul3A_277 = arith.mulf %gather3A_185, %mul3A_276 : vector<16xf32>
        %add3A_278 = arith.addf %mul3A_275, %mul3A_277 : vector<16xf32>
        %add3A_279 = arith.addf %add3A_274, %add3A_278 : vector<16xf32>
        %swap3A_280 = arith.index_cast %scan3A_172 : i32 to index
        %swap3A_281 = arith.constant 64 : index
        %swap3A_282 = tpu.vector_load %arg15[%swap3A_280, %swap3A_281] {strides = array<i32>} : memref<16x1024xf32, #tpu.memory_space<vmem>>, vector<1x16xf32>,
        %swap3A_283 = vector.shape_cast %swap3A_282 : vector<1x16xf32> to vector<16xf32>
        %swap3A_284 = vector.shape_cast %add3A_279 : vector<16xf32> to vector<1x16xf32>
        tpu.vector_store %arg15[%swap3A_280, %swap3A_281], %swap3A_284 {strides = array<i32>} : memref<16x1024xf32, #tpu.memory_space<vmem>>, vector<1x16xf32>,
        %get3A_285 = arith.index_cast %scan3A_172 : i32 to index
        %get3A_286 = arith.constant 80 : index
        %get3A_287 = tpu.vector_load %arg13[%get3A_285, %get3A_286] {strides = array<i32>} : memref<16x1024xf32, #tpu.memory_space<vmem>>, vector<1x16xf32>,
        %get3A_288 = vector.shape_cast %get3A_287 : vector<1x16xf32> to vector<16xf32>
        %get3A_289 = arith.index_cast %scan3A_172 : i32 to index
        %get3A_290 = arith.constant 80 : index
        %get3A_291 = tpu.vector_load %arg14[%get3A_289, %get3A_290] {strides = array<i32>} : memref<16x1024xf32, #tpu.memory_space<vmem>>, vector<1x16xf32>,
        %get3A_292 = vector.shape_cast %get3A_291 : vector<1x16xf32> to vector<16xf32>
        %mul3A_293 = arith.mulf %gather3A_179, %get3A_288 : vector<16xf32>
        %add3A_294 = arith.addf %gather3A_176, %mul3A_293 : vector<16xf32>
        %mul3A_295 = arith.mulf %gather3A_182, %get3A_292 : vector<16xf32>
        %mul3A_296 = arith.mulf %get3A_288, %get3A_292 : vector<16xf32>
        %mul3A_297 = arith.mulf %gather3A_185, %mul3A_296 : vector<16xf32>
        %add3A_298 = arith.addf %mul3A_295, %mul3A_297 : vector<16xf32>
        %add3A_299 = arith.addf %add3A_294, %add3A_298 : vector<16xf32>
        %swap3A_300 = arith.index_cast %scan3A_172 : i32 to index
        %swap3A_301 = arith.constant 80 : index
        %swap3A_302 = tpu.vector_load %arg15[%swap3A_300, %swap3A_301] {strides = array<i32>} : memref<16x1024xf32, #tpu.memory_space<vmem>>, vector<1x16xf32>,
        %swap3A_303 = vector.shape_cast %swap3A_302 : vector<1x16xf32> to vector<16xf32>
        %swap3A_304 = vector.shape_cast %add3A_299 : vector<16xf32> to vector<1x16xf32>
        tpu.vector_store %arg15[%swap3A_300, %swap3A_301], %swap3A_304 {strides = array<i32>} : memref<16x1024xf32, #tpu.memory_space<vmem>>, vector<1x16xf32>,
        %get3A_305 = arith.index_cast %scan3A_172 : i32 to index
        %get3A_306 = arith.constant 96 : index
        %get3A_307 = tpu.vector_load %arg13[%get3A_305, %get3A_306] {strides = array<i32>} : memref<16x1024xf32, #tpu.memory_space<vmem>>, vector<1x16xf32>,
        %get3A_308 = vector.shape_cast %get3A_307 : vector<1x16xf32> to vector<16xf32>
        %get3A_309 = arith.index_cast %scan3A_172 : i32 to index
        %get3A_310 = arith.constant 96 : index
        %get3A_311 = tpu.vector_load %arg14[%get3A_309, %get3A_310] {strides = array<i32>} : memref<16x1024xf32, #tpu.memory_space<vmem>>, vector<1x16xf32>,
        %get3A_312 = vector.shape_cast %get3A_311 : vector<1x16xf32> to vector<16xf32>
        %mul3A_313 = arith.mulf %gather3A_179, %get3A_308 : vector<16xf32>
        %add3A_314 = arith.addf %gather3A_176, %mul3A_313 : vector<16xf32>
        %mul3A_315 = arith.mulf %gather3A_182, %get3A_312 : vector<16xf32>
        %mul3A_316 = arith.mulf %get3A_308, %get3A_312 : vector<16xf32>
        %mul3A_317 = arith.mulf %gather3A_185, %mul3A_316 : vector<16xf32>
        %add3A_318 = arith.addf %mul3A_315, %mul3A_317 : vector<16xf32>
        %add3A_319 = arith.addf %add3A_314, %add3A_318 : vector<16xf32>
        %swap3A_320 = arith.index_cast %scan3A_172 : i32 to index
        %swap3A_321 = arith.constant 96 : index
        %swap3A_322 = tpu.vector_load %arg15[%swap3A_320, %swap3A_321] {strides = array<i32>} : memref<16x1024xf32, #tpu.memory_space<vmem>>, vector<1x16xf32>,
        %swap3A_323 = vector.shape_cast %swap3A_322 : vector<1x16xf32> to vector<16xf32>
        %swap3A_324 = vector.shape_cast %add3A_319 : vector<16xf32> to vector<1x16xf32>
        tpu.vector_store %arg15[%swap3A_320, %swap3A_321], %swap3A_324 {strides = array<i32>} : memref<16x1024xf32, #tpu.memory_space<vmem>>, vector<1x16xf32>,
        %get3A_325 = arith.index_cast %scan3A_172 : i32 to index
        %get3A_326 = arith.constant 112 : index
        %get3A_327 = tpu.vector_load %arg13[%get3A_325, %get3A_326] {strides = array<i32>} : memref<16x1024xf32, #tpu.memory_space<vmem>>, vector<1x16xf32>,
        %get3A_328 = vector.shape_cast %get3A_327 : vector<1x16xf32> to vector<16xf32>
        %get3A_329 = arith.index_cast %scan3A_172 : i32 to index
        %get3A_330 = arith.constant 112 : index
        %get3A_331 = tpu.vector_load %arg14[%get3A_329, %get3A_330] {strides = array<i32>} : memref<16x1024xf32, #tpu.memory_space<vmem>>, vector<1x16xf32>,
        %get3A_332 = vector.shape_cast %get3A_331 : vector<1x16xf32> to vector<16xf32>
        %mul3A_333 = arith.mulf %gather3A_179, %get3A_328 : vector<16xf32>
        %add3A_334 = arith.addf %gather3A_176, %mul3A_333 : vector<16xf32>
        %mul3A_335 = arith.mulf %gather3A_182, %get3A_332 : vector<16xf32>
        %mul3A_336 = arith.mulf %get3A_328, %get3A_332 : vector<16xf32>
        %mul3A_337 = arith.mulf %gather3A_185, %mul3A_336 : vector<16xf32>
        %add3A_338 = arith.addf %mul3A_335, %mul3A_337 : vector<16xf32>
        %add3A_339 = arith.addf %add3A_334, %add3A_338 : vector<16xf32>
        %swap3A_340 = arith.index_cast %scan3A_172 : i32 to index
        %swap3A_341 = arith.constant 112 : index
        %swap3A_342 = tpu.vector_load %arg15[%swap3A_340, %swap3A_341] {strides = array<i32>} : memref<16x1024xf32, #tpu.memory_space<vmem>>, vector<1x16xf32>,
        %swap3A_343 = vector.shape_cast %swap3A_342 : vector<1x16xf32> to vector<16xf32>
        %swap3A_344 = vector.shape_cast %add3A_339 : vector<16xf32> to vector<1x16xf32>
        tpu.vector_store %arg15[%swap3A_340, %swap3A_341], %swap3A_344 {strides = array<i32>} : memref<16x1024xf32, #tpu.memory_space<vmem>>, vector<1x16xf32>,
        %get3A_345 = arith.index_cast %scan3A_172 : i32 to index
        %get3A_346 = arith.constant 128 : index
        %get3A_347 = tpu.vector_load %arg13[%get3A_345, %get3A_346] {strides = array<i32>} : memref<16x1024xf32, #tpu.memory_space<vmem>>, vector<1x16xf32>,
        %get3A_348 = vector.shape_cast %get3A_347 : vector<1x16xf32> to vector<16xf32>
        %get3A_349 = arith.index_cast %scan3A_172 : i32 to index
        %get3A_350 = arith.constant 128 : index
        %get3A_351 = tpu.vector_load %arg14[%get3A_349, %get3A_350] {strides = array<i32>} : memref<16x1024xf32, #tpu.memory_space<vmem>>, vector<1x16xf32>,
        %get3A_352 = vector.shape_cast %get3A_351 : vector<1x16xf32> to vector<16xf32>
        %mul3A_353 = arith.mulf %gather3A_179, %get3A_348 : vector<16xf32>
        %add3A_354 = arith.addf %gather3A_176, %mul3A_353 : vector<16xf32>
        %mul3A_355 = arith.mulf %gather3A_182, %get3A_352 : vector<16xf32>
        %mul3A_356 = arith.mulf %get3A_348, %get3A_352 : vector<16xf32>
        %mul3A_357 = arith.mulf %gather3A_185, %mul3A_356 : vector<16xf32>
        %add3A_358 = arith.addf %mul3A_355, %mul3A_357 : vector<16xf32>
        %add3A_359 = arith.addf %add3A_354, %add3A_358 : vector<16xf32>
        %swap3A_360 = arith.index_cast %scan3A_172 : i32 to index
        %swap3A_361 = arith.constant 128 : index
        %swap3A_362 = tpu.vector_load %arg15[%swap3A_360, %swap3A_361] {strides = array<i32>} : memref<16x1024xf32, #tpu.memory_space<vmem>>, vector<1x16xf32>,
        %swap3A_363 = vector.shape_cast %swap3A_362 : vector<1x16xf32> to vector<16xf32>
        %swap3A_364 = vector.shape_cast %add3A_359 : vector<16xf32> to vector<1x16xf32>
        tpu.vector_store %arg15[%swap3A_360, %swap3A_361], %swap3A_364 {strides = array<i32>} : memref<16x1024xf32, #tpu.memory_space<vmem>>, vector<1x16xf32>,
        %get3A_365 = arith.index_cast %scan3A_172 : i32 to index
        %get3A_366 = arith.constant 144 : index
        %get3A_367 = tpu.vector_load %arg13[%get3A_365, %get3A_366] {strides = array<i32>} : memref<16x1024xf32, #tpu.memory_space<vmem>>, vector<1x16xf32>,
        %get3A_368 = vector.shape_cast %get3A_367 : vector<1x16xf32> to vector<16xf32>
        %get3A_369 = arith.index_cast %scan3A_172 : i32 to index
        %get3A_370 = arith.constant 144 : index
        %get3A_371 = tpu.vector_load %arg14[%get3A_369, %get3A_370] {strides = array<i32>} : memref<16x1024xf32, #tpu.memory_space<vmem>>, vector<1x16xf32>,
        %get3A_372 = vector.shape_cast %get3A_371 : vector<1x16xf32> to vector<16xf32>
        %mul3A_373 = arith.mulf %gather3A_179, %get3A_368 : vector<16xf32>
        %add3A_374 = arith.addf %gather3A_176, %mul3A_373 : vector<16xf32>
        %mul3A_375 = arith.mulf %gather3A_182, %get3A_372 : vector<16xf32>
        %mul3A_376 = arith.mulf %get3A_368, %get3A_372 : vector<16xf32>
        %mul3A_377 = arith.mulf %gather3A_185, %mul3A_376 : vector<16xf32>
        %add3A_378 = arith.addf %mul3A_375, %mul3A_377 : vector<16xf32>
        %add3A_379 = arith.addf %add3A_374, %add3A_378 : vector<16xf32>
        %swap3A_380 = arith.index_cast %scan3A_172 : i32 to index
        %swap3A_381 = arith.constant 144 : index
        %swap3A_382 = tpu.vector_load %arg15[%swap3A_380, %swap3A_381] {strides = array<i32>} : memref<16x1024xf32, #tpu.memory_space<vmem>>, vector<1x16xf32>,
        %swap3A_383 = vector.shape_cast %swap3A_382 : vector<1x16xf32> to vector<16xf32>
        %swap3A_384 = vector.shape_cast %add3A_379 : vector<16xf32> to vector<1x16xf32>
        tpu.vector_store %arg15[%swap3A_380, %swap3A_381], %swap3A_384 {strides = array<i32>} : memref<16x1024xf32, #tpu.memory_space<vmem>>, vector<1x16xf32>,
        %get3A_385 = arith.index_cast %scan3A_172 : i32 to index
        %get3A_386 = arith.constant 160 : index
        %get3A_387 = tpu.vector_load %arg13[%get3A_385, %get3A_386] {strides = array<i32>} : memref<16x1024xf32, #tpu.memory_space<vmem>>, vector<1x16xf32>,
        %get3A_388 = vector.shape_cast %get3A_387 : vector<1x16xf32> to vector<16xf32>
        %get3A_389 = arith.index_cast %scan3A_172 : i32 to index
        %get3A_390 = arith.constant 160 : index
        %get3A_391 = tpu.vector_load %arg14[%get3A_389, %get3A_390] {strides = array<i32>} : memref<16x1024xf32, #tpu.memory_space<vmem>>, vector<1x16xf32>,
        %get3A_392 = vector.shape_cast %get3A_391 : vector<1x16xf32> to vector<16xf32>
        %mul3A_393 = arith.mulf %gather3A_179, %get3A_388 : vector<16xf32>
        %add3A_394 = arith.addf %gather3A_176, %mul3A_393 : vector<16xf32>
        %mul3A_395 = arith.mulf %gather3A_182, %get3A_392 : vector<16xf32>
        %mul3A_396 = arith.mulf %get3A_388, %get3A_392 : vector<16xf32>
        %mul3A_397 = arith.mulf %gather3A_185, %mul3A_396 : vector<16xf32>
        %add3A_398 = arith.addf %mul3A_395, %mul3A_397 : vector<16xf32>
        %add3A_399 = arith.addf %add3A_394, %add3A_398 : vector<16xf32>
        %swap3A_400 = arith.index_cast %scan3A_172 : i32 to index
        %swap3A_401 = arith.constant 160 : index
        %swap3A_402 = tpu.vector_load %arg15[%swap3A_400, %swap3A_401] {strides = array<i32>} : memref<16x1024xf32, #tpu.memory_space<vmem>>, vector<1x16xf32>,
        %swap3A_403 = vector.shape_cast %swap3A_402 : vector<1x16xf32> to vector<16xf32>
        %swap3A_404 = vector.shape_cast %add3A_399 : vector<16xf32> to vector<1x16xf32>
        tpu.vector_store %arg15[%swap3A_400, %swap3A_401], %swap3A_404 {strides = array<i32>} : memref<16x1024xf32, #tpu.memory_space<vmem>>, vector<1x16xf32>,
        %get3A_405 = arith.index_cast %scan3A_172 : i32 to index
        %get3A_406 = arith.constant 176 : index
        %get3A_407 = tpu.vector_load %arg13[%get3A_405, %get3A_406] {strides = array<i32>} : memref<16x1024xf32, #tpu.memory_space<vmem>>, vector<1x16xf32>,
        %get3A_408 = vector.shape_cast %get3A_407 : vector<1x16xf32> to vector<16xf32>
        %get3A_409 = arith.index_cast %scan3A_172 : i32 to index
        %get3A_410 = arith.constant 176 : index
        %get3A_411 = tpu.vector_load %arg14[%get3A_409, %get3A_410] {strides = array<i32>} : memref<16x1024xf32, #tpu.memory_space<vmem>>, vector<1x16xf32>,
        %get3A_412 = vector.shape_cast %get3A_411 : vector<1x16xf32> to vector<16xf32>
        %mul3A_413 = arith.mulf %gather3A_179, %get3A_408 : vector<16xf32>
        %add3A_414 = arith.addf %gather3A_176, %mul3A_413 : vector<16xf32>
        %mul3A_415 = arith.mulf %gather3A_182, %get3A_412 : vector<16xf32>
        %mul3A_416 = arith.mulf %get3A_408, %get3A_412 : vector<16xf32>
        %mul3A_417 = arith.mulf %gather3A_185, %mul3A_416 : vector<16xf32>
        %add3A_418 = arith.addf %mul3A_415, %mul3A_417 : vector<16xf32>
        %add3A_419 = arith.addf %add3A_414, %add3A_418 : vector<16xf32>
        %swap3A_420 = arith.index_cast %scan3A_172 : i32 to index
        %swap3A_421 = arith.constant 176 : index
        %swap3A_422 = tpu.vector_load %arg15[%swap3A_420, %swap3A_421] {strides = array<i32>} : memref<16x1024xf32, #tpu.memory_space<vmem>>, vector<1x16xf32>,
        %swap3A_423 = vector.shape_cast %swap3A_422 : vector<1x16xf32> to vector<16xf32>
        %swap3A_424 = vector.shape_cast %add3A_419 : vector<16xf32> to vector<1x16xf32>
        tpu.vector_store %arg15[%swap3A_420, %swap3A_421], %swap3A_424 {strides = array<i32>} : memref<16x1024xf32, #tpu.memory_space<vmem>>, vector<1x16xf32>,
        %get3A_425 = arith.index_cast %scan3A_172 : i32 to index
        %get3A_426 = arith.constant 192 : index
        %get3A_427 = tpu.vector_load %arg13[%get3A_425, %get3A_426] {strides = array<i32>} : memref<16x1024xf32, #tpu.memory_space<vmem>>, vector<1x16xf32>,
        %get3A_428 = vector.shape_cast %get3A_427 : vector<1x16xf32> to vector<16xf32>
        %get3A_429 = arith.index_cast %scan3A_172 : i32 to index
        %get3A_430 = arith.constant 192 : index
        %get3A_431 = tpu.vector_load %arg14[%get3A_429, %get3A_430] {strides = array<i32>} : memref<16x1024xf32, #tpu.memory_space<vmem>>, vector<1x16xf32>,
        %get3A_432 = vector.shape_cast %get3A_431 : vector<1x16xf32> to vector<16xf32>
        %mul3A_433 = arith.mulf %gather3A_179, %get3A_428 : vector<16xf32>
        %add3A_434 = arith.addf %gather3A_176, %mul3A_433 : vector<16xf32>
        %mul3A_435 = arith.mulf %gather3A_182, %get3A_432 : vector<16xf32>
        %mul3A_436 = arith.mulf %get3A_428, %get3A_432 : vector<16xf32>
        %mul3A_437 = arith.mulf %gather3A_185, %mul3A_436 : vector<16xf32>
        %add3A_438 = arith.addf %mul3A_435, %mul3A_437 : vector<16xf32>
        %add3A_439 = arith.addf %add3A_434, %add3A_438 : vector<16xf32>
        %swap3A_440 = arith.index_cast %scan3A_172 : i32 to index
        %swap3A_441 = arith.constant 192 : index
        %swap3A_442 = tpu.vector_load %arg15[%swap3A_440, %swap3A_441] {strides = array<i32>} : memref<16x1024xf32, #tpu.memory_space<vmem>>, vector<1x16xf32>,
        %swap3A_443 = vector.shape_cast %swap3A_442 : vector<1x16xf32> to vector<16xf32>
        %swap3A_444 = vector.shape_cast %add3A_439 : vector<16xf32> to vector<1x16xf32>
        tpu.vector_store %arg15[%swap3A_440, %swap3A_441], %swap3A_444 {strides = array<i32>} : memref<16x1024xf32, #tpu.memory_space<vmem>>, vector<1x16xf32>,
        %get3A_445 = arith.index_cast %scan3A_172 : i32 to index
        %get3A_446 = arith.constant 208 : index
        %get3A_447 = tpu.vector_load %arg13[%get3A_445, %get3A_446] {strides = array<i32>} : memref<16x1024xf32, #tpu.memory_space<vmem>>, vector<1x16xf32>,
        %get3A_448 = vector.shape_cast %get3A_447 : vector<1x16xf32> to vector<16xf32>
        %get3A_449 = arith.index_cast %scan3A_172 : i32 to index
        %get3A_450 = arith.constant 208 : index
        %get3A_451 = tpu.vector_load %arg14[%get3A_449, %get3A_450] {strides = array<i32>} : memref<16x1024xf32, #tpu.memory_space<vmem>>, vector<1x16xf32>,
        %get3A_452 = vector.shape_cast %get3A_451 : vector<1x16xf32> to vector<16xf32>
        %mul3A_453 = arith.mulf %gather3A_179, %get3A_448 : vector<16xf32>
        %add3A_454 = arith.addf %gather3A_176, %mul3A_453 : vector<16xf32>
        %mul3A_455 = arith.mulf %gather3A_182, %get3A_452 : vector<16xf32>
        %mul3A_456 = arith.mulf %get3A_448, %get3A_452 : vector<16xf32>
        %mul3A_457 = arith.mulf %gather3A_185, %mul3A_456 : vector<16xf32>
        %add3A_458 = arith.addf %mul3A_455, %mul3A_457 : vector<16xf32>
        %add3A_459 = arith.addf %add3A_454, %add3A_458 : vector<16xf32>
        %swap3A_460 = arith.index_cast %scan3A_172 : i32 to index
        %swap3A_461 = arith.constant 208 : index
        %swap3A_462 = tpu.vector_load %arg15[%swap3A_460, %swap3A_461] {strides = array<i32>} : memref<16x1024xf32, #tpu.memory_space<vmem>>, vector<1x16xf32>,
        %swap3A_463 = vector.shape_cast %swap3A_462 : vector<1x16xf32> to vector<16xf32>
        %swap3A_464 = vector.shape_cast %add3A_459 : vector<16xf32> to vector<1x16xf32>
        tpu.vector_store %arg15[%swap3A_460, %swap3A_461], %swap3A_464 {strides = array<i32>} : memref<16x1024xf32, #tpu.memory_space<vmem>>, vector<1x16xf32>,
        %get3A_465 = arith.index_cast %scan3A_172 : i32 to index
        %get3A_466 = arith.constant 224 : index
        %get3A_467 = tpu.vector_load %arg13[%get3A_465, %get3A_466] {strides = array<i32>} : memref<16x1024xf32, #tpu.memory_space<vmem>>, vector<1x16xf32>,
        %get3A_468 = vector.shape_cast %get3A_467 : vector<1x16xf32> to vector<16xf32>
        %get3A_469 = arith.index_cast %scan3A_172 : i32 to index
        %get3A_470 = arith.constant 224 : index
        %get3A_471 = tpu.vector_load %arg14[%get3A_469, %get3A_470] {strides = array<i32>} : memref<16x1024xf32, #tpu.memory_space<vmem>>, vector<1x16xf32>,
        %get3A_472 = vector.shape_cast %get3A_471 : vector<1x16xf32> to vector<16xf32>
        %mul3A_473 = arith.mulf %gather3A_179, %get3A_468 : vector<16xf32>
        %add3A_474 = arith.addf %gather3A_176, %mul3A_473 : vector<16xf32>
        %mul3A_475 = arith.mulf %gather3A_182, %get3A_472 : vector<16xf32>
        %mul3A_476 = arith.mulf %get3A_468, %get3A_472 : vector<16xf32>
        %mul3A_477 = arith.mulf %gather3A_185, %mul3A_476 : vector<16xf32>
        %add3A_478 = arith.addf %mul3A_475, %mul3A_477 : vector<16xf32>
        %add3A_479 = arith.addf %add3A_474, %add3A_478 : vector<16xf32>
        %swap3A_480 = arith.index_cast %scan3A_172 : i32 to index
        %swap3A_481 = arith.constant 224 : index
        %swap3A_482 = tpu.vector_load %arg15[%swap3A_480, %swap3A_481] {strides = array<i32>} : memref<16x1024xf32, #tpu.memory_space<vmem>>, vector<1x16xf32>,
        %swap3A_483 = vector.shape_cast %swap3A_482 : vector<1x16xf32> to vector<16xf32>
        %swap3A_484 = vector.shape_cast %add3A_479 : vector<16xf32> to vector<1x16xf32>
        tpu.vector_store %arg15[%swap3A_480, %swap3A_481], %swap3A_484 {strides = array<i32>} : memref<16x1024xf32, #tpu.memory_space<vmem>>, vector<1x16xf32>,
        %get3A_485 = arith.index_cast %scan3A_172 : i32 to index
        %get3A_486 = arith.constant 240 : index
        %get3A_487 = tpu.vector_load %arg13[%get3A_485, %get3A_486] {strides = array<i32>} : memref<16x1024xf32, #tpu.memory_space<vmem>>, vector<1x16xf32>,
        %get3A_488 = vector.shape_cast %get3A_487 : vector<1x16xf32> to vector<16xf32>
        %get3A_489 = arith.index_cast %scan3A_172 : i32 to index
        %get3A_490 = arith.constant 240 : index
        %get3A_491 = tpu.vector_load %arg14[%get3A_489, %get3A_490] {strides = array<i32>} : memref<16x1024xf32, #tpu.memory_space<vmem>>, vector<1x16xf32>,
        %get3A_492 = vector.shape_cast %get3A_491 : vector<1x16xf32> to vector<16xf32>
        %mul3A_493 = arith.mulf %gather3A_179, %get3A_488 : vector<16xf32>
        %add3A_494 = arith.addf %gather3A_176, %mul3A_493 : vector<16xf32>
        %mul3A_495 = arith.mulf %gather3A_182, %get3A_492 : vector<16xf32>
        %mul3A_496 = arith.mulf %get3A_488, %get3A_492 : vector<16xf32>
        %mul3A_497 = arith.mulf %gather3A_185, %mul3A_496 : vector<16xf32>
        %add3A_498 = arith.addf %mul3A_495, %mul3A_497 : vector<16xf32>
        %add3A_499 = arith.addf %add3A_494, %add3A_498 : vector<16xf32>
        %swap3A_500 = arith.index_cast %scan3A_172 : i32 to index
        %swap3A_501 = arith.constant 240 : index
        %swap3A_502 = tpu.vector_load %arg15[%swap3A_500, %swap3A_501] {strides = array<i32>} : memref<16x1024xf32, #tpu.memory_space<vmem>>, vector<1x16xf32>,
        %swap3A_503 = vector.shape_cast %swap3A_502 : vector<1x16xf32> to vector<16xf32>
        %swap3A_504 = vector.shape_cast %add3A_499 : vector<16xf32> to vector<1x16xf32>
        tpu.vector_store %arg15[%swap3A_500, %swap3A_501], %swap3A_504 {strides = array<i32>} : memref<16x1024xf32, #tpu.memory_space<vmem>>, vector<1x16xf32>,
        %get3A_505 = arith.index_cast %scan3A_172 : i32 to index
        %get3A_506 = arith.constant 256 : index
        %get3A_507 = tpu.vector_load %arg13[%get3A_505, %get3A_506] {strides = array<i32>} : memref<16x1024xf32, #tpu.memory_space<vmem>>, vector<1x16xf32>,
        %get3A_508 = vector.shape_cast %get3A_507 : vector<1x16xf32> to vector<16xf32>
        %get3A_509 = arith.index_cast %scan3A_172 : i32 to index
        %get3A_510 = arith.constant 256 : index
        %get3A_511 = tpu.vector_load %arg14[%get3A_509, %get3A_510] {strides = array<i32>} : memref<16x1024xf32, #tpu.memory_space<vmem>>, vector<1x16xf32>,
        %get3A_512 = vector.shape_cast %get3A_511 : vector<1x16xf32> to vector<16xf32>
        %mul3A_513 = arith.mulf %gather3A_179, %get3A_508 : vector<16xf32>
        %add3A_514 = arith.addf %gather3A_176, %mul3A_513 : vector<16xf32>
        %mul3A_515 = arith.mulf %gather3A_182, %get3A_512 : vector<16xf32>
        %mul3A_516 = arith.mulf %get3A_508, %get3A_512 : vector<16xf32>
        %mul3A_517 = arith.mulf %gather3A_185, %mul3A_516 : vector<16xf32>
        %add3A_518 = arith.addf %mul3A_515, %mul3A_517 : vector<16xf32>
        %add3A_519 = arith.addf %add3A_514, %add3A_518 : vector<16xf32>
        %swap3A_520 = arith.index_cast %scan3A_172 : i32 to index
        %swap3A_521 = arith.constant 256 : index
        %swap3A_522 = tpu.vector_load %arg15[%swap3A_520, %swap3A_521] {strides = array<i32>} : memref<16x1024xf32, #tpu.memory_space<vmem>>, vector<1x16xf32>,
        %swap3A_523 = vector.shape_cast %swap3A_522 : vector<1x16xf32> to vector<16xf32>
        %swap3A_524 = vector.shape_cast %add3A_519 : vector<16xf32> to vector<1x16xf32>
        tpu.vector_store %arg15[%swap3A_520, %swap3A_521], %swap3A_524 {strides = array<i32>} : memref<16x1024xf32, #tpu.memory_space<vmem>>, vector<1x16xf32>,
        %get3A_525 = arith.index_cast %scan3A_172 : i32 to index
        %get3A_526 = arith.constant 272 : index
        %get3A_527 = tpu.vector_load %arg13[%get3A_525, %get3A_526] {strides = array<i32>} : memref<16x1024xf32, #tpu.memory_space<vmem>>, vector<1x16xf32>,
        %get3A_528 = vector.shape_cast %get3A_527 : vector<1x16xf32> to vector<16xf32>
        %get3A_529 = arith.index_cast %scan3A_172 : i32 to index
        %get3A_530 = arith.constant 272 : index
        %get3A_531 = tpu.vector_load %arg14[%get3A_529, %get3A_530] {strides = array<i32>} : memref<16x1024xf32, #tpu.memory_space<vmem>>, vector<1x16xf32>,
        %get3A_532 = vector.shape_cast %get3A_531 : vector<1x16xf32> to vector<16xf32>
        %mul3A_533 = arith.mulf %gather3A_179, %get3A_528 : vector<16xf32>
        %add3A_534 = arith.addf %gather3A_176, %mul3A_533 : vector<16xf32>
        %mul3A_535 = arith.mulf %gather3A_182, %get3A_532 : vector<16xf32>
        %mul3A_536 = arith.mulf %get3A_528, %get3A_532 : vector<16xf32>
        %mul3A_537 = arith.mulf %gather3A_185, %mul3A_536 : vector<16xf32>
        %add3A_538 = arith.addf %mul3A_535, %mul3A_537 : vector<16xf32>
        %add3A_539 = arith.addf %add3A_534, %add3A_538 : vector<16xf32>
        %swap3A_540 = arith.index_cast %scan3A_172 : i32 to index
        %swap3A_541 = arith.constant 272 : index
        %swap3A_542 = tpu.vector_load %arg15[%swap3A_540, %swap3A_541] {strides = array<i32>} : memref<16x1024xf32, #tpu.memory_space<vmem>>, vector<1x16xf32>,
        %swap3A_543 = vector.shape_cast %swap3A_542 : vector<1x16xf32> to vector<16xf32>
        %swap3A_544 = vector.shape_cast %add3A_539 : vector<16xf32> to vector<1x16xf32>
        tpu.vector_store %arg15[%swap3A_540, %swap3A_541], %swap3A_544 {strides = array<i32>} : memref<16x1024xf32, #tpu.memory_space<vmem>>, vector<1x16xf32>,
        %get3A_545 = arith.index_cast %scan3A_172 : i32 to index
        %get3A_546 = arith.constant 288 : index
        %get3A_547 = tpu.vector_load %arg13[%get3A_545, %get3A_546] {strides = array<i32>} : memref<16x1024xf32, #tpu.memory_space<vmem>>, vector<1x16xf32>,
        %get3A_548 = vector.shape_cast %get3A_547 : vector<1x16xf32> to vector<16xf32>
        %get3A_549 = arith.index_cast %scan3A_172 : i32 to index
        %get3A_550 = arith.constant 288 : index
        %get3A_551 = tpu.vector_load %arg14[%get3A_549, %get3A_550] {strides = array<i32>} : memref<16x1024xf32, #tpu.memory_space<vmem>>, vector<1x16xf32>,
        %get3A_552 = vector.shape_cast %get3A_551 : vector<1x16xf32> to vector<16xf32>
        %mul3A_553 = arith.mulf %gather3A_179, %get3A_548 : vector<16xf32>
        %add3A_554 = arith.addf %gather3A_176, %mul3A_553 : vector<16xf32>
        %mul3A_555 = arith.mulf %gather3A_182, %get3A_552 : vector<16xf32>
        %mul3A_556 = arith.mulf %get3A_548, %get3A_552 : vector<16xf32>
        %mul3A_557 = arith.mulf %gather3A_185, %mul3A_556 : vector<16xf32>
        %add3A_558 = arith.addf %mul3A_555, %mul3A_557 : vector<16xf32>
        %add3A_559 = arith.addf %add3A_554, %add3A_558 : vector<16xf32>
        %swap3A_560 = arith.index_cast %scan3A_172 : i32 to index
        %swap3A_561 = arith.constant 288 : index
        %swap3A_562 = tpu.vector_load %arg15[%swap3A_560, %swap3A_561] {strides = array<i32>} : memref<16x1024xf32, #tpu.memory_space<vmem>>, vector<1x16xf32>,
        %swap3A_563 = vector.shape_cast %swap3A_562 : vector<1x16xf32> to vector<16xf32>
        %swap3A_564 = vector.shape_cast %add3A_559 : vector<16xf32> to vector<1x16xf32>
        tpu.vector_store %arg15[%swap3A_560, %swap3A_561], %swap3A_564 {strides = array<i32>} : memref<16x1024xf32, #tpu.memory_space<vmem>>, vector<1x16xf32>,
        %get3A_565 = arith.index_cast %scan3A_172 : i32 to index
        %get3A_566 = arith.constant 304 : index
        %get3A_567 = tpu.vector_load %arg13[%get3A_565, %get3A_566] {strides = array<i32>} : memref<16x1024xf32, #tpu.memory_space<vmem>>, vector<1x16xf32>,
        %get3A_568 = vector.shape_cast %get3A_567 : vector<1x16xf32> to vector<16xf32>
        %get3A_569 = arith.index_cast %scan3A_172 : i32 to index
        %get3A_570 = arith.constant 304 : index
        %get3A_571 = tpu.vector_load %arg14[%get3A_569, %get3A_570] {strides = array<i32>} : memref<16x1024xf32, #tpu.memory_space<vmem>>, vector<1x16xf32>,
        %get3A_572 = vector.shape_cast %get3A_571 : vector<1x16xf32> to vector<16xf32>
        %mul3A_573 = arith.mulf %gather3A_179, %get3A_568 : vector<16xf32>
        %add3A_574 = arith.addf %gather3A_176, %mul3A_573 : vector<16xf32>
        %mul3A_575 = arith.mulf %gather3A_182, %get3A_572 : vector<16xf32>
        %mul3A_576 = arith.mulf %get3A_568, %get3A_572 : vector<16xf32>
        %mul3A_577 = arith.mulf %gather3A_185, %mul3A_576 : vector<16xf32>
        %add3A_578 = arith.addf %mul3A_575, %mul3A_577 : vector<16xf32>
        %add3A_579 = arith.addf %add3A_574, %add3A_578 : vector<16xf32>
        %swap3A_580 = arith.index_cast %scan3A_172 : i32 to index
        %swap3A_581 = arith.constant 304 : index
        %swap3A_582 = tpu.vector_load %arg15[%swap3A_580, %swap3A_581] {strides = array<i32>} : memref<16x1024xf32, #tpu.memory_space<vmem>>, vector<1x16xf32>,
        %swap3A_583 = vector.shape_cast %swap3A_582 : vector<1x16xf32> to vector<16xf32>
        %swap3A_584 = vector.shape_cast %add3A_579 : vector<16xf32> to vector<1x16xf32>
        tpu.vector_store %arg15[%swap3A_580, %swap3A_581], %swap3A_584 {strides = array<i32>} : memref<16x1024xf32, #tpu.memory_space<vmem>>, vector<1x16xf32>,
        %get3A_585 = arith.index_cast %scan3A_172 : i32 to index
        %get3A_586 = arith.constant 320 : index
        %get3A_587 = tpu.vector_load %arg13[%get3A_585, %get3A_586] {strides = array<i32>} : memref<16x1024xf32, #tpu.memory_space<vmem>>, vector<1x16xf32>,
        %get3A_588 = vector.shape_cast %get3A_587 : vector<1x16xf32> to vector<16xf32>
        %get3A_589 = arith.index_cast %scan3A_172 : i32 to index
        %get3A_590 = arith.constant 320 : index
        %get3A_591 = tpu.vector_load %arg14[%get3A_589, %get3A_590] {strides = array<i32>} : memref<16x1024xf32, #tpu.memory_space<vmem>>, vector<1x16xf32>,
        %get3A_592 = vector.shape_cast %get3A_591 : vector<1x16xf32> to vector<16xf32>
        %mul3A_593 = arith.mulf %gather3A_179, %get3A_588 : vector<16xf32>
        %add3A_594 = arith.addf %gather3A_176, %mul3A_593 : vector<16xf32>
        %mul3A_595 = arith.mulf %gather3A_182, %get3A_592 : vector<16xf32>
        %mul3A_596 = arith.mulf %get3A_588, %get3A_592 : vector<16xf32>
        %mul3A_597 = arith.mulf %gather3A_185, %mul3A_596 : vector<16xf32>
        %add3A_598 = arith.addf %mul3A_595, %mul3A_597 : vector<16xf32>
        %add3A_599 = arith.addf %add3A_594, %add3A_598 : vector<16xf32>
        %swap3A_600 = arith.index_cast %scan3A_172 : i32 to index
        %swap3A_601 = arith.constant 320 : index
        %swap3A_602 = tpu.vector_load %arg15[%swap3A_600, %swap3A_601] {strides = array<i32>} : memref<16x1024xf32, #tpu.memory_space<vmem>>, vector<1x16xf32>,
        %swap3A_603 = vector.shape_cast %swap3A_602 : vector<1x16xf32> to vector<16xf32>
        %swap3A_604 = vector.shape_cast %add3A_599 : vector<16xf32> to vector<1x16xf32>
        tpu.vector_store %arg15[%swap3A_600, %swap3A_601], %swap3A_604 {strides = array<i32>} : memref<16x1024xf32, #tpu.memory_space<vmem>>, vector<1x16xf32>,
        %get3A_605 = arith.index_cast %scan3A_172 : i32 to index
        %get3A_606 = arith.constant 336 : index
        %get3A_607 = tpu.vector_load %arg13[%get3A_605, %get3A_606] {strides = array<i32>} : memref<16x1024xf32, #tpu.memory_space<vmem>>, vector<1x16xf32>,
        %get3A_608 = vector.shape_cast %get3A_607 : vector<1x16xf32> to vector<16xf32>
        %get3A_609 = arith.index_cast %scan3A_172 : i32 to index
        %get3A_610 = arith.constant 336 : index
        %get3A_611 = tpu.vector_load %arg14[%get3A_609, %get3A_610] {strides = array<i32>} : memref<16x1024xf32, #tpu.memory_space<vmem>>, vector<1x16xf32>,
        %get3A_612 = vector.shape_cast %get3A_611 : vector<1x16xf32> to vector<16xf32>
        %mul3A_613 = arith.mulf %gather3A_179, %get3A_608 : vector<16xf32>
        %add3A_614 = arith.addf %gather3A_176, %mul3A_613 : vector<16xf32>
        %mul3A_615 = arith.mulf %gather3A_182, %get3A_612 : vector<16xf32>
        %mul3A_616 = arith.mulf %get3A_608, %get3A_612 : vector<16xf32>
        %mul3A_617 = arith.mulf %gather3A_185, %mul3A_616 : vector<16xf32>
        %add3A_618 = arith.addf %mul3A_615, %mul3A_617 : vector<16xf32>
        %add3A_619 = arith.addf %add3A_614, %add3A_618 : vector<16xf32>
        %swap3A_620 = arith.index_cast %scan3A_172 : i32 to index
        %swap3A_621 = arith.constant 336 : index
        %swap3A_622 = tpu.vector_load %arg15[%swap3A_620, %swap3A_621] {strides = array<i32>} : memref<16x1024xf32, #tpu.memory_space<vmem>>, vector<1x16xf32>,
        %swap3A_623 = vector.shape_cast %swap3A_622 : vector<1x16xf32> to vector<16xf32>
        %swap3A_624 = vector.shape_cast %add3A_619 : vector<16xf32> to vector<1x16xf32>
        tpu.vector_store %arg15[%swap3A_620, %swap3A_621], %swap3A_624 {strides = array<i32>} : memref<16x1024xf32, #tpu.memory_space<vmem>>, vector<1x16xf32>,
        %get3A_625 = arith.index_cast %scan3A_172 : i32 to index
        %get3A_626 = arith.constant 352 : index
        %get3A_627 = tpu.vector_load %arg13[%get3A_625, %get3A_626] {strides = array<i32>} : memref<16x1024xf32, #tpu.memory_space<vmem>>, vector<1x16xf32>,
        %get3A_628 = vector.shape_cast %get3A_627 : vector<1x16xf32> to vector<16xf32>
        %get3A_629 = arith.index_cast %scan3A_172 : i32 to index
        %get3A_630 = arith.constant 352 : index
        %get3A_631 = tpu.vector_load %arg14[%get3A_629, %get3A_630] {strides = array<i32>} : memref<16x1024xf32, #tpu.memory_space<vmem>>, vector<1x16xf32>,
        %get3A_632 = vector.shape_cast %get3A_631 : vector<1x16xf32> to vector<16xf32>
        %mul3A_633 = arith.mulf %gather3A_179, %get3A_628 : vector<16xf32>
        %add3A_634 = arith.addf %gather3A_176, %mul3A_633 : vector<16xf32>
        %mul3A_635 = arith.mulf %gather3A_182, %get3A_632 : vector<16xf32>
        %mul3A_636 = arith.mulf %get3A_628, %get3A_632 : vector<16xf32>
        %mul3A_637 = arith.mulf %gather3A_185, %mul3A_636 : vector<16xf32>
        %add3A_638 = arith.addf %mul3A_635, %mul3A_637 : vector<16xf32>
        %add3A_639 = arith.addf %add3A_634, %add3A_638 : vector<16xf32>
        %swap3A_640 = arith.index_cast %scan3A_172 : i32 to index
        %swap3A_641 = arith.constant 352 : index
        %swap3A_642 = tpu.vector_load %arg15[%swap3A_640, %swap3A_641] {strides = array<i32>} : memref<16x1024xf32, #tpu.memory_space<vmem>>, vector<1x16xf32>,
        %swap3A_643 = vector.shape_cast %swap3A_642 : vector<1x16xf32> to vector<16xf32>
        %swap3A_644 = vector.shape_cast %add3A_639 : vector<16xf32> to vector<1x16xf32>
        tpu.vector_store %arg15[%swap3A_640, %swap3A_641], %swap3A_644 {strides = array<i32>} : memref<16x1024xf32, #tpu.memory_space<vmem>>, vector<1x16xf32>,
        %get3A_645 = arith.index_cast %scan3A_172 : i32 to index
        %get3A_646 = arith.constant 368 : index
        %get3A_647 = tpu.vector_load %arg13[%get3A_645, %get3A_646] {strides = array<i32>} : memref<16x1024xf32, #tpu.memory_space<vmem>>, vector<1x16xf32>,
        %get3A_648 = vector.shape_cast %get3A_647 : vector<1x16xf32> to vector<16xf32>
        %get3A_649 = arith.index_cast %scan3A_172 : i32 to index
        %get3A_650 = arith.constant 368 : index
        %get3A_651 = tpu.vector_load %arg14[%get3A_649, %get3A_650] {strides = array<i32>} : memref<16x1024xf32, #tpu.memory_space<vmem>>, vector<1x16xf32>,
        %get3A_652 = vector.shape_cast %get3A_651 : vector<1x16xf32> to vector<16xf32>
        %mul3A_653 = arith.mulf %gather3A_179, %get3A_648 : vector<16xf32>
        %add3A_654 = arith.addf %gather3A_176, %mul3A_653 : vector<16xf32>
        %mul3A_655 = arith.mulf %gather3A_182, %get3A_652 : vector<16xf32>
        %mul3A_656 = arith.mulf %get3A_648, %get3A_652 : vector<16xf32>
        %mul3A_657 = arith.mulf %gather3A_185, %mul3A_656 : vector<16xf32>
        %add3A_658 = arith.addf %mul3A_655, %mul3A_657 : vector<16xf32>
        %add3A_659 = arith.addf %add3A_654, %add3A_658 : vector<16xf32>
        %swap3A_660 = arith.index_cast %scan3A_172 : i32 to index
        %swap3A_661 = arith.constant 368 : index
        %swap3A_662 = tpu.vector_load %arg15[%swap3A_660, %swap3A_661] {strides = array<i32>} : memref<16x1024xf32, #tpu.memory_space<vmem>>, vector<1x16xf32>,
        %swap3A_663 = vector.shape_cast %swap3A_662 : vector<1x16xf32> to vector<16xf32>
        %swap3A_664 = vector.shape_cast %add3A_659 : vector<16xf32> to vector<1x16xf32>
        tpu.vector_store %arg15[%swap3A_660, %swap3A_661], %swap3A_664 {strides = array<i32>} : memref<16x1024xf32, #tpu.memory_space<vmem>>, vector<1x16xf32>,
        %get3A_665 = arith.index_cast %scan3A_172 : i32 to index
        %get3A_666 = arith.constant 384 : index
        %get3A_667 = tpu.vector_load %arg13[%get3A_665, %get3A_666] {strides = array<i32>} : memref<16x1024xf32, #tpu.memory_space<vmem>>, vector<1x16xf32>,
        %get3A_668 = vector.shape_cast %get3A_667 : vector<1x16xf32> to vector<16xf32>
        %get3A_669 = arith.index_cast %scan3A_172 : i32 to index
        %get3A_670 = arith.constant 384 : index
        %get3A_671 = tpu.vector_load %arg14[%get3A_669, %get3A_670] {strides = array<i32>} : memref<16x1024xf32, #tpu.memory_space<vmem>>, vector<1x16xf32>,
        %get3A_672 = vector.shape_cast %get3A_671 : vector<1x16xf32> to vector<16xf32>
        %mul3A_673 = arith.mulf %gather3A_179, %get3A_668 : vector<16xf32>
        %add3A_674 = arith.addf %gather3A_176, %mul3A_673 : vector<16xf32>
        %mul3A_675 = arith.mulf %gather3A_182, %get3A_672 : vector<16xf32>
        %mul3A_676 = arith.mulf %get3A_668, %get3A_672 : vector<16xf32>
        %mul3A_677 = arith.mulf %gather3A_185, %mul3A_676 : vector<16xf32>
        %add3A_678 = arith.addf %mul3A_675, %mul3A_677 : vector<16xf32>
        %add3A_679 = arith.addf %add3A_674, %add3A_678 : vector<16xf32>
        %swap3A_680 = arith.index_cast %scan3A_172 : i32 to index
        %swap3A_681 = arith.constant 384 : index
        %swap3A_682 = tpu.vector_load %arg15[%swap3A_680, %swap3A_681] {strides = array<i32>} : memref<16x1024xf32, #tpu.memory_space<vmem>>, vector<1x16xf32>,
        %swap3A_683 = vector.shape_cast %swap3A_682 : vector<1x16xf32> to vector<16xf32>
        %swap3A_684 = vector.shape_cast %add3A_679 : vector<16xf32> to vector<1x16xf32>
        tpu.vector_store %arg15[%swap3A_680, %swap3A_681], %swap3A_684 {strides = array<i32>} : memref<16x1024xf32, #tpu.memory_space<vmem>>, vector<1x16xf32>,
        %get3A_685 = arith.index_cast %scan3A_172 : i32 to index
        %get3A_686 = arith.constant 400 : index
        %get3A_687 = tpu.vector_load %arg13[%get3A_685, %get3A_686] {strides = array<i32>} : memref<16x1024xf32, #tpu.memory_space<vmem>>, vector<1x16xf32>,
        %get3A_688 = vector.shape_cast %get3A_687 : vector<1x16xf32> to vector<16xf32>
        %get3A_689 = arith.index_cast %scan3A_172 : i32 to index
        %get3A_690 = arith.constant 400 : index
        %get3A_691 = tpu.vector_load %arg14[%get3A_689, %get3A_690] {strides = array<i32>} : memref<16x1024xf32, #tpu.memory_space<vmem>>, vector<1x16xf32>,
        %get3A_692 = vector.shape_cast %get3A_691 : vector<1x16xf32> to vector<16xf32>
        %mul3A_693 = arith.mulf %gather3A_179, %get3A_688 : vector<16xf32>
        %add3A_694 = arith.addf %gather3A_176, %mul3A_693 : vector<16xf32>
        %mul3A_695 = arith.mulf %gather3A_182, %get3A_692 : vector<16xf32>
        %mul3A_696 = arith.mulf %get3A_688, %get3A_692 : vector<16xf32>
        %mul3A_697 = arith.mulf %gather3A_185, %mul3A_696 : vector<16xf32>
        %add3A_698 = arith.addf %mul3A_695, %mul3A_697 : vector<16xf32>
        %add3A_699 = arith.addf %add3A_694, %add3A_698 : vector<16xf32>
        %swap3A_700 = arith.index_cast %scan3A_172 : i32 to index
        %swap3A_701 = arith.constant 400 : index
        %swap3A_702 = tpu.vector_load %arg15[%swap3A_700, %swap3A_701] {strides = array<i32>} : memref<16x1024xf32, #tpu.memory_space<vmem>>, vector<1x16xf32>,
        %swap3A_703 = vector.shape_cast %swap3A_702 : vector<1x16xf32> to vector<16xf32>
        %swap3A_704 = vector.shape_cast %add3A_699 : vector<16xf32> to vector<1x16xf32>
        tpu.vector_store %arg15[%swap3A_700, %swap3A_701], %swap3A_704 {strides = array<i32>} : memref<16x1024xf32, #tpu.memory_space<vmem>>, vector<1x16xf32>,
        %get3A_705 = arith.index_cast %scan3A_172 : i32 to index
        %get3A_706 = arith.constant 416 : index
        %get3A_707 = tpu.vector_load %arg13[%get3A_705, %get3A_706] {strides = array<i32>} : memref<16x1024xf32, #tpu.memory_space<vmem>>, vector<1x16xf32>,
        %get3A_708 = vector.shape_cast %get3A_707 : vector<1x16xf32> to vector<16xf32>
        %get3A_709 = arith.index_cast %scan3A_172 : i32 to index
        %get3A_710 = arith.constant 416 : index
        %get3A_711 = tpu.vector_load %arg14[%get3A_709, %get3A_710] {strides = array<i32>} : memref<16x1024xf32, #tpu.memory_space<vmem>>, vector<1x16xf32>,
        %get3A_712 = vector.shape_cast %get3A_711 : vector<1x16xf32> to vector<16xf32>
        %mul3A_713 = arith.mulf %gather3A_179, %get3A_708 : vector<16xf32>
        %add3A_714 = arith.addf %gather3A_176, %mul3A_713 : vector<16xf32>
        %mul3A_715 = arith.mulf %gather3A_182, %get3A_712 : vector<16xf32>
        %mul3A_716 = arith.mulf %get3A_708, %get3A_712 : vector<16xf32>
        %mul3A_717 = arith.mulf %gather3A_185, %mul3A_716 : vector<16xf32>
        %add3A_718 = arith.addf %mul3A_715, %mul3A_717 : vector<16xf32>
        %add3A_719 = arith.addf %add3A_714, %add3A_718 : vector<16xf32>
        %swap3A_720 = arith.index_cast %scan3A_172 : i32 to index
        %swap3A_721 = arith.constant 416 : index
        %swap3A_722 = tpu.vector_load %arg15[%swap3A_720, %swap3A_721] {strides = array<i32>} : memref<16x1024xf32, #tpu.memory_space<vmem>>, vector<1x16xf32>,
        %swap3A_723 = vector.shape_cast %swap3A_722 : vector<1x16xf32> to vector<16xf32>
        %swap3A_724 = vector.shape_cast %add3A_719 : vector<16xf32> to vector<1x16xf32>
        tpu.vector_store %arg15[%swap3A_720, %swap3A_721], %swap3A_724 {strides = array<i32>} : memref<16x1024xf32, #tpu.memory_space<vmem>>, vector<1x16xf32>,
        %get3A_725 = arith.index_cast %scan3A_172 : i32 to index
        %get3A_726 = arith.constant 432 : index
        %get3A_727 = tpu.vector_load %arg13[%get3A_725, %get3A_726] {strides = array<i32>} : memref<16x1024xf32, #tpu.memory_space<vmem>>, vector<1x16xf32>,
        %get3A_728 = vector.shape_cast %get3A_727 : vector<1x16xf32> to vector<16xf32>
        %get3A_729 = arith.index_cast %scan3A_172 : i32 to index
        %get3A_730 = arith.constant 432 : index
        %get3A_731 = tpu.vector_load %arg14[%get3A_729, %get3A_730] {strides = array<i32>} : memref<16x1024xf32, #tpu.memory_space<vmem>>, vector<1x16xf32>,
        %get3A_732 = vector.shape_cast %get3A_731 : vector<1x16xf32> to vector<16xf32>
        %mul3A_733 = arith.mulf %gather3A_179, %get3A_728 : vector<16xf32>
        %add3A_734 = arith.addf %gather3A_176, %mul3A_733 : vector<16xf32>
        %mul3A_735 = arith.mulf %gather3A_182, %get3A_732 : vector<16xf32>
        %mul3A_736 = arith.mulf %get3A_728, %get3A_732 : vector<16xf32>
        %mul3A_737 = arith.mulf %gather3A_185, %mul3A_736 : vector<16xf32>
        %add3A_738 = arith.addf %mul3A_735, %mul3A_737 : vector<16xf32>
        %add3A_739 = arith.addf %add3A_734, %add3A_738 : vector<16xf32>
        %swap3A_740 = arith.index_cast %scan3A_172 : i32 to index
        %swap3A_741 = arith.constant 432 : index
        %swap3A_742 = tpu.vector_load %arg15[%swap3A_740, %swap3A_741] {strides = array<i32>} : memref<16x1024xf32, #tpu.memory_space<vmem>>, vector<1x16xf32>,
        %swap3A_743 = vector.shape_cast %swap3A_742 : vector<1x16xf32> to vector<16xf32>
        %swap3A_744 = vector.shape_cast %add3A_739 : vector<16xf32> to vector<1x16xf32>
        tpu.vector_store %arg15[%swap3A_740, %swap3A_741], %swap3A_744 {strides = array<i32>} : memref<16x1024xf32, #tpu.memory_space<vmem>>, vector<1x16xf32>,
        %get3A_745 = arith.index_cast %scan3A_172 : i32 to index
        %get3A_746 = arith.constant 448 : index
        %get3A_747 = tpu.vector_load %arg13[%get3A_745, %get3A_746] {strides = array<i32>} : memref<16x1024xf32, #tpu.memory_space<vmem>>, vector<1x16xf32>,
        %get3A_748 = vector.shape_cast %get3A_747 : vector<1x16xf32> to vector<16xf32>
        %get3A_749 = arith.index_cast %scan3A_172 : i32 to index
        %get3A_750 = arith.constant 448 : index
        %get3A_751 = tpu.vector_load %arg14[%get3A_749, %get3A_750] {strides = array<i32>} : memref<16x1024xf32, #tpu.memory_space<vmem>>, vector<1x16xf32>,
        %get3A_752 = vector.shape_cast %get3A_751 : vector<1x16xf32> to vector<16xf32>
        %mul3A_753 = arith.mulf %gather3A_179, %get3A_748 : vector<16xf32>
        %add3A_754 = arith.addf %gather3A_176, %mul3A_753 : vector<16xf32>
        %mul3A_755 = arith.mulf %gather3A_182, %get3A_752 : vector<16xf32>
        %mul3A_756 = arith.mulf %get3A_748, %get3A_752 : vector<16xf32>
        %mul3A_757 = arith.mulf %gather3A_185, %mul3A_756 : vector<16xf32>
        %add3A_758 = arith.addf %mul3A_755, %mul3A_757 : vector<16xf32>
        %add3A_759 = arith.addf %add3A_754, %add3A_758 : vector<16xf32>
        %swap3A_760 = arith.index_cast %scan3A_172 : i32 to index
        %swap3A_761 = arith.constant 448 : index
        %swap3A_762 = tpu.vector_load %arg15[%swap3A_760, %swap3A_761] {strides = array<i32>} : memref<16x1024xf32, #tpu.memory_space<vmem>>, vector<1x16xf32>,
        %swap3A_763 = vector.shape_cast %swap3A_762 : vector<1x16xf32> to vector<16xf32>
        %swap3A_764 = vector.shape_cast %add3A_759 : vector<16xf32> to vector<1x16xf32>
        tpu.vector_store %arg15[%swap3A_760, %swap3A_761], %swap3A_764 {strides = array<i32>} : memref<16x1024xf32, #tpu.memory_space<vmem>>, vector<1x16xf32>,
        %get3A_765 = arith.index_cast %scan3A_172 : i32 to index
        %get3A_766 = arith.constant 464 : index
        %get3A_767 = tpu.vector_load %arg13[%get3A_765, %get3A_766] {strides = array<i32>} : memref<16x1024xf32, #tpu.memory_space<vmem>>, vector<1x16xf32>,
        %get3A_768 = vector.shape_cast %get3A_767 : vector<1x16xf32> to vector<16xf32>
        %get3A_769 = arith.index_cast %scan3A_172 : i32 to index
        %get3A_770 = arith.constant 464 : index
        %get3A_771 = tpu.vector_load %arg14[%get3A_769, %get3A_770] {strides = array<i32>} : memref<16x1024xf32, #tpu.memory_space<vmem>>, vector<1x16xf32>,
        %get3A_772 = vector.shape_cast %get3A_771 : vector<1x16xf32> to vector<16xf32>
        %mul3A_773 = arith.mulf %gather3A_179, %get3A_768 : vector<16xf32>
        %add3A_774 = arith.addf %gather3A_176, %mul3A_773 : vector<16xf32>
        %mul3A_775 = arith.mulf %gather3A_182, %get3A_772 : vector<16xf32>
        %mul3A_776 = arith.mulf %get3A_768, %get3A_772 : vector<16xf32>
        %mul3A_777 = arith.mulf %gather3A_185, %mul3A_776 : vector<16xf32>
        %add3A_778 = arith.addf %mul3A_775, %mul3A_777 : vector<16xf32>
        %add3A_779 = arith.addf %add3A_774, %add3A_778 : vector<16xf32>
        %swap3A_780 = arith.index_cast %scan3A_172 : i32 to index
        %swap3A_781 = arith.constant 464 : index
        %swap3A_782 = tpu.vector_load %arg15[%swap3A_780, %swap3A_781] {strides = array<i32>} : memref<16x1024xf32, #tpu.memory_space<vmem>>, vector<1x16xf32>,
        %swap3A_783 = vector.shape_cast %swap3A_782 : vector<1x16xf32> to vector<16xf32>
        %swap3A_784 = vector.shape_cast %add3A_779 : vector<16xf32> to vector<1x16xf32>
        tpu.vector_store %arg15[%swap3A_780, %swap3A_781], %swap3A_784 {strides = array<i32>} : memref<16x1024xf32, #tpu.memory_space<vmem>>, vector<1x16xf32>,
        %get3A_785 = arith.index_cast %scan3A_172 : i32 to index
        %get3A_786 = arith.constant 480 : index
        %get3A_787 = tpu.vector_load %arg13[%get3A_785, %get3A_786] {strides = array<i32>} : memref<16x1024xf32, #tpu.memory_space<vmem>>, vector<1x16xf32>,
        %get3A_788 = vector.shape_cast %get3A_787 : vector<1x16xf32> to vector<16xf32>
        %get3A_789 = arith.index_cast %scan3A_172 : i32 to index
        %get3A_790 = arith.constant 480 : index
        %get3A_791 = tpu.vector_load %arg14[%get3A_789, %get3A_790] {strides = array<i32>} : memref<16x1024xf32, #tpu.memory_space<vmem>>, vector<1x16xf32>,
        %get3A_792 = vector.shape_cast %get3A_791 : vector<1x16xf32> to vector<16xf32>
        %mul3A_793 = arith.mulf %gather3A_179, %get3A_788 : vector<16xf32>
        %add3A_794 = arith.addf %gather3A_176, %mul3A_793 : vector<16xf32>
        %mul3A_795 = arith.mulf %gather3A_182, %get3A_792 : vector<16xf32>
        %mul3A_796 = arith.mulf %get3A_788, %get3A_792 : vector<16xf32>
        %mul3A_797 = arith.mulf %gather3A_185, %mul3A_796 : vector<16xf32>
        %add3A_798 = arith.addf %mul3A_795, %mul3A_797 : vector<16xf32>
        %add3A_799 = arith.addf %add3A_794, %add3A_798 : vector<16xf32>
        %swap3A_800 = arith.index_cast %scan3A_172 : i32 to index
        %swap3A_801 = arith.constant 480 : index
        %swap3A_802 = tpu.vector_load %arg15[%swap3A_800, %swap3A_801] {strides = array<i32>} : memref<16x1024xf32, #tpu.memory_space<vmem>>, vector<1x16xf32>,
        %swap3A_803 = vector.shape_cast %swap3A_802 : vector<1x16xf32> to vector<16xf32>
        %swap3A_804 = vector.shape_cast %add3A_799 : vector<16xf32> to vector<1x16xf32>
        tpu.vector_store %arg15[%swap3A_800, %swap3A_801], %swap3A_804 {strides = array<i32>} : memref<16x1024xf32, #tpu.memory_space<vmem>>, vector<1x16xf32>,
        %get3A_805 = arith.index_cast %scan3A_172 : i32 to index
        %get3A_806 = arith.constant 496 : index
        %get3A_807 = tpu.vector_load %arg13[%get3A_805, %get3A_806] {strides = array<i32>} : memref<16x1024xf32, #tpu.memory_space<vmem>>, vector<1x16xf32>,
        %get3A_808 = vector.shape_cast %get3A_807 : vector<1x16xf32> to vector<16xf32>
        %get3A_809 = arith.index_cast %scan3A_172 : i32 to index
        %get3A_810 = arith.constant 496 : index
        %get3A_811 = tpu.vector_load %arg14[%get3A_809, %get3A_810] {strides = array<i32>} : memref<16x1024xf32, #tpu.memory_space<vmem>>, vector<1x16xf32>,
        %get3A_812 = vector.shape_cast %get3A_811 : vector<1x16xf32> to vector<16xf32>
        %mul3A_813 = arith.mulf %gather3A_179, %get3A_808 : vector<16xf32>
        %add3A_814 = arith.addf %gather3A_176, %mul3A_813 : vector<16xf32>
        %mul3A_815 = arith.mulf %gather3A_182, %get3A_812 : vector<16xf32>
        %mul3A_816 = arith.mulf %get3A_808, %get3A_812 : vector<16xf32>
        %mul3A_817 = arith.mulf %gather3A_185, %mul3A_816 : vector<16xf32>
        %add3A_818 = arith.addf %mul3A_815, %mul3A_817 : vector<16xf32>
        %add3A_819 = arith.addf %add3A_814, %add3A_818 : vector<16xf32>
        %swap3A_820 = arith.index_cast %scan3A_172 : i32 to index
        %swap3A_821 = arith.constant 496 : index
        %swap3A_822 = tpu.vector_load %arg15[%swap3A_820, %swap3A_821] {strides = array<i32>} : memref<16x1024xf32, #tpu.memory_space<vmem>>, vector<1x16xf32>,
        %swap3A_823 = vector.shape_cast %swap3A_822 : vector<1x16xf32> to vector<16xf32>
        %swap3A_824 = vector.shape_cast %add3A_819 : vector<16xf32> to vector<1x16xf32>
        tpu.vector_store %arg15[%swap3A_820, %swap3A_821], %swap3A_824 {strides = array<i32>} : memref<16x1024xf32, #tpu.memory_space<vmem>>, vector<1x16xf32>,
        %get3A_825 = arith.index_cast %scan3A_172 : i32 to index
        %get3A_826 = arith.constant 512 : index
        %get3A_827 = tpu.vector_load %arg13[%get3A_825, %get3A_826] {strides = array<i32>} : memref<16x1024xf32, #tpu.memory_space<vmem>>, vector<1x16xf32>,
        %get3A_828 = vector.shape_cast %get3A_827 : vector<1x16xf32> to vector<16xf32>
        %get3A_829 = arith.index_cast %scan3A_172 : i32 to index
        %get3A_830 = arith.constant 512 : index
        %get3A_831 = tpu.vector_load %arg14[%get3A_829, %get3A_830] {strides = array<i32>} : memref<16x1024xf32, #tpu.memory_space<vmem>>, vector<1x16xf32>,
        %get3A_832 = vector.shape_cast %get3A_831 : vector<1x16xf32> to vector<16xf32>
        %mul3A_833 = arith.mulf %gather3A_179, %get3A_828 : vector<16xf32>
        %add3A_834 = arith.addf %gather3A_176, %mul3A_833 : vector<16xf32>
        %mul3A_835 = arith.mulf %gather3A_182, %get3A_832 : vector<16xf32>
        %mul3A_836 = arith.mulf %get3A_828, %get3A_832 : vector<16xf32>
        %mul3A_837 = arith.mulf %gather3A_185, %mul3A_836 : vector<16xf32>
        %add3A_838 = arith.addf %mul3A_835, %mul3A_837 : vector<16xf32>
        %add3A_839 = arith.addf %add3A_834, %add3A_838 : vector<16xf32>
        %swap3A_840 = arith.index_cast %scan3A_172 : i32 to index
        %swap3A_841 = arith.constant 512 : index
        %swap3A_842 = tpu.vector_load %arg15[%swap3A_840, %swap3A_841] {strides = array<i32>} : memref<16x1024xf32, #tpu.memory_space<vmem>>, vector<1x16xf32>,
        %swap3A_843 = vector.shape_cast %swap3A_842 : vector<1x16xf32> to vector<16xf32>
        %swap3A_844 = vector.shape_cast %add3A_839 : vector<16xf32> to vector<1x16xf32>
        tpu.vector_store %arg15[%swap3A_840, %swap3A_841], %swap3A_844 {strides = array<i32>} : memref<16x1024xf32, #tpu.memory_space<vmem>>, vector<1x16xf32>,
        %get3A_845 = arith.index_cast %scan3A_172 : i32 to index
        %get3A_846 = arith.constant 528 : index
        %get3A_847 = tpu.vector_load %arg13[%get3A_845, %get3A_846] {strides = array<i32>} : memref<16x1024xf32, #tpu.memory_space<vmem>>, vector<1x16xf32>,
        %get3A_848 = vector.shape_cast %get3A_847 : vector<1x16xf32> to vector<16xf32>
        %get3A_849 = arith.index_cast %scan3A_172 : i32 to index
        %get3A_850 = arith.constant 528 : index
        %get3A_851 = tpu.vector_load %arg14[%get3A_849, %get3A_850] {strides = array<i32>} : memref<16x1024xf32, #tpu.memory_space<vmem>>, vector<1x16xf32>,
        %get3A_852 = vector.shape_cast %get3A_851 : vector<1x16xf32> to vector<16xf32>
        %mul3A_853 = arith.mulf %gather3A_179, %get3A_848 : vector<16xf32>
        %add3A_854 = arith.addf %gather3A_176, %mul3A_853 : vector<16xf32>
        %mul3A_855 = arith.mulf %gather3A_182, %get3A_852 : vector<16xf32>
        %mul3A_856 = arith.mulf %get3A_848, %get3A_852 : vector<16xf32>
        %mul3A_857 = arith.mulf %gather3A_185, %mul3A_856 : vector<16xf32>
        %add3A_858 = arith.addf %mul3A_855, %mul3A_857 : vector<16xf32>
        %add3A_859 = arith.addf %add3A_854, %add3A_858 : vector<16xf32>
        %swap3A_860 = arith.index_cast %scan3A_172 : i32 to index
        %swap3A_861 = arith.constant 528 : index
        %swap3A_862 = tpu.vector_load %arg15[%swap3A_860, %swap3A_861] {strides = array<i32>} : memref<16x1024xf32, #tpu.memory_space<vmem>>, vector<1x16xf32>,
        %swap3A_863 = vector.shape_cast %swap3A_862 : vector<1x16xf32> to vector<16xf32>
        %swap3A_864 = vector.shape_cast %add3A_859 : vector<16xf32> to vector<1x16xf32>
        tpu.vector_store %arg15[%swap3A_860, %swap3A_861], %swap3A_864 {strides = array<i32>} : memref<16x1024xf32, #tpu.memory_space<vmem>>, vector<1x16xf32>,
        %get3A_865 = arith.index_cast %scan3A_172 : i32 to index
        %get3A_866 = arith.constant 544 : index
        %get3A_867 = tpu.vector_load %arg13[%get3A_865, %get3A_866] {strides = array<i32>} : memref<16x1024xf32, #tpu.memory_space<vmem>>, vector<1x16xf32>,
        %get3A_868 = vector.shape_cast %get3A_867 : vector<1x16xf32> to vector<16xf32>
        %get3A_869 = arith.index_cast %scan3A_172 : i32 to index
        %get3A_870 = arith.constant 544 : index
        %get3A_871 = tpu.vector_load %arg14[%get3A_869, %get3A_870] {strides = array<i32>} : memref<16x1024xf32, #tpu.memory_space<vmem>>, vector<1x16xf32>,
        %get3A_872 = vector.shape_cast %get3A_871 : vector<1x16xf32> to vector<16xf32>
        %mul3A_873 = arith.mulf %gather3A_179, %get3A_868 : vector<16xf32>
        %add3A_874 = arith.addf %gather3A_176, %mul3A_873 : vector<16xf32>
        %mul3A_875 = arith.mulf %gather3A_182, %get3A_872 : vector<16xf32>
        %mul3A_876 = arith.mulf %get3A_868, %get3A_872 : vector<16xf32>
        %mul3A_877 = arith.mulf %gather3A_185, %mul3A_876 : vector<16xf32>
        %add3A_878 = arith.addf %mul3A_875, %mul3A_877 : vector<16xf32>
        %add3A_879 = arith.addf %add3A_874, %add3A_878 : vector<16xf32>
        %swap3A_880 = arith.index_cast %scan3A_172 : i32 to index
        %swap3A_881 = arith.constant 544 : index
        %swap3A_882 = tpu.vector_load %arg15[%swap3A_880, %swap3A_881] {strides = array<i32>} : memref<16x1024xf32, #tpu.memory_space<vmem>>, vector<1x16xf32>,
        %swap3A_883 = vector.shape_cast %swap3A_882 : vector<1x16xf32> to vector<16xf32>
        %swap3A_884 = vector.shape_cast %add3A_879 : vector<16xf32> to vector<1x16xf32>
        tpu.vector_store %arg15[%swap3A_880, %swap3A_881], %swap3A_884 {strides = array<i32>} : memref<16x1024xf32, #tpu.memory_space<vmem>>, vector<1x16xf32>,
        %get3A_885 = arith.index_cast %scan3A_172 : i32 to index
        %get3A_886 = arith.constant 560 : index
        %get3A_887 = tpu.vector_load %arg13[%get3A_885, %get3A_886] {strides = array<i32>} : memref<16x1024xf32, #tpu.memory_space<vmem>>, vector<1x16xf32>,
        %get3A_888 = vector.shape_cast %get3A_887 : vector<1x16xf32> to vector<16xf32>
        %get3A_889 = arith.index_cast %scan3A_172 : i32 to index
        %get3A_890 = arith.constant 560 : index
        %get3A_891 = tpu.vector_load %arg14[%get3A_889, %get3A_890] {strides = array<i32>} : memref<16x1024xf32, #tpu.memory_space<vmem>>, vector<1x16xf32>,
        %get3A_892 = vector.shape_cast %get3A_891 : vector<1x16xf32> to vector<16xf32>
        %mul3A_893 = arith.mulf %gather3A_179, %get3A_888 : vector<16xf32>
        %add3A_894 = arith.addf %gather3A_176, %mul3A_893 : vector<16xf32>
        %mul3A_895 = arith.mulf %gather3A_182, %get3A_892 : vector<16xf32>
        %mul3A_896 = arith.mulf %get3A_888, %get3A_892 : vector<16xf32>
        %mul3A_897 = arith.mulf %gather3A_185, %mul3A_896 : vector<16xf32>
        %add3A_898 = arith.addf %mul3A_895, %mul3A_897 : vector<16xf32>
        %add3A_899 = arith.addf %add3A_894, %add3A_898 : vector<16xf32>
        %swap3A_900 = arith.index_cast %scan3A_172 : i32 to index
        %swap3A_901 = arith.constant 560 : index
        %swap3A_902 = tpu.vector_load %arg15[%swap3A_900, %swap3A_901] {strides = array<i32>} : memref<16x1024xf32, #tpu.memory_space<vmem>>, vector<1x16xf32>,
        %swap3A_903 = vector.shape_cast %swap3A_902 : vector<1x16xf32> to vector<16xf32>
        %swap3A_904 = vector.shape_cast %add3A_899 : vector<16xf32> to vector<1x16xf32>
        tpu.vector_store %arg15[%swap3A_900, %swap3A_901], %swap3A_904 {strides = array<i32>} : memref<16x1024xf32, #tpu.memory_space<vmem>>, vector<1x16xf32>,
        %get3A_905 = arith.index_cast %scan3A_172 : i32 to index
        %get3A_906 = arith.constant 576 : index
        %get3A_907 = tpu.vector_load %arg13[%get3A_905, %get3A_906] {strides = array<i32>} : memref<16x1024xf32, #tpu.memory_space<vmem>>, vector<1x16xf32>,
        %get3A_908 = vector.shape_cast %get3A_907 : vector<1x16xf32> to vector<16xf32>
        %get3A_909 = arith.index_cast %scan3A_172 : i32 to index
        %get3A_910 = arith.constant 576 : index
        %get3A_911 = tpu.vector_load %arg14[%get3A_909, %get3A_910] {strides = array<i32>} : memref<16x1024xf32, #tpu.memory_space<vmem>>, vector<1x16xf32>,
        %get3A_912 = vector.shape_cast %get3A_911 : vector<1x16xf32> to vector<16xf32>
        %mul3A_913 = arith.mulf %gather3A_179, %get3A_908 : vector<16xf32>
        %add3A_914 = arith.addf %gather3A_176, %mul3A_913 : vector<16xf32>
        %mul3A_915 = arith.mulf %gather3A_182, %get3A_912 : vector<16xf32>
        %mul3A_916 = arith.mulf %get3A_908, %get3A_912 : vector<16xf32>
        %mul3A_917 = arith.mulf %gather3A_185, %mul3A_916 : vector<16xf32>
        %add3A_918 = arith.addf %mul3A_915, %mul3A_917 : vector<16xf32>
        %add3A_919 = arith.addf %add3A_914, %add3A_918 : vector<16xf32>
        %swap3A_920 = arith.index_cast %scan3A_172 : i32 to index
        %swap3A_921 = arith.constant 576 : index
        %swap3A_922 = tpu.vector_load %arg15[%swap3A_920, %swap3A_921] {strides = array<i32>} : memref<16x1024xf32, #tpu.memory_space<vmem>>, vector<1x16xf32>,
        %swap3A_923 = vector.shape_cast %swap3A_922 : vector<1x16xf32> to vector<16xf32>
        %swap3A_924 = vector.shape_cast %add3A_919 : vector<16xf32> to vector<1x16xf32>
        tpu.vector_store %arg15[%swap3A_920, %swap3A_921], %swap3A_924 {strides = array<i32>} : memref<16x1024xf32, #tpu.memory_space<vmem>>, vector<1x16xf32>,
        %get3A_925 = arith.index_cast %scan3A_172 : i32 to index
        %get3A_926 = arith.constant 592 : index
        %get3A_927 = tpu.vector_load %arg13[%get3A_925, %get3A_926] {strides = array<i32>} : memref<16x1024xf32, #tpu.memory_space<vmem>>, vector<1x16xf32>,
        %get3A_928 = vector.shape_cast %get3A_927 : vector<1x16xf32> to vector<16xf32>
        %get3A_929 = arith.index_cast %scan3A_172 : i32 to index
        %get3A_930 = arith.constant 592 : index
        %get3A_931 = tpu.vector_load %arg14[%get3A_929, %get3A_930] {strides = array<i32>} : memref<16x1024xf32, #tpu.memory_space<vmem>>, vector<1x16xf32>,
        %get3A_932 = vector.shape_cast %get3A_931 : vector<1x16xf32> to vector<16xf32>
        %mul3A_933 = arith.mulf %gather3A_179, %get3A_928 : vector<16xf32>
        %add3A_934 = arith.addf %gather3A_176, %mul3A_933 : vector<16xf32>
        %mul3A_935 = arith.mulf %gather3A_182, %get3A_932 : vector<16xf32>
        %mul3A_936 = arith.mulf %get3A_928, %get3A_932 : vector<16xf32>
        %mul3A_937 = arith.mulf %gather3A_185, %mul3A_936 : vector<16xf32>
        %add3A_938 = arith.addf %mul3A_935, %mul3A_937 : vector<16xf32>
        %add3A_939 = arith.addf %add3A_934, %add3A_938 : vector<16xf32>
        %swap3A_940 = arith.index_cast %scan3A_172 : i32 to index
        %swap3A_941 = arith.constant 592 : index
        %swap3A_942 = tpu.vector_load %arg15[%swap3A_940, %swap3A_941] {strides = array<i32>} : memref<16x1024xf32, #tpu.memory_space<vmem>>, vector<1x16xf32>,
        %swap3A_943 = vector.shape_cast %swap3A_942 : vector<1x16xf32> to vector<16xf32>
        %swap3A_944 = vector.shape_cast %add3A_939 : vector<16xf32> to vector<1x16xf32>
        tpu.vector_store %arg15[%swap3A_940, %swap3A_941], %swap3A_944 {strides = array<i32>} : memref<16x1024xf32, #tpu.memory_space<vmem>>, vector<1x16xf32>,
        %get3A_945 = arith.index_cast %scan3A_172 : i32 to index
        %get3A_946 = arith.constant 608 : index
        %get3A_947 = tpu.vector_load %arg13[%get3A_945, %get3A_946] {strides = array<i32>} : memref<16x1024xf32, #tpu.memory_space<vmem>>, vector<1x16xf32>,
        %get3A_948 = vector.shape_cast %get3A_947 : vector<1x16xf32> to vector<16xf32>
        %get3A_949 = arith.index_cast %scan3A_172 : i32 to index
        %get3A_950 = arith.constant 608 : index
        %get3A_951 = tpu.vector_load %arg14[%get3A_949, %get3A_950] {strides = array<i32>} : memref<16x1024xf32, #tpu.memory_space<vmem>>, vector<1x16xf32>,
        %get3A_952 = vector.shape_cast %get3A_951 : vector<1x16xf32> to vector<16xf32>
        %mul3A_953 = arith.mulf %gather3A_179, %get3A_948 : vector<16xf32>
        %add3A_954 = arith.addf %gather3A_176, %mul3A_953 : vector<16xf32>
        %mul3A_955 = arith.mulf %gather3A_182, %get3A_952 : vector<16xf32>
        %mul3A_956 = arith.mulf %get3A_948, %get3A_952 : vector<16xf32>
        %mul3A_957 = arith.mulf %gather3A_185, %mul3A_956 : vector<16xf32>
        %add3A_958 = arith.addf %mul3A_955, %mul3A_957 : vector<16xf32>
        %add3A_959 = arith.addf %add3A_954, %add3A_958 : vector<16xf32>
        %swap3A_960 = arith.index_cast %scan3A_172 : i32 to index
        %swap3A_961 = arith.constant 608 : index
        %swap3A_962 = tpu.vector_load %arg15[%swap3A_960, %swap3A_961] {strides = array<i32>} : memref<16x1024xf32, #tpu.memory_space<vmem>>, vector<1x16xf32>,
        %swap3A_963 = vector.shape_cast %swap3A_962 : vector<1x16xf32> to vector<16xf32>
        %swap3A_964 = vector.shape_cast %add3A_959 : vector<16xf32> to vector<1x16xf32>
        tpu.vector_store %arg15[%swap3A_960, %swap3A_961], %swap3A_964 {strides = array<i32>} : memref<16x1024xf32, #tpu.memory_space<vmem>>, vector<1x16xf32>,
        %get3A_965 = arith.index_cast %scan3A_172 : i32 to index
        %get3A_966 = arith.constant 624 : index
        %get3A_967 = tpu.vector_load %arg13[%get3A_965, %get3A_966] {strides = array<i32>} : memref<16x1024xf32, #tpu.memory_space<vmem>>, vector<1x16xf32>,
        %get3A_968 = vector.shape_cast %get3A_967 : vector<1x16xf32> to vector<16xf32>
        %get3A_969 = arith.index_cast %scan3A_172 : i32 to index
        %get3A_970 = arith.constant 624 : index
        %get3A_971 = tpu.vector_load %arg14[%get3A_969, %get3A_970] {strides = array<i32>} : memref<16x1024xf32, #tpu.memory_space<vmem>>, vector<1x16xf32>,
        %get3A_972 = vector.shape_cast %get3A_971 : vector<1x16xf32> to vector<16xf32>
        %mul3A_973 = arith.mulf %gather3A_179, %get3A_968 : vector<16xf32>
        %add3A_974 = arith.addf %gather3A_176, %mul3A_973 : vector<16xf32>
        %mul3A_975 = arith.mulf %gather3A_182, %get3A_972 : vector<16xf32>
        %mul3A_976 = arith.mulf %get3A_968, %get3A_972 : vector<16xf32>
        %mul3A_977 = arith.mulf %gather3A_185, %mul3A_976 : vector<16xf32>
        %add3A_978 = arith.addf %mul3A_975, %mul3A_977 : vector<16xf32>
        %add3A_979 = arith.addf %add3A_974, %add3A_978 : vector<16xf32>
        %swap3A_980 = arith.index_cast %scan3A_172 : i32 to index
        %swap3A_981 = arith.constant 624 : index
        %swap3A_982 = tpu.vector_load %arg15[%swap3A_980, %swap3A_981] {strides = array<i32>} : memref<16x1024xf32, #tpu.memory_space<vmem>>, vector<1x16xf32>,
        %swap3A_983 = vector.shape_cast %swap3A_982 : vector<1x16xf32> to vector<16xf32>
        %swap3A_984 = vector.shape_cast %add3A_979 : vector<16xf32> to vector<1x16xf32>
        tpu.vector_store %arg15[%swap3A_980, %swap3A_981], %swap3A_984 {strides = array<i32>} : memref<16x1024xf32, #tpu.memory_space<vmem>>, vector<1x16xf32>,
        %get3A_985 = arith.index_cast %scan3A_172 : i32 to index
        %get3A_986 = arith.constant 640 : index
        %get3A_987 = tpu.vector_load %arg13[%get3A_985, %get3A_986] {strides = array<i32>} : memref<16x1024xf32, #tpu.memory_space<vmem>>, vector<1x16xf32>,
        %get3A_988 = vector.shape_cast %get3A_987 : vector<1x16xf32> to vector<16xf32>
        %get3A_989 = arith.index_cast %scan3A_172 : i32 to index
        %get3A_990 = arith.constant 640 : index
        %get3A_991 = tpu.vector_load %arg14[%get3A_989, %get3A_990] {strides = array<i32>} : memref<16x1024xf32, #tpu.memory_space<vmem>>, vector<1x16xf32>,
        %get3A_992 = vector.shape_cast %get3A_991 : vector<1x16xf32> to vector<16xf32>
        %mul3A_993 = arith.mulf %gather3A_179, %get3A_988 : vector<16xf32>
        %add3A_994 = arith.addf %gather3A_176, %mul3A_993 : vector<16xf32>
        %mul3A_995 = arith.mulf %gather3A_182, %get3A_992 : vector<16xf32>
        %mul3A_996 = arith.mulf %get3A_988, %get3A_992 : vector<16xf32>
        %mul3A_997 = arith.mulf %gather3A_185, %mul3A_996 : vector<16xf32>
        %add3A_998 = arith.addf %mul3A_995, %mul3A_997 : vector<16xf32>
        %add3A_999 = arith.addf %add3A_994, %add3A_998 : vector<16xf32>
        %swap3A_1000 = arith.index_cast %scan3A_172 : i32 to index
        %swap3A_1001 = arith.constant 640 : index
        %swap3A_1002 = tpu.vector_load %arg15[%swap3A_1000, %swap3A_1001] {strides = array<i32>} : memref<16x1024xf32, #tpu.memory_space<vmem>>, vector<1x16xf32>,
        %swap3A_1003 = vector.shape_cast %swap3A_1002 : vector<1x16xf32> to vector<16xf32>
        %swap3A_1004 = vector.shape_cast %add3A_999 : vector<16xf32> to vector<1x16xf32>
        tpu.vector_store %arg15[%swap3A_1000, %swap3A_1001], %swap3A_1004 {strides = array<i32>} : memref<16x1024xf32, #tpu.memory_space<vmem>>, vector<1x16xf32>,
        %get3A_1005 = arith.index_cast %scan3A_172 : i32 to index
        %get3A_1006 = arith.constant 656 : index
        %get3A_1007 = tpu.vector_load %arg13[%get3A_1005, %get3A_1006] {strides = array<i32>} : memref<16x1024xf32, #tpu.memory_space<vmem>>, vector<1x16xf32>,
        %get3A_1008 = vector.shape_cast %get3A_1007 : vector<1x16xf32> to vector<16xf32>
        %get3A_1009 = arith.index_cast %scan3A_172 : i32 to index
        %get3A_1010 = arith.constant 656 : index
        %get3A_1011 = tpu.vector_load %arg14[%get3A_1009, %get3A_1010] {strides = array<i32>} : memref<16x1024xf32, #tpu.memory_space<vmem>>, vector<1x16xf32>,
        %get3A_1012 = vector.shape_cast %get3A_1011 : vector<1x16xf32> to vector<16xf32>
        %mul3A_1013 = arith.mulf %gather3A_179, %get3A_1008 : vector<16xf32>
        %add3A_1014 = arith.addf %gather3A_176, %mul3A_1013 : vector<16xf32>
        %mul3A_1015 = arith.mulf %gather3A_182, %get3A_1012 : vector<16xf32>
        %mul3A_1016 = arith.mulf %get3A_1008, %get3A_1012 : vector<16xf32>
        %mul3A_1017 = arith.mulf %gather3A_185, %mul3A_1016 : vector<16xf32>
        %add3A_1018 = arith.addf %mul3A_1015, %mul3A_1017 : vector<16xf32>
        %add3A_1019 = arith.addf %add3A_1014, %add3A_1018 : vector<16xf32>
        %swap3A_1020 = arith.index_cast %scan3A_172 : i32 to index
        %swap3A_1021 = arith.constant 656 : index
        %swap3A_1022 = tpu.vector_load %arg15[%swap3A_1020, %swap3A_1021] {strides = array<i32>} : memref<16x1024xf32, #tpu.memory_space<vmem>>, vector<1x16xf32>,
        %swap3A_1023 = vector.shape_cast %swap3A_1022 : vector<1x16xf32> to vector<16xf32>
        %swap3A_1024 = vector.shape_cast %add3A_1019 : vector<16xf32> to vector<1x16xf32>
        tpu.vector_store %arg15[%swap3A_1020, %swap3A_1021], %swap3A_1024 {strides = array<i32>} : memref<16x1024xf32, #tpu.memory_space<vmem>>, vector<1x16xf32>,
        %get3A_1025 = arith.index_cast %scan3A_172 : i32 to index
        %get3A_1026 = arith.constant 672 : index
        %get3A_1027 = tpu.vector_load %arg13[%get3A_1025, %get3A_1026] {strides = array<i32>} : memref<16x1024xf32, #tpu.memory_space<vmem>>, vector<1x16xf32>,
        %get3A_1028 = vector.shape_cast %get3A_1027 : vector<1x16xf32> to vector<16xf32>
        %get3A_1029 = arith.index_cast %scan3A_172 : i32 to index
        %get3A_1030 = arith.constant 672 : index
        %get3A_1031 = tpu.vector_load %arg14[%get3A_1029, %get3A_1030] {strides = array<i32>} : memref<16x1024xf32, #tpu.memory_space<vmem>>, vector<1x16xf32>,
        %get3A_1032 = vector.shape_cast %get3A_1031 : vector<1x16xf32> to vector<16xf32>
        %mul3A_1033 = arith.mulf %gather3A_179, %get3A_1028 : vector<16xf32>
        %add3A_1034 = arith.addf %gather3A_176, %mul3A_1033 : vector<16xf32>
        %mul3A_1035 = arith.mulf %gather3A_182, %get3A_1032 : vector<16xf32>
        %mul3A_1036 = arith.mulf %get3A_1028, %get3A_1032 : vector<16xf32>
        %mul3A_1037 = arith.mulf %gather3A_185, %mul3A_1036 : vector<16xf32>
        %add3A_1038 = arith.addf %mul3A_1035, %mul3A_1037 : vector<16xf32>
        %add3A_1039 = arith.addf %add3A_1034, %add3A_1038 : vector<16xf32>
        %swap3A_1040 = arith.index_cast %scan3A_172 : i32 to index
        %swap3A_1041 = arith.constant 672 : index
        %swap3A_1042 = tpu.vector_load %arg15[%swap3A_1040, %swap3A_1041] {strides = array<i32>} : memref<16x1024xf32, #tpu.memory_space<vmem>>, vector<1x16xf32>,
        %swap3A_1043 = vector.shape_cast %swap3A_1042 : vector<1x16xf32> to vector<16xf32>
        %swap3A_1044 = vector.shape_cast %add3A_1039 : vector<16xf32> to vector<1x16xf32>
        tpu.vector_store %arg15[%swap3A_1040, %swap3A_1041], %swap3A_1044 {strides = array<i32>} : memref<16x1024xf32, #tpu.memory_space<vmem>>, vector<1x16xf32>,
        %get3A_1045 = arith.index_cast %scan3A_172 : i32 to index
        %get3A_1046 = arith.constant 688 : index
        %get3A_1047 = tpu.vector_load %arg13[%get3A_1045, %get3A_1046] {strides = array<i32>} : memref<16x1024xf32, #tpu.memory_space<vmem>>, vector<1x16xf32>,
        %get3A_1048 = vector.shape_cast %get3A_1047 : vector<1x16xf32> to vector<16xf32>
        %get3A_1049 = arith.index_cast %scan3A_172 : i32 to index
        %get3A_1050 = arith.constant 688 : index
        %get3A_1051 = tpu.vector_load %arg14[%get3A_1049, %get3A_1050] {strides = array<i32>} : memref<16x1024xf32, #tpu.memory_space<vmem>>, vector<1x16xf32>,
        %get3A_1052 = vector.shape_cast %get3A_1051 : vector<1x16xf32> to vector<16xf32>
        %mul3A_1053 = arith.mulf %gather3A_179, %get3A_1048 : vector<16xf32>
        %add3A_1054 = arith.addf %gather3A_176, %mul3A_1053 : vector<16xf32>
        %mul3A_1055 = arith.mulf %gather3A_182, %get3A_1052 : vector<16xf32>
        %mul3A_1056 = arith.mulf %get3A_1048, %get3A_1052 : vector<16xf32>
        %mul3A_1057 = arith.mulf %gather3A_185, %mul3A_1056 : vector<16xf32>
        %add3A_1058 = arith.addf %mul3A_1055, %mul3A_1057 : vector<16xf32>
        %add3A_1059 = arith.addf %add3A_1054, %add3A_1058 : vector<16xf32>
        %swap3A_1060 = arith.index_cast %scan3A_172 : i32 to index
        %swap3A_1061 = arith.constant 688 : index
        %swap3A_1062 = tpu.vector_load %arg15[%swap3A_1060, %swap3A_1061] {strides = array<i32>} : memref<16x1024xf32, #tpu.memory_space<vmem>>, vector<1x16xf32>,
        %swap3A_1063 = vector.shape_cast %swap3A_1062 : vector<1x16xf32> to vector<16xf32>
        %swap3A_1064 = vector.shape_cast %add3A_1059 : vector<16xf32> to vector<1x16xf32>
        tpu.vector_store %arg15[%swap3A_1060, %swap3A_1061], %swap3A_1064 {strides = array<i32>} : memref<16x1024xf32, #tpu.memory_space<vmem>>, vector<1x16xf32>,
        %get3A_1065 = arith.index_cast %scan3A_172 : i32 to index
        %get3A_1066 = arith.constant 704 : index
        %get3A_1067 = tpu.vector_load %arg13[%get3A_1065, %get3A_1066] {strides = array<i32>} : memref<16x1024xf32, #tpu.memory_space<vmem>>, vector<1x16xf32>,
        %get3A_1068 = vector.shape_cast %get3A_1067 : vector<1x16xf32> to vector<16xf32>
        %get3A_1069 = arith.index_cast %scan3A_172 : i32 to index
        %get3A_1070 = arith.constant 704 : index
        %get3A_1071 = tpu.vector_load %arg14[%get3A_1069, %get3A_1070] {strides = array<i32>} : memref<16x1024xf32, #tpu.memory_space<vmem>>, vector<1x16xf32>,
        %get3A_1072 = vector.shape_cast %get3A_1071 : vector<1x16xf32> to vector<16xf32>
        %mul3A_1073 = arith.mulf %gather3A_179, %get3A_1068 : vector<16xf32>
        %add3A_1074 = arith.addf %gather3A_176, %mul3A_1073 : vector<16xf32>
        %mul3A_1075 = arith.mulf %gather3A_182, %get3A_1072 : vector<16xf32>
        %mul3A_1076 = arith.mulf %get3A_1068, %get3A_1072 : vector<16xf32>
        %mul3A_1077 = arith.mulf %gather3A_185, %mul3A_1076 : vector<16xf32>
        %add3A_1078 = arith.addf %mul3A_1075, %mul3A_1077 : vector<16xf32>
        %add3A_1079 = arith.addf %add3A_1074, %add3A_1078 : vector<16xf32>
        %swap3A_1080 = arith.index_cast %scan3A_172 : i32 to index
        %swap3A_1081 = arith.constant 704 : index
        %swap3A_1082 = tpu.vector_load %arg15[%swap3A_1080, %swap3A_1081] {strides = array<i32>} : memref<16x1024xf32, #tpu.memory_space<vmem>>, vector<1x16xf32>,
        %swap3A_1083 = vector.shape_cast %swap3A_1082 : vector<1x16xf32> to vector<16xf32>
        %swap3A_1084 = vector.shape_cast %add3A_1079 : vector<16xf32> to vector<1x16xf32>
        tpu.vector_store %arg15[%swap3A_1080, %swap3A_1081], %swap3A_1084 {strides = array<i32>} : memref<16x1024xf32, #tpu.memory_space<vmem>>, vector<1x16xf32>,
        %get3A_1085 = arith.index_cast %scan3A_172 : i32 to index
        %get3A_1086 = arith.constant 720 : index
        %get3A_1087 = tpu.vector_load %arg13[%get3A_1085, %get3A_1086] {strides = array<i32>} : memref<16x1024xf32, #tpu.memory_space<vmem>>, vector<1x16xf32>,
        %get3A_1088 = vector.shape_cast %get3A_1087 : vector<1x16xf32> to vector<16xf32>
        %get3A_1089 = arith.index_cast %scan3A_172 : i32 to index
        %get3A_1090 = arith.constant 720 : index
        %get3A_1091 = tpu.vector_load %arg14[%get3A_1089, %get3A_1090] {strides = array<i32>} : memref<16x1024xf32, #tpu.memory_space<vmem>>, vector<1x16xf32>,
        %get3A_1092 = vector.shape_cast %get3A_1091 : vector<1x16xf32> to vector<16xf32>
        %mul3A_1093 = arith.mulf %gather3A_179, %get3A_1088 : vector<16xf32>
        %add3A_1094 = arith.addf %gather3A_176, %mul3A_1093 : vector<16xf32>
        %mul3A_1095 = arith.mulf %gather3A_182, %get3A_1092 : vector<16xf32>
        %mul3A_1096 = arith.mulf %get3A_1088, %get3A_1092 : vector<16xf32>
        %mul3A_1097 = arith.mulf %gather3A_185, %mul3A_1096 : vector<16xf32>
        %add3A_1098 = arith.addf %mul3A_1095, %mul3A_1097 : vector<16xf32>
        %add3A_1099 = arith.addf %add3A_1094, %add3A_1098 : vector<16xf32>
        %swap3A_1100 = arith.index_cast %scan3A_172 : i32 to index
        %swap3A_1101 = arith.constant 720 : index
        %swap3A_1102 = tpu.vector_load %arg15[%swap3A_1100, %swap3A_1101] {strides = array<i32>} : memref<16x1024xf32, #tpu.memory_space<vmem>>, vector<1x16xf32>,
        %swap3A_1103 = vector.shape_cast %swap3A_1102 : vector<1x16xf32> to vector<16xf32>
        %swap3A_1104 = vector.shape_cast %add3A_1099 : vector<16xf32> to vector<1x16xf32>
        tpu.vector_store %arg15[%swap3A_1100, %swap3A_1101], %swap3A_1104 {strides = array<i32>} : memref<16x1024xf32, #tpu.memory_space<vmem>>, vector<1x16xf32>,
        %get3A_1105 = arith.index_cast %scan3A_172 : i32 to index
        %get3A_1106 = arith.constant 736 : index
        %get3A_1107 = tpu.vector_load %arg13[%get3A_1105, %get3A_1106] {strides = array<i32>} : memref<16x1024xf32, #tpu.memory_space<vmem>>, vector<1x16xf32>,
        %get3A_1108 = vector.shape_cast %get3A_1107 : vector<1x16xf32> to vector<16xf32>
        %get3A_1109 = arith.index_cast %scan3A_172 : i32 to index
        %get3A_1110 = arith.constant 736 : index
        %get3A_1111 = tpu.vector_load %arg14[%get3A_1109, %get3A_1110] {strides = array<i32>} : memref<16x1024xf32, #tpu.memory_space<vmem>>, vector<1x16xf32>,
        %get3A_1112 = vector.shape_cast %get3A_1111 : vector<1x16xf32> to vector<16xf32>
        %mul3A_1113 = arith.mulf %gather3A_179, %get3A_1108 : vector<16xf32>
        %add3A_1114 = arith.addf %gather3A_176, %mul3A_1113 : vector<16xf32>
        %mul3A_1115 = arith.mulf %gather3A_182, %get3A_1112 : vector<16xf32>
        %mul3A_1116 = arith.mulf %get3A_1108, %get3A_1112 : vector<16xf32>
        %mul3A_1117 = arith.mulf %gather3A_185, %mul3A_1116 : vector<16xf32>
        %add3A_1118 = arith.addf %mul3A_1115, %mul3A_1117 : vector<16xf32>
        %add3A_1119 = arith.addf %add3A_1114, %add3A_1118 : vector<16xf32>
        %swap3A_1120 = arith.index_cast %scan3A_172 : i32 to index
        %swap3A_1121 = arith.constant 736 : index
        %swap3A_1122 = tpu.vector_load %arg15[%swap3A_1120, %swap3A_1121] {strides = array<i32>} : memref<16x1024xf32, #tpu.memory_space<vmem>>, vector<1x16xf32>,
        %swap3A_1123 = vector.shape_cast %swap3A_1122 : vector<1x16xf32> to vector<16xf32>
        %swap3A_1124 = vector.shape_cast %add3A_1119 : vector<16xf32> to vector<1x16xf32>
        tpu.vector_store %arg15[%swap3A_1120, %swap3A_1121], %swap3A_1124 {strides = array<i32>} : memref<16x1024xf32, #tpu.memory_space<vmem>>, vector<1x16xf32>,
        %get3A_1125 = arith.index_cast %scan3A_172 : i32 to index
        %get3A_1126 = arith.constant 752 : index
        %get3A_1127 = tpu.vector_load %arg13[%get3A_1125, %get3A_1126] {strides = array<i32>} : memref<16x1024xf32, #tpu.memory_space<vmem>>, vector<1x16xf32>,
        %get3A_1128 = vector.shape_cast %get3A_1127 : vector<1x16xf32> to vector<16xf32>
        %get3A_1129 = arith.index_cast %scan3A_172 : i32 to index
        %get3A_1130 = arith.constant 752 : index
        %get3A_1131 = tpu.vector_load %arg14[%get3A_1129, %get3A_1130] {strides = array<i32>} : memref<16x1024xf32, #tpu.memory_space<vmem>>, vector<1x16xf32>,
        %get3A_1132 = vector.shape_cast %get3A_1131 : vector<1x16xf32> to vector<16xf32>
        %mul3A_1133 = arith.mulf %gather3A_179, %get3A_1128 : vector<16xf32>
        %add3A_1134 = arith.addf %gather3A_176, %mul3A_1133 : vector<16xf32>
        %mul3A_1135 = arith.mulf %gather3A_182, %get3A_1132 : vector<16xf32>
        %mul3A_1136 = arith.mulf %get3A_1128, %get3A_1132 : vector<16xf32>
        %mul3A_1137 = arith.mulf %gather3A_185, %mul3A_1136 : vector<16xf32>
        %add3A_1138 = arith.addf %mul3A_1135, %mul3A_1137 : vector<16xf32>
        %add3A_1139 = arith.addf %add3A_1134, %add3A_1138 : vector<16xf32>
        %swap3A_1140 = arith.index_cast %scan3A_172 : i32 to index
        %swap3A_1141 = arith.constant 752 : index
        %swap3A_1142 = tpu.vector_load %arg15[%swap3A_1140, %swap3A_1141] {strides = array<i32>} : memref<16x1024xf32, #tpu.memory_space<vmem>>, vector<1x16xf32>,
        %swap3A_1143 = vector.shape_cast %swap3A_1142 : vector<1x16xf32> to vector<16xf32>
        %swap3A_1144 = vector.shape_cast %add3A_1139 : vector<16xf32> to vector<1x16xf32>
        tpu.vector_store %arg15[%swap3A_1140, %swap3A_1141], %swap3A_1144 {strides = array<i32>} : memref<16x1024xf32, #tpu.memory_space<vmem>>, vector<1x16xf32>,
        %get3A_1145 = arith.index_cast %scan3A_172 : i32 to index
        %get3A_1146 = arith.constant 768 : index
        %get3A_1147 = tpu.vector_load %arg13[%get3A_1145, %get3A_1146] {strides = array<i32>} : memref<16x1024xf32, #tpu.memory_space<vmem>>, vector<1x16xf32>,
        %get3A_1148 = vector.shape_cast %get3A_1147 : vector<1x16xf32> to vector<16xf32>
        %get3A_1149 = arith.index_cast %scan3A_172 : i32 to index
        %get3A_1150 = arith.constant 768 : index
        %get3A_1151 = tpu.vector_load %arg14[%get3A_1149, %get3A_1150] {strides = array<i32>} : memref<16x1024xf32, #tpu.memory_space<vmem>>, vector<1x16xf32>,
        %get3A_1152 = vector.shape_cast %get3A_1151 : vector<1x16xf32> to vector<16xf32>
        %mul3A_1153 = arith.mulf %gather3A_179, %get3A_1148 : vector<16xf32>
        %add3A_1154 = arith.addf %gather3A_176, %mul3A_1153 : vector<16xf32>
        %mul3A_1155 = arith.mulf %gather3A_182, %get3A_1152 : vector<16xf32>
        %mul3A_1156 = arith.mulf %get3A_1148, %get3A_1152 : vector<16xf32>
        %mul3A_1157 = arith.mulf %gather3A_185, %mul3A_1156 : vector<16xf32>
        %add3A_1158 = arith.addf %mul3A_1155, %mul3A_1157 : vector<16xf32>
        %add3A_1159 = arith.addf %add3A_1154, %add3A_1158 : vector<16xf32>
        %swap3A_1160 = arith.index_cast %scan3A_172 : i32 to index
        %swap3A_1161 = arith.constant 768 : index
        %swap3A_1162 = tpu.vector_load %arg15[%swap3A_1160, %swap3A_1161] {strides = array<i32>} : memref<16x1024xf32, #tpu.memory_space<vmem>>, vector<1x16xf32>,
        %swap3A_1163 = vector.shape_cast %swap3A_1162 : vector<1x16xf32> to vector<16xf32>
        %swap3A_1164 = vector.shape_cast %add3A_1159 : vector<16xf32> to vector<1x16xf32>
        tpu.vector_store %arg15[%swap3A_1160, %swap3A_1161], %swap3A_1164 {strides = array<i32>} : memref<16x1024xf32, #tpu.memory_space<vmem>>, vector<1x16xf32>,
        %get3A_1165 = arith.index_cast %scan3A_172 : i32 to index
        %get3A_1166 = arith.constant 784 : index
        %get3A_1167 = tpu.vector_load %arg13[%get3A_1165, %get3A_1166] {strides = array<i32>} : memref<16x1024xf32, #tpu.memory_space<vmem>>, vector<1x16xf32>,
        %get3A_1168 = vector.shape_cast %get3A_1167 : vector<1x16xf32> to vector<16xf32>
        %get3A_1169 = arith.index_cast %scan3A_172 : i32 to index
        %get3A_1170 = arith.constant 784 : index
        %get3A_1171 = tpu.vector_load %arg14[%get3A_1169, %get3A_1170] {strides = array<i32>} : memref<16x1024xf32, #tpu.memory_space<vmem>>, vector<1x16xf32>,
        %get3A_1172 = vector.shape_cast %get3A_1171 : vector<1x16xf32> to vector<16xf32>
        %mul3A_1173 = arith.mulf %gather3A_179, %get3A_1168 : vector<16xf32>
        %add3A_1174 = arith.addf %gather3A_176, %mul3A_1173 : vector<16xf32>
        %mul3A_1175 = arith.mulf %gather3A_182, %get3A_1172 : vector<16xf32>
        %mul3A_1176 = arith.mulf %get3A_1168, %get3A_1172 : vector<16xf32>
        %mul3A_1177 = arith.mulf %gather3A_185, %mul3A_1176 : vector<16xf32>
        %add3A_1178 = arith.addf %mul3A_1175, %mul3A_1177 : vector<16xf32>
        %add3A_1179 = arith.addf %add3A_1174, %add3A_1178 : vector<16xf32>
        %swap3A_1180 = arith.index_cast %scan3A_172 : i32 to index
        %swap3A_1181 = arith.constant 784 : index
        %swap3A_1182 = tpu.vector_load %arg15[%swap3A_1180, %swap3A_1181] {strides = array<i32>} : memref<16x1024xf32, #tpu.memory_space<vmem>>, vector<1x16xf32>,
        %swap3A_1183 = vector.shape_cast %swap3A_1182 : vector<1x16xf32> to vector<16xf32>
        %swap3A_1184 = vector.shape_cast %add3A_1179 : vector<16xf32> to vector<1x16xf32>
        tpu.vector_store %arg15[%swap3A_1180, %swap3A_1181], %swap3A_1184 {strides = array<i32>} : memref<16x1024xf32, #tpu.memory_space<vmem>>, vector<1x16xf32>,
        %get3A_1185 = arith.index_cast %scan3A_172 : i32 to index
        %get3A_1186 = arith.constant 800 : index
        %get3A_1187 = tpu.vector_load %arg13[%get3A_1185, %get3A_1186] {strides = array<i32>} : memref<16x1024xf32, #tpu.memory_space<vmem>>, vector<1x16xf32>,
        %get3A_1188 = vector.shape_cast %get3A_1187 : vector<1x16xf32> to vector<16xf32>
        %get3A_1189 = arith.index_cast %scan3A_172 : i32 to index
        %get3A_1190 = arith.constant 800 : index
        %get3A_1191 = tpu.vector_load %arg14[%get3A_1189, %get3A_1190] {strides = array<i32>} : memref<16x1024xf32, #tpu.memory_space<vmem>>, vector<1x16xf32>,
        %get3A_1192 = vector.shape_cast %get3A_1191 : vector<1x16xf32> to vector<16xf32>
        %mul3A_1193 = arith.mulf %gather3A_179, %get3A_1188 : vector<16xf32>
        %add3A_1194 = arith.addf %gather3A_176, %mul3A_1193 : vector<16xf32>
        %mul3A_1195 = arith.mulf %gather3A_182, %get3A_1192 : vector<16xf32>
        %mul3A_1196 = arith.mulf %get3A_1188, %get3A_1192 : vector<16xf32>
        %mul3A_1197 = arith.mulf %gather3A_185, %mul3A_1196 : vector<16xf32>
        %add3A_1198 = arith.addf %mul3A_1195, %mul3A_1197 : vector<16xf32>
        %add3A_1199 = arith.addf %add3A_1194, %add3A_1198 : vector<16xf32>
        %swap3A_1200 = arith.index_cast %scan3A_172 : i32 to index
        %swap3A_1201 = arith.constant 800 : index
        %swap3A_1202 = tpu.vector_load %arg15[%swap3A_1200, %swap3A_1201] {strides = array<i32>} : memref<16x1024xf32, #tpu.memory_space<vmem>>, vector<1x16xf32>,
        %swap3A_1203 = vector.shape_cast %swap3A_1202 : vector<1x16xf32> to vector<16xf32>
        %swap3A_1204 = vector.shape_cast %add3A_1199 : vector<16xf32> to vector<1x16xf32>
        tpu.vector_store %arg15[%swap3A_1200, %swap3A_1201], %swap3A_1204 {strides = array<i32>} : memref<16x1024xf32, #tpu.memory_space<vmem>>, vector<1x16xf32>,
        %get3A_1205 = arith.index_cast %scan3A_172 : i32 to index
        %get3A_1206 = arith.constant 816 : index
        %get3A_1207 = tpu.vector_load %arg13[%get3A_1205, %get3A_1206] {strides = array<i32>} : memref<16x1024xf32, #tpu.memory_space<vmem>>, vector<1x16xf32>,
        %get3A_1208 = vector.shape_cast %get3A_1207 : vector<1x16xf32> to vector<16xf32>
        %get3A_1209 = arith.index_cast %scan3A_172 : i32 to index
        %get3A_1210 = arith.constant 816 : index
        %get3A_1211 = tpu.vector_load %arg14[%get3A_1209, %get3A_1210] {strides = array<i32>} : memref<16x1024xf32, #tpu.memory_space<vmem>>, vector<1x16xf32>,
        %get3A_1212 = vector.shape_cast %get3A_1211 : vector<1x16xf32> to vector<16xf32>
        %mul3A_1213 = arith.mulf %gather3A_179, %get3A_1208 : vector<16xf32>
        %add3A_1214 = arith.addf %gather3A_176, %mul3A_1213 : vector<16xf32>
        %mul3A_1215 = arith.mulf %gather3A_182, %get3A_1212 : vector<16xf32>
        %mul3A_1216 = arith.mulf %get3A_1208, %get3A_1212 : vector<16xf32>
        %mul3A_1217 = arith.mulf %gather3A_185, %mul3A_1216 : vector<16xf32>
        %add3A_1218 = arith.addf %mul3A_1215, %mul3A_1217 : vector<16xf32>
        %add3A_1219 = arith.addf %add3A_1214, %add3A_1218 : vector<16xf32>
        %swap3A_1220 = arith.index_cast %scan3A_172 : i32 to index
        %swap3A_1221 = arith.constant 816 : index
        %swap3A_1222 = tpu.vector_load %arg15[%swap3A_1220, %swap3A_1221] {strides = array<i32>} : memref<16x1024xf32, #tpu.memory_space<vmem>>, vector<1x16xf32>,
        %swap3A_1223 = vector.shape_cast %swap3A_1222 : vector<1x16xf32> to vector<16xf32>
        %swap3A_1224 = vector.shape_cast %add3A_1219 : vector<16xf32> to vector<1x16xf32>
        tpu.vector_store %arg15[%swap3A_1220, %swap3A_1221], %swap3A_1224 {strides = array<i32>} : memref<16x1024xf32, #tpu.memory_space<vmem>>, vector<1x16xf32>,
        %get3A_1225 = arith.index_cast %scan3A_172 : i32 to index
        %get3A_1226 = arith.constant 832 : index
        %get3A_1227 = tpu.vector_load %arg13[%get3A_1225, %get3A_1226] {strides = array<i32>} : memref<16x1024xf32, #tpu.memory_space<vmem>>, vector<1x16xf32>,
        %get3A_1228 = vector.shape_cast %get3A_1227 : vector<1x16xf32> to vector<16xf32>
        %get3A_1229 = arith.index_cast %scan3A_172 : i32 to index
        %get3A_1230 = arith.constant 832 : index
        %get3A_1231 = tpu.vector_load %arg14[%get3A_1229, %get3A_1230] {strides = array<i32>} : memref<16x1024xf32, #tpu.memory_space<vmem>>, vector<1x16xf32>,
        %get3A_1232 = vector.shape_cast %get3A_1231 : vector<1x16xf32> to vector<16xf32>
        %mul3A_1233 = arith.mulf %gather3A_179, %get3A_1228 : vector<16xf32>
        %add3A_1234 = arith.addf %gather3A_176, %mul3A_1233 : vector<16xf32>
        %mul3A_1235 = arith.mulf %gather3A_182, %get3A_1232 : vector<16xf32>
        %mul3A_1236 = arith.mulf %get3A_1228, %get3A_1232 : vector<16xf32>
        %mul3A_1237 = arith.mulf %gather3A_185, %mul3A_1236 : vector<16xf32>
        %add3A_1238 = arith.addf %mul3A_1235, %mul3A_1237 : vector<16xf32>
        %add3A_1239 = arith.addf %add3A_1234, %add3A_1238 : vector<16xf32>
        %swap3A_1240 = arith.index_cast %scan3A_172 : i32 to index
        %swap3A_1241 = arith.constant 832 : index
        %swap3A_1242 = tpu.vector_load %arg15[%swap3A_1240, %swap3A_1241] {strides = array<i32>} : memref<16x1024xf32, #tpu.memory_space<vmem>>, vector<1x16xf32>,
        %swap3A_1243 = vector.shape_cast %swap3A_1242 : vector<1x16xf32> to vector<16xf32>
        %swap3A_1244 = vector.shape_cast %add3A_1239 : vector<16xf32> to vector<1x16xf32>
        tpu.vector_store %arg15[%swap3A_1240, %swap3A_1241], %swap3A_1244 {strides = array<i32>} : memref<16x1024xf32, #tpu.memory_space<vmem>>, vector<1x16xf32>,
        %get3A_1245 = arith.index_cast %scan3A_172 : i32 to index
        %get3A_1246 = arith.constant 848 : index
        %get3A_1247 = tpu.vector_load %arg13[%get3A_1245, %get3A_1246] {strides = array<i32>} : memref<16x1024xf32, #tpu.memory_space<vmem>>, vector<1x16xf32>,
        %get3A_1248 = vector.shape_cast %get3A_1247 : vector<1x16xf32> to vector<16xf32>
        %get3A_1249 = arith.index_cast %scan3A_172 : i32 to index
        %get3A_1250 = arith.constant 848 : index
        %get3A_1251 = tpu.vector_load %arg14[%get3A_1249, %get3A_1250] {strides = array<i32>} : memref<16x1024xf32, #tpu.memory_space<vmem>>, vector<1x16xf32>,
        %get3A_1252 = vector.shape_cast %get3A_1251 : vector<1x16xf32> to vector<16xf32>
        %mul3A_1253 = arith.mulf %gather3A_179, %get3A_1248 : vector<16xf32>
        %add3A_1254 = arith.addf %gather3A_176, %mul3A_1253 : vector<16xf32>
        %mul3A_1255 = arith.mulf %gather3A_182, %get3A_1252 : vector<16xf32>
        %mul3A_1256 = arith.mulf %get3A_1248, %get3A_1252 : vector<16xf32>
        %mul3A_1257 = arith.mulf %gather3A_185, %mul3A_1256 : vector<16xf32>
        %add3A_1258 = arith.addf %mul3A_1255, %mul3A_1257 : vector<16xf32>
        %add3A_1259 = arith.addf %add3A_1254, %add3A_1258 : vector<16xf32>
        %swap3A_1260 = arith.index_cast %scan3A_172 : i32 to index
        %swap3A_1261 = arith.constant 848 : index
        %swap3A_1262 = tpu.vector_load %arg15[%swap3A_1260, %swap3A_1261] {strides = array<i32>} : memref<16x1024xf32, #tpu.memory_space<vmem>>, vector<1x16xf32>,
        %swap3A_1263 = vector.shape_cast %swap3A_1262 : vector<1x16xf32> to vector<16xf32>
        %swap3A_1264 = vector.shape_cast %add3A_1259 : vector<16xf32> to vector<1x16xf32>
        tpu.vector_store %arg15[%swap3A_1260, %swap3A_1261], %swap3A_1264 {strides = array<i32>} : memref<16x1024xf32, #tpu.memory_space<vmem>>, vector<1x16xf32>,
        %get3A_1265 = arith.index_cast %scan3A_172 : i32 to index
        %get3A_1266 = arith.constant 864 : index
        %get3A_1267 = tpu.vector_load %arg13[%get3A_1265, %get3A_1266] {strides = array<i32>} : memref<16x1024xf32, #tpu.memory_space<vmem>>, vector<1x16xf32>,
        %get3A_1268 = vector.shape_cast %get3A_1267 : vector<1x16xf32> to vector<16xf32>
        %get3A_1269 = arith.index_cast %scan3A_172 : i32 to index
        %get3A_1270 = arith.constant 864 : index
        %get3A_1271 = tpu.vector_load %arg14[%get3A_1269, %get3A_1270] {strides = array<i32>} : memref<16x1024xf32, #tpu.memory_space<vmem>>, vector<1x16xf32>,
        %get3A_1272 = vector.shape_cast %get3A_1271 : vector<1x16xf32> to vector<16xf32>
        %mul3A_1273 = arith.mulf %gather3A_179, %get3A_1268 : vector<16xf32>
        %add3A_1274 = arith.addf %gather3A_176, %mul3A_1273 : vector<16xf32>
        %mul3A_1275 = arith.mulf %gather3A_182, %get3A_1272 : vector<16xf32>
        %mul3A_1276 = arith.mulf %get3A_1268, %get3A_1272 : vector<16xf32>
        %mul3A_1277 = arith.mulf %gather3A_185, %mul3A_1276 : vector<16xf32>
        %add3A_1278 = arith.addf %mul3A_1275, %mul3A_1277 : vector<16xf32>
        %add3A_1279 = arith.addf %add3A_1274, %add3A_1278 : vector<16xf32>
        %swap3A_1280 = arith.index_cast %scan3A_172 : i32 to index
        %swap3A_1281 = arith.constant 864 : index
        %swap3A_1282 = tpu.vector_load %arg15[%swap3A_1280, %swap3A_1281] {strides = array<i32>} : memref<16x1024xf32, #tpu.memory_space<vmem>>, vector<1x16xf32>,
        %swap3A_1283 = vector.shape_cast %swap3A_1282 : vector<1x16xf32> to vector<16xf32>
        %swap3A_1284 = vector.shape_cast %add3A_1279 : vector<16xf32> to vector<1x16xf32>
        tpu.vector_store %arg15[%swap3A_1280, %swap3A_1281], %swap3A_1284 {strides = array<i32>} : memref<16x1024xf32, #tpu.memory_space<vmem>>, vector<1x16xf32>,
        %get3A_1285 = arith.index_cast %scan3A_172 : i32 to index
        %get3A_1286 = arith.constant 880 : index
        %get3A_1287 = tpu.vector_load %arg13[%get3A_1285, %get3A_1286] {strides = array<i32>} : memref<16x1024xf32, #tpu.memory_space<vmem>>, vector<1x16xf32>,
        %get3A_1288 = vector.shape_cast %get3A_1287 : vector<1x16xf32> to vector<16xf32>
        %get3A_1289 = arith.index_cast %scan3A_172 : i32 to index
        %get3A_1290 = arith.constant 880 : index
        %get3A_1291 = tpu.vector_load %arg14[%get3A_1289, %get3A_1290] {strides = array<i32>} : memref<16x1024xf32, #tpu.memory_space<vmem>>, vector<1x16xf32>,
        %get3A_1292 = vector.shape_cast %get3A_1291 : vector<1x16xf32> to vector<16xf32>
        %mul3A_1293 = arith.mulf %gather3A_179, %get3A_1288 : vector<16xf32>
        %add3A_1294 = arith.addf %gather3A_176, %mul3A_1293 : vector<16xf32>
        %mul3A_1295 = arith.mulf %gather3A_182, %get3A_1292 : vector<16xf32>
        %mul3A_1296 = arith.mulf %get3A_1288, %get3A_1292 : vector<16xf32>
        %mul3A_1297 = arith.mulf %gather3A_185, %mul3A_1296 : vector<16xf32>
        %add3A_1298 = arith.addf %mul3A_1295, %mul3A_1297 : vector<16xf32>
        %add3A_1299 = arith.addf %add3A_1294, %add3A_1298 : vector<16xf32>
        %swap3A_1300 = arith.index_cast %scan3A_172 : i32 to index
        %swap3A_1301 = arith.constant 880 : index
        %swap3A_1302 = tpu.vector_load %arg15[%swap3A_1300, %swap3A_1301] {strides = array<i32>} : memref<16x1024xf32, #tpu.memory_space<vmem>>, vector<1x16xf32>,
        %swap3A_1303 = vector.shape_cast %swap3A_1302 : vector<1x16xf32> to vector<16xf32>
        %swap3A_1304 = vector.shape_cast %add3A_1299 : vector<16xf32> to vector<1x16xf32>
        tpu.vector_store %arg15[%swap3A_1300, %swap3A_1301], %swap3A_1304 {strides = array<i32>} : memref<16x1024xf32, #tpu.memory_space<vmem>>, vector<1x16xf32>,
        %get3A_1305 = arith.index_cast %scan3A_172 : i32 to index
        %get3A_1306 = arith.constant 896 : index
        %get3A_1307 = tpu.vector_load %arg13[%get3A_1305, %get3A_1306] {strides = array<i32>} : memref<16x1024xf32, #tpu.memory_space<vmem>>, vector<1x16xf32>,
        %get3A_1308 = vector.shape_cast %get3A_1307 : vector<1x16xf32> to vector<16xf32>
        %get3A_1309 = arith.index_cast %scan3A_172 : i32 to index
        %get3A_1310 = arith.constant 896 : index
        %get3A_1311 = tpu.vector_load %arg14[%get3A_1309, %get3A_1310] {strides = array<i32>} : memref<16x1024xf32, #tpu.memory_space<vmem>>, vector<1x16xf32>,
        %get3A_1312 = vector.shape_cast %get3A_1311 : vector<1x16xf32> to vector<16xf32>
        %mul3A_1313 = arith.mulf %gather3A_179, %get3A_1308 : vector<16xf32>
        %add3A_1314 = arith.addf %gather3A_176, %mul3A_1313 : vector<16xf32>
        %mul3A_1315 = arith.mulf %gather3A_182, %get3A_1312 : vector<16xf32>
        %mul3A_1316 = arith.mulf %get3A_1308, %get3A_1312 : vector<16xf32>
        %mul3A_1317 = arith.mulf %gather3A_185, %mul3A_1316 : vector<16xf32>
        %add3A_1318 = arith.addf %mul3A_1315, %mul3A_1317 : vector<16xf32>
        %add3A_1319 = arith.addf %add3A_1314, %add3A_1318 : vector<16xf32>
        %swap3A_1320 = arith.index_cast %scan3A_172 : i32 to index
        %swap3A_1321 = arith.constant 896 : index
        %swap3A_1322 = tpu.vector_load %arg15[%swap3A_1320, %swap3A_1321] {strides = array<i32>} : memref<16x1024xf32, #tpu.memory_space<vmem>>, vector<1x16xf32>,
        %swap3A_1323 = vector.shape_cast %swap3A_1322 : vector<1x16xf32> to vector<16xf32>
        %swap3A_1324 = vector.shape_cast %add3A_1319 : vector<16xf32> to vector<1x16xf32>
        tpu.vector_store %arg15[%swap3A_1320, %swap3A_1321], %swap3A_1324 {strides = array<i32>} : memref<16x1024xf32, #tpu.memory_space<vmem>>, vector<1x16xf32>,
        %get3A_1325 = arith.index_cast %scan3A_172 : i32 to index
        %get3A_1326 = arith.constant 912 : index
        %get3A_1327 = tpu.vector_load %arg13[%get3A_1325, %get3A_1326] {strides = array<i32>} : memref<16x1024xf32, #tpu.memory_space<vmem>>, vector<1x16xf32>,
        %get3A_1328 = vector.shape_cast %get3A_1327 : vector<1x16xf32> to vector<16xf32>
        %get3A_1329 = arith.index_cast %scan3A_172 : i32 to index
        %get3A_1330 = arith.constant 912 : index
        %get3A_1331 = tpu.vector_load %arg14[%get3A_1329, %get3A_1330] {strides = array<i32>} : memref<16x1024xf32, #tpu.memory_space<vmem>>, vector<1x16xf32>,
        %get3A_1332 = vector.shape_cast %get3A_1331 : vector<1x16xf32> to vector<16xf32>
        %mul3A_1333 = arith.mulf %gather3A_179, %get3A_1328 : vector<16xf32>
        %add3A_1334 = arith.addf %gather3A_176, %mul3A_1333 : vector<16xf32>
        %mul3A_1335 = arith.mulf %gather3A_182, %get3A_1332 : vector<16xf32>
        %mul3A_1336 = arith.mulf %get3A_1328, %get3A_1332 : vector<16xf32>
        %mul3A_1337 = arith.mulf %gather3A_185, %mul3A_1336 : vector<16xf32>
        %add3A_1338 = arith.addf %mul3A_1335, %mul3A_1337 : vector<16xf32>
        %add3A_1339 = arith.addf %add3A_1334, %add3A_1338 : vector<16xf32>
        %swap3A_1340 = arith.index_cast %scan3A_172 : i32 to index
        %swap3A_1341 = arith.constant 912 : index
        %swap3A_1342 = tpu.vector_load %arg15[%swap3A_1340, %swap3A_1341] {strides = array<i32>} : memref<16x1024xf32, #tpu.memory_space<vmem>>, vector<1x16xf32>,
        %swap3A_1343 = vector.shape_cast %swap3A_1342 : vector<1x16xf32> to vector<16xf32>
        %swap3A_1344 = vector.shape_cast %add3A_1339 : vector<16xf32> to vector<1x16xf32>
        tpu.vector_store %arg15[%swap3A_1340, %swap3A_1341], %swap3A_1344 {strides = array<i32>} : memref<16x1024xf32, #tpu.memory_space<vmem>>, vector<1x16xf32>,
        %get3A_1345 = arith.index_cast %scan3A_172 : i32 to index
        %get3A_1346 = arith.constant 928 : index
        %get3A_1347 = tpu.vector_load %arg13[%get3A_1345, %get3A_1346] {strides = array<i32>} : memref<16x1024xf32, #tpu.memory_space<vmem>>, vector<1x16xf32>,
        %get3A_1348 = vector.shape_cast %get3A_1347 : vector<1x16xf32> to vector<16xf32>
        %get3A_1349 = arith.index_cast %scan3A_172 : i32 to index
        %get3A_1350 = arith.constant 928 : index
        %get3A_1351 = tpu.vector_load %arg14[%get3A_1349, %get3A_1350] {strides = array<i32>} : memref<16x1024xf32, #tpu.memory_space<vmem>>, vector<1x16xf32>,
        %get3A_1352 = vector.shape_cast %get3A_1351 : vector<1x16xf32> to vector<16xf32>
        %mul3A_1353 = arith.mulf %gather3A_179, %get3A_1348 : vector<16xf32>
        %add3A_1354 = arith.addf %gather3A_176, %mul3A_1353 : vector<16xf32>
        %mul3A_1355 = arith.mulf %gather3A_182, %get3A_1352 : vector<16xf32>
        %mul3A_1356 = arith.mulf %get3A_1348, %get3A_1352 : vector<16xf32>
        %mul3A_1357 = arith.mulf %gather3A_185, %mul3A_1356 : vector<16xf32>
        %add3A_1358 = arith.addf %mul3A_1355, %mul3A_1357 : vector<16xf32>
        %add3A_1359 = arith.addf %add3A_1354, %add3A_1358 : vector<16xf32>
        %swap3A_1360 = arith.index_cast %scan3A_172 : i32 to index
        %swap3A_1361 = arith.constant 928 : index
        %swap3A_1362 = tpu.vector_load %arg15[%swap3A_1360, %swap3A_1361] {strides = array<i32>} : memref<16x1024xf32, #tpu.memory_space<vmem>>, vector<1x16xf32>,
        %swap3A_1363 = vector.shape_cast %swap3A_1362 : vector<1x16xf32> to vector<16xf32>
        %swap3A_1364 = vector.shape_cast %add3A_1359 : vector<16xf32> to vector<1x16xf32>
        tpu.vector_store %arg15[%swap3A_1360, %swap3A_1361], %swap3A_1364 {strides = array<i32>} : memref<16x1024xf32, #tpu.memory_space<vmem>>, vector<1x16xf32>,
        %get3A_1365 = arith.index_cast %scan3A_172 : i32 to index
        %get3A_1366 = arith.constant 944 : index
        %get3A_1367 = tpu.vector_load %arg13[%get3A_1365, %get3A_1366] {strides = array<i32>} : memref<16x1024xf32, #tpu.memory_space<vmem>>, vector<1x16xf32>,
        %get3A_1368 = vector.shape_cast %get3A_1367 : vector<1x16xf32> to vector<16xf32>
        %get3A_1369 = arith.index_cast %scan3A_172 : i32 to index
        %get3A_1370 = arith.constant 944 : index
        %get3A_1371 = tpu.vector_load %arg14[%get3A_1369, %get3A_1370] {strides = array<i32>} : memref<16x1024xf32, #tpu.memory_space<vmem>>, vector<1x16xf32>,
        %get3A_1372 = vector.shape_cast %get3A_1371 : vector<1x16xf32> to vector<16xf32>
        %mul3A_1373 = arith.mulf %gather3A_179, %get3A_1368 : vector<16xf32>
        %add3A_1374 = arith.addf %gather3A_176, %mul3A_1373 : vector<16xf32>
        %mul3A_1375 = arith.mulf %gather3A_182, %get3A_1372 : vector<16xf32>
        %mul3A_1376 = arith.mulf %get3A_1368, %get3A_1372 : vector<16xf32>
        %mul3A_1377 = arith.mulf %gather3A_185, %mul3A_1376 : vector<16xf32>
        %add3A_1378 = arith.addf %mul3A_1375, %mul3A_1377 : vector<16xf32>
        %add3A_1379 = arith.addf %add3A_1374, %add3A_1378 : vector<16xf32>
        %swap3A_1380 = arith.index_cast %scan3A_172 : i32 to index
        %swap3A_1381 = arith.constant 944 : index
        %swap3A_1382 = tpu.vector_load %arg15[%swap3A_1380, %swap3A_1381] {strides = array<i32>} : memref<16x1024xf32, #tpu.memory_space<vmem>>, vector<1x16xf32>,
        %swap3A_1383 = vector.shape_cast %swap3A_1382 : vector<1x16xf32> to vector<16xf32>
        %swap3A_1384 = vector.shape_cast %add3A_1379 : vector<16xf32> to vector<1x16xf32>
        tpu.vector_store %arg15[%swap3A_1380, %swap3A_1381], %swap3A_1384 {strides = array<i32>} : memref<16x1024xf32, #tpu.memory_space<vmem>>, vector<1x16xf32>,
        %get3A_1385 = arith.index_cast %scan3A_172 : i32 to index
        %get3A_1386 = arith.constant 960 : index
        %get3A_1387 = tpu.vector_load %arg13[%get3A_1385, %get3A_1386] {strides = array<i32>} : memref<16x1024xf32, #tpu.memory_space<vmem>>, vector<1x16xf32>,
        %get3A_1388 = vector.shape_cast %get3A_1387 : vector<1x16xf32> to vector<16xf32>
        %get3A_1389 = arith.index_cast %scan3A_172 : i32 to index
        %get3A_1390 = arith.constant 960 : index
        %get3A_1391 = tpu.vector_load %arg14[%get3A_1389, %get3A_1390] {strides = array<i32>} : memref<16x1024xf32, #tpu.memory_space<vmem>>, vector<1x16xf32>,
        %get3A_1392 = vector.shape_cast %get3A_1391 : vector<1x16xf32> to vector<16xf32>
        %mul3A_1393 = arith.mulf %gather3A_179, %get3A_1388 : vector<16xf32>
        %add3A_1394 = arith.addf %gather3A_176, %mul3A_1393 : vector<16xf32>
        %mul3A_1395 = arith.mulf %gather3A_182, %get3A_1392 : vector<16xf32>
        %mul3A_1396 = arith.mulf %get3A_1388, %get3A_1392 : vector<16xf32>
        %mul3A_1397 = arith.mulf %gather3A_185, %mul3A_1396 : vector<16xf32>
        %add3A_1398 = arith.addf %mul3A_1395, %mul3A_1397 : vector<16xf32>
        %add3A_1399 = arith.addf %add3A_1394, %add3A_1398 : vector<16xf32>
        %swap3A_1400 = arith.index_cast %scan3A_172 : i32 to index
        %swap3A_1401 = arith.constant 960 : index
        %swap3A_1402 = tpu.vector_load %arg15[%swap3A_1400, %swap3A_1401] {strides = array<i32>} : memref<16x1024xf32, #tpu.memory_space<vmem>>, vector<1x16xf32>,
        %swap3A_1403 = vector.shape_cast %swap3A_1402 : vector<1x16xf32> to vector<16xf32>
        %swap3A_1404 = vector.shape_cast %add3A_1399 : vector<16xf32> to vector<1x16xf32>
        tpu.vector_store %arg15[%swap3A_1400, %swap3A_1401], %swap3A_1404 {strides = array<i32>} : memref<16x1024xf32, #tpu.memory_space<vmem>>, vector<1x16xf32>,
        %get3A_1405 = arith.index_cast %scan3A_172 : i32 to index
        %get3A_1406 = arith.constant 976 : index
        %get3A_1407 = tpu.vector_load %arg13[%get3A_1405, %get3A_1406] {strides = array<i32>} : memref<16x1024xf32, #tpu.memory_space<vmem>>, vector<1x16xf32>,
        %get3A_1408 = vector.shape_cast %get3A_1407 : vector<1x16xf32> to vector<16xf32>
        %get3A_1409 = arith.index_cast %scan3A_172 : i32 to index
        %get3A_1410 = arith.constant 976 : index
        %get3A_1411 = tpu.vector_load %arg14[%get3A_1409, %get3A_1410] {strides = array<i32>} : memref<16x1024xf32, #tpu.memory_space<vmem>>, vector<1x16xf32>,
        %get3A_1412 = vector.shape_cast %get3A_1411 : vector<1x16xf32> to vector<16xf32>
        %mul3A_1413 = arith.mulf %gather3A_179, %get3A_1408 : vector<16xf32>
        %add3A_1414 = arith.addf %gather3A_176, %mul3A_1413 : vector<16xf32>
        %mul3A_1415 = arith.mulf %gather3A_182, %get3A_1412 : vector<16xf32>
        %mul3A_1416 = arith.mulf %get3A_1408, %get3A_1412 : vector<16xf32>
        %mul3A_1417 = arith.mulf %gather3A_185, %mul3A_1416 : vector<16xf32>
        %add3A_1418 = arith.addf %mul3A_1415, %mul3A_1417 : vector<16xf32>
        %add3A_1419 = arith.addf %add3A_1414, %add3A_1418 : vector<16xf32>
        %swap3A_1420 = arith.index_cast %scan3A_172 : i32 to index
        %swap3A_1421 = arith.constant 976 : index
        %swap3A_1422 = tpu.vector_load %arg15[%swap3A_1420, %swap3A_1421] {strides = array<i32>} : memref<16x1024xf32, #tpu.memory_space<vmem>>, vector<1x16xf32>,
        %swap3A_1423 = vector.shape_cast %swap3A_1422 : vector<1x16xf32> to vector<16xf32>
        %swap3A_1424 = vector.shape_cast %add3A_1419 : vector<16xf32> to vector<1x16xf32>
        tpu.vector_store %arg15[%swap3A_1420, %swap3A_1421], %swap3A_1424 {strides = array<i32>} : memref<16x1024xf32, #tpu.memory_space<vmem>>, vector<1x16xf32>,
        %get3A_1425 = arith.index_cast %scan3A_172 : i32 to index
        %get3A_1426 = arith.constant 992 : index
        %get3A_1427 = tpu.vector_load %arg13[%get3A_1425, %get3A_1426] {strides = array<i32>} : memref<16x1024xf32, #tpu.memory_space<vmem>>, vector<1x16xf32>,
        %get3A_1428 = vector.shape_cast %get3A_1427 : vector<1x16xf32> to vector<16xf32>
        %get3A_1429 = arith.index_cast %scan3A_172 : i32 to index
        %get3A_1430 = arith.constant 992 : index
        %get3A_1431 = tpu.vector_load %arg14[%get3A_1429, %get3A_1430] {strides = array<i32>} : memref<16x1024xf32, #tpu.memory_space<vmem>>, vector<1x16xf32>,
        %get3A_1432 = vector.shape_cast %get3A_1431 : vector<1x16xf32> to vector<16xf32>
        %mul3A_1433 = arith.mulf %gather3A_179, %get3A_1428 : vector<16xf32>
        %add3A_1434 = arith.addf %gather3A_176, %mul3A_1433 : vector<16xf32>
        %mul3A_1435 = arith.mulf %gather3A_182, %get3A_1432 : vector<16xf32>
        %mul3A_1436 = arith.mulf %get3A_1428, %get3A_1432 : vector<16xf32>
        %mul3A_1437 = arith.mulf %gather3A_185, %mul3A_1436 : vector<16xf32>
        %add3A_1438 = arith.addf %mul3A_1435, %mul3A_1437 : vector<16xf32>
        %add3A_1439 = arith.addf %add3A_1434, %add3A_1438 : vector<16xf32>
        %swap3A_1440 = arith.index_cast %scan3A_172 : i32 to index
        %swap3A_1441 = arith.constant 992 : index
        %swap3A_1442 = tpu.vector_load %arg15[%swap3A_1440, %swap3A_1441] {strides = array<i32>} : memref<16x1024xf32, #tpu.memory_space<vmem>>, vector<1x16xf32>,
        %swap3A_1443 = vector.shape_cast %swap3A_1442 : vector<1x16xf32> to vector<16xf32>
        %swap3A_1444 = vector.shape_cast %add3A_1439 : vector<16xf32> to vector<1x16xf32>
        tpu.vector_store %arg15[%swap3A_1440, %swap3A_1441], %swap3A_1444 {strides = array<i32>} : memref<16x1024xf32, #tpu.memory_space<vmem>>, vector<1x16xf32>,
        %get3A_1445 = arith.index_cast %scan3A_172 : i32 to index
        %get3A_1446 = arith.constant 1008 : index
        %get3A_1447 = tpu.vector_load %arg13[%get3A_1445, %get3A_1446] {strides = array<i32>} : memref<16x1024xf32, #tpu.memory_space<vmem>>, vector<1x16xf32>,
        %get3A_1448 = vector.shape_cast %get3A_1447 : vector<1x16xf32> to vector<16xf32>
        %get3A_1449 = arith.index_cast %scan3A_172 : i32 to index
        %get3A_1450 = arith.constant 1008 : index
        %get3A_1451 = tpu.vector_load %arg14[%get3A_1449, %get3A_1450] {strides = array<i32>} : memref<16x1024xf32, #tpu.memory_space<vmem>>, vector<1x16xf32>,
        %get3A_1452 = vector.shape_cast %get3A_1451 : vector<1x16xf32> to vector<16xf32>
        %mul3A_1453 = arith.mulf %gather3A_179, %get3A_1448 : vector<16xf32>
        %add3A_1454 = arith.addf %gather3A_176, %mul3A_1453 : vector<16xf32>
        %mul3A_1455 = arith.mulf %gather3A_182, %get3A_1452 : vector<16xf32>
        %mul3A_1456 = arith.mulf %get3A_1448, %get3A_1452 : vector<16xf32>
        %mul3A_1457 = arith.mulf %gather3A_185, %mul3A_1456 : vector<16xf32>
        %add3A_1458 = arith.addf %mul3A_1455, %mul3A_1457 : vector<16xf32>
        %add3A_1459 = arith.addf %add3A_1454, %add3A_1458 : vector<16xf32>
        %swap3A_1460 = arith.index_cast %scan3A_172 : i32 to index
        %swap3A_1461 = arith.constant 1008 : index
        %swap3A_1462 = tpu.vector_load %arg15[%swap3A_1460, %swap3A_1461] {strides = array<i32>} : memref<16x1024xf32, #tpu.memory_space<vmem>>, vector<1x16xf32>,
        %swap3A_1463 = vector.shape_cast %swap3A_1462 : vector<1x16xf32> to vector<16xf32>
        %swap3A_1464 = vector.shape_cast %add3A_1459 : vector<16xf32> to vector<1x16xf32>
        tpu.vector_store %arg15[%swap3A_1460, %swap3A_1461], %swap3A_1464 {strides = array<i32>} : memref<16x1024xf32, #tpu.memory_space<vmem>>, vector<1x16xf32>,
      }
      %scan3A_97 = arith.constant 16 : i32
      %mul3A_98 = arith.constant 16 : i32
      %mul3A_99 = arith.muli %add3A_57, %mul3A_98 : i32
      %add3A_100 = arith.addi %mul3A_2, %mul3A_99 : i32
      %dma_start3A_101 = arith.constant 0 : i32
      %dma_start3A_102 = tpu.memref_slice %arg7[%add3A_100, %dma_start3A_101] : memref<16384x1024xf32, #tpu.memory_space<hbm>> -> memref<16x1024xf32, #tpu.memory_space<hbm>>
      %dma_start3A_103 = arith.constant 0 : i32
      %dma_start3A_104 = tpu.memref_slice %arg7[%add3A_100, %dma_start3A_103] : memref<16384x1024xf32, #tpu.memory_space<hbm>> -> memref<16x1024xf32, #tpu.memory_space<hbm>>
      tpu.enqueue_dma source(%arg15 : memref<16x1024xf32, #tpu.memory_space<vmem>>) target(%dma_start3A_104 : memref<16x1024xf32, #tpu.memory_space<hbm>>) target_semaphore(%arg21 : memref<!tpu.dma_semaphore, #tpu.memory_space<semaphore_mem>>)
      %add3A_105 = arith.constant 2 : i32
      %add3A_106 = arith.addi %add3A_57, %add3A_105 : i32
      %lt3A = arith.constant 32 : i32
      %lt3A_107 = arith.cmpi slt, %add3A_106, %lt3A : i32
      %convert_element_type3A_108 = arith.extui %lt3A_107 : i1 to i32
      %cond3A_109 = arith.constant 0 : i32
      %cond3A_110 = arith.cmpi ne, %convert_element_type3A_108, %cond3A_109 : i32
      scf.if %cond3A_110 {
        %add3A_172 = arith.constant 2 : i32
        %add3A_173 = arith.addi %add3A_57, %add3A_172 : i32
        %mul3A_174 = arith.constant 16 : i32
        %mul3A_175 = arith.muli %add3A_173, %mul3A_174 : i32
        %get3A_176 = arith.index_cast %mul3A_175 : i32 to index
        %get3A_177 = tpu.vector_load %arg8[%get3A_176] {strides = array<i32>} : memref<512xi32, #tpu.memory_space<vmem>>, vector<16xi32>,
        %get3A_178 = vector.shape_cast %get3A_177 : vector<16xi32> to vector<16xi32>
        %mul3A_179 = arith.constant 16 : i32
        %mul3A_180 = arith.muli %add3A_173, %mul3A_179 : i32
        %get3A_181 = arith.index_cast %mul3A_180 : i32 to index
        %get3A_182 = tpu.vector_load %arg9[%get3A_181] {strides = array<i32>} : memref<512xi32, #tpu.memory_space<vmem>>, vector<16xi32>,
        %get3A_183 = vector.shape_cast %get3A_182 : vector<16xi32> to vector<16xi32>
        %dma_start3A_184 = arith.constant 0 : i32
        %dma_start3A_185 = arith.constant 0 : i32
        %dma_start3A_186 = tpu.memref_slice %arg2[%dma_start3A_184, %dma_start3A_185] : memref<16384x1024xf32, #tpu.memory_space<hbm>> -> memref<16384x1024xf32, #tpu.memory_space<hbm>>
        tpu.enqueue_indirect_dma source(%dma_start3A_186 : memref<16384x1024xf32, #tpu.memory_space<hbm>>) target(%arg13 : memref<16x1024xf32, #tpu.memory_space<vmem>>) offsets(%get3A_178 : vector<16xi32>) semaphore(%arg19 : memref<!tpu.dma_semaphore, #tpu.memory_space<semaphore_mem>>)
        %dma_start3A_187 = arith.constant 0 : i32
        %dma_start3A_188 = arith.constant 0 : i32
        %dma_start3A_189 = tpu.memref_slice %arg2[%dma_start3A_187, %dma_start3A_188] : memref<16384x1024xf32, #tpu.memory_space<hbm>> -> memref<16384x1024xf32, #tpu.memory_space<hbm>>
        tpu.enqueue_indirect_dma source(%dma_start3A_189 : memref<16384x1024xf32, #tpu.memory_space<hbm>>) target(%arg14 : memref<16x1024xf32, #tpu.memory_space<vmem>>) offsets(%get3A_183 : vector<16xi32>) semaphore(%arg20 : memref<!tpu.dma_semaphore, #tpu.memory_space<semaphore_mem>>)
      } else {
      }
      %mul3A_111 = arith.constant 2 : i32
      %mul3A_112 = arith.muli %scan3A_53, %mul3A_111 : i32
      %add3A_113 = arith.constant 1 : i32
      %add3A_114 = arith.addi %mul3A_112, %add3A_113 : i32
      %dma_wait3A_115 = arith.constant 0 : i32
      %dma_wait3A_116 = arith.constant 0 : i32
      %dma_wait3A_117 = tpu.memref_slice %arg2[%dma_wait3A_115, %dma_wait3A_116] : memref<16384x1024xf32, #tpu.memory_space<hbm>> -> memref<16384x1024xf32, #tpu.memory_space<hbm>>
      tpu.wait_indirect_dma semaphore(%arg22 : memref<!tpu.dma_semaphore, #tpu.memory_space<semaphore_mem>>) src(%dma_wait3A_117 : memref<16384x1024xf32, #tpu.memory_space<hbm>>) dst(%arg16 : memref<16x1024xf32, #tpu.memory_space<vmem>>)
      %dma_wait3A_118 = arith.constant 0 : i32
      %dma_wait3A_119 = arith.constant 0 : i32
      %dma_wait3A_120 = tpu.memref_slice %arg2[%dma_wait3A_118, %dma_wait3A_119] : memref<16384x1024xf32, #tpu.memory_space<hbm>> -> memref<16384x1024xf32, #tpu.memory_space<hbm>>
      tpu.wait_indirect_dma semaphore(%arg23 : memref<!tpu.dma_semaphore, #tpu.memory_space<semaphore_mem>>) src(%dma_wait3A_120 : memref<16384x1024xf32, #tpu.memory_space<hbm>>) dst(%arg17 : memref<16x1024xf32, #tpu.memory_space<vmem>>)
      %gt3A_121 = arith.constant 0 : i32
      %gt3A_122 = arith.cmpi sgt, %scan3A_53, %gt3A_121 : i32
      %convert_element_type3A_123 = arith.extui %gt3A_122 : i1 to i32
      %cond3A_124 = arith.constant 0 : i32
      %cond3A_125 = arith.cmpi ne, %convert_element_type3A_123, %cond3A_124 : i32
      scf.if %cond3A_125 {
        %dma_wait3A_172 = arith.constant 0 : i32
        %dma_wait3A_173 = tpu.memref_slice %arg7[%mul3A_2, %dma_wait3A_172] : memref<16384x1024xf32, #tpu.memory_space<hbm>> -> memref<16x1024xf32, #tpu.memory_space<hbm>>
        %dma_wait3A_174 = arith.constant 0 : i32
        %dma_wait3A_175 = tpu.memref_slice %arg7[%mul3A_2, %dma_wait3A_174] : memref<16384x1024xf32, #tpu.memory_space<hbm>> -> memref<16x1024xf32, #tpu.memory_space<hbm>>
        tpu.wait_dma2 semaphore(%arg24 : memref<!tpu.dma_semaphore, #tpu.memory_space<semaphore_mem>>) src(%arg18 : memref<16x1024xf32, #tpu.memory_space<vmem>>) dst(%dma_wait3A_175 : memref<16x1024xf32, #tpu.memory_space<hbm>>)
      } else {
      }
      %mul3A_126 = arith.constant 16 : i32
      %mul3A_127 = arith.muli %add3A_114, %mul3A_126 : i32
      %get3A_128 = arith.index_cast %mul3A_127 : i32 to index
      %get3A_129 = tpu.vector_load %arg11[%get3A_128] {strides = array<i32>} : memref<2048xf32, #tpu.memory_space<vmem>>, vector<16xf32>,
      %get3A_130 = vector.shape_cast %get3A_129 : vector<16xf32> to vector<16xf32>
      %mul3A_131 = arith.constant 16 : i32
      %mul3A_132 = arith.muli %add3A_114, %mul3A_131 : i32
      %add3A_133 = arith.constant 512 : i32
      %add3A_134 = arith.addi %add3A_133, %mul3A_132 : i32
      %get3A_135 = arith.index_cast %add3A_134 : i32 to index
      %get3A_136 = tpu.vector_load %arg11[%get3A_135] {strides = array<i32>} : memref<2048xf32, #tpu.memory_space<vmem>>, vector<16xf32>,
      %get3A_137 = vector.shape_cast %get3A_136 : vector<16xf32> to vector<16xf32>
      %mul3A_138 = arith.constant 16 : i32
      %mul3A_139 = arith.muli %add3A_114, %mul3A_138 : i32
      %add3A_140 = arith.constant 1024 : i32
      %add3A_141 = arith.addi %add3A_140, %mul3A_139 : i32
      %get3A_142 = arith.index_cast %add3A_141 : i32 to index
      %get3A_143 = tpu.vector_load %arg11[%get3A_142] {strides = array<i32>} : memref<2048xf32, #tpu.memory_space<vmem>>, vector<16xf32>,
      %get3A_144 = vector.shape_cast %get3A_143 : vector<16xf32> to vector<16xf32>
      %mul3A_145 = arith.constant 16 : i32
      %mul3A_146 = arith.muli %add3A_114, %mul3A_145 : i32
      %add3A_147 = arith.constant 1536 : i32
      %add3A_148 = arith.addi %add3A_147, %mul3A_146 : i32
      %get3A_149 = arith.index_cast %add3A_148 : i32 to index
      %get3A_150 = tpu.vector_load %arg11[%get3A_149] {strides = array<i32>} : memref<2048xf32, #tpu.memory_space<vmem>>, vector<16xf32>,
      %get3A_151 = vector.shape_cast %get3A_150 : vector<16xf32> to vector<16xf32>
      %scan3A_152 = arith.constant 0 : i32
      %scan3A_153 = arith.constant 0 : i32
      %scan3A_154 = arith.constant 16 : i32
      %scan3A_155 = arith.addi %scan3A_153, %scan3A_154 : i32
      %scan3A_156 = arith.constant 1 : i32
      scf.for %scan3A_172 = %scan3A_153 to %scan3A_155 step %scan3A_156  : i32 {
        %add3A_173 = vector.broadcast %scan3A_172 : i32 to vector<16xi32>
        %add3A_174 = arith.addi %broadcast_in_dim3A_11, %add3A_173 : vector<16xi32>
        %broadcast_in_dim3A_175 = vector.shape_cast %add3A_174 : vector<16xi32> to vector<16x1xi32>
        %gather3A = vector.shape_cast %broadcast_in_dim3A_175 : vector<16x1xi32> to vector<16xi32>
        %gather3A_176 = tpu.dynamic_gather %get3A_130[%gather3A] in [0] : vector<16xf32>, vector<16xi32> -> vector<16xf32>
        %broadcast_in_dim3A_177 = vector.shape_cast %add3A_174 : vector<16xi32> to vector<16x1xi32>
        %gather3A_178 = vector.shape_cast %broadcast_in_dim3A_177 : vector<16x1xi32> to vector<16xi32>
        %gather3A_179 = tpu.dynamic_gather %get3A_137[%gather3A_178] in [0] : vector<16xf32>, vector<16xi32> -> vector<16xf32>
        %broadcast_in_dim3A_180 = vector.shape_cast %add3A_174 : vector<16xi32> to vector<16x1xi32>
        %gather3A_181 = vector.shape_cast %broadcast_in_dim3A_180 : vector<16x1xi32> to vector<16xi32>
        %gather3A_182 = tpu.dynamic_gather %get3A_144[%gather3A_181] in [0] : vector<16xf32>, vector<16xi32> -> vector<16xf32>
        %broadcast_in_dim3A_183 = vector.shape_cast %add3A_174 : vector<16xi32> to vector<16x1xi32>
        %gather3A_184 = vector.shape_cast %broadcast_in_dim3A_183 : vector<16x1xi32> to vector<16xi32>
        %gather3A_185 = tpu.dynamic_gather %get3A_151[%gather3A_184] in [0] : vector<16xf32>, vector<16xi32> -> vector<16xf32>
        %get3A_186 = arith.index_cast %scan3A_172 : i32 to index
        %get3A_187 = arith.constant 0 : index
        %get3A_188 = tpu.vector_load %arg16[%get3A_186, %get3A_187] {strides = array<i32>} : memref<16x1024xf32, #tpu.memory_space<vmem>>, vector<1x16xf32>,
        %get3A_189 = vector.shape_cast %get3A_188 : vector<1x16xf32> to vector<16xf32>
        %get3A_190 = arith.index_cast %scan3A_172 : i32 to index
        %get3A_191 = arith.constant 0 : index
        %get3A_192 = tpu.vector_load %arg17[%get3A_190, %get3A_191] {strides = array<i32>} : memref<16x1024xf32, #tpu.memory_space<vmem>>, vector<1x16xf32>,
        %get3A_193 = vector.shape_cast %get3A_192 : vector<1x16xf32> to vector<16xf32>
        %mul3A_194 = arith.mulf %gather3A_179, %get3A_189 : vector<16xf32>
        %add3A_195 = arith.addf %gather3A_176, %mul3A_194 : vector<16xf32>
        %mul3A_196 = arith.mulf %gather3A_182, %get3A_193 : vector<16xf32>
        %mul3A_197 = arith.mulf %get3A_189, %get3A_193 : vector<16xf32>
        %mul3A_198 = arith.mulf %gather3A_185, %mul3A_197 : vector<16xf32>
        %add3A_199 = arith.addf %mul3A_196, %mul3A_198 : vector<16xf32>
        %add3A_200 = arith.addf %add3A_195, %add3A_199 : vector<16xf32>
        %swap3A = arith.index_cast %scan3A_172 : i32 to index
        %swap3A_201 = arith.constant 0 : index
        %swap3A_202 = tpu.vector_load %arg18[%swap3A, %swap3A_201] {strides = array<i32>} : memref<16x1024xf32, #tpu.memory_space<vmem>>, vector<1x16xf32>,
        %swap3A_203 = vector.shape_cast %swap3A_202 : vector<1x16xf32> to vector<16xf32>
        %swap3A_204 = vector.shape_cast %add3A_200 : vector<16xf32> to vector<1x16xf32>
        tpu.vector_store %arg18[%swap3A, %swap3A_201], %swap3A_204 {strides = array<i32>} : memref<16x1024xf32, #tpu.memory_space<vmem>>, vector<1x16xf32>,
        %get3A_205 = arith.index_cast %scan3A_172 : i32 to index
        %get3A_206 = arith.constant 16 : index
        %get3A_207 = tpu.vector_load %arg16[%get3A_205, %get3A_206] {strides = array<i32>} : memref<16x1024xf32, #tpu.memory_space<vmem>>, vector<1x16xf32>,
        %get3A_208 = vector.shape_cast %get3A_207 : vector<1x16xf32> to vector<16xf32>
        %get3A_209 = arith.index_cast %scan3A_172 : i32 to index
        %get3A_210 = arith.constant 16 : index
        %get3A_211 = tpu.vector_load %arg17[%get3A_209, %get3A_210] {strides = array<i32>} : memref<16x1024xf32, #tpu.memory_space<vmem>>, vector<1x16xf32>,
        %get3A_212 = vector.shape_cast %get3A_211 : vector<1x16xf32> to vector<16xf32>
        %mul3A_213 = arith.mulf %gather3A_179, %get3A_208 : vector<16xf32>
        %add3A_214 = arith.addf %gather3A_176, %mul3A_213 : vector<16xf32>
        %mul3A_215 = arith.mulf %gather3A_182, %get3A_212 : vector<16xf32>
        %mul3A_216 = arith.mulf %get3A_208, %get3A_212 : vector<16xf32>
        %mul3A_217 = arith.mulf %gather3A_185, %mul3A_216 : vector<16xf32>
        %add3A_218 = arith.addf %mul3A_215, %mul3A_217 : vector<16xf32>
        %add3A_219 = arith.addf %add3A_214, %add3A_218 : vector<16xf32>
        %swap3A_220 = arith.index_cast %scan3A_172 : i32 to index
        %swap3A_221 = arith.constant 16 : index
        %swap3A_222 = tpu.vector_load %arg18[%swap3A_220, %swap3A_221] {strides = array<i32>} : memref<16x1024xf32, #tpu.memory_space<vmem>>, vector<1x16xf32>,
        %swap3A_223 = vector.shape_cast %swap3A_222 : vector<1x16xf32> to vector<16xf32>
        %swap3A_224 = vector.shape_cast %add3A_219 : vector<16xf32> to vector<1x16xf32>
        tpu.vector_store %arg18[%swap3A_220, %swap3A_221], %swap3A_224 {strides = array<i32>} : memref<16x1024xf32, #tpu.memory_space<vmem>>, vector<1x16xf32>,
        %get3A_225 = arith.index_cast %scan3A_172 : i32 to index
        %get3A_226 = arith.constant 32 : index
        %get3A_227 = tpu.vector_load %arg16[%get3A_225, %get3A_226] {strides = array<i32>} : memref<16x1024xf32, #tpu.memory_space<vmem>>, vector<1x16xf32>,
        %get3A_228 = vector.shape_cast %get3A_227 : vector<1x16xf32> to vector<16xf32>
        %get3A_229 = arith.index_cast %scan3A_172 : i32 to index
        %get3A_230 = arith.constant 32 : index
        %get3A_231 = tpu.vector_load %arg17[%get3A_229, %get3A_230] {strides = array<i32>} : memref<16x1024xf32, #tpu.memory_space<vmem>>, vector<1x16xf32>,
        %get3A_232 = vector.shape_cast %get3A_231 : vector<1x16xf32> to vector<16xf32>
        %mul3A_233 = arith.mulf %gather3A_179, %get3A_228 : vector<16xf32>
        %add3A_234 = arith.addf %gather3A_176, %mul3A_233 : vector<16xf32>
        %mul3A_235 = arith.mulf %gather3A_182, %get3A_232 : vector<16xf32>
        %mul3A_236 = arith.mulf %get3A_228, %get3A_232 : vector<16xf32>
        %mul3A_237 = arith.mulf %gather3A_185, %mul3A_236 : vector<16xf32>
        %add3A_238 = arith.addf %mul3A_235, %mul3A_237 : vector<16xf32>
        %add3A_239 = arith.addf %add3A_234, %add3A_238 : vector<16xf32>
        %swap3A_240 = arith.index_cast %scan3A_172 : i32 to index
        %swap3A_241 = arith.constant 32 : index
        %swap3A_242 = tpu.vector_load %arg18[%swap3A_240, %swap3A_241] {strides = array<i32>} : memref<16x1024xf32, #tpu.memory_space<vmem>>, vector<1x16xf32>,
        %swap3A_243 = vector.shape_cast %swap3A_242 : vector<1x16xf32> to vector<16xf32>
        %swap3A_244 = vector.shape_cast %add3A_239 : vector<16xf32> to vector<1x16xf32>
        tpu.vector_store %arg18[%swap3A_240, %swap3A_241], %swap3A_244 {strides = array<i32>} : memref<16x1024xf32, #tpu.memory_space<vmem>>, vector<1x16xf32>,
        %get3A_245 = arith.index_cast %scan3A_172 : i32 to index
        %get3A_246 = arith.constant 48 : index
        %get3A_247 = tpu.vector_load %arg16[%get3A_245, %get3A_246] {strides = array<i32>} : memref<16x1024xf32, #tpu.memory_space<vmem>>, vector<1x16xf32>,
        %get3A_248 = vector.shape_cast %get3A_247 : vector<1x16xf32> to vector<16xf32>
        %get3A_249 = arith.index_cast %scan3A_172 : i32 to index
        %get3A_250 = arith.constant 48 : index
        %get3A_251 = tpu.vector_load %arg17[%get3A_249, %get3A_250] {strides = array<i32>} : memref<16x1024xf32, #tpu.memory_space<vmem>>, vector<1x16xf32>,
        %get3A_252 = vector.shape_cast %get3A_251 : vector<1x16xf32> to vector<16xf32>
        %mul3A_253 = arith.mulf %gather3A_179, %get3A_248 : vector<16xf32>
        %add3A_254 = arith.addf %gather3A_176, %mul3A_253 : vector<16xf32>
        %mul3A_255 = arith.mulf %gather3A_182, %get3A_252 : vector<16xf32>
        %mul3A_256 = arith.mulf %get3A_248, %get3A_252 : vector<16xf32>
        %mul3A_257 = arith.mulf %gather3A_185, %mul3A_256 : vector<16xf32>
        %add3A_258 = arith.addf %mul3A_255, %mul3A_257 : vector<16xf32>
        %add3A_259 = arith.addf %add3A_254, %add3A_258 : vector<16xf32>
        %swap3A_260 = arith.index_cast %scan3A_172 : i32 to index
        %swap3A_261 = arith.constant 48 : index
        %swap3A_262 = tpu.vector_load %arg18[%swap3A_260, %swap3A_261] {strides = array<i32>} : memref<16x1024xf32, #tpu.memory_space<vmem>>, vector<1x16xf32>,
        %swap3A_263 = vector.shape_cast %swap3A_262 : vector<1x16xf32> to vector<16xf32>
        %swap3A_264 = vector.shape_cast %add3A_259 : vector<16xf32> to vector<1x16xf32>
        tpu.vector_store %arg18[%swap3A_260, %swap3A_261], %swap3A_264 {strides = array<i32>} : memref<16x1024xf32, #tpu.memory_space<vmem>>, vector<1x16xf32>,
        %get3A_265 = arith.index_cast %scan3A_172 : i32 to index
        %get3A_266 = arith.constant 64 : index
        %get3A_267 = tpu.vector_load %arg16[%get3A_265, %get3A_266] {strides = array<i32>} : memref<16x1024xf32, #tpu.memory_space<vmem>>, vector<1x16xf32>,
        %get3A_268 = vector.shape_cast %get3A_267 : vector<1x16xf32> to vector<16xf32>
        %get3A_269 = arith.index_cast %scan3A_172 : i32 to index
        %get3A_270 = arith.constant 64 : index
        %get3A_271 = tpu.vector_load %arg17[%get3A_269, %get3A_270] {strides = array<i32>} : memref<16x1024xf32, #tpu.memory_space<vmem>>, vector<1x16xf32>,
        %get3A_272 = vector.shape_cast %get3A_271 : vector<1x16xf32> to vector<16xf32>
        %mul3A_273 = arith.mulf %gather3A_179, %get3A_268 : vector<16xf32>
        %add3A_274 = arith.addf %gather3A_176, %mul3A_273 : vector<16xf32>
        %mul3A_275 = arith.mulf %gather3A_182, %get3A_272 : vector<16xf32>
        %mul3A_276 = arith.mulf %get3A_268, %get3A_272 : vector<16xf32>
        %mul3A_277 = arith.mulf %gather3A_185, %mul3A_276 : vector<16xf32>
        %add3A_278 = arith.addf %mul3A_275, %mul3A_277 : vector<16xf32>
        %add3A_279 = arith.addf %add3A_274, %add3A_278 : vector<16xf32>
        %swap3A_280 = arith.index_cast %scan3A_172 : i32 to index
        %swap3A_281 = arith.constant 64 : index
        %swap3A_282 = tpu.vector_load %arg18[%swap3A_280, %swap3A_281] {strides = array<i32>} : memref<16x1024xf32, #tpu.memory_space<vmem>>, vector<1x16xf32>,
        %swap3A_283 = vector.shape_cast %swap3A_282 : vector<1x16xf32> to vector<16xf32>
        %swap3A_284 = vector.shape_cast %add3A_279 : vector<16xf32> to vector<1x16xf32>
        tpu.vector_store %arg18[%swap3A_280, %swap3A_281], %swap3A_284 {strides = array<i32>} : memref<16x1024xf32, #tpu.memory_space<vmem>>, vector<1x16xf32>,
        %get3A_285 = arith.index_cast %scan3A_172 : i32 to index
        %get3A_286 = arith.constant 80 : index
        %get3A_287 = tpu.vector_load %arg16[%get3A_285, %get3A_286] {strides = array<i32>} : memref<16x1024xf32, #tpu.memory_space<vmem>>, vector<1x16xf32>,
        %get3A_288 = vector.shape_cast %get3A_287 : vector<1x16xf32> to vector<16xf32>
        %get3A_289 = arith.index_cast %scan3A_172 : i32 to index
        %get3A_290 = arith.constant 80 : index
        %get3A_291 = tpu.vector_load %arg17[%get3A_289, %get3A_290] {strides = array<i32>} : memref<16x1024xf32, #tpu.memory_space<vmem>>, vector<1x16xf32>,
        %get3A_292 = vector.shape_cast %get3A_291 : vector<1x16xf32> to vector<16xf32>
        %mul3A_293 = arith.mulf %gather3A_179, %get3A_288 : vector<16xf32>
        %add3A_294 = arith.addf %gather3A_176, %mul3A_293 : vector<16xf32>
        %mul3A_295 = arith.mulf %gather3A_182, %get3A_292 : vector<16xf32>
        %mul3A_296 = arith.mulf %get3A_288, %get3A_292 : vector<16xf32>
        %mul3A_297 = arith.mulf %gather3A_185, %mul3A_296 : vector<16xf32>
        %add3A_298 = arith.addf %mul3A_295, %mul3A_297 : vector<16xf32>
        %add3A_299 = arith.addf %add3A_294, %add3A_298 : vector<16xf32>
        %swap3A_300 = arith.index_cast %scan3A_172 : i32 to index
        %swap3A_301 = arith.constant 80 : index
        %swap3A_302 = tpu.vector_load %arg18[%swap3A_300, %swap3A_301] {strides = array<i32>} : memref<16x1024xf32, #tpu.memory_space<vmem>>, vector<1x16xf32>,
        %swap3A_303 = vector.shape_cast %swap3A_302 : vector<1x16xf32> to vector<16xf32>
        %swap3A_304 = vector.shape_cast %add3A_299 : vector<16xf32> to vector<1x16xf32>
        tpu.vector_store %arg18[%swap3A_300, %swap3A_301], %swap3A_304 {strides = array<i32>} : memref<16x1024xf32, #tpu.memory_space<vmem>>, vector<1x16xf32>,
        %get3A_305 = arith.index_cast %scan3A_172 : i32 to index
        %get3A_306 = arith.constant 96 : index
        %get3A_307 = tpu.vector_load %arg16[%get3A_305, %get3A_306] {strides = array<i32>} : memref<16x1024xf32, #tpu.memory_space<vmem>>, vector<1x16xf32>,
        %get3A_308 = vector.shape_cast %get3A_307 : vector<1x16xf32> to vector<16xf32>
        %get3A_309 = arith.index_cast %scan3A_172 : i32 to index
        %get3A_310 = arith.constant 96 : index
        %get3A_311 = tpu.vector_load %arg17[%get3A_309, %get3A_310] {strides = array<i32>} : memref<16x1024xf32, #tpu.memory_space<vmem>>, vector<1x16xf32>,
        %get3A_312 = vector.shape_cast %get3A_311 : vector<1x16xf32> to vector<16xf32>
        %mul3A_313 = arith.mulf %gather3A_179, %get3A_308 : vector<16xf32>
        %add3A_314 = arith.addf %gather3A_176, %mul3A_313 : vector<16xf32>
        %mul3A_315 = arith.mulf %gather3A_182, %get3A_312 : vector<16xf32>
        %mul3A_316 = arith.mulf %get3A_308, %get3A_312 : vector<16xf32>
        %mul3A_317 = arith.mulf %gather3A_185, %mul3A_316 : vector<16xf32>
        %add3A_318 = arith.addf %mul3A_315, %mul3A_317 : vector<16xf32>
        %add3A_319 = arith.addf %add3A_314, %add3A_318 : vector<16xf32>
        %swap3A_320 = arith.index_cast %scan3A_172 : i32 to index
        %swap3A_321 = arith.constant 96 : index
        %swap3A_322 = tpu.vector_load %arg18[%swap3A_320, %swap3A_321] {strides = array<i32>} : memref<16x1024xf32, #tpu.memory_space<vmem>>, vector<1x16xf32>,
        %swap3A_323 = vector.shape_cast %swap3A_322 : vector<1x16xf32> to vector<16xf32>
        %swap3A_324 = vector.shape_cast %add3A_319 : vector<16xf32> to vector<1x16xf32>
        tpu.vector_store %arg18[%swap3A_320, %swap3A_321], %swap3A_324 {strides = array<i32>} : memref<16x1024xf32, #tpu.memory_space<vmem>>, vector<1x16xf32>,
        %get3A_325 = arith.index_cast %scan3A_172 : i32 to index
        %get3A_326 = arith.constant 112 : index
        %get3A_327 = tpu.vector_load %arg16[%get3A_325, %get3A_326] {strides = array<i32>} : memref<16x1024xf32, #tpu.memory_space<vmem>>, vector<1x16xf32>,
        %get3A_328 = vector.shape_cast %get3A_327 : vector<1x16xf32> to vector<16xf32>
        %get3A_329 = arith.index_cast %scan3A_172 : i32 to index
        %get3A_330 = arith.constant 112 : index
        %get3A_331 = tpu.vector_load %arg17[%get3A_329, %get3A_330] {strides = array<i32>} : memref<16x1024xf32, #tpu.memory_space<vmem>>, vector<1x16xf32>,
        %get3A_332 = vector.shape_cast %get3A_331 : vector<1x16xf32> to vector<16xf32>
        %mul3A_333 = arith.mulf %gather3A_179, %get3A_328 : vector<16xf32>
        %add3A_334 = arith.addf %gather3A_176, %mul3A_333 : vector<16xf32>
        %mul3A_335 = arith.mulf %gather3A_182, %get3A_332 : vector<16xf32>
        %mul3A_336 = arith.mulf %get3A_328, %get3A_332 : vector<16xf32>
        %mul3A_337 = arith.mulf %gather3A_185, %mul3A_336 : vector<16xf32>
        %add3A_338 = arith.addf %mul3A_335, %mul3A_337 : vector<16xf32>
        %add3A_339 = arith.addf %add3A_334, %add3A_338 : vector<16xf32>
        %swap3A_340 = arith.index_cast %scan3A_172 : i32 to index
        %swap3A_341 = arith.constant 112 : index
        %swap3A_342 = tpu.vector_load %arg18[%swap3A_340, %swap3A_341] {strides = array<i32>} : memref<16x1024xf32, #tpu.memory_space<vmem>>, vector<1x16xf32>,
        %swap3A_343 = vector.shape_cast %swap3A_342 : vector<1x16xf32> to vector<16xf32>
        %swap3A_344 = vector.shape_cast %add3A_339 : vector<16xf32> to vector<1x16xf32>
        tpu.vector_store %arg18[%swap3A_340, %swap3A_341], %swap3A_344 {strides = array<i32>} : memref<16x1024xf32, #tpu.memory_space<vmem>>, vector<1x16xf32>,
        %get3A_345 = arith.index_cast %scan3A_172 : i32 to index
        %get3A_346 = arith.constant 128 : index
        %get3A_347 = tpu.vector_load %arg16[%get3A_345, %get3A_346] {strides = array<i32>} : memref<16x1024xf32, #tpu.memory_space<vmem>>, vector<1x16xf32>,
        %get3A_348 = vector.shape_cast %get3A_347 : vector<1x16xf32> to vector<16xf32>
        %get3A_349 = arith.index_cast %scan3A_172 : i32 to index
        %get3A_350 = arith.constant 128 : index
        %get3A_351 = tpu.vector_load %arg17[%get3A_349, %get3A_350] {strides = array<i32>} : memref<16x1024xf32, #tpu.memory_space<vmem>>, vector<1x16xf32>,
        %get3A_352 = vector.shape_cast %get3A_351 : vector<1x16xf32> to vector<16xf32>
        %mul3A_353 = arith.mulf %gather3A_179, %get3A_348 : vector<16xf32>
        %add3A_354 = arith.addf %gather3A_176, %mul3A_353 : vector<16xf32>
        %mul3A_355 = arith.mulf %gather3A_182, %get3A_352 : vector<16xf32>
        %mul3A_356 = arith.mulf %get3A_348, %get3A_352 : vector<16xf32>
        %mul3A_357 = arith.mulf %gather3A_185, %mul3A_356 : vector<16xf32>
        %add3A_358 = arith.addf %mul3A_355, %mul3A_357 : vector<16xf32>
        %add3A_359 = arith.addf %add3A_354, %add3A_358 : vector<16xf32>
        %swap3A_360 = arith.index_cast %scan3A_172 : i32 to index
        %swap3A_361 = arith.constant 128 : index
        %swap3A_362 = tpu.vector_load %arg18[%swap3A_360, %swap3A_361] {strides = array<i32>} : memref<16x1024xf32, #tpu.memory_space<vmem>>, vector<1x16xf32>,
        %swap3A_363 = vector.shape_cast %swap3A_362 : vector<1x16xf32> to vector<16xf32>
        %swap3A_364 = vector.shape_cast %add3A_359 : vector<16xf32> to vector<1x16xf32>
        tpu.vector_store %arg18[%swap3A_360, %swap3A_361], %swap3A_364 {strides = array<i32>} : memref<16x1024xf32, #tpu.memory_space<vmem>>, vector<1x16xf32>,
        %get3A_365 = arith.index_cast %scan3A_172 : i32 to index
        %get3A_366 = arith.constant 144 : index
        %get3A_367 = tpu.vector_load %arg16[%get3A_365, %get3A_366] {strides = array<i32>} : memref<16x1024xf32, #tpu.memory_space<vmem>>, vector<1x16xf32>,
        %get3A_368 = vector.shape_cast %get3A_367 : vector<1x16xf32> to vector<16xf32>
        %get3A_369 = arith.index_cast %scan3A_172 : i32 to index
        %get3A_370 = arith.constant 144 : index
        %get3A_371 = tpu.vector_load %arg17[%get3A_369, %get3A_370] {strides = array<i32>} : memref<16x1024xf32, #tpu.memory_space<vmem>>, vector<1x16xf32>,
        %get3A_372 = vector.shape_cast %get3A_371 : vector<1x16xf32> to vector<16xf32>
        %mul3A_373 = arith.mulf %gather3A_179, %get3A_368 : vector<16xf32>
        %add3A_374 = arith.addf %gather3A_176, %mul3A_373 : vector<16xf32>
        %mul3A_375 = arith.mulf %gather3A_182, %get3A_372 : vector<16xf32>
        %mul3A_376 = arith.mulf %get3A_368, %get3A_372 : vector<16xf32>
        %mul3A_377 = arith.mulf %gather3A_185, %mul3A_376 : vector<16xf32>
        %add3A_378 = arith.addf %mul3A_375, %mul3A_377 : vector<16xf32>
        %add3A_379 = arith.addf %add3A_374, %add3A_378 : vector<16xf32>
        %swap3A_380 = arith.index_cast %scan3A_172 : i32 to index
        %swap3A_381 = arith.constant 144 : index
        %swap3A_382 = tpu.vector_load %arg18[%swap3A_380, %swap3A_381] {strides = array<i32>} : memref<16x1024xf32, #tpu.memory_space<vmem>>, vector<1x16xf32>,
        %swap3A_383 = vector.shape_cast %swap3A_382 : vector<1x16xf32> to vector<16xf32>
        %swap3A_384 = vector.shape_cast %add3A_379 : vector<16xf32> to vector<1x16xf32>
        tpu.vector_store %arg18[%swap3A_380, %swap3A_381], %swap3A_384 {strides = array<i32>} : memref<16x1024xf32, #tpu.memory_space<vmem>>, vector<1x16xf32>,
        %get3A_385 = arith.index_cast %scan3A_172 : i32 to index
        %get3A_386 = arith.constant 160 : index
        %get3A_387 = tpu.vector_load %arg16[%get3A_385, %get3A_386] {strides = array<i32>} : memref<16x1024xf32, #tpu.memory_space<vmem>>, vector<1x16xf32>,
        %get3A_388 = vector.shape_cast %get3A_387 : vector<1x16xf32> to vector<16xf32>
        %get3A_389 = arith.index_cast %scan3A_172 : i32 to index
        %get3A_390 = arith.constant 160 : index
        %get3A_391 = tpu.vector_load %arg17[%get3A_389, %get3A_390] {strides = array<i32>} : memref<16x1024xf32, #tpu.memory_space<vmem>>, vector<1x16xf32>,
        %get3A_392 = vector.shape_cast %get3A_391 : vector<1x16xf32> to vector<16xf32>
        %mul3A_393 = arith.mulf %gather3A_179, %get3A_388 : vector<16xf32>
        %add3A_394 = arith.addf %gather3A_176, %mul3A_393 : vector<16xf32>
        %mul3A_395 = arith.mulf %gather3A_182, %get3A_392 : vector<16xf32>
        %mul3A_396 = arith.mulf %get3A_388, %get3A_392 : vector<16xf32>
        %mul3A_397 = arith.mulf %gather3A_185, %mul3A_396 : vector<16xf32>
        %add3A_398 = arith.addf %mul3A_395, %mul3A_397 : vector<16xf32>
        %add3A_399 = arith.addf %add3A_394, %add3A_398 : vector<16xf32>
        %swap3A_400 = arith.index_cast %scan3A_172 : i32 to index
        %swap3A_401 = arith.constant 160 : index
        %swap3A_402 = tpu.vector_load %arg18[%swap3A_400, %swap3A_401] {strides = array<i32>} : memref<16x1024xf32, #tpu.memory_space<vmem>>, vector<1x16xf32>,
        %swap3A_403 = vector.shape_cast %swap3A_402 : vector<1x16xf32> to vector<16xf32>
        %swap3A_404 = vector.shape_cast %add3A_399 : vector<16xf32> to vector<1x16xf32>
        tpu.vector_store %arg18[%swap3A_400, %swap3A_401], %swap3A_404 {strides = array<i32>} : memref<16x1024xf32, #tpu.memory_space<vmem>>, vector<1x16xf32>,
        %get3A_405 = arith.index_cast %scan3A_172 : i32 to index
        %get3A_406 = arith.constant 176 : index
        %get3A_407 = tpu.vector_load %arg16[%get3A_405, %get3A_406] {strides = array<i32>} : memref<16x1024xf32, #tpu.memory_space<vmem>>, vector<1x16xf32>,
        %get3A_408 = vector.shape_cast %get3A_407 : vector<1x16xf32> to vector<16xf32>
        %get3A_409 = arith.index_cast %scan3A_172 : i32 to index
        %get3A_410 = arith.constant 176 : index
        %get3A_411 = tpu.vector_load %arg17[%get3A_409, %get3A_410] {strides = array<i32>} : memref<16x1024xf32, #tpu.memory_space<vmem>>, vector<1x16xf32>,
        %get3A_412 = vector.shape_cast %get3A_411 : vector<1x16xf32> to vector<16xf32>
        %mul3A_413 = arith.mulf %gather3A_179, %get3A_408 : vector<16xf32>
        %add3A_414 = arith.addf %gather3A_176, %mul3A_413 : vector<16xf32>
        %mul3A_415 = arith.mulf %gather3A_182, %get3A_412 : vector<16xf32>
        %mul3A_416 = arith.mulf %get3A_408, %get3A_412 : vector<16xf32>
        %mul3A_417 = arith.mulf %gather3A_185, %mul3A_416 : vector<16xf32>
        %add3A_418 = arith.addf %mul3A_415, %mul3A_417 : vector<16xf32>
        %add3A_419 = arith.addf %add3A_414, %add3A_418 : vector<16xf32>
        %swap3A_420 = arith.index_cast %scan3A_172 : i32 to index
        %swap3A_421 = arith.constant 176 : index
        %swap3A_422 = tpu.vector_load %arg18[%swap3A_420, %swap3A_421] {strides = array<i32>} : memref<16x1024xf32, #tpu.memory_space<vmem>>, vector<1x16xf32>,
        %swap3A_423 = vector.shape_cast %swap3A_422 : vector<1x16xf32> to vector<16xf32>
        %swap3A_424 = vector.shape_cast %add3A_419 : vector<16xf32> to vector<1x16xf32>
        tpu.vector_store %arg18[%swap3A_420, %swap3A_421], %swap3A_424 {strides = array<i32>} : memref<16x1024xf32, #tpu.memory_space<vmem>>, vector<1x16xf32>,
        %get3A_425 = arith.index_cast %scan3A_172 : i32 to index
        %get3A_426 = arith.constant 192 : index
        %get3A_427 = tpu.vector_load %arg16[%get3A_425, %get3A_426] {strides = array<i32>} : memref<16x1024xf32, #tpu.memory_space<vmem>>, vector<1x16xf32>,
        %get3A_428 = vector.shape_cast %get3A_427 : vector<1x16xf32> to vector<16xf32>
        %get3A_429 = arith.index_cast %scan3A_172 : i32 to index
        %get3A_430 = arith.constant 192 : index
        %get3A_431 = tpu.vector_load %arg17[%get3A_429, %get3A_430] {strides = array<i32>} : memref<16x1024xf32, #tpu.memory_space<vmem>>, vector<1x16xf32>,
        %get3A_432 = vector.shape_cast %get3A_431 : vector<1x16xf32> to vector<16xf32>
        %mul3A_433 = arith.mulf %gather3A_179, %get3A_428 : vector<16xf32>
        %add3A_434 = arith.addf %gather3A_176, %mul3A_433 : vector<16xf32>
        %mul3A_435 = arith.mulf %gather3A_182, %get3A_432 : vector<16xf32>
        %mul3A_436 = arith.mulf %get3A_428, %get3A_432 : vector<16xf32>
        %mul3A_437 = arith.mulf %gather3A_185, %mul3A_436 : vector<16xf32>
        %add3A_438 = arith.addf %mul3A_435, %mul3A_437 : vector<16xf32>
        %add3A_439 = arith.addf %add3A_434, %add3A_438 : vector<16xf32>
        %swap3A_440 = arith.index_cast %scan3A_172 : i32 to index
        %swap3A_441 = arith.constant 192 : index
        %swap3A_442 = tpu.vector_load %arg18[%swap3A_440, %swap3A_441] {strides = array<i32>} : memref<16x1024xf32, #tpu.memory_space<vmem>>, vector<1x16xf32>,
        %swap3A_443 = vector.shape_cast %swap3A_442 : vector<1x16xf32> to vector<16xf32>
        %swap3A_444 = vector.shape_cast %add3A_439 : vector<16xf32> to vector<1x16xf32>
        tpu.vector_store %arg18[%swap3A_440, %swap3A_441], %swap3A_444 {strides = array<i32>} : memref<16x1024xf32, #tpu.memory_space<vmem>>, vector<1x16xf32>,
        %get3A_445 = arith.index_cast %scan3A_172 : i32 to index
        %get3A_446 = arith.constant 208 : index
        %get3A_447 = tpu.vector_load %arg16[%get3A_445, %get3A_446] {strides = array<i32>} : memref<16x1024xf32, #tpu.memory_space<vmem>>, vector<1x16xf32>,
        %get3A_448 = vector.shape_cast %get3A_447 : vector<1x16xf32> to vector<16xf32>
        %get3A_449 = arith.index_cast %scan3A_172 : i32 to index
        %get3A_450 = arith.constant 208 : index
        %get3A_451 = tpu.vector_load %arg17[%get3A_449, %get3A_450] {strides = array<i32>} : memref<16x1024xf32, #tpu.memory_space<vmem>>, vector<1x16xf32>,
        %get3A_452 = vector.shape_cast %get3A_451 : vector<1x16xf32> to vector<16xf32>
        %mul3A_453 = arith.mulf %gather3A_179, %get3A_448 : vector<16xf32>
        %add3A_454 = arith.addf %gather3A_176, %mul3A_453 : vector<16xf32>
        %mul3A_455 = arith.mulf %gather3A_182, %get3A_452 : vector<16xf32>
        %mul3A_456 = arith.mulf %get3A_448, %get3A_452 : vector<16xf32>
        %mul3A_457 = arith.mulf %gather3A_185, %mul3A_456 : vector<16xf32>
        %add3A_458 = arith.addf %mul3A_455, %mul3A_457 : vector<16xf32>
        %add3A_459 = arith.addf %add3A_454, %add3A_458 : vector<16xf32>
        %swap3A_460 = arith.index_cast %scan3A_172 : i32 to index
        %swap3A_461 = arith.constant 208 : index
        %swap3A_462 = tpu.vector_load %arg18[%swap3A_460, %swap3A_461] {strides = array<i32>} : memref<16x1024xf32, #tpu.memory_space<vmem>>, vector<1x16xf32>,
        %swap3A_463 = vector.shape_cast %swap3A_462 : vector<1x16xf32> to vector<16xf32>
        %swap3A_464 = vector.shape_cast %add3A_459 : vector<16xf32> to vector<1x16xf32>
        tpu.vector_store %arg18[%swap3A_460, %swap3A_461], %swap3A_464 {strides = array<i32>} : memref<16x1024xf32, #tpu.memory_space<vmem>>, vector<1x16xf32>,
        %get3A_465 = arith.index_cast %scan3A_172 : i32 to index
        %get3A_466 = arith.constant 224 : index
        %get3A_467 = tpu.vector_load %arg16[%get3A_465, %get3A_466] {strides = array<i32>} : memref<16x1024xf32, #tpu.memory_space<vmem>>, vector<1x16xf32>,
        %get3A_468 = vector.shape_cast %get3A_467 : vector<1x16xf32> to vector<16xf32>
        %get3A_469 = arith.index_cast %scan3A_172 : i32 to index
        %get3A_470 = arith.constant 224 : index
        %get3A_471 = tpu.vector_load %arg17[%get3A_469, %get3A_470] {strides = array<i32>} : memref<16x1024xf32, #tpu.memory_space<vmem>>, vector<1x16xf32>,
        %get3A_472 = vector.shape_cast %get3A_471 : vector<1x16xf32> to vector<16xf32>
        %mul3A_473 = arith.mulf %gather3A_179, %get3A_468 : vector<16xf32>
        %add3A_474 = arith.addf %gather3A_176, %mul3A_473 : vector<16xf32>
        %mul3A_475 = arith.mulf %gather3A_182, %get3A_472 : vector<16xf32>
        %mul3A_476 = arith.mulf %get3A_468, %get3A_472 : vector<16xf32>
        %mul3A_477 = arith.mulf %gather3A_185, %mul3A_476 : vector<16xf32>
        %add3A_478 = arith.addf %mul3A_475, %mul3A_477 : vector<16xf32>
        %add3A_479 = arith.addf %add3A_474, %add3A_478 : vector<16xf32>
        %swap3A_480 = arith.index_cast %scan3A_172 : i32 to index
        %swap3A_481 = arith.constant 224 : index
        %swap3A_482 = tpu.vector_load %arg18[%swap3A_480, %swap3A_481] {strides = array<i32>} : memref<16x1024xf32, #tpu.memory_space<vmem>>, vector<1x16xf32>,
        %swap3A_483 = vector.shape_cast %swap3A_482 : vector<1x16xf32> to vector<16xf32>
        %swap3A_484 = vector.shape_cast %add3A_479 : vector<16xf32> to vector<1x16xf32>
        tpu.vector_store %arg18[%swap3A_480, %swap3A_481], %swap3A_484 {strides = array<i32>} : memref<16x1024xf32, #tpu.memory_space<vmem>>, vector<1x16xf32>,
        %get3A_485 = arith.index_cast %scan3A_172 : i32 to index
        %get3A_486 = arith.constant 240 : index
        %get3A_487 = tpu.vector_load %arg16[%get3A_485, %get3A_486] {strides = array<i32>} : memref<16x1024xf32, #tpu.memory_space<vmem>>, vector<1x16xf32>,
        %get3A_488 = vector.shape_cast %get3A_487 : vector<1x16xf32> to vector<16xf32>
        %get3A_489 = arith.index_cast %scan3A_172 : i32 to index
        %get3A_490 = arith.constant 240 : index
        %get3A_491 = tpu.vector_load %arg17[%get3A_489, %get3A_490] {strides = array<i32>} : memref<16x1024xf32, #tpu.memory_space<vmem>>, vector<1x16xf32>,
        %get3A_492 = vector.shape_cast %get3A_491 : vector<1x16xf32> to vector<16xf32>
        %mul3A_493 = arith.mulf %gather3A_179, %get3A_488 : vector<16xf32>
        %add3A_494 = arith.addf %gather3A_176, %mul3A_493 : vector<16xf32>
        %mul3A_495 = arith.mulf %gather3A_182, %get3A_492 : vector<16xf32>
        %mul3A_496 = arith.mulf %get3A_488, %get3A_492 : vector<16xf32>
        %mul3A_497 = arith.mulf %gather3A_185, %mul3A_496 : vector<16xf32>
        %add3A_498 = arith.addf %mul3A_495, %mul3A_497 : vector<16xf32>
        %add3A_499 = arith.addf %add3A_494, %add3A_498 : vector<16xf32>
        %swap3A_500 = arith.index_cast %scan3A_172 : i32 to index
        %swap3A_501 = arith.constant 240 : index
        %swap3A_502 = tpu.vector_load %arg18[%swap3A_500, %swap3A_501] {strides = array<i32>} : memref<16x1024xf32, #tpu.memory_space<vmem>>, vector<1x16xf32>,
        %swap3A_503 = vector.shape_cast %swap3A_502 : vector<1x16xf32> to vector<16xf32>
        %swap3A_504 = vector.shape_cast %add3A_499 : vector<16xf32> to vector<1x16xf32>
        tpu.vector_store %arg18[%swap3A_500, %swap3A_501], %swap3A_504 {strides = array<i32>} : memref<16x1024xf32, #tpu.memory_space<vmem>>, vector<1x16xf32>,
        %get3A_505 = arith.index_cast %scan3A_172 : i32 to index
        %get3A_506 = arith.constant 256 : index
        %get3A_507 = tpu.vector_load %arg16[%get3A_505, %get3A_506] {strides = array<i32>} : memref<16x1024xf32, #tpu.memory_space<vmem>>, vector<1x16xf32>,
        %get3A_508 = vector.shape_cast %get3A_507 : vector<1x16xf32> to vector<16xf32>
        %get3A_509 = arith.index_cast %scan3A_172 : i32 to index
        %get3A_510 = arith.constant 256 : index
        %get3A_511 = tpu.vector_load %arg17[%get3A_509, %get3A_510] {strides = array<i32>} : memref<16x1024xf32, #tpu.memory_space<vmem>>, vector<1x16xf32>,
        %get3A_512 = vector.shape_cast %get3A_511 : vector<1x16xf32> to vector<16xf32>
        %mul3A_513 = arith.mulf %gather3A_179, %get3A_508 : vector<16xf32>
        %add3A_514 = arith.addf %gather3A_176, %mul3A_513 : vector<16xf32>
        %mul3A_515 = arith.mulf %gather3A_182, %get3A_512 : vector<16xf32>
        %mul3A_516 = arith.mulf %get3A_508, %get3A_512 : vector<16xf32>
        %mul3A_517 = arith.mulf %gather3A_185, %mul3A_516 : vector<16xf32>
        %add3A_518 = arith.addf %mul3A_515, %mul3A_517 : vector<16xf32>
        %add3A_519 = arith.addf %add3A_514, %add3A_518 : vector<16xf32>
        %swap3A_520 = arith.index_cast %scan3A_172 : i32 to index
        %swap3A_521 = arith.constant 256 : index
        %swap3A_522 = tpu.vector_load %arg18[%swap3A_520, %swap3A_521] {strides = array<i32>} : memref<16x1024xf32, #tpu.memory_space<vmem>>, vector<1x16xf32>,
        %swap3A_523 = vector.shape_cast %swap3A_522 : vector<1x16xf32> to vector<16xf32>
        %swap3A_524 = vector.shape_cast %add3A_519 : vector<16xf32> to vector<1x16xf32>
        tpu.vector_store %arg18[%swap3A_520, %swap3A_521], %swap3A_524 {strides = array<i32>} : memref<16x1024xf32, #tpu.memory_space<vmem>>, vector<1x16xf32>,
        %get3A_525 = arith.index_cast %scan3A_172 : i32 to index
        %get3A_526 = arith.constant 272 : index
        %get3A_527 = tpu.vector_load %arg16[%get3A_525, %get3A_526] {strides = array<i32>} : memref<16x1024xf32, #tpu.memory_space<vmem>>, vector<1x16xf32>,
        %get3A_528 = vector.shape_cast %get3A_527 : vector<1x16xf32> to vector<16xf32>
        %get3A_529 = arith.index_cast %scan3A_172 : i32 to index
        %get3A_530 = arith.constant 272 : index
        %get3A_531 = tpu.vector_load %arg17[%get3A_529, %get3A_530] {strides = array<i32>} : memref<16x1024xf32, #tpu.memory_space<vmem>>, vector<1x16xf32>,
        %get3A_532 = vector.shape_cast %get3A_531 : vector<1x16xf32> to vector<16xf32>
        %mul3A_533 = arith.mulf %gather3A_179, %get3A_528 : vector<16xf32>
        %add3A_534 = arith.addf %gather3A_176, %mul3A_533 : vector<16xf32>
        %mul3A_535 = arith.mulf %gather3A_182, %get3A_532 : vector<16xf32>
        %mul3A_536 = arith.mulf %get3A_528, %get3A_532 : vector<16xf32>
        %mul3A_537 = arith.mulf %gather3A_185, %mul3A_536 : vector<16xf32>
        %add3A_538 = arith.addf %mul3A_535, %mul3A_537 : vector<16xf32>
        %add3A_539 = arith.addf %add3A_534, %add3A_538 : vector<16xf32>
        %swap3A_540 = arith.index_cast %scan3A_172 : i32 to index
        %swap3A_541 = arith.constant 272 : index
        %swap3A_542 = tpu.vector_load %arg18[%swap3A_540, %swap3A_541] {strides = array<i32>} : memref<16x1024xf32, #tpu.memory_space<vmem>>, vector<1x16xf32>,
        %swap3A_543 = vector.shape_cast %swap3A_542 : vector<1x16xf32> to vector<16xf32>
        %swap3A_544 = vector.shape_cast %add3A_539 : vector<16xf32> to vector<1x16xf32>
        tpu.vector_store %arg18[%swap3A_540, %swap3A_541], %swap3A_544 {strides = array<i32>} : memref<16x1024xf32, #tpu.memory_space<vmem>>, vector<1x16xf32>,
        %get3A_545 = arith.index_cast %scan3A_172 : i32 to index
        %get3A_546 = arith.constant 288 : index
        %get3A_547 = tpu.vector_load %arg16[%get3A_545, %get3A_546] {strides = array<i32>} : memref<16x1024xf32, #tpu.memory_space<vmem>>, vector<1x16xf32>,
        %get3A_548 = vector.shape_cast %get3A_547 : vector<1x16xf32> to vector<16xf32>
        %get3A_549 = arith.index_cast %scan3A_172 : i32 to index
        %get3A_550 = arith.constant 288 : index
        %get3A_551 = tpu.vector_load %arg17[%get3A_549, %get3A_550] {strides = array<i32>} : memref<16x1024xf32, #tpu.memory_space<vmem>>, vector<1x16xf32>,
        %get3A_552 = vector.shape_cast %get3A_551 : vector<1x16xf32> to vector<16xf32>
        %mul3A_553 = arith.mulf %gather3A_179, %get3A_548 : vector<16xf32>
        %add3A_554 = arith.addf %gather3A_176, %mul3A_553 : vector<16xf32>
        %mul3A_555 = arith.mulf %gather3A_182, %get3A_552 : vector<16xf32>
        %mul3A_556 = arith.mulf %get3A_548, %get3A_552 : vector<16xf32>
        %mul3A_557 = arith.mulf %gather3A_185, %mul3A_556 : vector<16xf32>
        %add3A_558 = arith.addf %mul3A_555, %mul3A_557 : vector<16xf32>
        %add3A_559 = arith.addf %add3A_554, %add3A_558 : vector<16xf32>
        %swap3A_560 = arith.index_cast %scan3A_172 : i32 to index
        %swap3A_561 = arith.constant 288 : index
        %swap3A_562 = tpu.vector_load %arg18[%swap3A_560, %swap3A_561] {strides = array<i32>} : memref<16x1024xf32, #tpu.memory_space<vmem>>, vector<1x16xf32>,
        %swap3A_563 = vector.shape_cast %swap3A_562 : vector<1x16xf32> to vector<16xf32>
        %swap3A_564 = vector.shape_cast %add3A_559 : vector<16xf32> to vector<1x16xf32>
        tpu.vector_store %arg18[%swap3A_560, %swap3A_561], %swap3A_564 {strides = array<i32>} : memref<16x1024xf32, #tpu.memory_space<vmem>>, vector<1x16xf32>,
        %get3A_565 = arith.index_cast %scan3A_172 : i32 to index
        %get3A_566 = arith.constant 304 : index
        %get3A_567 = tpu.vector_load %arg16[%get3A_565, %get3A_566] {strides = array<i32>} : memref<16x1024xf32, #tpu.memory_space<vmem>>, vector<1x16xf32>,
        %get3A_568 = vector.shape_cast %get3A_567 : vector<1x16xf32> to vector<16xf32>
        %get3A_569 = arith.index_cast %scan3A_172 : i32 to index
        %get3A_570 = arith.constant 304 : index
        %get3A_571 = tpu.vector_load %arg17[%get3A_569, %get3A_570] {strides = array<i32>} : memref<16x1024xf32, #tpu.memory_space<vmem>>, vector<1x16xf32>,
        %get3A_572 = vector.shape_cast %get3A_571 : vector<1x16xf32> to vector<16xf32>
        %mul3A_573 = arith.mulf %gather3A_179, %get3A_568 : vector<16xf32>
        %add3A_574 = arith.addf %gather3A_176, %mul3A_573 : vector<16xf32>
        %mul3A_575 = arith.mulf %gather3A_182, %get3A_572 : vector<16xf32>
        %mul3A_576 = arith.mulf %get3A_568, %get3A_572 : vector<16xf32>
        %mul3A_577 = arith.mulf %gather3A_185, %mul3A_576 : vector<16xf32>
        %add3A_578 = arith.addf %mul3A_575, %mul3A_577 : vector<16xf32>
        %add3A_579 = arith.addf %add3A_574, %add3A_578 : vector<16xf32>
        %swap3A_580 = arith.index_cast %scan3A_172 : i32 to index
        %swap3A_581 = arith.constant 304 : index
        %swap3A_582 = tpu.vector_load %arg18[%swap3A_580, %swap3A_581] {strides = array<i32>} : memref<16x1024xf32, #tpu.memory_space<vmem>>, vector<1x16xf32>,
        %swap3A_583 = vector.shape_cast %swap3A_582 : vector<1x16xf32> to vector<16xf32>
        %swap3A_584 = vector.shape_cast %add3A_579 : vector<16xf32> to vector<1x16xf32>
        tpu.vector_store %arg18[%swap3A_580, %swap3A_581], %swap3A_584 {strides = array<i32>} : memref<16x1024xf32, #tpu.memory_space<vmem>>, vector<1x16xf32>,
        %get3A_585 = arith.index_cast %scan3A_172 : i32 to index
        %get3A_586 = arith.constant 320 : index
        %get3A_587 = tpu.vector_load %arg16[%get3A_585, %get3A_586] {strides = array<i32>} : memref<16x1024xf32, #tpu.memory_space<vmem>>, vector<1x16xf32>,
        %get3A_588 = vector.shape_cast %get3A_587 : vector<1x16xf32> to vector<16xf32>
        %get3A_589 = arith.index_cast %scan3A_172 : i32 to index
        %get3A_590 = arith.constant 320 : index
        %get3A_591 = tpu.vector_load %arg17[%get3A_589, %get3A_590] {strides = array<i32>} : memref<16x1024xf32, #tpu.memory_space<vmem>>, vector<1x16xf32>,
        %get3A_592 = vector.shape_cast %get3A_591 : vector<1x16xf32> to vector<16xf32>
        %mul3A_593 = arith.mulf %gather3A_179, %get3A_588 : vector<16xf32>
        %add3A_594 = arith.addf %gather3A_176, %mul3A_593 : vector<16xf32>
        %mul3A_595 = arith.mulf %gather3A_182, %get3A_592 : vector<16xf32>
        %mul3A_596 = arith.mulf %get3A_588, %get3A_592 : vector<16xf32>
        %mul3A_597 = arith.mulf %gather3A_185, %mul3A_596 : vector<16xf32>
        %add3A_598 = arith.addf %mul3A_595, %mul3A_597 : vector<16xf32>
        %add3A_599 = arith.addf %add3A_594, %add3A_598 : vector<16xf32>
        %swap3A_600 = arith.index_cast %scan3A_172 : i32 to index
        %swap3A_601 = arith.constant 320 : index
        %swap3A_602 = tpu.vector_load %arg18[%swap3A_600, %swap3A_601] {strides = array<i32>} : memref<16x1024xf32, #tpu.memory_space<vmem>>, vector<1x16xf32>,
        %swap3A_603 = vector.shape_cast %swap3A_602 : vector<1x16xf32> to vector<16xf32>
        %swap3A_604 = vector.shape_cast %add3A_599 : vector<16xf32> to vector<1x16xf32>
        tpu.vector_store %arg18[%swap3A_600, %swap3A_601], %swap3A_604 {strides = array<i32>} : memref<16x1024xf32, #tpu.memory_space<vmem>>, vector<1x16xf32>,
        %get3A_605 = arith.index_cast %scan3A_172 : i32 to index
        %get3A_606 = arith.constant 336 : index
        %get3A_607 = tpu.vector_load %arg16[%get3A_605, %get3A_606] {strides = array<i32>} : memref<16x1024xf32, #tpu.memory_space<vmem>>, vector<1x16xf32>,
        %get3A_608 = vector.shape_cast %get3A_607 : vector<1x16xf32> to vector<16xf32>
        %get3A_609 = arith.index_cast %scan3A_172 : i32 to index
        %get3A_610 = arith.constant 336 : index
        %get3A_611 = tpu.vector_load %arg17[%get3A_609, %get3A_610] {strides = array<i32>} : memref<16x1024xf32, #tpu.memory_space<vmem>>, vector<1x16xf32>,
        %get3A_612 = vector.shape_cast %get3A_611 : vector<1x16xf32> to vector<16xf32>
        %mul3A_613 = arith.mulf %gather3A_179, %get3A_608 : vector<16xf32>
        %add3A_614 = arith.addf %gather3A_176, %mul3A_613 : vector<16xf32>
        %mul3A_615 = arith.mulf %gather3A_182, %get3A_612 : vector<16xf32>
        %mul3A_616 = arith.mulf %get3A_608, %get3A_612 : vector<16xf32>
        %mul3A_617 = arith.mulf %gather3A_185, %mul3A_616 : vector<16xf32>
        %add3A_618 = arith.addf %mul3A_615, %mul3A_617 : vector<16xf32>
        %add3A_619 = arith.addf %add3A_614, %add3A_618 : vector<16xf32>
        %swap3A_620 = arith.index_cast %scan3A_172 : i32 to index
        %swap3A_621 = arith.constant 336 : index
        %swap3A_622 = tpu.vector_load %arg18[%swap3A_620, %swap3A_621] {strides = array<i32>} : memref<16x1024xf32, #tpu.memory_space<vmem>>, vector<1x16xf32>,
        %swap3A_623 = vector.shape_cast %swap3A_622 : vector<1x16xf32> to vector<16xf32>
        %swap3A_624 = vector.shape_cast %add3A_619 : vector<16xf32> to vector<1x16xf32>
        tpu.vector_store %arg18[%swap3A_620, %swap3A_621], %swap3A_624 {strides = array<i32>} : memref<16x1024xf32, #tpu.memory_space<vmem>>, vector<1x16xf32>,
        %get3A_625 = arith.index_cast %scan3A_172 : i32 to index
        %get3A_626 = arith.constant 352 : index
        %get3A_627 = tpu.vector_load %arg16[%get3A_625, %get3A_626] {strides = array<i32>} : memref<16x1024xf32, #tpu.memory_space<vmem>>, vector<1x16xf32>,
        %get3A_628 = vector.shape_cast %get3A_627 : vector<1x16xf32> to vector<16xf32>
        %get3A_629 = arith.index_cast %scan3A_172 : i32 to index
        %get3A_630 = arith.constant 352 : index
        %get3A_631 = tpu.vector_load %arg17[%get3A_629, %get3A_630] {strides = array<i32>} : memref<16x1024xf32, #tpu.memory_space<vmem>>, vector<1x16xf32>,
        %get3A_632 = vector.shape_cast %get3A_631 : vector<1x16xf32> to vector<16xf32>
        %mul3A_633 = arith.mulf %gather3A_179, %get3A_628 : vector<16xf32>
        %add3A_634 = arith.addf %gather3A_176, %mul3A_633 : vector<16xf32>
        %mul3A_635 = arith.mulf %gather3A_182, %get3A_632 : vector<16xf32>
        %mul3A_636 = arith.mulf %get3A_628, %get3A_632 : vector<16xf32>
        %mul3A_637 = arith.mulf %gather3A_185, %mul3A_636 : vector<16xf32>
        %add3A_638 = arith.addf %mul3A_635, %mul3A_637 : vector<16xf32>
        %add3A_639 = arith.addf %add3A_634, %add3A_638 : vector<16xf32>
        %swap3A_640 = arith.index_cast %scan3A_172 : i32 to index
        %swap3A_641 = arith.constant 352 : index
        %swap3A_642 = tpu.vector_load %arg18[%swap3A_640, %swap3A_641] {strides = array<i32>} : memref<16x1024xf32, #tpu.memory_space<vmem>>, vector<1x16xf32>,
        %swap3A_643 = vector.shape_cast %swap3A_642 : vector<1x16xf32> to vector<16xf32>
        %swap3A_644 = vector.shape_cast %add3A_639 : vector<16xf32> to vector<1x16xf32>
        tpu.vector_store %arg18[%swap3A_640, %swap3A_641], %swap3A_644 {strides = array<i32>} : memref<16x1024xf32, #tpu.memory_space<vmem>>, vector<1x16xf32>,
        %get3A_645 = arith.index_cast %scan3A_172 : i32 to index
        %get3A_646 = arith.constant 368 : index
        %get3A_647 = tpu.vector_load %arg16[%get3A_645, %get3A_646] {strides = array<i32>} : memref<16x1024xf32, #tpu.memory_space<vmem>>, vector<1x16xf32>,
        %get3A_648 = vector.shape_cast %get3A_647 : vector<1x16xf32> to vector<16xf32>
        %get3A_649 = arith.index_cast %scan3A_172 : i32 to index
        %get3A_650 = arith.constant 368 : index
        %get3A_651 = tpu.vector_load %arg17[%get3A_649, %get3A_650] {strides = array<i32>} : memref<16x1024xf32, #tpu.memory_space<vmem>>, vector<1x16xf32>,
        %get3A_652 = vector.shape_cast %get3A_651 : vector<1x16xf32> to vector<16xf32>
        %mul3A_653 = arith.mulf %gather3A_179, %get3A_648 : vector<16xf32>
        %add3A_654 = arith.addf %gather3A_176, %mul3A_653 : vector<16xf32>
        %mul3A_655 = arith.mulf %gather3A_182, %get3A_652 : vector<16xf32>
        %mul3A_656 = arith.mulf %get3A_648, %get3A_652 : vector<16xf32>
        %mul3A_657 = arith.mulf %gather3A_185, %mul3A_656 : vector<16xf32>
        %add3A_658 = arith.addf %mul3A_655, %mul3A_657 : vector<16xf32>
        %add3A_659 = arith.addf %add3A_654, %add3A_658 : vector<16xf32>
        %swap3A_660 = arith.index_cast %scan3A_172 : i32 to index
        %swap3A_661 = arith.constant 368 : index
        %swap3A_662 = tpu.vector_load %arg18[%swap3A_660, %swap3A_661] {strides = array<i32>} : memref<16x1024xf32, #tpu.memory_space<vmem>>, vector<1x16xf32>,
        %swap3A_663 = vector.shape_cast %swap3A_662 : vector<1x16xf32> to vector<16xf32>
        %swap3A_664 = vector.shape_cast %add3A_659 : vector<16xf32> to vector<1x16xf32>
        tpu.vector_store %arg18[%swap3A_660, %swap3A_661], %swap3A_664 {strides = array<i32>} : memref<16x1024xf32, #tpu.memory_space<vmem>>, vector<1x16xf32>,
        %get3A_665 = arith.index_cast %scan3A_172 : i32 to index
        %get3A_666 = arith.constant 384 : index
        %get3A_667 = tpu.vector_load %arg16[%get3A_665, %get3A_666] {strides = array<i32>} : memref<16x1024xf32, #tpu.memory_space<vmem>>, vector<1x16xf32>,
        %get3A_668 = vector.shape_cast %get3A_667 : vector<1x16xf32> to vector<16xf32>
        %get3A_669 = arith.index_cast %scan3A_172 : i32 to index
        %get3A_670 = arith.constant 384 : index
        %get3A_671 = tpu.vector_load %arg17[%get3A_669, %get3A_670] {strides = array<i32>} : memref<16x1024xf32, #tpu.memory_space<vmem>>, vector<1x16xf32>,
        %get3A_672 = vector.shape_cast %get3A_671 : vector<1x16xf32> to vector<16xf32>
        %mul3A_673 = arith.mulf %gather3A_179, %get3A_668 : vector<16xf32>
        %add3A_674 = arith.addf %gather3A_176, %mul3A_673 : vector<16xf32>
        %mul3A_675 = arith.mulf %gather3A_182, %get3A_672 : vector<16xf32>
        %mul3A_676 = arith.mulf %get3A_668, %get3A_672 : vector<16xf32>
        %mul3A_677 = arith.mulf %gather3A_185, %mul3A_676 : vector<16xf32>
        %add3A_678 = arith.addf %mul3A_675, %mul3A_677 : vector<16xf32>
        %add3A_679 = arith.addf %add3A_674, %add3A_678 : vector<16xf32>
        %swap3A_680 = arith.index_cast %scan3A_172 : i32 to index
        %swap3A_681 = arith.constant 384 : index
        %swap3A_682 = tpu.vector_load %arg18[%swap3A_680, %swap3A_681] {strides = array<i32>} : memref<16x1024xf32, #tpu.memory_space<vmem>>, vector<1x16xf32>,
        %swap3A_683 = vector.shape_cast %swap3A_682 : vector<1x16xf32> to vector<16xf32>
        %swap3A_684 = vector.shape_cast %add3A_679 : vector<16xf32> to vector<1x16xf32>
        tpu.vector_store %arg18[%swap3A_680, %swap3A_681], %swap3A_684 {strides = array<i32>} : memref<16x1024xf32, #tpu.memory_space<vmem>>, vector<1x16xf32>,
        %get3A_685 = arith.index_cast %scan3A_172 : i32 to index
        %get3A_686 = arith.constant 400 : index
        %get3A_687 = tpu.vector_load %arg16[%get3A_685, %get3A_686] {strides = array<i32>} : memref<16x1024xf32, #tpu.memory_space<vmem>>, vector<1x16xf32>,
        %get3A_688 = vector.shape_cast %get3A_687 : vector<1x16xf32> to vector<16xf32>
        %get3A_689 = arith.index_cast %scan3A_172 : i32 to index
        %get3A_690 = arith.constant 400 : index
        %get3A_691 = tpu.vector_load %arg17[%get3A_689, %get3A_690] {strides = array<i32>} : memref<16x1024xf32, #tpu.memory_space<vmem>>, vector<1x16xf32>,
        %get3A_692 = vector.shape_cast %get3A_691 : vector<1x16xf32> to vector<16xf32>
        %mul3A_693 = arith.mulf %gather3A_179, %get3A_688 : vector<16xf32>
        %add3A_694 = arith.addf %gather3A_176, %mul3A_693 : vector<16xf32>
        %mul3A_695 = arith.mulf %gather3A_182, %get3A_692 : vector<16xf32>
        %mul3A_696 = arith.mulf %get3A_688, %get3A_692 : vector<16xf32>
        %mul3A_697 = arith.mulf %gather3A_185, %mul3A_696 : vector<16xf32>
        %add3A_698 = arith.addf %mul3A_695, %mul3A_697 : vector<16xf32>
        %add3A_699 = arith.addf %add3A_694, %add3A_698 : vector<16xf32>
        %swap3A_700 = arith.index_cast %scan3A_172 : i32 to index
        %swap3A_701 = arith.constant 400 : index
        %swap3A_702 = tpu.vector_load %arg18[%swap3A_700, %swap3A_701] {strides = array<i32>} : memref<16x1024xf32, #tpu.memory_space<vmem>>, vector<1x16xf32>,
        %swap3A_703 = vector.shape_cast %swap3A_702 : vector<1x16xf32> to vector<16xf32>
        %swap3A_704 = vector.shape_cast %add3A_699 : vector<16xf32> to vector<1x16xf32>
        tpu.vector_store %arg18[%swap3A_700, %swap3A_701], %swap3A_704 {strides = array<i32>} : memref<16x1024xf32, #tpu.memory_space<vmem>>, vector<1x16xf32>,
        %get3A_705 = arith.index_cast %scan3A_172 : i32 to index
        %get3A_706 = arith.constant 416 : index
        %get3A_707 = tpu.vector_load %arg16[%get3A_705, %get3A_706] {strides = array<i32>} : memref<16x1024xf32, #tpu.memory_space<vmem>>, vector<1x16xf32>,
        %get3A_708 = vector.shape_cast %get3A_707 : vector<1x16xf32> to vector<16xf32>
        %get3A_709 = arith.index_cast %scan3A_172 : i32 to index
        %get3A_710 = arith.constant 416 : index
        %get3A_711 = tpu.vector_load %arg17[%get3A_709, %get3A_710] {strides = array<i32>} : memref<16x1024xf32, #tpu.memory_space<vmem>>, vector<1x16xf32>,
        %get3A_712 = vector.shape_cast %get3A_711 : vector<1x16xf32> to vector<16xf32>
        %mul3A_713 = arith.mulf %gather3A_179, %get3A_708 : vector<16xf32>
        %add3A_714 = arith.addf %gather3A_176, %mul3A_713 : vector<16xf32>
        %mul3A_715 = arith.mulf %gather3A_182, %get3A_712 : vector<16xf32>
        %mul3A_716 = arith.mulf %get3A_708, %get3A_712 : vector<16xf32>
        %mul3A_717 = arith.mulf %gather3A_185, %mul3A_716 : vector<16xf32>
        %add3A_718 = arith.addf %mul3A_715, %mul3A_717 : vector<16xf32>
        %add3A_719 = arith.addf %add3A_714, %add3A_718 : vector<16xf32>
        %swap3A_720 = arith.index_cast %scan3A_172 : i32 to index
        %swap3A_721 = arith.constant 416 : index
        %swap3A_722 = tpu.vector_load %arg18[%swap3A_720, %swap3A_721] {strides = array<i32>} : memref<16x1024xf32, #tpu.memory_space<vmem>>, vector<1x16xf32>,
        %swap3A_723 = vector.shape_cast %swap3A_722 : vector<1x16xf32> to vector<16xf32>
        %swap3A_724 = vector.shape_cast %add3A_719 : vector<16xf32> to vector<1x16xf32>
        tpu.vector_store %arg18[%swap3A_720, %swap3A_721], %swap3A_724 {strides = array<i32>} : memref<16x1024xf32, #tpu.memory_space<vmem>>, vector<1x16xf32>,
        %get3A_725 = arith.index_cast %scan3A_172 : i32 to index
        %get3A_726 = arith.constant 432 : index
        %get3A_727 = tpu.vector_load %arg16[%get3A_725, %get3A_726] {strides = array<i32>} : memref<16x1024xf32, #tpu.memory_space<vmem>>, vector<1x16xf32>,
        %get3A_728 = vector.shape_cast %get3A_727 : vector<1x16xf32> to vector<16xf32>
        %get3A_729 = arith.index_cast %scan3A_172 : i32 to index
        %get3A_730 = arith.constant 432 : index
        %get3A_731 = tpu.vector_load %arg17[%get3A_729, %get3A_730] {strides = array<i32>} : memref<16x1024xf32, #tpu.memory_space<vmem>>, vector<1x16xf32>,
        %get3A_732 = vector.shape_cast %get3A_731 : vector<1x16xf32> to vector<16xf32>
        %mul3A_733 = arith.mulf %gather3A_179, %get3A_728 : vector<16xf32>
        %add3A_734 = arith.addf %gather3A_176, %mul3A_733 : vector<16xf32>
        %mul3A_735 = arith.mulf %gather3A_182, %get3A_732 : vector<16xf32>
        %mul3A_736 = arith.mulf %get3A_728, %get3A_732 : vector<16xf32>
        %mul3A_737 = arith.mulf %gather3A_185, %mul3A_736 : vector<16xf32>
        %add3A_738 = arith.addf %mul3A_735, %mul3A_737 : vector<16xf32>
        %add3A_739 = arith.addf %add3A_734, %add3A_738 : vector<16xf32>
        %swap3A_740 = arith.index_cast %scan3A_172 : i32 to index
        %swap3A_741 = arith.constant 432 : index
        %swap3A_742 = tpu.vector_load %arg18[%swap3A_740, %swap3A_741] {strides = array<i32>} : memref<16x1024xf32, #tpu.memory_space<vmem>>, vector<1x16xf32>,
        %swap3A_743 = vector.shape_cast %swap3A_742 : vector<1x16xf32> to vector<16xf32>
        %swap3A_744 = vector.shape_cast %add3A_739 : vector<16xf32> to vector<1x16xf32>
        tpu.vector_store %arg18[%swap3A_740, %swap3A_741], %swap3A_744 {strides = array<i32>} : memref<16x1024xf32, #tpu.memory_space<vmem>>, vector<1x16xf32>,
        %get3A_745 = arith.index_cast %scan3A_172 : i32 to index
        %get3A_746 = arith.constant 448 : index
        %get3A_747 = tpu.vector_load %arg16[%get3A_745, %get3A_746] {strides = array<i32>} : memref<16x1024xf32, #tpu.memory_space<vmem>>, vector<1x16xf32>,
        %get3A_748 = vector.shape_cast %get3A_747 : vector<1x16xf32> to vector<16xf32>
        %get3A_749 = arith.index_cast %scan3A_172 : i32 to index
        %get3A_750 = arith.constant 448 : index
        %get3A_751 = tpu.vector_load %arg17[%get3A_749, %get3A_750] {strides = array<i32>} : memref<16x1024xf32, #tpu.memory_space<vmem>>, vector<1x16xf32>,
        %get3A_752 = vector.shape_cast %get3A_751 : vector<1x16xf32> to vector<16xf32>
        %mul3A_753 = arith.mulf %gather3A_179, %get3A_748 : vector<16xf32>
        %add3A_754 = arith.addf %gather3A_176, %mul3A_753 : vector<16xf32>
        %mul3A_755 = arith.mulf %gather3A_182, %get3A_752 : vector<16xf32>
        %mul3A_756 = arith.mulf %get3A_748, %get3A_752 : vector<16xf32>
        %mul3A_757 = arith.mulf %gather3A_185, %mul3A_756 : vector<16xf32>
        %add3A_758 = arith.addf %mul3A_755, %mul3A_757 : vector<16xf32>
        %add3A_759 = arith.addf %add3A_754, %add3A_758 : vector<16xf32>
        %swap3A_760 = arith.index_cast %scan3A_172 : i32 to index
        %swap3A_761 = arith.constant 448 : index
        %swap3A_762 = tpu.vector_load %arg18[%swap3A_760, %swap3A_761] {strides = array<i32>} : memref<16x1024xf32, #tpu.memory_space<vmem>>, vector<1x16xf32>,
        %swap3A_763 = vector.shape_cast %swap3A_762 : vector<1x16xf32> to vector<16xf32>
        %swap3A_764 = vector.shape_cast %add3A_759 : vector<16xf32> to vector<1x16xf32>
        tpu.vector_store %arg18[%swap3A_760, %swap3A_761], %swap3A_764 {strides = array<i32>} : memref<16x1024xf32, #tpu.memory_space<vmem>>, vector<1x16xf32>,
        %get3A_765 = arith.index_cast %scan3A_172 : i32 to index
        %get3A_766 = arith.constant 464 : index
        %get3A_767 = tpu.vector_load %arg16[%get3A_765, %get3A_766] {strides = array<i32>} : memref<16x1024xf32, #tpu.memory_space<vmem>>, vector<1x16xf32>,
        %get3A_768 = vector.shape_cast %get3A_767 : vector<1x16xf32> to vector<16xf32>
        %get3A_769 = arith.index_cast %scan3A_172 : i32 to index
        %get3A_770 = arith.constant 464 : index
        %get3A_771 = tpu.vector_load %arg17[%get3A_769, %get3A_770] {strides = array<i32>} : memref<16x1024xf32, #tpu.memory_space<vmem>>, vector<1x16xf32>,
        %get3A_772 = vector.shape_cast %get3A_771 : vector<1x16xf32> to vector<16xf32>
        %mul3A_773 = arith.mulf %gather3A_179, %get3A_768 : vector<16xf32>
        %add3A_774 = arith.addf %gather3A_176, %mul3A_773 : vector<16xf32>
        %mul3A_775 = arith.mulf %gather3A_182, %get3A_772 : vector<16xf32>
        %mul3A_776 = arith.mulf %get3A_768, %get3A_772 : vector<16xf32>
        %mul3A_777 = arith.mulf %gather3A_185, %mul3A_776 : vector<16xf32>
        %add3A_778 = arith.addf %mul3A_775, %mul3A_777 : vector<16xf32>
        %add3A_779 = arith.addf %add3A_774, %add3A_778 : vector<16xf32>
        %swap3A_780 = arith.index_cast %scan3A_172 : i32 to index
        %swap3A_781 = arith.constant 464 : index
        %swap3A_782 = tpu.vector_load %arg18[%swap3A_780, %swap3A_781] {strides = array<i32>} : memref<16x1024xf32, #tpu.memory_space<vmem>>, vector<1x16xf32>,
        %swap3A_783 = vector.shape_cast %swap3A_782 : vector<1x16xf32> to vector<16xf32>
        %swap3A_784 = vector.shape_cast %add3A_779 : vector<16xf32> to vector<1x16xf32>
        tpu.vector_store %arg18[%swap3A_780, %swap3A_781], %swap3A_784 {strides = array<i32>} : memref<16x1024xf32, #tpu.memory_space<vmem>>, vector<1x16xf32>,
        %get3A_785 = arith.index_cast %scan3A_172 : i32 to index
        %get3A_786 = arith.constant 480 : index
        %get3A_787 = tpu.vector_load %arg16[%get3A_785, %get3A_786] {strides = array<i32>} : memref<16x1024xf32, #tpu.memory_space<vmem>>, vector<1x16xf32>,
        %get3A_788 = vector.shape_cast %get3A_787 : vector<1x16xf32> to vector<16xf32>
        %get3A_789 = arith.index_cast %scan3A_172 : i32 to index
        %get3A_790 = arith.constant 480 : index
        %get3A_791 = tpu.vector_load %arg17[%get3A_789, %get3A_790] {strides = array<i32>} : memref<16x1024xf32, #tpu.memory_space<vmem>>, vector<1x16xf32>,
        %get3A_792 = vector.shape_cast %get3A_791 : vector<1x16xf32> to vector<16xf32>
        %mul3A_793 = arith.mulf %gather3A_179, %get3A_788 : vector<16xf32>
        %add3A_794 = arith.addf %gather3A_176, %mul3A_793 : vector<16xf32>
        %mul3A_795 = arith.mulf %gather3A_182, %get3A_792 : vector<16xf32>
        %mul3A_796 = arith.mulf %get3A_788, %get3A_792 : vector<16xf32>
        %mul3A_797 = arith.mulf %gather3A_185, %mul3A_796 : vector<16xf32>
        %add3A_798 = arith.addf %mul3A_795, %mul3A_797 : vector<16xf32>
        %add3A_799 = arith.addf %add3A_794, %add3A_798 : vector<16xf32>
        %swap3A_800 = arith.index_cast %scan3A_172 : i32 to index
        %swap3A_801 = arith.constant 480 : index
        %swap3A_802 = tpu.vector_load %arg18[%swap3A_800, %swap3A_801] {strides = array<i32>} : memref<16x1024xf32, #tpu.memory_space<vmem>>, vector<1x16xf32>,
        %swap3A_803 = vector.shape_cast %swap3A_802 : vector<1x16xf32> to vector<16xf32>
        %swap3A_804 = vector.shape_cast %add3A_799 : vector<16xf32> to vector<1x16xf32>
        tpu.vector_store %arg18[%swap3A_800, %swap3A_801], %swap3A_804 {strides = array<i32>} : memref<16x1024xf32, #tpu.memory_space<vmem>>, vector<1x16xf32>,
        %get3A_805 = arith.index_cast %scan3A_172 : i32 to index
        %get3A_806 = arith.constant 496 : index
        %get3A_807 = tpu.vector_load %arg16[%get3A_805, %get3A_806] {strides = array<i32>} : memref<16x1024xf32, #tpu.memory_space<vmem>>, vector<1x16xf32>,
        %get3A_808 = vector.shape_cast %get3A_807 : vector<1x16xf32> to vector<16xf32>
        %get3A_809 = arith.index_cast %scan3A_172 : i32 to index
        %get3A_810 = arith.constant 496 : index
        %get3A_811 = tpu.vector_load %arg17[%get3A_809, %get3A_810] {strides = array<i32>} : memref<16x1024xf32, #tpu.memory_space<vmem>>, vector<1x16xf32>,
        %get3A_812 = vector.shape_cast %get3A_811 : vector<1x16xf32> to vector<16xf32>
        %mul3A_813 = arith.mulf %gather3A_179, %get3A_808 : vector<16xf32>
        %add3A_814 = arith.addf %gather3A_176, %mul3A_813 : vector<16xf32>
        %mul3A_815 = arith.mulf %gather3A_182, %get3A_812 : vector<16xf32>
        %mul3A_816 = arith.mulf %get3A_808, %get3A_812 : vector<16xf32>
        %mul3A_817 = arith.mulf %gather3A_185, %mul3A_816 : vector<16xf32>
        %add3A_818 = arith.addf %mul3A_815, %mul3A_817 : vector<16xf32>
        %add3A_819 = arith.addf %add3A_814, %add3A_818 : vector<16xf32>
        %swap3A_820 = arith.index_cast %scan3A_172 : i32 to index
        %swap3A_821 = arith.constant 496 : index
        %swap3A_822 = tpu.vector_load %arg18[%swap3A_820, %swap3A_821] {strides = array<i32>} : memref<16x1024xf32, #tpu.memory_space<vmem>>, vector<1x16xf32>,
        %swap3A_823 = vector.shape_cast %swap3A_822 : vector<1x16xf32> to vector<16xf32>
        %swap3A_824 = vector.shape_cast %add3A_819 : vector<16xf32> to vector<1x16xf32>
        tpu.vector_store %arg18[%swap3A_820, %swap3A_821], %swap3A_824 {strides = array<i32>} : memref<16x1024xf32, #tpu.memory_space<vmem>>, vector<1x16xf32>,
        %get3A_825 = arith.index_cast %scan3A_172 : i32 to index
        %get3A_826 = arith.constant 512 : index
        %get3A_827 = tpu.vector_load %arg16[%get3A_825, %get3A_826] {strides = array<i32>} : memref<16x1024xf32, #tpu.memory_space<vmem>>, vector<1x16xf32>,
        %get3A_828 = vector.shape_cast %get3A_827 : vector<1x16xf32> to vector<16xf32>
        %get3A_829 = arith.index_cast %scan3A_172 : i32 to index
        %get3A_830 = arith.constant 512 : index
        %get3A_831 = tpu.vector_load %arg17[%get3A_829, %get3A_830] {strides = array<i32>} : memref<16x1024xf32, #tpu.memory_space<vmem>>, vector<1x16xf32>,
        %get3A_832 = vector.shape_cast %get3A_831 : vector<1x16xf32> to vector<16xf32>
        %mul3A_833 = arith.mulf %gather3A_179, %get3A_828 : vector<16xf32>
        %add3A_834 = arith.addf %gather3A_176, %mul3A_833 : vector<16xf32>
        %mul3A_835 = arith.mulf %gather3A_182, %get3A_832 : vector<16xf32>
        %mul3A_836 = arith.mulf %get3A_828, %get3A_832 : vector<16xf32>
        %mul3A_837 = arith.mulf %gather3A_185, %mul3A_836 : vector<16xf32>
        %add3A_838 = arith.addf %mul3A_835, %mul3A_837 : vector<16xf32>
        %add3A_839 = arith.addf %add3A_834, %add3A_838 : vector<16xf32>
        %swap3A_840 = arith.index_cast %scan3A_172 : i32 to index
        %swap3A_841 = arith.constant 512 : index
        %swap3A_842 = tpu.vector_load %arg18[%swap3A_840, %swap3A_841] {strides = array<i32>} : memref<16x1024xf32, #tpu.memory_space<vmem>>, vector<1x16xf32>,
        %swap3A_843 = vector.shape_cast %swap3A_842 : vector<1x16xf32> to vector<16xf32>
        %swap3A_844 = vector.shape_cast %add3A_839 : vector<16xf32> to vector<1x16xf32>
        tpu.vector_store %arg18[%swap3A_840, %swap3A_841], %swap3A_844 {strides = array<i32>} : memref<16x1024xf32, #tpu.memory_space<vmem>>, vector<1x16xf32>,
        %get3A_845 = arith.index_cast %scan3A_172 : i32 to index
        %get3A_846 = arith.constant 528 : index
        %get3A_847 = tpu.vector_load %arg16[%get3A_845, %get3A_846] {strides = array<i32>} : memref<16x1024xf32, #tpu.memory_space<vmem>>, vector<1x16xf32>,
        %get3A_848 = vector.shape_cast %get3A_847 : vector<1x16xf32> to vector<16xf32>
        %get3A_849 = arith.index_cast %scan3A_172 : i32 to index
        %get3A_850 = arith.constant 528 : index
        %get3A_851 = tpu.vector_load %arg17[%get3A_849, %get3A_850] {strides = array<i32>} : memref<16x1024xf32, #tpu.memory_space<vmem>>, vector<1x16xf32>,
        %get3A_852 = vector.shape_cast %get3A_851 : vector<1x16xf32> to vector<16xf32>
        %mul3A_853 = arith.mulf %gather3A_179, %get3A_848 : vector<16xf32>
        %add3A_854 = arith.addf %gather3A_176, %mul3A_853 : vector<16xf32>
        %mul3A_855 = arith.mulf %gather3A_182, %get3A_852 : vector<16xf32>
        %mul3A_856 = arith.mulf %get3A_848, %get3A_852 : vector<16xf32>
        %mul3A_857 = arith.mulf %gather3A_185, %mul3A_856 : vector<16xf32>
        %add3A_858 = arith.addf %mul3A_855, %mul3A_857 : vector<16xf32>
        %add3A_859 = arith.addf %add3A_854, %add3A_858 : vector<16xf32>
        %swap3A_860 = arith.index_cast %scan3A_172 : i32 to index
        %swap3A_861 = arith.constant 528 : index
        %swap3A_862 = tpu.vector_load %arg18[%swap3A_860, %swap3A_861] {strides = array<i32>} : memref<16x1024xf32, #tpu.memory_space<vmem>>, vector<1x16xf32>,
        %swap3A_863 = vector.shape_cast %swap3A_862 : vector<1x16xf32> to vector<16xf32>
        %swap3A_864 = vector.shape_cast %add3A_859 : vector<16xf32> to vector<1x16xf32>
        tpu.vector_store %arg18[%swap3A_860, %swap3A_861], %swap3A_864 {strides = array<i32>} : memref<16x1024xf32, #tpu.memory_space<vmem>>, vector<1x16xf32>,
        %get3A_865 = arith.index_cast %scan3A_172 : i32 to index
        %get3A_866 = arith.constant 544 : index
        %get3A_867 = tpu.vector_load %arg16[%get3A_865, %get3A_866] {strides = array<i32>} : memref<16x1024xf32, #tpu.memory_space<vmem>>, vector<1x16xf32>,
        %get3A_868 = vector.shape_cast %get3A_867 : vector<1x16xf32> to vector<16xf32>
        %get3A_869 = arith.index_cast %scan3A_172 : i32 to index
        %get3A_870 = arith.constant 544 : index
        %get3A_871 = tpu.vector_load %arg17[%get3A_869, %get3A_870] {strides = array<i32>} : memref<16x1024xf32, #tpu.memory_space<vmem>>, vector<1x16xf32>,
        %get3A_872 = vector.shape_cast %get3A_871 : vector<1x16xf32> to vector<16xf32>
        %mul3A_873 = arith.mulf %gather3A_179, %get3A_868 : vector<16xf32>
        %add3A_874 = arith.addf %gather3A_176, %mul3A_873 : vector<16xf32>
        %mul3A_875 = arith.mulf %gather3A_182, %get3A_872 : vector<16xf32>
        %mul3A_876 = arith.mulf %get3A_868, %get3A_872 : vector<16xf32>
        %mul3A_877 = arith.mulf %gather3A_185, %mul3A_876 : vector<16xf32>
        %add3A_878 = arith.addf %mul3A_875, %mul3A_877 : vector<16xf32>
        %add3A_879 = arith.addf %add3A_874, %add3A_878 : vector<16xf32>
        %swap3A_880 = arith.index_cast %scan3A_172 : i32 to index
        %swap3A_881 = arith.constant 544 : index
        %swap3A_882 = tpu.vector_load %arg18[%swap3A_880, %swap3A_881] {strides = array<i32>} : memref<16x1024xf32, #tpu.memory_space<vmem>>, vector<1x16xf32>,
        %swap3A_883 = vector.shape_cast %swap3A_882 : vector<1x16xf32> to vector<16xf32>
        %swap3A_884 = vector.shape_cast %add3A_879 : vector<16xf32> to vector<1x16xf32>
        tpu.vector_store %arg18[%swap3A_880, %swap3A_881], %swap3A_884 {strides = array<i32>} : memref<16x1024xf32, #tpu.memory_space<vmem>>, vector<1x16xf32>,
        %get3A_885 = arith.index_cast %scan3A_172 : i32 to index
        %get3A_886 = arith.constant 560 : index
        %get3A_887 = tpu.vector_load %arg16[%get3A_885, %get3A_886] {strides = array<i32>} : memref<16x1024xf32, #tpu.memory_space<vmem>>, vector<1x16xf32>,
        %get3A_888 = vector.shape_cast %get3A_887 : vector<1x16xf32> to vector<16xf32>
        %get3A_889 = arith.index_cast %scan3A_172 : i32 to index
        %get3A_890 = arith.constant 560 : index
        %get3A_891 = tpu.vector_load %arg17[%get3A_889, %get3A_890] {strides = array<i32>} : memref<16x1024xf32, #tpu.memory_space<vmem>>, vector<1x16xf32>,
        %get3A_892 = vector.shape_cast %get3A_891 : vector<1x16xf32> to vector<16xf32>
        %mul3A_893 = arith.mulf %gather3A_179, %get3A_888 : vector<16xf32>
        %add3A_894 = arith.addf %gather3A_176, %mul3A_893 : vector<16xf32>
        %mul3A_895 = arith.mulf %gather3A_182, %get3A_892 : vector<16xf32>
        %mul3A_896 = arith.mulf %get3A_888, %get3A_892 : vector<16xf32>
        %mul3A_897 = arith.mulf %gather3A_185, %mul3A_896 : vector<16xf32>
        %add3A_898 = arith.addf %mul3A_895, %mul3A_897 : vector<16xf32>
        %add3A_899 = arith.addf %add3A_894, %add3A_898 : vector<16xf32>
        %swap3A_900 = arith.index_cast %scan3A_172 : i32 to index
        %swap3A_901 = arith.constant 560 : index
        %swap3A_902 = tpu.vector_load %arg18[%swap3A_900, %swap3A_901] {strides = array<i32>} : memref<16x1024xf32, #tpu.memory_space<vmem>>, vector<1x16xf32>,
        %swap3A_903 = vector.shape_cast %swap3A_902 : vector<1x16xf32> to vector<16xf32>
        %swap3A_904 = vector.shape_cast %add3A_899 : vector<16xf32> to vector<1x16xf32>
        tpu.vector_store %arg18[%swap3A_900, %swap3A_901], %swap3A_904 {strides = array<i32>} : memref<16x1024xf32, #tpu.memory_space<vmem>>, vector<1x16xf32>,
        %get3A_905 = arith.index_cast %scan3A_172 : i32 to index
        %get3A_906 = arith.constant 576 : index
        %get3A_907 = tpu.vector_load %arg16[%get3A_905, %get3A_906] {strides = array<i32>} : memref<16x1024xf32, #tpu.memory_space<vmem>>, vector<1x16xf32>,
        %get3A_908 = vector.shape_cast %get3A_907 : vector<1x16xf32> to vector<16xf32>
        %get3A_909 = arith.index_cast %scan3A_172 : i32 to index
        %get3A_910 = arith.constant 576 : index
        %get3A_911 = tpu.vector_load %arg17[%get3A_909, %get3A_910] {strides = array<i32>} : memref<16x1024xf32, #tpu.memory_space<vmem>>, vector<1x16xf32>,
        %get3A_912 = vector.shape_cast %get3A_911 : vector<1x16xf32> to vector<16xf32>
        %mul3A_913 = arith.mulf %gather3A_179, %get3A_908 : vector<16xf32>
        %add3A_914 = arith.addf %gather3A_176, %mul3A_913 : vector<16xf32>
        %mul3A_915 = arith.mulf %gather3A_182, %get3A_912 : vector<16xf32>
        %mul3A_916 = arith.mulf %get3A_908, %get3A_912 : vector<16xf32>
        %mul3A_917 = arith.mulf %gather3A_185, %mul3A_916 : vector<16xf32>
        %add3A_918 = arith.addf %mul3A_915, %mul3A_917 : vector<16xf32>
        %add3A_919 = arith.addf %add3A_914, %add3A_918 : vector<16xf32>
        %swap3A_920 = arith.index_cast %scan3A_172 : i32 to index
        %swap3A_921 = arith.constant 576 : index
        %swap3A_922 = tpu.vector_load %arg18[%swap3A_920, %swap3A_921] {strides = array<i32>} : memref<16x1024xf32, #tpu.memory_space<vmem>>, vector<1x16xf32>,
        %swap3A_923 = vector.shape_cast %swap3A_922 : vector<1x16xf32> to vector<16xf32>
        %swap3A_924 = vector.shape_cast %add3A_919 : vector<16xf32> to vector<1x16xf32>
        tpu.vector_store %arg18[%swap3A_920, %swap3A_921], %swap3A_924 {strides = array<i32>} : memref<16x1024xf32, #tpu.memory_space<vmem>>, vector<1x16xf32>,
        %get3A_925 = arith.index_cast %scan3A_172 : i32 to index
        %get3A_926 = arith.constant 592 : index
        %get3A_927 = tpu.vector_load %arg16[%get3A_925, %get3A_926] {strides = array<i32>} : memref<16x1024xf32, #tpu.memory_space<vmem>>, vector<1x16xf32>,
        %get3A_928 = vector.shape_cast %get3A_927 : vector<1x16xf32> to vector<16xf32>
        %get3A_929 = arith.index_cast %scan3A_172 : i32 to index
        %get3A_930 = arith.constant 592 : index
        %get3A_931 = tpu.vector_load %arg17[%get3A_929, %get3A_930] {strides = array<i32>} : memref<16x1024xf32, #tpu.memory_space<vmem>>, vector<1x16xf32>,
        %get3A_932 = vector.shape_cast %get3A_931 : vector<1x16xf32> to vector<16xf32>
        %mul3A_933 = arith.mulf %gather3A_179, %get3A_928 : vector<16xf32>
        %add3A_934 = arith.addf %gather3A_176, %mul3A_933 : vector<16xf32>
        %mul3A_935 = arith.mulf %gather3A_182, %get3A_932 : vector<16xf32>
        %mul3A_936 = arith.mulf %get3A_928, %get3A_932 : vector<16xf32>
        %mul3A_937 = arith.mulf %gather3A_185, %mul3A_936 : vector<16xf32>
        %add3A_938 = arith.addf %mul3A_935, %mul3A_937 : vector<16xf32>
        %add3A_939 = arith.addf %add3A_934, %add3A_938 : vector<16xf32>
        %swap3A_940 = arith.index_cast %scan3A_172 : i32 to index
        %swap3A_941 = arith.constant 592 : index
        %swap3A_942 = tpu.vector_load %arg18[%swap3A_940, %swap3A_941] {strides = array<i32>} : memref<16x1024xf32, #tpu.memory_space<vmem>>, vector<1x16xf32>,
        %swap3A_943 = vector.shape_cast %swap3A_942 : vector<1x16xf32> to vector<16xf32>
        %swap3A_944 = vector.shape_cast %add3A_939 : vector<16xf32> to vector<1x16xf32>
        tpu.vector_store %arg18[%swap3A_940, %swap3A_941], %swap3A_944 {strides = array<i32>} : memref<16x1024xf32, #tpu.memory_space<vmem>>, vector<1x16xf32>,
        %get3A_945 = arith.index_cast %scan3A_172 : i32 to index
        %get3A_946 = arith.constant 608 : index
        %get3A_947 = tpu.vector_load %arg16[%get3A_945, %get3A_946] {strides = array<i32>} : memref<16x1024xf32, #tpu.memory_space<vmem>>, vector<1x16xf32>,
        %get3A_948 = vector.shape_cast %get3A_947 : vector<1x16xf32> to vector<16xf32>
        %get3A_949 = arith.index_cast %scan3A_172 : i32 to index
        %get3A_950 = arith.constant 608 : index
        %get3A_951 = tpu.vector_load %arg17[%get3A_949, %get3A_950] {strides = array<i32>} : memref<16x1024xf32, #tpu.memory_space<vmem>>, vector<1x16xf32>,
        %get3A_952 = vector.shape_cast %get3A_951 : vector<1x16xf32> to vector<16xf32>
        %mul3A_953 = arith.mulf %gather3A_179, %get3A_948 : vector<16xf32>
        %add3A_954 = arith.addf %gather3A_176, %mul3A_953 : vector<16xf32>
        %mul3A_955 = arith.mulf %gather3A_182, %get3A_952 : vector<16xf32>
        %mul3A_956 = arith.mulf %get3A_948, %get3A_952 : vector<16xf32>
        %mul3A_957 = arith.mulf %gather3A_185, %mul3A_956 : vector<16xf32>
        %add3A_958 = arith.addf %mul3A_955, %mul3A_957 : vector<16xf32>
        %add3A_959 = arith.addf %add3A_954, %add3A_958 : vector<16xf32>
        %swap3A_960 = arith.index_cast %scan3A_172 : i32 to index
        %swap3A_961 = arith.constant 608 : index
        %swap3A_962 = tpu.vector_load %arg18[%swap3A_960, %swap3A_961] {strides = array<i32>} : memref<16x1024xf32, #tpu.memory_space<vmem>>, vector<1x16xf32>,
        %swap3A_963 = vector.shape_cast %swap3A_962 : vector<1x16xf32> to vector<16xf32>
        %swap3A_964 = vector.shape_cast %add3A_959 : vector<16xf32> to vector<1x16xf32>
        tpu.vector_store %arg18[%swap3A_960, %swap3A_961], %swap3A_964 {strides = array<i32>} : memref<16x1024xf32, #tpu.memory_space<vmem>>, vector<1x16xf32>,
        %get3A_965 = arith.index_cast %scan3A_172 : i32 to index
        %get3A_966 = arith.constant 624 : index
        %get3A_967 = tpu.vector_load %arg16[%get3A_965, %get3A_966] {strides = array<i32>} : memref<16x1024xf32, #tpu.memory_space<vmem>>, vector<1x16xf32>,
        %get3A_968 = vector.shape_cast %get3A_967 : vector<1x16xf32> to vector<16xf32>
        %get3A_969 = arith.index_cast %scan3A_172 : i32 to index
        %get3A_970 = arith.constant 624 : index
        %get3A_971 = tpu.vector_load %arg17[%get3A_969, %get3A_970] {strides = array<i32>} : memref<16x1024xf32, #tpu.memory_space<vmem>>, vector<1x16xf32>,
        %get3A_972 = vector.shape_cast %get3A_971 : vector<1x16xf32> to vector<16xf32>
        %mul3A_973 = arith.mulf %gather3A_179, %get3A_968 : vector<16xf32>
        %add3A_974 = arith.addf %gather3A_176, %mul3A_973 : vector<16xf32>
        %mul3A_975 = arith.mulf %gather3A_182, %get3A_972 : vector<16xf32>
        %mul3A_976 = arith.mulf %get3A_968, %get3A_972 : vector<16xf32>
        %mul3A_977 = arith.mulf %gather3A_185, %mul3A_976 : vector<16xf32>
        %add3A_978 = arith.addf %mul3A_975, %mul3A_977 : vector<16xf32>
        %add3A_979 = arith.addf %add3A_974, %add3A_978 : vector<16xf32>
        %swap3A_980 = arith.index_cast %scan3A_172 : i32 to index
        %swap3A_981 = arith.constant 624 : index
        %swap3A_982 = tpu.vector_load %arg18[%swap3A_980, %swap3A_981] {strides = array<i32>} : memref<16x1024xf32, #tpu.memory_space<vmem>>, vector<1x16xf32>,
        %swap3A_983 = vector.shape_cast %swap3A_982 : vector<1x16xf32> to vector<16xf32>
        %swap3A_984 = vector.shape_cast %add3A_979 : vector<16xf32> to vector<1x16xf32>
        tpu.vector_store %arg18[%swap3A_980, %swap3A_981], %swap3A_984 {strides = array<i32>} : memref<16x1024xf32, #tpu.memory_space<vmem>>, vector<1x16xf32>,
        %get3A_985 = arith.index_cast %scan3A_172 : i32 to index
        %get3A_986 = arith.constant 640 : index
        %get3A_987 = tpu.vector_load %arg16[%get3A_985, %get3A_986] {strides = array<i32>} : memref<16x1024xf32, #tpu.memory_space<vmem>>, vector<1x16xf32>,
        %get3A_988 = vector.shape_cast %get3A_987 : vector<1x16xf32> to vector<16xf32>
        %get3A_989 = arith.index_cast %scan3A_172 : i32 to index
        %get3A_990 = arith.constant 640 : index
        %get3A_991 = tpu.vector_load %arg17[%get3A_989, %get3A_990] {strides = array<i32>} : memref<16x1024xf32, #tpu.memory_space<vmem>>, vector<1x16xf32>,
        %get3A_992 = vector.shape_cast %get3A_991 : vector<1x16xf32> to vector<16xf32>
        %mul3A_993 = arith.mulf %gather3A_179, %get3A_988 : vector<16xf32>
        %add3A_994 = arith.addf %gather3A_176, %mul3A_993 : vector<16xf32>
        %mul3A_995 = arith.mulf %gather3A_182, %get3A_992 : vector<16xf32>
        %mul3A_996 = arith.mulf %get3A_988, %get3A_992 : vector<16xf32>
        %mul3A_997 = arith.mulf %gather3A_185, %mul3A_996 : vector<16xf32>
        %add3A_998 = arith.addf %mul3A_995, %mul3A_997 : vector<16xf32>
        %add3A_999 = arith.addf %add3A_994, %add3A_998 : vector<16xf32>
        %swap3A_1000 = arith.index_cast %scan3A_172 : i32 to index
        %swap3A_1001 = arith.constant 640 : index
        %swap3A_1002 = tpu.vector_load %arg18[%swap3A_1000, %swap3A_1001] {strides = array<i32>} : memref<16x1024xf32, #tpu.memory_space<vmem>>, vector<1x16xf32>,
        %swap3A_1003 = vector.shape_cast %swap3A_1002 : vector<1x16xf32> to vector<16xf32>
        %swap3A_1004 = vector.shape_cast %add3A_999 : vector<16xf32> to vector<1x16xf32>
        tpu.vector_store %arg18[%swap3A_1000, %swap3A_1001], %swap3A_1004 {strides = array<i32>} : memref<16x1024xf32, #tpu.memory_space<vmem>>, vector<1x16xf32>,
        %get3A_1005 = arith.index_cast %scan3A_172 : i32 to index
        %get3A_1006 = arith.constant 656 : index
        %get3A_1007 = tpu.vector_load %arg16[%get3A_1005, %get3A_1006] {strides = array<i32>} : memref<16x1024xf32, #tpu.memory_space<vmem>>, vector<1x16xf32>,
        %get3A_1008 = vector.shape_cast %get3A_1007 : vector<1x16xf32> to vector<16xf32>
        %get3A_1009 = arith.index_cast %scan3A_172 : i32 to index
        %get3A_1010 = arith.constant 656 : index
        %get3A_1011 = tpu.vector_load %arg17[%get3A_1009, %get3A_1010] {strides = array<i32>} : memref<16x1024xf32, #tpu.memory_space<vmem>>, vector<1x16xf32>,
        %get3A_1012 = vector.shape_cast %get3A_1011 : vector<1x16xf32> to vector<16xf32>
        %mul3A_1013 = arith.mulf %gather3A_179, %get3A_1008 : vector<16xf32>
        %add3A_1014 = arith.addf %gather3A_176, %mul3A_1013 : vector<16xf32>
        %mul3A_1015 = arith.mulf %gather3A_182, %get3A_1012 : vector<16xf32>
        %mul3A_1016 = arith.mulf %get3A_1008, %get3A_1012 : vector<16xf32>
        %mul3A_1017 = arith.mulf %gather3A_185, %mul3A_1016 : vector<16xf32>
        %add3A_1018 = arith.addf %mul3A_1015, %mul3A_1017 : vector<16xf32>
        %add3A_1019 = arith.addf %add3A_1014, %add3A_1018 : vector<16xf32>
        %swap3A_1020 = arith.index_cast %scan3A_172 : i32 to index
        %swap3A_1021 = arith.constant 656 : index
        %swap3A_1022 = tpu.vector_load %arg18[%swap3A_1020, %swap3A_1021] {strides = array<i32>} : memref<16x1024xf32, #tpu.memory_space<vmem>>, vector<1x16xf32>,
        %swap3A_1023 = vector.shape_cast %swap3A_1022 : vector<1x16xf32> to vector<16xf32>
        %swap3A_1024 = vector.shape_cast %add3A_1019 : vector<16xf32> to vector<1x16xf32>
        tpu.vector_store %arg18[%swap3A_1020, %swap3A_1021], %swap3A_1024 {strides = array<i32>} : memref<16x1024xf32, #tpu.memory_space<vmem>>, vector<1x16xf32>,
        %get3A_1025 = arith.index_cast %scan3A_172 : i32 to index
        %get3A_1026 = arith.constant 672 : index
        %get3A_1027 = tpu.vector_load %arg16[%get3A_1025, %get3A_1026] {strides = array<i32>} : memref<16x1024xf32, #tpu.memory_space<vmem>>, vector<1x16xf32>,
        %get3A_1028 = vector.shape_cast %get3A_1027 : vector<1x16xf32> to vector<16xf32>
        %get3A_1029 = arith.index_cast %scan3A_172 : i32 to index
        %get3A_1030 = arith.constant 672 : index
        %get3A_1031 = tpu.vector_load %arg17[%get3A_1029, %get3A_1030] {strides = array<i32>} : memref<16x1024xf32, #tpu.memory_space<vmem>>, vector<1x16xf32>,
        %get3A_1032 = vector.shape_cast %get3A_1031 : vector<1x16xf32> to vector<16xf32>
        %mul3A_1033 = arith.mulf %gather3A_179, %get3A_1028 : vector<16xf32>
        %add3A_1034 = arith.addf %gather3A_176, %mul3A_1033 : vector<16xf32>
        %mul3A_1035 = arith.mulf %gather3A_182, %get3A_1032 : vector<16xf32>
        %mul3A_1036 = arith.mulf %get3A_1028, %get3A_1032 : vector<16xf32>
        %mul3A_1037 = arith.mulf %gather3A_185, %mul3A_1036 : vector<16xf32>
        %add3A_1038 = arith.addf %mul3A_1035, %mul3A_1037 : vector<16xf32>
        %add3A_1039 = arith.addf %add3A_1034, %add3A_1038 : vector<16xf32>
        %swap3A_1040 = arith.index_cast %scan3A_172 : i32 to index
        %swap3A_1041 = arith.constant 672 : index
        %swap3A_1042 = tpu.vector_load %arg18[%swap3A_1040, %swap3A_1041] {strides = array<i32>} : memref<16x1024xf32, #tpu.memory_space<vmem>>, vector<1x16xf32>,
        %swap3A_1043 = vector.shape_cast %swap3A_1042 : vector<1x16xf32> to vector<16xf32>
        %swap3A_1044 = vector.shape_cast %add3A_1039 : vector<16xf32> to vector<1x16xf32>
        tpu.vector_store %arg18[%swap3A_1040, %swap3A_1041], %swap3A_1044 {strides = array<i32>} : memref<16x1024xf32, #tpu.memory_space<vmem>>, vector<1x16xf32>,
        %get3A_1045 = arith.index_cast %scan3A_172 : i32 to index
        %get3A_1046 = arith.constant 688 : index
        %get3A_1047 = tpu.vector_load %arg16[%get3A_1045, %get3A_1046] {strides = array<i32>} : memref<16x1024xf32, #tpu.memory_space<vmem>>, vector<1x16xf32>,
        %get3A_1048 = vector.shape_cast %get3A_1047 : vector<1x16xf32> to vector<16xf32>
        %get3A_1049 = arith.index_cast %scan3A_172 : i32 to index
        %get3A_1050 = arith.constant 688 : index
        %get3A_1051 = tpu.vector_load %arg17[%get3A_1049, %get3A_1050] {strides = array<i32>} : memref<16x1024xf32, #tpu.memory_space<vmem>>, vector<1x16xf32>,
        %get3A_1052 = vector.shape_cast %get3A_1051 : vector<1x16xf32> to vector<16xf32>
        %mul3A_1053 = arith.mulf %gather3A_179, %get3A_1048 : vector<16xf32>
        %add3A_1054 = arith.addf %gather3A_176, %mul3A_1053 : vector<16xf32>
        %mul3A_1055 = arith.mulf %gather3A_182, %get3A_1052 : vector<16xf32>
        %mul3A_1056 = arith.mulf %get3A_1048, %get3A_1052 : vector<16xf32>
        %mul3A_1057 = arith.mulf %gather3A_185, %mul3A_1056 : vector<16xf32>
        %add3A_1058 = arith.addf %mul3A_1055, %mul3A_1057 : vector<16xf32>
        %add3A_1059 = arith.addf %add3A_1054, %add3A_1058 : vector<16xf32>
        %swap3A_1060 = arith.index_cast %scan3A_172 : i32 to index
        %swap3A_1061 = arith.constant 688 : index
        %swap3A_1062 = tpu.vector_load %arg18[%swap3A_1060, %swap3A_1061] {strides = array<i32>} : memref<16x1024xf32, #tpu.memory_space<vmem>>, vector<1x16xf32>,
        %swap3A_1063 = vector.shape_cast %swap3A_1062 : vector<1x16xf32> to vector<16xf32>
        %swap3A_1064 = vector.shape_cast %add3A_1059 : vector<16xf32> to vector<1x16xf32>
        tpu.vector_store %arg18[%swap3A_1060, %swap3A_1061], %swap3A_1064 {strides = array<i32>} : memref<16x1024xf32, #tpu.memory_space<vmem>>, vector<1x16xf32>,
        %get3A_1065 = arith.index_cast %scan3A_172 : i32 to index
        %get3A_1066 = arith.constant 704 : index
        %get3A_1067 = tpu.vector_load %arg16[%get3A_1065, %get3A_1066] {strides = array<i32>} : memref<16x1024xf32, #tpu.memory_space<vmem>>, vector<1x16xf32>,
        %get3A_1068 = vector.shape_cast %get3A_1067 : vector<1x16xf32> to vector<16xf32>
        %get3A_1069 = arith.index_cast %scan3A_172 : i32 to index
        %get3A_1070 = arith.constant 704 : index
        %get3A_1071 = tpu.vector_load %arg17[%get3A_1069, %get3A_1070] {strides = array<i32>} : memref<16x1024xf32, #tpu.memory_space<vmem>>, vector<1x16xf32>,
        %get3A_1072 = vector.shape_cast %get3A_1071 : vector<1x16xf32> to vector<16xf32>
        %mul3A_1073 = arith.mulf %gather3A_179, %get3A_1068 : vector<16xf32>
        %add3A_1074 = arith.addf %gather3A_176, %mul3A_1073 : vector<16xf32>
        %mul3A_1075 = arith.mulf %gather3A_182, %get3A_1072 : vector<16xf32>
        %mul3A_1076 = arith.mulf %get3A_1068, %get3A_1072 : vector<16xf32>
        %mul3A_1077 = arith.mulf %gather3A_185, %mul3A_1076 : vector<16xf32>
        %add3A_1078 = arith.addf %mul3A_1075, %mul3A_1077 : vector<16xf32>
        %add3A_1079 = arith.addf %add3A_1074, %add3A_1078 : vector<16xf32>
        %swap3A_1080 = arith.index_cast %scan3A_172 : i32 to index
        %swap3A_1081 = arith.constant 704 : index
        %swap3A_1082 = tpu.vector_load %arg18[%swap3A_1080, %swap3A_1081] {strides = array<i32>} : memref<16x1024xf32, #tpu.memory_space<vmem>>, vector<1x16xf32>,
        %swap3A_1083 = vector.shape_cast %swap3A_1082 : vector<1x16xf32> to vector<16xf32>
        %swap3A_1084 = vector.shape_cast %add3A_1079 : vector<16xf32> to vector<1x16xf32>
        tpu.vector_store %arg18[%swap3A_1080, %swap3A_1081], %swap3A_1084 {strides = array<i32>} : memref<16x1024xf32, #tpu.memory_space<vmem>>, vector<1x16xf32>,
        %get3A_1085 = arith.index_cast %scan3A_172 : i32 to index
        %get3A_1086 = arith.constant 720 : index
        %get3A_1087 = tpu.vector_load %arg16[%get3A_1085, %get3A_1086] {strides = array<i32>} : memref<16x1024xf32, #tpu.memory_space<vmem>>, vector<1x16xf32>,
        %get3A_1088 = vector.shape_cast %get3A_1087 : vector<1x16xf32> to vector<16xf32>
        %get3A_1089 = arith.index_cast %scan3A_172 : i32 to index
        %get3A_1090 = arith.constant 720 : index
        %get3A_1091 = tpu.vector_load %arg17[%get3A_1089, %get3A_1090] {strides = array<i32>} : memref<16x1024xf32, #tpu.memory_space<vmem>>, vector<1x16xf32>,
        %get3A_1092 = vector.shape_cast %get3A_1091 : vector<1x16xf32> to vector<16xf32>
        %mul3A_1093 = arith.mulf %gather3A_179, %get3A_1088 : vector<16xf32>
        %add3A_1094 = arith.addf %gather3A_176, %mul3A_1093 : vector<16xf32>
        %mul3A_1095 = arith.mulf %gather3A_182, %get3A_1092 : vector<16xf32>
        %mul3A_1096 = arith.mulf %get3A_1088, %get3A_1092 : vector<16xf32>
        %mul3A_1097 = arith.mulf %gather3A_185, %mul3A_1096 : vector<16xf32>
        %add3A_1098 = arith.addf %mul3A_1095, %mul3A_1097 : vector<16xf32>
        %add3A_1099 = arith.addf %add3A_1094, %add3A_1098 : vector<16xf32>
        %swap3A_1100 = arith.index_cast %scan3A_172 : i32 to index
        %swap3A_1101 = arith.constant 720 : index
        %swap3A_1102 = tpu.vector_load %arg18[%swap3A_1100, %swap3A_1101] {strides = array<i32>} : memref<16x1024xf32, #tpu.memory_space<vmem>>, vector<1x16xf32>,
        %swap3A_1103 = vector.shape_cast %swap3A_1102 : vector<1x16xf32> to vector<16xf32>
        %swap3A_1104 = vector.shape_cast %add3A_1099 : vector<16xf32> to vector<1x16xf32>
        tpu.vector_store %arg18[%swap3A_1100, %swap3A_1101], %swap3A_1104 {strides = array<i32>} : memref<16x1024xf32, #tpu.memory_space<vmem>>, vector<1x16xf32>,
        %get3A_1105 = arith.index_cast %scan3A_172 : i32 to index
        %get3A_1106 = arith.constant 736 : index
        %get3A_1107 = tpu.vector_load %arg16[%get3A_1105, %get3A_1106] {strides = array<i32>} : memref<16x1024xf32, #tpu.memory_space<vmem>>, vector<1x16xf32>,
        %get3A_1108 = vector.shape_cast %get3A_1107 : vector<1x16xf32> to vector<16xf32>
        %get3A_1109 = arith.index_cast %scan3A_172 : i32 to index
        %get3A_1110 = arith.constant 736 : index
        %get3A_1111 = tpu.vector_load %arg17[%get3A_1109, %get3A_1110] {strides = array<i32>} : memref<16x1024xf32, #tpu.memory_space<vmem>>, vector<1x16xf32>,
        %get3A_1112 = vector.shape_cast %get3A_1111 : vector<1x16xf32> to vector<16xf32>
        %mul3A_1113 = arith.mulf %gather3A_179, %get3A_1108 : vector<16xf32>
        %add3A_1114 = arith.addf %gather3A_176, %mul3A_1113 : vector<16xf32>
        %mul3A_1115 = arith.mulf %gather3A_182, %get3A_1112 : vector<16xf32>
        %mul3A_1116 = arith.mulf %get3A_1108, %get3A_1112 : vector<16xf32>
        %mul3A_1117 = arith.mulf %gather3A_185, %mul3A_1116 : vector<16xf32>
        %add3A_1118 = arith.addf %mul3A_1115, %mul3A_1117 : vector<16xf32>
        %add3A_1119 = arith.addf %add3A_1114, %add3A_1118 : vector<16xf32>
        %swap3A_1120 = arith.index_cast %scan3A_172 : i32 to index
        %swap3A_1121 = arith.constant 736 : index
        %swap3A_1122 = tpu.vector_load %arg18[%swap3A_1120, %swap3A_1121] {strides = array<i32>} : memref<16x1024xf32, #tpu.memory_space<vmem>>, vector<1x16xf32>,
        %swap3A_1123 = vector.shape_cast %swap3A_1122 : vector<1x16xf32> to vector<16xf32>
        %swap3A_1124 = vector.shape_cast %add3A_1119 : vector<16xf32> to vector<1x16xf32>
        tpu.vector_store %arg18[%swap3A_1120, %swap3A_1121], %swap3A_1124 {strides = array<i32>} : memref<16x1024xf32, #tpu.memory_space<vmem>>, vector<1x16xf32>,
        %get3A_1125 = arith.index_cast %scan3A_172 : i32 to index
        %get3A_1126 = arith.constant 752 : index
        %get3A_1127 = tpu.vector_load %arg16[%get3A_1125, %get3A_1126] {strides = array<i32>} : memref<16x1024xf32, #tpu.memory_space<vmem>>, vector<1x16xf32>,
        %get3A_1128 = vector.shape_cast %get3A_1127 : vector<1x16xf32> to vector<16xf32>
        %get3A_1129 = arith.index_cast %scan3A_172 : i32 to index
        %get3A_1130 = arith.constant 752 : index
        %get3A_1131 = tpu.vector_load %arg17[%get3A_1129, %get3A_1130] {strides = array<i32>} : memref<16x1024xf32, #tpu.memory_space<vmem>>, vector<1x16xf32>,
        %get3A_1132 = vector.shape_cast %get3A_1131 : vector<1x16xf32> to vector<16xf32>
        %mul3A_1133 = arith.mulf %gather3A_179, %get3A_1128 : vector<16xf32>
        %add3A_1134 = arith.addf %gather3A_176, %mul3A_1133 : vector<16xf32>
        %mul3A_1135 = arith.mulf %gather3A_182, %get3A_1132 : vector<16xf32>
        %mul3A_1136 = arith.mulf %get3A_1128, %get3A_1132 : vector<16xf32>
        %mul3A_1137 = arith.mulf %gather3A_185, %mul3A_1136 : vector<16xf32>
        %add3A_1138 = arith.addf %mul3A_1135, %mul3A_1137 : vector<16xf32>
        %add3A_1139 = arith.addf %add3A_1134, %add3A_1138 : vector<16xf32>
        %swap3A_1140 = arith.index_cast %scan3A_172 : i32 to index
        %swap3A_1141 = arith.constant 752 : index
        %swap3A_1142 = tpu.vector_load %arg18[%swap3A_1140, %swap3A_1141] {strides = array<i32>} : memref<16x1024xf32, #tpu.memory_space<vmem>>, vector<1x16xf32>,
        %swap3A_1143 = vector.shape_cast %swap3A_1142 : vector<1x16xf32> to vector<16xf32>
        %swap3A_1144 = vector.shape_cast %add3A_1139 : vector<16xf32> to vector<1x16xf32>
        tpu.vector_store %arg18[%swap3A_1140, %swap3A_1141], %swap3A_1144 {strides = array<i32>} : memref<16x1024xf32, #tpu.memory_space<vmem>>, vector<1x16xf32>,
        %get3A_1145 = arith.index_cast %scan3A_172 : i32 to index
        %get3A_1146 = arith.constant 768 : index
        %get3A_1147 = tpu.vector_load %arg16[%get3A_1145, %get3A_1146] {strides = array<i32>} : memref<16x1024xf32, #tpu.memory_space<vmem>>, vector<1x16xf32>,
        %get3A_1148 = vector.shape_cast %get3A_1147 : vector<1x16xf32> to vector<16xf32>
        %get3A_1149 = arith.index_cast %scan3A_172 : i32 to index
        %get3A_1150 = arith.constant 768 : index
        %get3A_1151 = tpu.vector_load %arg17[%get3A_1149, %get3A_1150] {strides = array<i32>} : memref<16x1024xf32, #tpu.memory_space<vmem>>, vector<1x16xf32>,
        %get3A_1152 = vector.shape_cast %get3A_1151 : vector<1x16xf32> to vector<16xf32>
        %mul3A_1153 = arith.mulf %gather3A_179, %get3A_1148 : vector<16xf32>
        %add3A_1154 = arith.addf %gather3A_176, %mul3A_1153 : vector<16xf32>
        %mul3A_1155 = arith.mulf %gather3A_182, %get3A_1152 : vector<16xf32>
        %mul3A_1156 = arith.mulf %get3A_1148, %get3A_1152 : vector<16xf32>
        %mul3A_1157 = arith.mulf %gather3A_185, %mul3A_1156 : vector<16xf32>
        %add3A_1158 = arith.addf %mul3A_1155, %mul3A_1157 : vector<16xf32>
        %add3A_1159 = arith.addf %add3A_1154, %add3A_1158 : vector<16xf32>
        %swap3A_1160 = arith.index_cast %scan3A_172 : i32 to index
        %swap3A_1161 = arith.constant 768 : index
        %swap3A_1162 = tpu.vector_load %arg18[%swap3A_1160, %swap3A_1161] {strides = array<i32>} : memref<16x1024xf32, #tpu.memory_space<vmem>>, vector<1x16xf32>,
        %swap3A_1163 = vector.shape_cast %swap3A_1162 : vector<1x16xf32> to vector<16xf32>
        %swap3A_1164 = vector.shape_cast %add3A_1159 : vector<16xf32> to vector<1x16xf32>
        tpu.vector_store %arg18[%swap3A_1160, %swap3A_1161], %swap3A_1164 {strides = array<i32>} : memref<16x1024xf32, #tpu.memory_space<vmem>>, vector<1x16xf32>,
        %get3A_1165 = arith.index_cast %scan3A_172 : i32 to index
        %get3A_1166 = arith.constant 784 : index
        %get3A_1167 = tpu.vector_load %arg16[%get3A_1165, %get3A_1166] {strides = array<i32>} : memref<16x1024xf32, #tpu.memory_space<vmem>>, vector<1x16xf32>,
        %get3A_1168 = vector.shape_cast %get3A_1167 : vector<1x16xf32> to vector<16xf32>
        %get3A_1169 = arith.index_cast %scan3A_172 : i32 to index
        %get3A_1170 = arith.constant 784 : index
        %get3A_1171 = tpu.vector_load %arg17[%get3A_1169, %get3A_1170] {strides = array<i32>} : memref<16x1024xf32, #tpu.memory_space<vmem>>, vector<1x16xf32>,
        %get3A_1172 = vector.shape_cast %get3A_1171 : vector<1x16xf32> to vector<16xf32>
        %mul3A_1173 = arith.mulf %gather3A_179, %get3A_1168 : vector<16xf32>
        %add3A_1174 = arith.addf %gather3A_176, %mul3A_1173 : vector<16xf32>
        %mul3A_1175 = arith.mulf %gather3A_182, %get3A_1172 : vector<16xf32>
        %mul3A_1176 = arith.mulf %get3A_1168, %get3A_1172 : vector<16xf32>
        %mul3A_1177 = arith.mulf %gather3A_185, %mul3A_1176 : vector<16xf32>
        %add3A_1178 = arith.addf %mul3A_1175, %mul3A_1177 : vector<16xf32>
        %add3A_1179 = arith.addf %add3A_1174, %add3A_1178 : vector<16xf32>
        %swap3A_1180 = arith.index_cast %scan3A_172 : i32 to index
        %swap3A_1181 = arith.constant 784 : index
        %swap3A_1182 = tpu.vector_load %arg18[%swap3A_1180, %swap3A_1181] {strides = array<i32>} : memref<16x1024xf32, #tpu.memory_space<vmem>>, vector<1x16xf32>,
        %swap3A_1183 = vector.shape_cast %swap3A_1182 : vector<1x16xf32> to vector<16xf32>
        %swap3A_1184 = vector.shape_cast %add3A_1179 : vector<16xf32> to vector<1x16xf32>
        tpu.vector_store %arg18[%swap3A_1180, %swap3A_1181], %swap3A_1184 {strides = array<i32>} : memref<16x1024xf32, #tpu.memory_space<vmem>>, vector<1x16xf32>,
        %get3A_1185 = arith.index_cast %scan3A_172 : i32 to index
        %get3A_1186 = arith.constant 800 : index
        %get3A_1187 = tpu.vector_load %arg16[%get3A_1185, %get3A_1186] {strides = array<i32>} : memref<16x1024xf32, #tpu.memory_space<vmem>>, vector<1x16xf32>,
        %get3A_1188 = vector.shape_cast %get3A_1187 : vector<1x16xf32> to vector<16xf32>
        %get3A_1189 = arith.index_cast %scan3A_172 : i32 to index
        %get3A_1190 = arith.constant 800 : index
        %get3A_1191 = tpu.vector_load %arg17[%get3A_1189, %get3A_1190] {strides = array<i32>} : memref<16x1024xf32, #tpu.memory_space<vmem>>, vector<1x16xf32>,
        %get3A_1192 = vector.shape_cast %get3A_1191 : vector<1x16xf32> to vector<16xf32>
        %mul3A_1193 = arith.mulf %gather3A_179, %get3A_1188 : vector<16xf32>
        %add3A_1194 = arith.addf %gather3A_176, %mul3A_1193 : vector<16xf32>
        %mul3A_1195 = arith.mulf %gather3A_182, %get3A_1192 : vector<16xf32>
        %mul3A_1196 = arith.mulf %get3A_1188, %get3A_1192 : vector<16xf32>
        %mul3A_1197 = arith.mulf %gather3A_185, %mul3A_1196 : vector<16xf32>
        %add3A_1198 = arith.addf %mul3A_1195, %mul3A_1197 : vector<16xf32>
        %add3A_1199 = arith.addf %add3A_1194, %add3A_1198 : vector<16xf32>
        %swap3A_1200 = arith.index_cast %scan3A_172 : i32 to index
        %swap3A_1201 = arith.constant 800 : index
        %swap3A_1202 = tpu.vector_load %arg18[%swap3A_1200, %swap3A_1201] {strides = array<i32>} : memref<16x1024xf32, #tpu.memory_space<vmem>>, vector<1x16xf32>,
        %swap3A_1203 = vector.shape_cast %swap3A_1202 : vector<1x16xf32> to vector<16xf32>
        %swap3A_1204 = vector.shape_cast %add3A_1199 : vector<16xf32> to vector<1x16xf32>
        tpu.vector_store %arg18[%swap3A_1200, %swap3A_1201], %swap3A_1204 {strides = array<i32>} : memref<16x1024xf32, #tpu.memory_space<vmem>>, vector<1x16xf32>,
        %get3A_1205 = arith.index_cast %scan3A_172 : i32 to index
        %get3A_1206 = arith.constant 816 : index
        %get3A_1207 = tpu.vector_load %arg16[%get3A_1205, %get3A_1206] {strides = array<i32>} : memref<16x1024xf32, #tpu.memory_space<vmem>>, vector<1x16xf32>,
        %get3A_1208 = vector.shape_cast %get3A_1207 : vector<1x16xf32> to vector<16xf32>
        %get3A_1209 = arith.index_cast %scan3A_172 : i32 to index
        %get3A_1210 = arith.constant 816 : index
        %get3A_1211 = tpu.vector_load %arg17[%get3A_1209, %get3A_1210] {strides = array<i32>} : memref<16x1024xf32, #tpu.memory_space<vmem>>, vector<1x16xf32>,
        %get3A_1212 = vector.shape_cast %get3A_1211 : vector<1x16xf32> to vector<16xf32>
        %mul3A_1213 = arith.mulf %gather3A_179, %get3A_1208 : vector<16xf32>
        %add3A_1214 = arith.addf %gather3A_176, %mul3A_1213 : vector<16xf32>
        %mul3A_1215 = arith.mulf %gather3A_182, %get3A_1212 : vector<16xf32>
        %mul3A_1216 = arith.mulf %get3A_1208, %get3A_1212 : vector<16xf32>
        %mul3A_1217 = arith.mulf %gather3A_185, %mul3A_1216 : vector<16xf32>
        %add3A_1218 = arith.addf %mul3A_1215, %mul3A_1217 : vector<16xf32>
        %add3A_1219 = arith.addf %add3A_1214, %add3A_1218 : vector<16xf32>
        %swap3A_1220 = arith.index_cast %scan3A_172 : i32 to index
        %swap3A_1221 = arith.constant 816 : index
        %swap3A_1222 = tpu.vector_load %arg18[%swap3A_1220, %swap3A_1221] {strides = array<i32>} : memref<16x1024xf32, #tpu.memory_space<vmem>>, vector<1x16xf32>,
        %swap3A_1223 = vector.shape_cast %swap3A_1222 : vector<1x16xf32> to vector<16xf32>
        %swap3A_1224 = vector.shape_cast %add3A_1219 : vector<16xf32> to vector<1x16xf32>
        tpu.vector_store %arg18[%swap3A_1220, %swap3A_1221], %swap3A_1224 {strides = array<i32>} : memref<16x1024xf32, #tpu.memory_space<vmem>>, vector<1x16xf32>,
        %get3A_1225 = arith.index_cast %scan3A_172 : i32 to index
        %get3A_1226 = arith.constant 832 : index
        %get3A_1227 = tpu.vector_load %arg16[%get3A_1225, %get3A_1226] {strides = array<i32>} : memref<16x1024xf32, #tpu.memory_space<vmem>>, vector<1x16xf32>,
        %get3A_1228 = vector.shape_cast %get3A_1227 : vector<1x16xf32> to vector<16xf32>
        %get3A_1229 = arith.index_cast %scan3A_172 : i32 to index
        %get3A_1230 = arith.constant 832 : index
        %get3A_1231 = tpu.vector_load %arg17[%get3A_1229, %get3A_1230] {strides = array<i32>} : memref<16x1024xf32, #tpu.memory_space<vmem>>, vector<1x16xf32>,
        %get3A_1232 = vector.shape_cast %get3A_1231 : vector<1x16xf32> to vector<16xf32>
        %mul3A_1233 = arith.mulf %gather3A_179, %get3A_1228 : vector<16xf32>
        %add3A_1234 = arith.addf %gather3A_176, %mul3A_1233 : vector<16xf32>
        %mul3A_1235 = arith.mulf %gather3A_182, %get3A_1232 : vector<16xf32>
        %mul3A_1236 = arith.mulf %get3A_1228, %get3A_1232 : vector<16xf32>
        %mul3A_1237 = arith.mulf %gather3A_185, %mul3A_1236 : vector<16xf32>
        %add3A_1238 = arith.addf %mul3A_1235, %mul3A_1237 : vector<16xf32>
        %add3A_1239 = arith.addf %add3A_1234, %add3A_1238 : vector<16xf32>
        %swap3A_1240 = arith.index_cast %scan3A_172 : i32 to index
        %swap3A_1241 = arith.constant 832 : index
        %swap3A_1242 = tpu.vector_load %arg18[%swap3A_1240, %swap3A_1241] {strides = array<i32>} : memref<16x1024xf32, #tpu.memory_space<vmem>>, vector<1x16xf32>,
        %swap3A_1243 = vector.shape_cast %swap3A_1242 : vector<1x16xf32> to vector<16xf32>
        %swap3A_1244 = vector.shape_cast %add3A_1239 : vector<16xf32> to vector<1x16xf32>
        tpu.vector_store %arg18[%swap3A_1240, %swap3A_1241], %swap3A_1244 {strides = array<i32>} : memref<16x1024xf32, #tpu.memory_space<vmem>>, vector<1x16xf32>,
        %get3A_1245 = arith.index_cast %scan3A_172 : i32 to index
        %get3A_1246 = arith.constant 848 : index
        %get3A_1247 = tpu.vector_load %arg16[%get3A_1245, %get3A_1246] {strides = array<i32>} : memref<16x1024xf32, #tpu.memory_space<vmem>>, vector<1x16xf32>,
        %get3A_1248 = vector.shape_cast %get3A_1247 : vector<1x16xf32> to vector<16xf32>
        %get3A_1249 = arith.index_cast %scan3A_172 : i32 to index
        %get3A_1250 = arith.constant 848 : index
        %get3A_1251 = tpu.vector_load %arg17[%get3A_1249, %get3A_1250] {strides = array<i32>} : memref<16x1024xf32, #tpu.memory_space<vmem>>, vector<1x16xf32>,
        %get3A_1252 = vector.shape_cast %get3A_1251 : vector<1x16xf32> to vector<16xf32>
        %mul3A_1253 = arith.mulf %gather3A_179, %get3A_1248 : vector<16xf32>
        %add3A_1254 = arith.addf %gather3A_176, %mul3A_1253 : vector<16xf32>
        %mul3A_1255 = arith.mulf %gather3A_182, %get3A_1252 : vector<16xf32>
        %mul3A_1256 = arith.mulf %get3A_1248, %get3A_1252 : vector<16xf32>
        %mul3A_1257 = arith.mulf %gather3A_185, %mul3A_1256 : vector<16xf32>
        %add3A_1258 = arith.addf %mul3A_1255, %mul3A_1257 : vector<16xf32>
        %add3A_1259 = arith.addf %add3A_1254, %add3A_1258 : vector<16xf32>
        %swap3A_1260 = arith.index_cast %scan3A_172 : i32 to index
        %swap3A_1261 = arith.constant 848 : index
        %swap3A_1262 = tpu.vector_load %arg18[%swap3A_1260, %swap3A_1261] {strides = array<i32>} : memref<16x1024xf32, #tpu.memory_space<vmem>>, vector<1x16xf32>,
        %swap3A_1263 = vector.shape_cast %swap3A_1262 : vector<1x16xf32> to vector<16xf32>
        %swap3A_1264 = vector.shape_cast %add3A_1259 : vector<16xf32> to vector<1x16xf32>
        tpu.vector_store %arg18[%swap3A_1260, %swap3A_1261], %swap3A_1264 {strides = array<i32>} : memref<16x1024xf32, #tpu.memory_space<vmem>>, vector<1x16xf32>,
        %get3A_1265 = arith.index_cast %scan3A_172 : i32 to index
        %get3A_1266 = arith.constant 864 : index
        %get3A_1267 = tpu.vector_load %arg16[%get3A_1265, %get3A_1266] {strides = array<i32>} : memref<16x1024xf32, #tpu.memory_space<vmem>>, vector<1x16xf32>,
        %get3A_1268 = vector.shape_cast %get3A_1267 : vector<1x16xf32> to vector<16xf32>
        %get3A_1269 = arith.index_cast %scan3A_172 : i32 to index
        %get3A_1270 = arith.constant 864 : index
        %get3A_1271 = tpu.vector_load %arg17[%get3A_1269, %get3A_1270] {strides = array<i32>} : memref<16x1024xf32, #tpu.memory_space<vmem>>, vector<1x16xf32>,
        %get3A_1272 = vector.shape_cast %get3A_1271 : vector<1x16xf32> to vector<16xf32>
        %mul3A_1273 = arith.mulf %gather3A_179, %get3A_1268 : vector<16xf32>
        %add3A_1274 = arith.addf %gather3A_176, %mul3A_1273 : vector<16xf32>
        %mul3A_1275 = arith.mulf %gather3A_182, %get3A_1272 : vector<16xf32>
        %mul3A_1276 = arith.mulf %get3A_1268, %get3A_1272 : vector<16xf32>
        %mul3A_1277 = arith.mulf %gather3A_185, %mul3A_1276 : vector<16xf32>
        %add3A_1278 = arith.addf %mul3A_1275, %mul3A_1277 : vector<16xf32>
        %add3A_1279 = arith.addf %add3A_1274, %add3A_1278 : vector<16xf32>
        %swap3A_1280 = arith.index_cast %scan3A_172 : i32 to index
        %swap3A_1281 = arith.constant 864 : index
        %swap3A_1282 = tpu.vector_load %arg18[%swap3A_1280, %swap3A_1281] {strides = array<i32>} : memref<16x1024xf32, #tpu.memory_space<vmem>>, vector<1x16xf32>,
        %swap3A_1283 = vector.shape_cast %swap3A_1282 : vector<1x16xf32> to vector<16xf32>
        %swap3A_1284 = vector.shape_cast %add3A_1279 : vector<16xf32> to vector<1x16xf32>
        tpu.vector_store %arg18[%swap3A_1280, %swap3A_1281], %swap3A_1284 {strides = array<i32>} : memref<16x1024xf32, #tpu.memory_space<vmem>>, vector<1x16xf32>,
        %get3A_1285 = arith.index_cast %scan3A_172 : i32 to index
        %get3A_1286 = arith.constant 880 : index
        %get3A_1287 = tpu.vector_load %arg16[%get3A_1285, %get3A_1286] {strides = array<i32>} : memref<16x1024xf32, #tpu.memory_space<vmem>>, vector<1x16xf32>,
        %get3A_1288 = vector.shape_cast %get3A_1287 : vector<1x16xf32> to vector<16xf32>
        %get3A_1289 = arith.index_cast %scan3A_172 : i32 to index
        %get3A_1290 = arith.constant 880 : index
        %get3A_1291 = tpu.vector_load %arg17[%get3A_1289, %get3A_1290] {strides = array<i32>} : memref<16x1024xf32, #tpu.memory_space<vmem>>, vector<1x16xf32>,
        %get3A_1292 = vector.shape_cast %get3A_1291 : vector<1x16xf32> to vector<16xf32>
        %mul3A_1293 = arith.mulf %gather3A_179, %get3A_1288 : vector<16xf32>
        %add3A_1294 = arith.addf %gather3A_176, %mul3A_1293 : vector<16xf32>
        %mul3A_1295 = arith.mulf %gather3A_182, %get3A_1292 : vector<16xf32>
        %mul3A_1296 = arith.mulf %get3A_1288, %get3A_1292 : vector<16xf32>
        %mul3A_1297 = arith.mulf %gather3A_185, %mul3A_1296 : vector<16xf32>
        %add3A_1298 = arith.addf %mul3A_1295, %mul3A_1297 : vector<16xf32>
        %add3A_1299 = arith.addf %add3A_1294, %add3A_1298 : vector<16xf32>
        %swap3A_1300 = arith.index_cast %scan3A_172 : i32 to index
        %swap3A_1301 = arith.constant 880 : index
        %swap3A_1302 = tpu.vector_load %arg18[%swap3A_1300, %swap3A_1301] {strides = array<i32>} : memref<16x1024xf32, #tpu.memory_space<vmem>>, vector<1x16xf32>,
        %swap3A_1303 = vector.shape_cast %swap3A_1302 : vector<1x16xf32> to vector<16xf32>
        %swap3A_1304 = vector.shape_cast %add3A_1299 : vector<16xf32> to vector<1x16xf32>
        tpu.vector_store %arg18[%swap3A_1300, %swap3A_1301], %swap3A_1304 {strides = array<i32>} : memref<16x1024xf32, #tpu.memory_space<vmem>>, vector<1x16xf32>,
        %get3A_1305 = arith.index_cast %scan3A_172 : i32 to index
        %get3A_1306 = arith.constant 896 : index
        %get3A_1307 = tpu.vector_load %arg16[%get3A_1305, %get3A_1306] {strides = array<i32>} : memref<16x1024xf32, #tpu.memory_space<vmem>>, vector<1x16xf32>,
        %get3A_1308 = vector.shape_cast %get3A_1307 : vector<1x16xf32> to vector<16xf32>
        %get3A_1309 = arith.index_cast %scan3A_172 : i32 to index
        %get3A_1310 = arith.constant 896 : index
        %get3A_1311 = tpu.vector_load %arg17[%get3A_1309, %get3A_1310] {strides = array<i32>} : memref<16x1024xf32, #tpu.memory_space<vmem>>, vector<1x16xf32>,
        %get3A_1312 = vector.shape_cast %get3A_1311 : vector<1x16xf32> to vector<16xf32>
        %mul3A_1313 = arith.mulf %gather3A_179, %get3A_1308 : vector<16xf32>
        %add3A_1314 = arith.addf %gather3A_176, %mul3A_1313 : vector<16xf32>
        %mul3A_1315 = arith.mulf %gather3A_182, %get3A_1312 : vector<16xf32>
        %mul3A_1316 = arith.mulf %get3A_1308, %get3A_1312 : vector<16xf32>
        %mul3A_1317 = arith.mulf %gather3A_185, %mul3A_1316 : vector<16xf32>
        %add3A_1318 = arith.addf %mul3A_1315, %mul3A_1317 : vector<16xf32>
        %add3A_1319 = arith.addf %add3A_1314, %add3A_1318 : vector<16xf32>
        %swap3A_1320 = arith.index_cast %scan3A_172 : i32 to index
        %swap3A_1321 = arith.constant 896 : index
        %swap3A_1322 = tpu.vector_load %arg18[%swap3A_1320, %swap3A_1321] {strides = array<i32>} : memref<16x1024xf32, #tpu.memory_space<vmem>>, vector<1x16xf32>,
        %swap3A_1323 = vector.shape_cast %swap3A_1322 : vector<1x16xf32> to vector<16xf32>
        %swap3A_1324 = vector.shape_cast %add3A_1319 : vector<16xf32> to vector<1x16xf32>
        tpu.vector_store %arg18[%swap3A_1320, %swap3A_1321], %swap3A_1324 {strides = array<i32>} : memref<16x1024xf32, #tpu.memory_space<vmem>>, vector<1x16xf32>,
        %get3A_1325 = arith.index_cast %scan3A_172 : i32 to index
        %get3A_1326 = arith.constant 912 : index
        %get3A_1327 = tpu.vector_load %arg16[%get3A_1325, %get3A_1326] {strides = array<i32>} : memref<16x1024xf32, #tpu.memory_space<vmem>>, vector<1x16xf32>,
        %get3A_1328 = vector.shape_cast %get3A_1327 : vector<1x16xf32> to vector<16xf32>
        %get3A_1329 = arith.index_cast %scan3A_172 : i32 to index
        %get3A_1330 = arith.constant 912 : index
        %get3A_1331 = tpu.vector_load %arg17[%get3A_1329, %get3A_1330] {strides = array<i32>} : memref<16x1024xf32, #tpu.memory_space<vmem>>, vector<1x16xf32>,
        %get3A_1332 = vector.shape_cast %get3A_1331 : vector<1x16xf32> to vector<16xf32>
        %mul3A_1333 = arith.mulf %gather3A_179, %get3A_1328 : vector<16xf32>
        %add3A_1334 = arith.addf %gather3A_176, %mul3A_1333 : vector<16xf32>
        %mul3A_1335 = arith.mulf %gather3A_182, %get3A_1332 : vector<16xf32>
        %mul3A_1336 = arith.mulf %get3A_1328, %get3A_1332 : vector<16xf32>
        %mul3A_1337 = arith.mulf %gather3A_185, %mul3A_1336 : vector<16xf32>
        %add3A_1338 = arith.addf %mul3A_1335, %mul3A_1337 : vector<16xf32>
        %add3A_1339 = arith.addf %add3A_1334, %add3A_1338 : vector<16xf32>
        %swap3A_1340 = arith.index_cast %scan3A_172 : i32 to index
        %swap3A_1341 = arith.constant 912 : index
        %swap3A_1342 = tpu.vector_load %arg18[%swap3A_1340, %swap3A_1341] {strides = array<i32>} : memref<16x1024xf32, #tpu.memory_space<vmem>>, vector<1x16xf32>,
        %swap3A_1343 = vector.shape_cast %swap3A_1342 : vector<1x16xf32> to vector<16xf32>
        %swap3A_1344 = vector.shape_cast %add3A_1339 : vector<16xf32> to vector<1x16xf32>
        tpu.vector_store %arg18[%swap3A_1340, %swap3A_1341], %swap3A_1344 {strides = array<i32>} : memref<16x1024xf32, #tpu.memory_space<vmem>>, vector<1x16xf32>,
        %get3A_1345 = arith.index_cast %scan3A_172 : i32 to index
        %get3A_1346 = arith.constant 928 : index
        %get3A_1347 = tpu.vector_load %arg16[%get3A_1345, %get3A_1346] {strides = array<i32>} : memref<16x1024xf32, #tpu.memory_space<vmem>>, vector<1x16xf32>,
        %get3A_1348 = vector.shape_cast %get3A_1347 : vector<1x16xf32> to vector<16xf32>
        %get3A_1349 = arith.index_cast %scan3A_172 : i32 to index
        %get3A_1350 = arith.constant 928 : index
        %get3A_1351 = tpu.vector_load %arg17[%get3A_1349, %get3A_1350] {strides = array<i32>} : memref<16x1024xf32, #tpu.memory_space<vmem>>, vector<1x16xf32>,
        %get3A_1352 = vector.shape_cast %get3A_1351 : vector<1x16xf32> to vector<16xf32>
        %mul3A_1353 = arith.mulf %gather3A_179, %get3A_1348 : vector<16xf32>
        %add3A_1354 = arith.addf %gather3A_176, %mul3A_1353 : vector<16xf32>
        %mul3A_1355 = arith.mulf %gather3A_182, %get3A_1352 : vector<16xf32>
        %mul3A_1356 = arith.mulf %get3A_1348, %get3A_1352 : vector<16xf32>
        %mul3A_1357 = arith.mulf %gather3A_185, %mul3A_1356 : vector<16xf32>
        %add3A_1358 = arith.addf %mul3A_1355, %mul3A_1357 : vector<16xf32>
        %add3A_1359 = arith.addf %add3A_1354, %add3A_1358 : vector<16xf32>
        %swap3A_1360 = arith.index_cast %scan3A_172 : i32 to index
        %swap3A_1361 = arith.constant 928 : index
        %swap3A_1362 = tpu.vector_load %arg18[%swap3A_1360, %swap3A_1361] {strides = array<i32>} : memref<16x1024xf32, #tpu.memory_space<vmem>>, vector<1x16xf32>,
        %swap3A_1363 = vector.shape_cast %swap3A_1362 : vector<1x16xf32> to vector<16xf32>
        %swap3A_1364 = vector.shape_cast %add3A_1359 : vector<16xf32> to vector<1x16xf32>
        tpu.vector_store %arg18[%swap3A_1360, %swap3A_1361], %swap3A_1364 {strides = array<i32>} : memref<16x1024xf32, #tpu.memory_space<vmem>>, vector<1x16xf32>,
        %get3A_1365 = arith.index_cast %scan3A_172 : i32 to index
        %get3A_1366 = arith.constant 944 : index
        %get3A_1367 = tpu.vector_load %arg16[%get3A_1365, %get3A_1366] {strides = array<i32>} : memref<16x1024xf32, #tpu.memory_space<vmem>>, vector<1x16xf32>,
        %get3A_1368 = vector.shape_cast %get3A_1367 : vector<1x16xf32> to vector<16xf32>
        %get3A_1369 = arith.index_cast %scan3A_172 : i32 to index
        %get3A_1370 = arith.constant 944 : index
        %get3A_1371 = tpu.vector_load %arg17[%get3A_1369, %get3A_1370] {strides = array<i32>} : memref<16x1024xf32, #tpu.memory_space<vmem>>, vector<1x16xf32>,
        %get3A_1372 = vector.shape_cast %get3A_1371 : vector<1x16xf32> to vector<16xf32>
        %mul3A_1373 = arith.mulf %gather3A_179, %get3A_1368 : vector<16xf32>
        %add3A_1374 = arith.addf %gather3A_176, %mul3A_1373 : vector<16xf32>
        %mul3A_1375 = arith.mulf %gather3A_182, %get3A_1372 : vector<16xf32>
        %mul3A_1376 = arith.mulf %get3A_1368, %get3A_1372 : vector<16xf32>
        %mul3A_1377 = arith.mulf %gather3A_185, %mul3A_1376 : vector<16xf32>
        %add3A_1378 = arith.addf %mul3A_1375, %mul3A_1377 : vector<16xf32>
        %add3A_1379 = arith.addf %add3A_1374, %add3A_1378 : vector<16xf32>
        %swap3A_1380 = arith.index_cast %scan3A_172 : i32 to index
        %swap3A_1381 = arith.constant 944 : index
        %swap3A_1382 = tpu.vector_load %arg18[%swap3A_1380, %swap3A_1381] {strides = array<i32>} : memref<16x1024xf32, #tpu.memory_space<vmem>>, vector<1x16xf32>,
        %swap3A_1383 = vector.shape_cast %swap3A_1382 : vector<1x16xf32> to vector<16xf32>
        %swap3A_1384 = vector.shape_cast %add3A_1379 : vector<16xf32> to vector<1x16xf32>
        tpu.vector_store %arg18[%swap3A_1380, %swap3A_1381], %swap3A_1384 {strides = array<i32>} : memref<16x1024xf32, #tpu.memory_space<vmem>>, vector<1x16xf32>,
        %get3A_1385 = arith.index_cast %scan3A_172 : i32 to index
        %get3A_1386 = arith.constant 960 : index
        %get3A_1387 = tpu.vector_load %arg16[%get3A_1385, %get3A_1386] {strides = array<i32>} : memref<16x1024xf32, #tpu.memory_space<vmem>>, vector<1x16xf32>,
        %get3A_1388 = vector.shape_cast %get3A_1387 : vector<1x16xf32> to vector<16xf32>
        %get3A_1389 = arith.index_cast %scan3A_172 : i32 to index
        %get3A_1390 = arith.constant 960 : index
        %get3A_1391 = tpu.vector_load %arg17[%get3A_1389, %get3A_1390] {strides = array<i32>} : memref<16x1024xf32, #tpu.memory_space<vmem>>, vector<1x16xf32>,
        %get3A_1392 = vector.shape_cast %get3A_1391 : vector<1x16xf32> to vector<16xf32>
        %mul3A_1393 = arith.mulf %gather3A_179, %get3A_1388 : vector<16xf32>
        %add3A_1394 = arith.addf %gather3A_176, %mul3A_1393 : vector<16xf32>
        %mul3A_1395 = arith.mulf %gather3A_182, %get3A_1392 : vector<16xf32>
        %mul3A_1396 = arith.mulf %get3A_1388, %get3A_1392 : vector<16xf32>
        %mul3A_1397 = arith.mulf %gather3A_185, %mul3A_1396 : vector<16xf32>
        %add3A_1398 = arith.addf %mul3A_1395, %mul3A_1397 : vector<16xf32>
        %add3A_1399 = arith.addf %add3A_1394, %add3A_1398 : vector<16xf32>
        %swap3A_1400 = arith.index_cast %scan3A_172 : i32 to index
        %swap3A_1401 = arith.constant 960 : index
        %swap3A_1402 = tpu.vector_load %arg18[%swap3A_1400, %swap3A_1401] {strides = array<i32>} : memref<16x1024xf32, #tpu.memory_space<vmem>>, vector<1x16xf32>,
        %swap3A_1403 = vector.shape_cast %swap3A_1402 : vector<1x16xf32> to vector<16xf32>
        %swap3A_1404 = vector.shape_cast %add3A_1399 : vector<16xf32> to vector<1x16xf32>
        tpu.vector_store %arg18[%swap3A_1400, %swap3A_1401], %swap3A_1404 {strides = array<i32>} : memref<16x1024xf32, #tpu.memory_space<vmem>>, vector<1x16xf32>,
        %get3A_1405 = arith.index_cast %scan3A_172 : i32 to index
        %get3A_1406 = arith.constant 976 : index
        %get3A_1407 = tpu.vector_load %arg16[%get3A_1405, %get3A_1406] {strides = array<i32>} : memref<16x1024xf32, #tpu.memory_space<vmem>>, vector<1x16xf32>,
        %get3A_1408 = vector.shape_cast %get3A_1407 : vector<1x16xf32> to vector<16xf32>
        %get3A_1409 = arith.index_cast %scan3A_172 : i32 to index
        %get3A_1410 = arith.constant 976 : index
        %get3A_1411 = tpu.vector_load %arg17[%get3A_1409, %get3A_1410] {strides = array<i32>} : memref<16x1024xf32, #tpu.memory_space<vmem>>, vector<1x16xf32>,
        %get3A_1412 = vector.shape_cast %get3A_1411 : vector<1x16xf32> to vector<16xf32>
        %mul3A_1413 = arith.mulf %gather3A_179, %get3A_1408 : vector<16xf32>
        %add3A_1414 = arith.addf %gather3A_176, %mul3A_1413 : vector<16xf32>
        %mul3A_1415 = arith.mulf %gather3A_182, %get3A_1412 : vector<16xf32>
        %mul3A_1416 = arith.mulf %get3A_1408, %get3A_1412 : vector<16xf32>
        %mul3A_1417 = arith.mulf %gather3A_185, %mul3A_1416 : vector<16xf32>
        %add3A_1418 = arith.addf %mul3A_1415, %mul3A_1417 : vector<16xf32>
        %add3A_1419 = arith.addf %add3A_1414, %add3A_1418 : vector<16xf32>
        %swap3A_1420 = arith.index_cast %scan3A_172 : i32 to index
        %swap3A_1421 = arith.constant 976 : index
        %swap3A_1422 = tpu.vector_load %arg18[%swap3A_1420, %swap3A_1421] {strides = array<i32>} : memref<16x1024xf32, #tpu.memory_space<vmem>>, vector<1x16xf32>,
        %swap3A_1423 = vector.shape_cast %swap3A_1422 : vector<1x16xf32> to vector<16xf32>
        %swap3A_1424 = vector.shape_cast %add3A_1419 : vector<16xf32> to vector<1x16xf32>
        tpu.vector_store %arg18[%swap3A_1420, %swap3A_1421], %swap3A_1424 {strides = array<i32>} : memref<16x1024xf32, #tpu.memory_space<vmem>>, vector<1x16xf32>,
        %get3A_1425 = arith.index_cast %scan3A_172 : i32 to index
        %get3A_1426 = arith.constant 992 : index
        %get3A_1427 = tpu.vector_load %arg16[%get3A_1425, %get3A_1426] {strides = array<i32>} : memref<16x1024xf32, #tpu.memory_space<vmem>>, vector<1x16xf32>,
        %get3A_1428 = vector.shape_cast %get3A_1427 : vector<1x16xf32> to vector<16xf32>
        %get3A_1429 = arith.index_cast %scan3A_172 : i32 to index
        %get3A_1430 = arith.constant 992 : index
        %get3A_1431 = tpu.vector_load %arg17[%get3A_1429, %get3A_1430] {strides = array<i32>} : memref<16x1024xf32, #tpu.memory_space<vmem>>, vector<1x16xf32>,
        %get3A_1432 = vector.shape_cast %get3A_1431 : vector<1x16xf32> to vector<16xf32>
        %mul3A_1433 = arith.mulf %gather3A_179, %get3A_1428 : vector<16xf32>
        %add3A_1434 = arith.addf %gather3A_176, %mul3A_1433 : vector<16xf32>
        %mul3A_1435 = arith.mulf %gather3A_182, %get3A_1432 : vector<16xf32>
        %mul3A_1436 = arith.mulf %get3A_1428, %get3A_1432 : vector<16xf32>
        %mul3A_1437 = arith.mulf %gather3A_185, %mul3A_1436 : vector<16xf32>
        %add3A_1438 = arith.addf %mul3A_1435, %mul3A_1437 : vector<16xf32>
        %add3A_1439 = arith.addf %add3A_1434, %add3A_1438 : vector<16xf32>
        %swap3A_1440 = arith.index_cast %scan3A_172 : i32 to index
        %swap3A_1441 = arith.constant 992 : index
        %swap3A_1442 = tpu.vector_load %arg18[%swap3A_1440, %swap3A_1441] {strides = array<i32>} : memref<16x1024xf32, #tpu.memory_space<vmem>>, vector<1x16xf32>,
        %swap3A_1443 = vector.shape_cast %swap3A_1442 : vector<1x16xf32> to vector<16xf32>
        %swap3A_1444 = vector.shape_cast %add3A_1439 : vector<16xf32> to vector<1x16xf32>
        tpu.vector_store %arg18[%swap3A_1440, %swap3A_1441], %swap3A_1444 {strides = array<i32>} : memref<16x1024xf32, #tpu.memory_space<vmem>>, vector<1x16xf32>,
        %get3A_1445 = arith.index_cast %scan3A_172 : i32 to index
        %get3A_1446 = arith.constant 1008 : index
        %get3A_1447 = tpu.vector_load %arg16[%get3A_1445, %get3A_1446] {strides = array<i32>} : memref<16x1024xf32, #tpu.memory_space<vmem>>, vector<1x16xf32>,
        %get3A_1448 = vector.shape_cast %get3A_1447 : vector<1x16xf32> to vector<16xf32>
        %get3A_1449 = arith.index_cast %scan3A_172 : i32 to index
        %get3A_1450 = arith.constant 1008 : index
        %get3A_1451 = tpu.vector_load %arg17[%get3A_1449, %get3A_1450] {strides = array<i32>} : memref<16x1024xf32, #tpu.memory_space<vmem>>, vector<1x16xf32>,
        %get3A_1452 = vector.shape_cast %get3A_1451 : vector<1x16xf32> to vector<16xf32>
        %mul3A_1453 = arith.mulf %gather3A_179, %get3A_1448 : vector<16xf32>
        %add3A_1454 = arith.addf %gather3A_176, %mul3A_1453 : vector<16xf32>
        %mul3A_1455 = arith.mulf %gather3A_182, %get3A_1452 : vector<16xf32>
        %mul3A_1456 = arith.mulf %get3A_1448, %get3A_1452 : vector<16xf32>
        %mul3A_1457 = arith.mulf %gather3A_185, %mul3A_1456 : vector<16xf32>
        %add3A_1458 = arith.addf %mul3A_1455, %mul3A_1457 : vector<16xf32>
        %add3A_1459 = arith.addf %add3A_1454, %add3A_1458 : vector<16xf32>
        %swap3A_1460 = arith.index_cast %scan3A_172 : i32 to index
        %swap3A_1461 = arith.constant 1008 : index
        %swap3A_1462 = tpu.vector_load %arg18[%swap3A_1460, %swap3A_1461] {strides = array<i32>} : memref<16x1024xf32, #tpu.memory_space<vmem>>, vector<1x16xf32>,
        %swap3A_1463 = vector.shape_cast %swap3A_1462 : vector<1x16xf32> to vector<16xf32>
        %swap3A_1464 = vector.shape_cast %add3A_1459 : vector<16xf32> to vector<1x16xf32>
        tpu.vector_store %arg18[%swap3A_1460, %swap3A_1461], %swap3A_1464 {strides = array<i32>} : memref<16x1024xf32, #tpu.memory_space<vmem>>, vector<1x16xf32>,
      }
      %scan3A_157 = arith.constant 16 : i32
      %mul3A_158 = arith.constant 16 : i32
      %mul3A_159 = arith.muli %add3A_114, %mul3A_158 : i32
      %add3A_160 = arith.addi %mul3A_2, %mul3A_159 : i32
      %dma_start3A_161 = arith.constant 0 : i32
      %dma_start3A_162 = tpu.memref_slice %arg7[%add3A_160, %dma_start3A_161] : memref<16384x1024xf32, #tpu.memory_space<hbm>> -> memref<16x1024xf32, #tpu.memory_space<hbm>>
      %dma_start3A_163 = arith.constant 0 : i32
      %dma_start3A_164 = tpu.memref_slice %arg7[%add3A_160, %dma_start3A_163] : memref<16384x1024xf32, #tpu.memory_space<hbm>> -> memref<16x1024xf32, #tpu.memory_space<hbm>>
      tpu.enqueue_dma source(%arg18 : memref<16x1024xf32, #tpu.memory_space<vmem>>) target(%dma_start3A_164 : memref<16x1024xf32, #tpu.memory_space<hbm>>) target_semaphore(%arg24 : memref<!tpu.dma_semaphore, #tpu.memory_space<semaphore_mem>>)
      %add3A_165 = arith.constant 2 : i32
      %add3A_166 = arith.addi %add3A_114, %add3A_165 : i32
      %lt3A_167 = arith.constant 32 : i32
      %lt3A_168 = arith.cmpi slt, %add3A_166, %lt3A_167 : i32
      %convert_element_type3A_169 = arith.extui %lt3A_168 : i1 to i32
      %cond3A_170 = arith.constant 0 : i32
      %cond3A_171 = arith.cmpi ne, %convert_element_type3A_169, %cond3A_170 : i32
      scf.if %cond3A_171 {
        %add3A_172 = arith.constant 2 : i32
        %add3A_173 = arith.addi %add3A_114, %add3A_172 : i32
        %mul3A_174 = arith.constant 16 : i32
        %mul3A_175 = arith.muli %add3A_173, %mul3A_174 : i32
        %get3A_176 = arith.index_cast %mul3A_175 : i32 to index
        %get3A_177 = tpu.vector_load %arg8[%get3A_176] {strides = array<i32>} : memref<512xi32, #tpu.memory_space<vmem>>, vector<16xi32>,
        %get3A_178 = vector.shape_cast %get3A_177 : vector<16xi32> to vector<16xi32>
        %mul3A_179 = arith.constant 16 : i32
        %mul3A_180 = arith.muli %add3A_173, %mul3A_179 : i32
        %get3A_181 = arith.index_cast %mul3A_180 : i32 to index
        %get3A_182 = tpu.vector_load %arg9[%get3A_181] {strides = array<i32>} : memref<512xi32, #tpu.memory_space<vmem>>, vector<16xi32>,
        %get3A_183 = vector.shape_cast %get3A_182 : vector<16xi32> to vector<16xi32>
        %dma_start3A_184 = arith.constant 0 : i32
        %dma_start3A_185 = arith.constant 0 : i32
        %dma_start3A_186 = tpu.memref_slice %arg2[%dma_start3A_184, %dma_start3A_185] : memref<16384x1024xf32, #tpu.memory_space<hbm>> -> memref<16384x1024xf32, #tpu.memory_space<hbm>>
        tpu.enqueue_indirect_dma source(%dma_start3A_186 : memref<16384x1024xf32, #tpu.memory_space<hbm>>) target(%arg16 : memref<16x1024xf32, #tpu.memory_space<vmem>>) offsets(%get3A_178 : vector<16xi32>) semaphore(%arg22 : memref<!tpu.dma_semaphore, #tpu.memory_space<semaphore_mem>>)
        %dma_start3A_187 = arith.constant 0 : i32
        %dma_start3A_188 = arith.constant 0 : i32
        %dma_start3A_189 = tpu.memref_slice %arg2[%dma_start3A_187, %dma_start3A_188] : memref<16384x1024xf32, #tpu.memory_space<hbm>> -> memref<16384x1024xf32, #tpu.memory_space<hbm>>
        tpu.enqueue_indirect_dma source(%dma_start3A_189 : memref<16384x1024xf32, #tpu.memory_space<hbm>>) target(%arg17 : memref<16x1024xf32, #tpu.memory_space<vmem>>) offsets(%get3A_183 : vector<16xi32>) semaphore(%arg23 : memref<!tpu.dma_semaphore, #tpu.memory_space<semaphore_mem>>)
      } else {
      }
    }
    %scan3A_45 = arith.constant 16 : i32
    %dma_wait3A = arith.constant 0 : i32
    %dma_wait3A_46 = tpu.memref_slice %arg7[%mul3A_2, %dma_wait3A] : memref<16384x1024xf32, #tpu.memory_space<hbm>> -> memref<16x1024xf32, #tpu.memory_space<hbm>>
    %dma_wait3A_47 = arith.constant 0 : i32
    %dma_wait3A_48 = tpu.memref_slice %arg7[%mul3A_2, %dma_wait3A_47] : memref<16384x1024xf32, #tpu.memory_space<hbm>> -> memref<16x1024xf32, #tpu.memory_space<hbm>>
    tpu.wait_dma2 semaphore(%arg21 : memref<!tpu.dma_semaphore, #tpu.memory_space<semaphore_mem>>) src(%arg15 : memref<16x1024xf32, #tpu.memory_space<vmem>>) dst(%dma_wait3A_48 : memref<16x1024xf32, #tpu.memory_space<hbm>>)
    %dma_wait3A_49 = arith.constant 0 : i32
    %dma_wait3A_50 = tpu.memref_slice %arg7[%mul3A_2, %dma_wait3A_49] : memref<16384x1024xf32, #tpu.memory_space<hbm>> -> memref<16x1024xf32, #tpu.memory_space<hbm>>
    %dma_wait3A_51 = arith.constant 0 : i32
    %dma_wait3A_52 = tpu.memref_slice %arg7[%mul3A_2, %dma_wait3A_51] : memref<16384x1024xf32, #tpu.memory_space<hbm>> -> memref<16x1024xf32, #tpu.memory_space<hbm>>
    tpu.wait_dma2 semaphore(%arg24 : memref<!tpu.dma_semaphore, #tpu.memory_space<semaphore_mem>>) src(%arg18 : memref<16x1024xf32, #tpu.memory_space<vmem>>) dst(%dma_wait3A_52 : memref<16x1024xf32, #tpu.memory_space<hbm>>)
    return
  }
}

</mosaic_0001>

<sc_bundles>
// kernel: kernel.3.cloned.1.call-start
scs
__scs_entry_jumppad:
0x0: {  	(pc) =	sbr.rel $0x88, $3  }
0x1: {  	(tag) =	ssettag $0x0;
	lr =	simm.s32 $0x1  }
0x2: {  	[smem:$0x3F9C] =	sst lr;
	_ =	strace $0xD0000000  }
0x3: {  	_ = 	snop  }
0x4: {  	_ = 	snop  }
0x5: {  	_ = 	snop  }
0x6: {  	_ = 	snop  }
0x7: {  	_ = 	snop  }
__scs_overlays_trampoline_lowered:
0x8: {  	[smem:$0x3FAB] =	sst s0  }
0x9: {  	[smem:$0x3FAC] =	sst s1  }
0xa: {  	[smem:$0x3FAD] =	sst s2  }
0xb: {  	[smem:$0x3FAE] =	sst s3  }
0xc: {  	[smem:$0x3FAF] =	sst s4  }
0xd: {  	[smem:$0x3FB0] =	sst s5  }
0xe: {  	[smem:$0x3FB1] =	sst s6  }
0xf: {  	[smem:$0x3FB2] =	sst s7  }
0x10: {  	[smem:$0x3FB3] =	sst s8  }
0x11: {  	[smem:$0x3FB4] =	sst s9;
	s0 =	simm.s32 @!p0 $0x0  }
0x12: {  	s1 =	sld [smem:$0x3F9A];
	s0 =	simm.s32 @p0 $0x1  }
0x13: {  	[smem:$0x3FB5] =	sst s0;
	s0 =	simm.s32 @!p1 $0x0  }
0x14: {  	s2 =	sld [smem:$0x3F99];
	s0 =	simm.s32 @p1 $0x1  }
0x15: {  	[smem:$0x3FB6] =	sst s0;
	s0 =	simm.s32 @!p2 $0x0  }
0x16: {  	s3 =	sld [smem:$0x3FDB];
	s0 =	simm.s32 @p2 $0x1  }
0x17: {  	s4 =	simm.s32 $0x1BF5;
	[smem:$0x3FB8] =	sst s0  }
0x18: {  	s0 =	sld [smem:$0x3F9B];
	_ =	swait.ge [sflag:s4], $0x0  }
0x19: {  	s7 =	sld [smem:$0x3F9C]  }
0x1a: {  	s8 =	sadd.s32 $0xFFFFE003, lr  }
0x1b: {  	s9 =	sadd.s32 $0xFFFFFEF7, lr;
	s5 =	simm.s32 $0xFFFFFFFF;
	p2 =	slt.u32 s8, $0xFFFFF086  }
0x1c: {  	p1 =	slt.u32 s9, $0xF7A;
	s5 =	simm.s32 @!p2 $0x0  }
0x1d: {  	s5 =	simm.s32 @p1 $0x1;
	p0 =	seq.s32 s7, s2  }
0x1e: {  	s7 =	smul.u32 @!p0 $0xF7A, s2;
	p2 =	seq.s32 @!p0 s5, $0x0  }
0x1f: {  	s9 =	smul.u32 $0xF7A, s1;
	s8 =	simm.s32 @!p0 $0x1BF5;
	p2 =	por !p2, p0  }
0x20: {  	[sflag:s8] =	ssyncset.s32 @!p0 $0xFFFFF086;
	s6 =	sadd.s32 @!p0 s3, s7;
	s7 =	simm.s32 @!p0 $0x108  }
0x21: {  	s3 =	sadd.s32 s3, s9;
	s6 =	sadd.s32 @!p0 $0x88, s6;
	s7 =	simm.s32 @p2 $0x1082  }
0x22: {  	[simem:s7], [sflag:s8] =	dma.local @!p0 [hbm:s6], $0xF7A  }
0x23: {  	s9 =	sor.u32 $0xD0000000, s2;
	s6 =	simm.s32 $0x108;
	_ =	swait.ge @!p0 [sflag:s8], $0x0  }
0x24: {  	s3 =	sadd.s32 $0x88, s3;
	s6 =	simm.s32 @!p1 $0x1082;
	[sflag:s4] =	ssyncset.s32 $0xFFFFF086  }
0x25: {  	[simem:s6], [sflag:s4] =	dma.local [hbm:s3], $0xF7A  }
0x26: {  	[smem:$0x3F9C] =	sst s1;
	(tag) =	ssettag s2;
	_ =	strace s9  }
0x27: {  	s1 =	sld [smem:$0x3FAC]  }
0x28: {  	s2 =	sld [smem:$0x3FAD]  }
0x29: {  	s4 =	sld [smem:$0x3FAF]  }
0x2a: {  	p0 =	seq.s32 s5, $0x0;
	s5 =	sld [smem:$0x3FB0]  }
0x2b: {  	s6 =	sld [smem:$0x3FB1]  }
0x2c: {  	s7 =	sld [smem:$0x3FB2]  }
0x2d: {  	s3 =	simm.s32 $0x108;
	s8 =	sld [smem:$0x3FB3]  }
0x2e: {  	s3 =	simm.s32 @!p0 $0x1082;
	s9 =	sld [smem:$0x3FB4]  }
0x2f: {  	lr =	sadd.s32 s0, s3;
	s0 =	sld [smem:$0x3FAB]  }
0x30: {  	s3 =	sld [smem:$0x3FAE]  }
0x31: {  	[smem:$0x3FB7] =	sst s10  }
0x32: {  	s10 =	sld [smem:$0x3FB5];
	_ =	sdelay $0x3  }
0x33: {  	p0 =	seq.s32 s10, $0x1;
	s10 =	sld [smem:$0x3FB7];
	_ =	sdelay $0x3  }
0x34: {  	[smem:$0x3FB7] =	sst s10  }
0x35: {  	s10 =	sld [smem:$0x3FB6];
	_ =	sdelay $0x3  }
0x36: {  	p1 =	seq.s32 s10, $0x1;
	s10 =	sld [smem:$0x3FB7];
	_ =	sdelay $0x3  }
0x37: {  	[smem:$0x3FB7] =	sst s10  }
0x38: {  	s10 =	sld [smem:$0x3FB8]  }
0x39: {  	_ = 	snop;
	(pc) =	sbr.ind lr, $3  }
0x3a: {  	_ = 	snop  }
0x3b: {  	_ = 	snop  }
0x3c: {  	p2 =	seq.s32 s10, $0x1;
	s10 =	sld [smem:$0x3FB7]  }
0x3d: {  	_ =	shalt  }
0x3e: {  	_ =	shalt  }
0x3f: {  	_ =	shalt  }
0x40: {  	_ =	shalt  }
0x41: {  	_ =	shalt  }
0x42: {  	_ =	shalt  }
0x43: {  	_ =	shalt  }
0x44: {  	_ =	shalt  }
0x45: {  	_ =	shalt  }
0x46: {  	_ =	shalt  }
0x47: {  	_ =	shalt  }
0x48: {  	_ =	shalt  }
0x49: {  	_ =	shalt  }
0x4a: {  	_ =	shalt  }
0x4b: {  	_ =	shalt  }
0x4c: {  	_ =	shalt  }
0x4d: {  	_ =	shalt  }
0x4e: {  	_ =	shalt  }
0x4f: {  	_ =	shalt  }
0x50: {  	_ =	shalt  }
0x51: {  	_ =	shalt  }
0x52: {  	_ =	shalt  }
0x53: {  	_ =	shalt  }
0x54: {  	_ =	shalt  }
0x55: {  	_ =	shalt  }
0x56: {  	_ =	shalt  }
0x57: {  	_ =	shalt  }
0x58: {  	_ =	shalt  }
0x59: {  	_ =	shalt  }
0x5a: {  	_ =	shalt  }
0x5b: {  	_ =	shalt  }
0x5c: {  	_ =	shalt  }
0x5d: {  	_ =	shalt  }
0x5e: {  	_ =	shalt  }
0x5f: {  	_ =	shalt  }
0x60: {  	_ =	shalt  }
0x61: {  	_ =	shalt  }
0x62: {  	_ =	shalt  }
0x63: {  	_ =	shalt  }
0x64: {  	_ =	shalt  }
0x65: {  	_ =	shalt  }
0x66: {  	_ =	shalt  }
0x67: {  	_ =	shalt  }
0x68: {  	_ =	shalt  }
0x69: {  	_ =	shalt  }
0x6a: {  	_ =	shalt  }
0x6b: {  	_ =	shalt  }
0x6c: {  	_ =	shalt  }
0x6d: {  	_ =	shalt  }
0x6e: {  	_ =	shalt  }
0x6f: {  	_ =	shalt  }
0x70: {  	_ =	shalt  }
0x71: {  	_ =	shalt  }
0x72: {  	_ =	shalt  }
0x73: {  	_ =	shalt  }
0x74: {  	_ =	shalt  }
0x75: {  	_ =	shalt  }
0x76: {  	_ =	shalt  }
0x77: {  	_ =	shalt  }
0x78: {  	_ =	shalt  }
0x79: {  	_ =	shalt  }
0x7a: {  	_ =	shalt  }
0x7b: {  	_ =	shalt  }
0x7c: {  	_ =	shalt  }
0x7d: {  	_ =	shalt  }
0x7e: {  	_ =	shalt  }
0x7f: {  	_ =	shalt  }
0x80: {  	_ =	shalt  }
0x81: {  	_ =	shalt  }
0x82: {  	_ =	shalt  }
0x83: {  	_ =	shalt  }
0x84: {  	_ =	shalt  }
0x85: {  	_ =	shalt  }
0x86: {  	_ =	shalt  }
0x87: {  	_ =	shalt  }
.Lfunc_end0:
.L_simem_size_0:
called_computation.1_lowered:
.L_overlay_start_0:
0x88: {  	s2 =	sld [smem:$0x3FD9]  }
0x89: {  	s3 =	sld [smem:$0x3FFE];
	_ =	sdelay $0x1  }
0x8a: {  	s1 =	srdreg.scid  }
0x8b: {  	s0 =	sand.u32 $0x1, s1  }
0x8c: {  	s17 =	sshll.u32 s0, $0xA;
	s2 =	sadd.s32 s3, s2  }
0x8d: {  	s2 =	sadd.s32 s2, s17  }
0x8e: {  	[smem:$0x3FC3] =	sst s2  }
0x8f: {  	_ = 	snop  }
0x90: {  	s2 =	sld [smem:$0x3FC8]  }
0x91: {  	s18 =	sld [smem:$0x3FC7]  }
0x92: {  	s4 =	sld [smem:$0x3FC6]  }
0x93: {  	s5 =	sld [smem:$0x3FD0];
	(tm) =	ssettm $0x1  }
0x94: {  	s6 =	sld [smem:$0x3FFB];
	_ =	sdelay $0x3  }
0x95: {  	_ =	strace s6  }
0x96: {  	s6 =	sld [smem:$0x3FFC];
	_ =	sdelay $0x3  }
0x97: {  	_ =	strace s6  }
0x98: {  	s6 =	sld [smem:$0x3FFD];
	_ =	sdelay $0x3  }
0x99: {  	_ =	strace s6  }
0x9a: {  	_ =	strace $0x8FFFFFFF  }
0x9b: {  	s19 =	sld [smem:$0x3FDB];
	_ =	sdelay $0x1  }
0x9c: {  	s7 =	simm.s32 $_scs_section_size  }
0x9d: {  	s8 =	simm.s32 $_size__tile_overlayer_lowered;
	s9 =	simm.s32 $_tile_overlayer_lowered  }
0x9e: {  	s22 =	simm.s32 $0x1BFF;
	s21 =	sshll.u32 s9, $0x1;
	s6 =	sadd.s32 s7, s19  }
0x9f: {  	s10 =	simm.s32 $0x0;
	s20 =	sshll.u32 s8, $0x1;
	s8 =	sadd.s32 s21, s6  }
0xa0: {  	[timem:s10], [sflag:s22] =	dma.local [hbm:s8], s20  }
0xa1: {  	_ =	swait.ge [sflag:s22], s20  }
0xa2: {  	s7 =	ssub.s32 $0x0, s20;
	[sflag:s22] =	ssyncset.done $0x0  }
0xa3: {  	[sflag:s22] =	ssyncadd.s32 s7;
	_ =	sdelay $0x1  }
0xa4: {  	s23 =	simm.s32 $0x1B8B  }
0xa5: {  	_ =	swait.ge [sflag:s23], $0x1  }
0xa6: {  	[sflag:s23] =	ssyncset.done $0x0  }
0xa7: {  	s25 =	simm.s32 $0x1B8E;
	s24 =	sld [smem:$0x3FFE];
	[sflag:s23] =	ssyncadd.s32 $0xFFFFFFFF  }
0xa8: {  	s26 =	simm.s32 $execute0_lowered;
	[smem:$0x3FD2] =	sst s25  }
0xa9: {  	s8 =	sshll.u32 s26, $0x1;
	_ =	strace $0x80000046;
	[dreg:$0x1] =	wrdreg $0xFFFFFFFF  }
0xaa: {  	s28 =	simm.s32 $_size_execute0_lowered;
	s6 =	sadd.s32 s6, s8;
	[dreg:$0x0] =	wrdreg $0x0  }
0xab: {  	s8 =	sshll.u32 s28, $0x1;
	[dreg:$0x2] =	wrdreg s6  }
0xac: {  	[dreg:$0x3] =	wrdreg s8  }
0xad: {  	[dreg:$0x4] =	wrdreg $0xC0  }
0xae: {  	_ =	task [dreg:s10], $0x5FFFF  }
0xaf: {  	[dreg:$0x1] =	wrdreg $0xFFFFFFFF  }
0xb0: {  	[dreg:$0x0] =	wrdreg $0x60  }
0xb1: {  	[dreg:$0x2] =	wrdreg s5  }
0xb2: {  	[dreg:$0x3] =	wrdreg s2  }
0xb3: {  	[dreg:$0x4] =	wrdreg s18  }
0xb4: {  	[dreg:$0x5] =	wrdreg s4  }
0xb5: {  	[dreg:$0x6] =	wrdreg s24  }
0xb6: {  	[dreg:$0x7] =	wrdreg $0x9  }
0xb7: {  	_ =	task.clear_ibuf [dreg:s10], $0x8FFFF;
	_ =	strace $0x90000046  }
0xb8: {  	s29 =	simm.s32 $0x9;
	_ =	strace $0x80000048  }
0xb9: {  	_ =	swait.ge [sflag:s29], $0x1  }
0xba: {  	[sflag:s29] =	ssyncadd.s32 $0xFFFFFFFF  }
0xbb: {  	_ =	strace $0x90000048  }
0xbc: {  	_ =	sfence  }
0xbd: {  	s30 =	sld [smem:$0x0];
	_ =	sdelay $0x2  }
0xbe: {  	s31 =	sshll.u32 s1, $0xD;
	s1 =	sshrl.u32 s1, $0x2  }
0xbf: {  	s3 =	sand.u32 $0x4000, s31;
	s1 =	sadd.s32 s1, s30  }
0xc0: {  	s0 =	sor.u32 s3, s0;
	s1 =	sshll.u32 s1, $0x11  }
0xc1: {  	s0 =	sor.u32 s1, s0  }
0xc2: {  	s0 =	sadd.s32 $0x8F2B, s0  }
0xc3: {  	[sflag:s0] =	ssyncadd.remote.s32 $0x1  }
0xc4: {  	_ =	sfence.sel $0xFFFF  }
0xc5: {  	[dreg:$0x0] =	wrdreg $0xFFFFFFFF;
	(pc) =	sbr.abs _section_cstart, $3  }
0xc6: {  	[dreg:$0x1] =	wrdreg $0xFFFFFFFF  }
0xc7: {  	_ =	task.clear_ibuf [dreg:s10], $0x2FFFF;
	_ =	strace $0x9FFFFFFF  }
0xc8: {  	(tm) =	ssettm $0x7FFFFFFF  }
0xc9: {  	_ =	shalt  }
tec
execute0_lowered:
.L_overlay_start_1:
0x0: {  	(tag) =	ssettag $0x1  }
0x1: {  	s1 =	rddreg [dreg:$0x0]  }
0x2: {  	s0 =	rddreg [dreg:$0x1]  }
0x3: {  	s2 =	rddreg [dreg:$0x2]  }
0x4: {  	s4 =	rddreg [dreg:$0x3]  }
0x5: {  	s6 =	rddreg [dreg:$0x4];
	s3 =	simm.s32 $0x0  }
0x6: {  	s5 =	srdreg.scid;
	s8 =	stileid.u32;
	s28 =	simm.s32 $0x13480  }
0x7: {  	s29 =	simm.s32 $0x13C80;
	s30 =	simm.s32 $0x14480;
	s31 =	simm.s32 $0x14C80  }
0x8: {  	s15 =	simm.s32 $0x16480;
	s16 =	simm.s32 $0x1;
	s17 =	simm.s32 $0x2  }
0x9: {  	s18 =	simm.s32 $0x0;
	[smem:$0x7FF] =	sst s3;
	s5 =	sand.u32 $0x1, s5  }
0xa: {  	s8 =	sshll.u32 s8, $0xA;
	s9 =	sadd.s32 $0x800, s6;
	s6 =	sadd.s32 $0xA00, s6  }
0xb: {  	s10 =	sadd.s32 $0x100, s1;
	s11 =	sadd.s32 $0x200, s1;
	s12 =	sadd.s32 $0x300, s1  }
0xc: {  	_ =	strace $0x80000047;
	s7 =	ssub.s32 $0x2, s5;
	s5 =	sshll.u32 s5, $0x9  }
0xd: {  	[dreg:$0x6] =	wrdreg s9;
	s9 =	simm.s32 $0x16C80;
	s5 =	sor.u32 s5, s8  }
0xe: {  	s24 =	sshrl.u32 s7, $0x1;
	s8 =	sshrl.u32 s5, $0x3;
	s0 =	sadd.s32 s0, s5  }
0xf: {  	s7 =	ssub.s32 s7, s24;
	s2 =	sadd.s32 s2, s8;
	[dreg:$0x9] =	wrdreg s0  }
0x10: {  	s25 =	sadd.s32 s4, s8;
	s26 =	smax.u32 s7, $0x1;
	[dreg:$0x7] =	wrdreg s2  }
0x11: {  	v3 =	vlaneseq.u32;
	v0 =	vimm.f32 $1.000000000e+00;
	vm0 =	vmmov $0xffff;
	s0 =	simm.s32 $0x15480;
	s4 =	simm.s32 $0xAC80;
	[dreg:$0x8] =	wrdreg s25  }
0x12: {  	v4 =	vimm.s32 $0x10;
	v5 =	vimm.f32 $0.0e+00;
	v2 =	vshrl.u32 v3, $0x3;
	s7 =	simm.s32 $0x4;
	s8 =	simm.s32 $0x5;
	[dreg:$0xa] =	wrdreg s26  }
0x13: {  	v1 =	vand.u32 $0x7, v3;
	v3 =	vor.u32 $0x8, v3;
	v2 =	vmul.u32 $0x8, v2;
	s25 =	simm.s32 $0x12480;
	s26 =	simm.s32 $0x12C80;
	s2 =	simm.s32 $0x15C80  }
.LBB2_1:
0x14: {  	[dreg:$0xb] =	wrdreg s18  }
0x15: {  	s13 =	rddreg [dreg:$0x7];
	s14 =	simm.s32 $0x7  }
0x16: {  	[tilespmem:s3], [sflag:$0x7] =	stream.linear.gather [hbm4b:s13+s3], $0x200, $0x38;
	[tilespmem:$0x1AC80] =	vst v63  }
0x17: {  	_ =	swait.ge [sflag:s14], $0x200  }
0x18: {  	[sflag:s14] =	ssyncset.done $0x0  }
0x19: {  	s20 =	simm.s32 $0x200;
	s19 =	rddreg [dreg:$0x8];
	[sflag:s14] =	ssyncadd.s32 $0xFFFFFE00  }
0x1a: {  	[tilespmem:s20], [sflag:$0x7] =	stream.linear.gather [hbm4b:s19+s3], $0x200, $0x38;
	[tilespmem:$0x1AC80] =	vst v63  }
0x1b: {  	_ =	swait.ge [sflag:s14], $0x200  }
0x1c: {  	s22 =	simm.s32 $0x1000;
	s19 =	simm.s32 $0x20000;
	[sflag:s14] =	ssyncset.done $0x0  }
0x1d: {  	s20 =	simm.s32 $0x400;
	s21 =	rddreg [dreg:$0x9];
	[sflag:s14] =	ssyncadd.s32 $0xFFFFFE00  }
0x1e: {  	[tilespmem:s20], [sflag:$0x7] =	stream.strided.gather [hbm4b:s21+s22], $0x2000, s19, s22, $0x38;
	[tilespmem:$0x1AC80] =	vst v63  }
0x1f: {  	_ =	swait.ge [sflag:s14], $0x2000  }
0x20: {  	[sflag:s14] =	ssyncset.done $0x0  }
0x21: {  	s24 =	simm.s32 $0x2C00;
	s23 =	rddreg [dreg:$0x6];
	[sflag:s14] =	ssyncadd.s32 $0xFFFFE000  }
0x22: {  	[tilespmem:s24], [sflag:$0x7] =	stream.linear.gather [hbm4b:s23+s3], $0x80, $0x38;
	[tilespmem:$0x1AC80] =	vst v63  }
0x23: {  	_ =	swait.ge [sflag:s14], $0x80  }
0x24: {  	[sflag:s14] =	ssyncset.done $0x0  }
0x25: {  	[sflag:s14] =	ssyncadd.s32 $0xFFFFFF80  }
0x26: {  	v6 =	vld [tilespmem:$0x0];
	_ =	sdelay $0x4  }
0x27: {  	v7 =	vshll.u32 v6, $0x3  }
0x28: {  	v6 =	vand.u32 $0x7, v6;
	v7 =	vand.u32 $0xFFFFFFC0, v7  }
0x29: {  	v6 =	vor.u32 v6, v7  }
0x2a: {  	v7 =	vperm.xlane v6, v1;
	_ =	sdelay $0x1  }
0x2b: {  	v7 =	vadd.s32 v2, v7;
	_ =	sdelay $0x3  }
0x2c: {  	s18 =	simm.s32 $0x2C80;
	v8 =	vld [tilespmem:$0x2C00]  }
0x2d: {  	v9 =	vld [tilespmem:$0x200];
	[tilespmem:s18], [sflag:$0x1] =	stream.indirect_vreg.gather [hbm4b:s1+s3], $0x80, v7, vm0, $0xb8  }
0x2e: {  	s19 =	simm.s32 $0x3480;
	v6 =	vperm.xlane v6, v3  }
0x2f: {  	[tilespmem:s19], [sflag:$0x1] =	stream.indirect_vreg.gather [hbm4b:s10+s3], $0x80, v7, vm0, $0xb8;
	[tilespmem:$0x1AC80] =	vst v63  }
0x30: {  	s20 =	simm.s32 $0x3C80;
	v6 =	vadd.s32 v2, v6  }
0x31: {  	[tilespmem:s20], [sflag:$0x1] =	stream.indirect_vreg.gather [hbm4b:s11+s3], $0x80, v7, vm0, $0xb8;
	[tilespmem:$0x1AC80] =	vst v63  }
0x32: {  	s21 =	simm.s32 $0x4480  }
0x33: {  	[tilespmem:s21], [sflag:$0x1] =	stream.indirect_vreg.gather [hbm4b:s12+s3], $0x80, v7, vm0, $0xb8;
	v7 =	vshll.u32 v9, $0x3;
	[tilespmem:$0x1AC80] =	vst v63  }
0x34: {  	s22 =	simm.s32 $0x4C80;
	v9 =	vand.u32 $0x7, v9;
	v7 =	vand.u32 $0xFFFFFFC0, v7  }
0x35: {  	[tilespmem:s22], [sflag:$0x1] =	stream.indirect_vreg.gather [hbm4b:s1+s3], $0x80, v6, vm0, $0xb8;
	v7 =	vor.u32 v9, v7;
	[tilespmem:$0x1AC80] =	vst v63  }
0x36: {  	s23 =	simm.s32 $0x5480;
	v9 =	vperm.xlane v7, v1  }
0x37: {  	[tilespmem:s23], [sflag:$0x1] =	stream.indirect_vreg.gather [hbm4b:s10+s3], $0x80, v6, vm0, $0xb8;
	[tilespmem:$0x1AC80] =	vst v63  }
0x38: {  	s24 =	simm.s32 $0x5C80;
	v9 =	vadd.s32 v2, v9  }
0x39: {  	[tilespmem:s24], [sflag:$0x1] =	stream.indirect_vreg.gather [hbm4b:s11+s3], $0x80, v6, vm0, $0xb8;
	[tilespmem:$0x1AC80] =	vst v63  }
0x3a: {  	s14 =	simm.s32 $0x6480  }
0x3b: {  	[tilespmem:s14], [sflag:$0x1] =	stream.indirect_vreg.gather [hbm4b:s12+s3], $0x80, v6, vm0, $0xb8;
	[tilespmem:$0x1AC80] =	vst v63  }
0x3c: {  	s18 =	simm.s32 $0x6C80  }
0x3d: {  	[tilespmem:s18], [sflag:$0x2] =	stream.indirect_vreg.gather [hbm4b:s1+s3], $0x80, v9, vm0, $0xb8;
	[tilespmem:$0x1AC80] =	vst v63  }
0x3e: {  	s19 =	simm.s32 $0x7480;
	v6 =	vperm.xlane v7, v3  }
0x3f: {  	[tilespmem:s19], [sflag:$0x2] =	stream.indirect_vreg.gather [hbm4b:s10+s3], $0x80, v9, vm0, $0xb8;
	[tilespmem:$0x1AC80] =	vst v63  }
0x40: {  	s20 =	simm.s32 $0x7C80;
	v6 =	vadd.s32 v2, v6  }
0x41: {  	[tilespmem:s20], [sflag:$0x2] =	stream.indirect_vreg.gather [hbm4b:s11+s3], $0x80, v9, vm0, $0xb8;
	[tilespmem:$0x1AC80] =	vst v63  }
0x42: {  	s21 =	simm.s32 $0x8480  }
0x43: {  	[tilespmem:s21], [sflag:$0x2] =	stream.indirect_vreg.gather [hbm4b:s12+s3], $0x80, v9, vm0, $0xb8;
	[tilespmem:$0x1AC80] =	vst v63  }
0x44: {  	s22 =	simm.s32 $0x8C80  }
0x45: {  	[tilespmem:s22], [sflag:$0x2] =	stream.indirect_vreg.gather [hbm4b:s1+s3], $0x80, v6, vm0, $0xb8;
	[tilespmem:$0x1AC80] =	vst v63  }
0x46: {  	s23 =	simm.s32 $0x9480  }
0x47: {  	[tilespmem:s23], [sflag:$0x2] =	stream.indirect_vreg.gather [hbm4b:s10+s3], $0x80, v6, vm0, $0xb8;
	[tilespmem:$0x1AC80] =	vst v63  }
0x48: {  	s24 =	simm.s32 $0x9C80  }
0x49: {  	[tilespmem:s24], [sflag:$0x2] =	stream.indirect_vreg.gather [hbm4b:s11+s3], $0x80, v6, vm0, $0xb8;
	[tilespmem:$0x1AC80] =	vst v63  }
0x4a: {  	s14 =	simm.s32 $0xA480  }
0x4b: {  	[tilespmem:s14], [sflag:$0x2] =	stream.indirect_vreg.gather [hbm4b:s12+s3], $0x80, v6, vm0, $0xb8;
	[tilespmem:$0x1AC80] =	vst v63  }
0x4c: {  	v6 =	vld [tilespmem:$0x10];
	_ =	sdelay $0x4  }
0x4d: {  	v7 =	vshll.u32 v6, $0x3  }
0x4e: {  	v6 =	vand.u32 $0x7, v6;
	v7 =	vand.u32 $0xFFFFFFC0, v7  }
0x4f: {  	v6 =	vor.u32 v6, v7  }
0x50: {  	v7 =	vperm.xlane v6, v1;
	_ =	sdelay $0x1  }
0x51: {  	v7 =	vadd.s32 v2, v7;
	_ =	sdelay $0x3  }
0x52: {  	s18 =	simm.s32 $0xEC80  }
0x53: {  	v9 =	vld [tilespmem:$0x210];
	[tilespmem:s18], [sflag:$0x4] =	stream.indirect_vreg.gather [hbm4b:s1+s3], $0x80, v7, vm0, $0xb8  }
0x54: {  	s19 =	simm.s32 $0xF480;
	v6 =	vperm.xlane v6, v3  }
0x55: {  	[tilespmem:s19], [sflag:$0x4] =	stream.indirect_vreg.gather [hbm4b:s10+s3], $0x80, v7, vm0, $0xb8;
	[tilespmem:$0x1AC80] =	vst v63  }
0x56: {  	s20 =	simm.s32 $0xFC80;
	v6 =	vadd.s32 v2, v6  }
0x57: {  	[tilespmem:s20], [sflag:$0x4] =	stream.indirect_vreg.gather [hbm4b:s11+s3], $0x80, v7, vm0, $0xb8;
	[tilespmem:$0x1AC80] =	vst v63  }
0x58: {  	s21 =	simm.s32 $0x10480  }
0x59: {  	[tilespmem:s21], [sflag:$0x4] =	stream.indirect_vreg.gather [hbm4b:s12+s3], $0x80, v7, vm0, $0xb8;
	v7 =	vshll.u32 v9, $0x3;
	[tilespmem:$0x1AC80] =	vst v63  }
0x5a: {  	s22 =	simm.s32 $0x10C80;
	v9 =	vand.u32 $0x7, v9;
	v7 =	vand.u32 $0xFFFFFFC0, v7  }
0x5b: {  	[tilespmem:s22], [sflag:$0x4] =	stream.indirect_vreg.gather [hbm4b:s1+s3], $0x80, v6, vm0, $0xb8;
	v7 =	vor.u32 v9, v7;
	[tilespmem:$0x1AC80] =	vst v63  }
0x5c: {  	s23 =	simm.s32 $0x11480;
	v9 =	vperm.xlane v7, v1  }
0x5d: {  	[tilespmem:s23], [sflag:$0x4] =	stream.indirect_vreg.gather [hbm4b:s10+s3], $0x80, v6, vm0, $0xb8;
	[tilespmem:$0x1AC80] =	vst v63  }
0x5e: {  	s24 =	simm.s32 $0x11C80;
	v9 =	vadd.s32 v2, v9  }
0x5f: {  	[tilespmem:s24], [sflag:$0x4] =	stream.indirect_vreg.gather [hbm4b:s11+s3], $0x80, v6, vm0, $0xb8;
	[tilespmem:$0x1AC80] =	vst v63  }
0x60: {  	_ = 	snop  }
0x61: {  	[tilespmem:s25], [sflag:$0x4] =	stream.indirect_vreg.gather [hbm4b:s12+s3], $0x80, v6, vm0, $0xb8;
	[tilespmem:$0x1AC80] =	vst v63  }
0x62: {  	_ = 	snop  }
0x63: {  	[tilespmem:s26], [sflag:$0x5] =	stream.indirect_vreg.gather [hbm4b:s1+s3], $0x80, v9, vm0, $0xb8;
	[tilespmem:$0x1AC80] =	vst v63  }
0x64: {  	v6 =	vperm.xlane v7, v3  }
0x65: {  	[tilespmem:s28], [sflag:$0x5] =	stream.indirect_vreg.gather [hbm4b:s10+s3], $0x80, v9, vm0, $0xb8;
	[tilespmem:$0x1AC80] =	vst v63  }
0x66: {  	v6 =	vadd.s32 v2, v6  }
0x67: {  	[tilespmem:s29], [sflag:$0x5] =	stream.indirect_vreg.gather [hbm4b:s11+s3], $0x80, v9, vm0, $0xb8;
	[tilespmem:$0x1AC80] =	vst v63  }
0x68: {  	_ = 	snop  }
0x69: {  	[tilespmem:s30], [sflag:$0x5] =	stream.indirect_vreg.gather [hbm4b:s12+s3], $0x80, v9, vm0, $0xb8;
	[tilespmem:$0x1AC80] =	vst v63  }
0x6a: {  	_ = 	snop  }
0x6b: {  	[tilespmem:s31], [sflag:$0x5] =	stream.indirect_vreg.gather [hbm4b:s1+s3], $0x80, v6, vm0, $0xb8;
	[tilespmem:$0x1AC80] =	vst v63  }
0x6c: {  	_ = 	snop  }
0x6d: {  	[tilespmem:s0], [sflag:$0x5] =	stream.indirect_vreg.gather [hbm4b:s10+s3], $0x80, v6, vm0, $0xb8;
	[tilespmem:$0x1AC80] =	vst v63  }
0x6e: {  	_ = 	snop  }
0x6f: {  	[tilespmem:s2], [sflag:$0x5] =	stream.indirect_vreg.gather [hbm4b:s11+s3], $0x80, v6, vm0, $0xb8;
	[tilespmem:$0x1AC80] =	vst v63  }
0x70: {  	vm1 =	veq.s32 v8, $0x0  }
0x71: {  	[tilespmem:s15], [sflag:$0x5] =	stream.indirect_vreg.gather [hbm4b:s12+s3], $0x80, v6, vm0, $0xb8;
	v6 =	vsel vm1, $0x0, v0;
	[tilespmem:$0x1AC80] =	vst v63  }
0x72: {  	s13 =	simm.s32 $0x2400;
	s18 =	simm.s32 $0x0;
	s19 =	simm.s32 $0x0;
	v7 =	vsub.f32 $1.000000000e+00, v6  }
.LBB2_2:
0x73: {  	s14 =	sand.u32 $0x70, s19;
	s20 =	sand.u32 $0xC00, s18  }
0x74: {  	s14 =	sor.u32 s14, s20  }
0x75: {  	v8 =	vld [tilespmem:s14+$0x400]  }
0x76: {  	v9 =	vld [tilespmem:s14+$0x480]  }
0x77: {  	v10 =	vld [tilespmem:s14+$0x500]  }
0x78: {  	v11 =	vld [tilespmem:s14+$0x580]  }
0x79: {  	v12 =	vld [tilespmem:s14+$0x600]  }
0x7a: {  	v13 =	vld [tilespmem:s14+$0x680]  }
0x7b: {  	v14 =	vld [tilespmem:s14+$0x700];
	v15 =	vmax.f32 v8, v9  }
0x7c: {  	v16 =	vld [tilespmem:s14+$0x780];
	v15 =	vmax.f32 v15, v10  }
0x7d: {  	v17 =	vld [tilespmem:s14+$0x1400];
	v15 =	vmax.f32 v15, v11  }
0x7e: {  	v18 =	vld [tilespmem:s14+$0x1480];
	v15 =	vmax.f32 v15, v12  }
0x7f: {  	v19 =	vld [tilespmem:s14+$0x1500];
	v15 =	vmax.f32 v15, v13  }
0x80: {  	v20 =	vld [tilespmem:s14+$0x1580];
	v15 =	vmax.f32 v15, v14  }
0x81: {  	v21 =	vld [tilespmem:s14+$0x1600];
	v15 =	vmax.f32 v15, v16  }
0x82: {  	v22 =	vld [tilespmem:s14+$0x1680];
	v15 =	vmax.f32 v15, v17  }
0x83: {  	v23 =	vld [tilespmem:s14+$0x1700];
	v15 =	vmax.f32 v15, v18  }
0x84: {  	v24 =	vld [tilespmem:s14+$0x1780];
	v15 =	vmax.f32 v15, v19  }
0x85: {  	v15 =	vmax.f32 v15, v20  }
0x86: {  	v15 =	vmax.f32 v15, v21  }
0x87: {  	v15 =	vmax.f32 v15, v22  }
0x88: {  	v15 =	vmax.f32 v15, v23  }
0x89: {  	v15 =	vmax.f32 v15, v24  }
0x8a: {  	v25 =	vsub.f32 v8, v15  }
0x8b: {  	v26 =	vsub.f32 v9, v15  }
0x8c: {  	v25 =	vmul.f32 $1.442695020e+00, v25  }
0x8d: {  	v27 =	vsub.f32 v10, v15;
	v26 =	vmul.f32 $1.442695020e+00, v26  }
0x8e: {  	(erf) = vpow2.f32 v25  }
0x8f: {  	v45 =	vsub.f32 v11, v15;
	v44 =	vmul.f32 $1.442695020e+00, v27;
	(erf) = vpow2.f32 v26;
	_ =	sdelay $0x1  }
0x90: {  	v47 =	vsub.f32 v12, v15;
	v46 =	vmul.f32 $1.442695020e+00, v45;
	(erf) = vpow2.f32 v44;
	_ =	sdelay $0x1  }
0x91: {  	v49 =	vsub.f32 v13, v15;
	v48 =	vmul.f32 $1.442695020e+00, v47;
	(erf) = vpow2.f32 v46;
	_ =	sdelay $0x1  }
0x92: {  	v51 =	vsub.f32 v14, v15;
	v50 =	vmul.f32 $1.442695020e+00, v49;
	(erf) = vpow2.f32 v48;
	_ =	sdelay $0x1  }
0x93: {  	v52 =	vsub.f32 v16, v15;
	v53 =	vmul.f32 $1.442695020e+00, v51;
	v28 =	vpop (erf);
	(erf) = vpow2.f32 v50  }
0x94: {  	v55 =	vsub.f32 v17, v15;
	v54 =	vpop (erf)  }
0x95: {  	v27 =	vmul.f32 $1.442695020e+00, v52;
	(erf) = vpow2.f32 v53;
	v28 =	vadd.f32 v54, v28  }
0x96: {  	v56 =	vsub.f32 v18, v15;
	v29 =	vpop (erf)  }
0x97: {  	v25 =	vmul.f32 $1.442695020e+00, v55;
	(erf) = vpow2.f32 v27;
	v28 =	vadd.f32 v28, v29  }
0x98: {  	v31 =	vsub.f32 v19, v15;
	v30 =	vpop (erf)  }
0x99: {  	v57 =	vmul.f32 $1.442695020e+00, v56;
	(erf) = vpow2.f32 v25;
	v58 =	vadd.f32 v28, v30  }
0x9a: {  	v60 =	vsub.f32 v20, v15;
	v59 =	vpop (erf)  }
0x9b: {  	v31 =	vmul.f32 $1.442695020e+00, v31;
	(erf) = vpow2.f32 v57;
	v27 =	vadd.f32 v58, v59  }
0x9c: {  	v61 =	vsub.f32 v21, v15;
	v32 =	vpop (erf)  }
0x9d: {  	v25 =	vmul.f32 $1.442695020e+00, v60;
	(erf) = vpow2.f32 v31;
	v27 =	vadd.f32 v27, v32  }
0x9e: {  	v34 =	vsub.f32 v22, v15;
	v33 =	vpop (erf)  }
0x9f: {  	v62 =	vmul.f32 $1.442695020e+00, v61;
	(erf) = vpow2.f32 v25;
	v27 =	vadd.f32 v27, v33  }
0xa0: {  	v42 =	vsub.f32 v23, v15;
	v63 =	vpop (erf)  }
0xa1: {  	v34 =	vmul.f32 $1.442695020e+00, v34;
	(erf) = vpow2.f32 v62;
	v27 =	vadd.f32 v27, v63  }
0xa2: {  	v43 =	vsub.f32 v24, v15;
	v35 =	vpop (erf)  }
0xa3: {  	v25 =	vmul.f32 $1.442695020e+00, v42;
	(erf) = vpow2.f32 v34;
	v27 =	vadd.f32 v27, v35  }
0xa4: {  	v36 =	vpop (erf)  }
0xa5: {  	v44 =	vmul.f32 $1.442695020e+00, v43;
	(erf) = vpow2.f32 v25;
	v27 =	vadd.f32 v27, v36  }
0xa6: {  	v45 =	vpop (erf)  }
0xa7: {  	(erf) = vpow2.f32 v44;
	v46 =	vadd.f32 v27, v45  }
0xa8: {  	v47 =	vpop (erf)  }
0xa9: {  	vm1 =	veq.f32 v24, v15;
	v25 =	vadd.f32 v46, v47  }
0xaa: {  	v24 =	vsel vm1, $0xF, v4;
	vm1 =	veq.f32 v23, v15;
	v37 =	vpop (erf)  }
0xab: {  	v23 =	vsel vm1, $0xE, v24;
	vm1 =	veq.f32 v22, v15;
	v25 =	vadd.f32 v25, v37  }
0xac: {  	v22 =	vsel vm1, $0xD, v23;
	vm1 =	veq.f32 v21, v15;
	v38 =	vpop (erf)  }
0xad: {  	v21 =	vsel vm1, $0xC, v22;
	vm1 =	veq.f32 v20, v15;
	v25 =	vadd.f32 v25, v38  }
0xae: {  	v20 =	vsel vm1, $0xB, v21;
	vm1 =	veq.f32 v19, v15;
	v39 =	vpop (erf)  }
0xaf: {  	v19 =	vsel vm1, $0xA, v20;
	vm1 =	veq.f32 v18, v15;
	v25 =	vadd.f32 v25, v39  }
0xb0: {  	v18 =	vsel vm1, $0x9, v19;
	vm1 =	veq.f32 v17, v15;
	v40 =	vpop (erf)  }
0xb1: {  	v18 =	vsel vm1, $0x8, v18;
	vm1 =	veq.f32 v16, v15;
	v25 =	vadd.f32 v25, v40  }
0xb2: {  	v18 =	vsel vm1, $0x7, v18;
	vm1 =	veq.f32 v14, v15  }
0xb3: {  	v18 =	vsel vm1, $0x6, v18;
	vm1 =	veq.f32 v13, v15;
	(erf) = vrcp.f32 v25  }
0xb4: {  	v18 =	vsel vm1, $0x5, v18;
	vm1 =	veq.f32 v12, v15  }
0xb5: {  	v18 =	vsel vm1, $0x4, v18;
	vm1 =	veq.f32 v11, v15  }
0xb6: {  	v18 =	vsel vm1, $0x3, v18;
	vm1 =	veq.f32 v10, v15  }
0xb7: {  	v18 =	vsel vm1, $0x2, v18;
	vm1 =	veq.f32 v9, v15  }
0xb8: {  	v18 =	vsel vm1, $0x1, v18;
	vm1 =	veq.f32 v8, v15  }
0xb9: {  	v18 =	vsel vm1, $0x0, v18  }
0xba: {  	vm1 =	veq.s32 v18, $0x1  }
0xbb: {  	v60 =	vsel vm1, $0x3F800000, v5;
	vm1 =	veq.s32 v18, $0x2  }
0xbc: {  	v22 =	vmul.f32 v60, v7;
	v61 =	vsel vm1, $0x3F800000, v5;
	v48 =	vpop (erf)  }
0xbd: {  	v23 =	vmul.f32 v61, v7;
	v49 =	vmul.f32 v48, v54  }
0xbe: {  	v50 =	vmul.f32 v48, v29;
	v51 =	vmul.f32 v48, v30  }
0xbf: {  	v52 =	vmul.f32 v48, v59;
	v53 =	vmul.f32 v48, v32  }
0xc0: {  	v54 =	vmul.f32 v48, v33;
	v55 =	vmul.f32 v48, v63  }
0xc1: {  	v8 =	vmul.f32 v48, v35;
	v56 =	vmul.f32 v48, v36  }
0xc2: {  	v57 =	vmul.f32 v48, v45;
	v58 =	vmul.f32 v48, v47  }
0xc3: {  	v59 =	vmul.f32 v48, v37;
	v62 =	vmul.f32 v48, v38  }
0xc4: {  	v63 =	vmul.f32 v48, v39;
	v17 =	vmul.f32 v48, v40  }
0xc5: {  	v16 =	vmul.f32 v49, v6;
	v14 =	vmul.f32 v50, v6  }
0xc6: {  	vm1 =	veq.s32 v18, $0x3;
	v13 =	vmul.f32 v51, v6;
	v12 =	vmul.f32 v52, v6  }
0xc7: {  	v32 =	vsel vm1, $0x3F800000, v5;
	v11 =	vmul.f32 v53, v6;
	v10 =	vmul.f32 v54, v6  }
0xc8: {  	vm1 =	veq.s32 v18, $0x4;
	v9 =	vmul.f32 v55, v6;
	v8 =	vmul.f32 v8, v6  }
0xc9: {  	v33 =	vsel vm1, $0x3F800000, v5;
	v15 =	vmul.f32 v56, v6;
	v19 =	vmul.f32 v57, v6  }
0xca: {  	vm1 =	veq.s32 v18, $0x5;
	v20 =	vmul.f32 v58, v6;
	v21 =	vmul.f32 v59, v6  }
0xcb: {  	v34 =	vsel vm1, $0x3F800000, v5;
	v24 =	vmul.f32 v62, v6;
	v25 =	vmul.f32 v63, v6  }
0xcc: {  	vm1 =	veq.s32 v18, $0x6;
	v17 =	vmul.f32 v17, v6;
	v26 =	vmul.f32 v34, v7  }
0xcd: {  	v35 =	vsel vm1, $0x3F800000, v5;
	vm1 =	veq.s32 v18, $0x7;
	v16 =	vadd.f32 v16, v22  }
0xce: {  	v14 =	vadd.f32 v14, v23;
	v22 =	vmul.f32 v32, v7;
	v23 =	vmul.f32 v33, v7  }
0xcf: {  	v36 =	vmul.f32 v35, v7;
	v37 =	vsel vm1, $0x3F800000, v5;
	vm1 =	veq.s32 v18, $0x8  }
0xd0: {  	v11 =	vadd.f32 v11, v26;
	v38 =	vsel vm1, $0x3F800000, v5;
	v13 =	vadd.f32 v13, v22  }
0xd1: {  	vm1 =	veq.s32 v18, $0x9;
	v12 =	vadd.f32 v12, v23;
	v10 =	vadd.f32 v10, v36  }
0xd2: {  	v22 =	vmul.f32 v37, v7;
	v23 =	vmul.f32 v38, v7;
	v39 =	vsel vm1, $0x3F800000, v5  }
0xd3: {  	vm1 =	veq.s32 v18, $0xA;
	v16 =	vadd.f32 $0.0e+00, v16;
	v52 =	vadd.f32 $0.0e+00, v14  }
0xd4: {  	v26 =	vmul.f32 v39, v7;
	v41 =	vsel vm1, $0x3F800000, v5;
	vm1 =	veq.s32 v18, $0xB  }
0xd5: {  	v27 =	vmul.f32 v41, v7;
	v9 =	vadd.f32 v9, v22;
	v8 =	vadd.f32 v8, v23  }
0xd6: {  	v42 =	vsel vm1, $0x3F800000, v5;
	v14 =	vsub.f32 v16, v14;
	v13 =	vadd.f32 v52, v13  }
0xd7: {  	vm1 =	veq.s32 v18, $0xC;
	v53 =	vadd.f32 $0.0e+00, v12;
	v54 =	vadd.f32 v10, v10  }
0xd8: {  	v43 =	vmul.f32 v42, v7;
	v15 =	vadd.f32 v15, v26;
	v44 =	vsel vm1, $0x3F800000, v5  }
0xd9: {  	vm1 =	veq.s32 v18, $0xD;
	v19 =	vadd.f32 v19, v27;
	v22 =	vmul.f32 v44, v7  }
0xda: {  	v45 =	vsel vm1, $0x3F800000, v5;
	v12 =	vsub.f32 v14, v12;
	v11 =	vadd.f32 v53, v11  }
0xdb: {  	vm1 =	veq.s32 v18, $0xE;
	v13 =	vadd.f32 v13, v10;
	v20 =	vadd.f32 v20, v43  }
0xdc: {  	v23 =	vmul.f32 v45, v7;
	v51 =	vadd.f32 v15, v8;
	v60 =	vadd.f32 v15, v15  }
0xdd: {  	v46 =	vsel vm1, $0x3F800000, v5;
	v47 =	vadd.f32 v21, v22;
	v12 =	vsub.f32 v12, v54  }
0xde: {  	v26 =	vmul.f32 v46, v7;
	v48 =	vadd.f32 v24, v23;
	v24 =	vadd.f32 v51, v19  }
0xdf: {  	vm1 =	veq.s32 v18, $0xF;
	v10 =	vadd.f32 v11, v10;
	v56 =	vadd.f32 v13, v9  }
0xe0: {  	v49 =	vsel vm1, $0x3F800000, v5;
	v50 =	vadd.f32 v25, v26;
	v55 =	vadd.f32 v24, v20  }
0xe1: {  	v22 =	vmul.f32 v49, v7;
	v12 =	vsub.f32 v12, v9;
	v9 =	vadd.f32 v10, v9  }
0xe2: {  	v58 =	vsub.f32 v56, v8;
	v57 =	vadd.f32 v55, v47  }
0xe3: {  	v17 =	vadd.f32 v17, v22;
	v59 =	vadd.f32 v12, v8  }
0xe4: {  	v8 =	vsub.f32 v9, v8;
	v13 =	vadd.f32 v57, v48  }
0xe5: {  	v61 =	vsub.f32 v58, v15;
	v62 =	vadd.f32 v59, v60  }
0xe6: {  	v8 =	vsub.f32 v8, v15;
	v63 =	vadd.f32 v13, v50  }
0xe7: {  	v9 =	vsub.f32 v61, v47;
	v10 =	vadd.f32 v62, v20  }
0xe8: {  	p0 =	sne.s32 s19, $0x1F0;
	v8 =	vsub.f32 v8, v19;
	v11 =	vadd.f32 v63, v17  }
.Ltmp0:
0xe9: {  	v9 =	vsub.f32 v9, v48;
	v10 =	vadd.f32 v10, v48;
	(pc) =	sbr.rel @p0 .LBB2_2-.Ltmp0, $4  }
0xea: {  	s24 =	sand.u32 $0x1F0, s19;
	v8 =	vsub.f32 v8, v20;
	[tilespmem:s13+$0x0] =	vst v11  }
0xeb: {  	v10 =	vsub.f32 v10, v50;
	[tilespmem:s24+$0x2600] =	vst v9  }
0xec: {  	s18 =	sadd.s32 $0x80, s18;
	[tilespmem:s24+$0x2800] =	vst v8  }
0xed: {  	s19 =	sadd.s32 $0x10, s19;
	s14 =	simm.s32 $0x0;
	s13 =	sadd.s32 $0x10, s13;
	[tilespmem:s24+$0x2A00] =	vst v10  }
.Ltmp1:
0xee: {  	_ = 	snop;
	(pc) =	sbr.rel .LBB2_3-.Ltmp1, $1  }
0xef: {  	_ =	sdelay $0x3  }
.LBB2_8:
0xf0: {  	v6 =	vld [tilespmem:s13+$0x30];
	_ =	sdelay $0x4  }
0xf1: {  	v7 =	vshll.u32 v6, $0x3  }
0xf2: {  	v6 =	vand.u32 $0x7, v6;
	v7 =	vand.u32 $0xFFFFFFC0, v7  }
0xf3: {  	v6 =	vor.u32 v6, v7  }
0xf4: {  	v7 =	vperm.xlane v6, v1;
	_ =	sdelay $0x1  }
0xf5: {  	v7 =	vadd.s32 v2, v7;
	_ =	sdelay $0x3  }
0xf6: {  	s18 =	simm.s32 $0xEC80  }
0xf7: {  	v8 =	vld [tilespmem:s13+$0x230];
	[tilespmem:s18], [sflag:$0x4] =	stream.indirect_vreg.gather [hbm4b:s1+s3], $0x80, v7, vm0, $0xb8  }
0xf8: {  	s19 =	simm.s32 $0xF480;
	v6 =	vperm.xlane v6, v3  }
0xf9: {  	[tilespmem:s19], [sflag:$0x4] =	stream.indirect_vreg.gather [hbm4b:s10+s3], $0x80, v7, vm0, $0xb8;
	[tilespmem:$0x1AC80] =	vst v63  }
0xfa: {  	s20 =	simm.s32 $0xFC80;
	v6 =	vadd.s32 v2, v6  }
0xfb: {  	[tilespmem:s20], [sflag:$0x4] =	stream.indirect_vreg.gather [hbm4b:s11+s3], $0x80, v7, vm0, $0xb8;
	[tilespmem:$0x1AC80] =	vst v63  }
0xfc: {  	s21 =	simm.s32 $0x10480  }
0xfd: {  	[tilespmem:s21], [sflag:$0x4] =	stream.indirect_vreg.gather [hbm4b:s12+s3], $0x80, v7, vm0, $0xb8;
	v7 =	vshll.u32 v8, $0x3;
	[tilespmem:$0x1AC80] =	vst v63  }
0xfe: {  	s22 =	simm.s32 $0x10C80;
	v8 =	vand.u32 $0x7, v8;
	v7 =	vand.u32 $0xFFFFFFC0, v7  }
0xff: {  	[tilespmem:s22], [sflag:$0x4] =	stream.indirect_vreg.gather [hbm4b:s1+s3], $0x80, v6, vm0, $0xb8;
	v7 =	vor.u32 v8, v7;
	[tilespmem:$0x1AC80] =	vst v63  }
0x100: {  	s23 =	simm.s32 $0x11480;
	v8 =	vperm.xlane v7, v1  }
0x101: {  	[tilespmem:s23], [sflag:$0x4] =	stream.indirect_vreg.gather [hbm4b:s10+s3], $0x80, v6, vm0, $0xb8;
	[tilespmem:$0x1AC80] =	vst v63  }
0x102: {  	s24 =	simm.s32 $0x11C80;
	v8 =	vadd.s32 v2, v8  }
0x103: {  	[tilespmem:s24], [sflag:$0x4] =	stream.indirect_vreg.gather [hbm4b:s11+s3], $0x80, v6, vm0, $0xb8;
	[tilespmem:$0x1AC80] =	vst v63  }
0x104: {  	_ = 	snop  }
0x105: {  	[tilespmem:s25], [sflag:$0x4] =	stream.indirect_vreg.gather [hbm4b:s12+s3], $0x80, v6, vm0, $0xb8;
	[tilespmem:$0x1AC80] =	vst v63  }
0x106: {  	_ = 	snop  }
0x107: {  	[tilespmem:s26], [sflag:$0x5] =	stream.indirect_vreg.gather [hbm4b:s1+s3], $0x80, v8, vm0, $0xb8;
	[tilespmem:$0x1AC80] =	vst v63  }
0x108: {  	v6 =	vperm.xlane v7, v3  }
0x109: {  	[tilespmem:s28], [sflag:$0x5] =	stream.indirect_vreg.gather [hbm4b:s10+s3], $0x80, v8, vm0, $0xb8;
	[tilespmem:$0x1AC80] =	vst v63  }
0x10a: {  	v6 =	vadd.s32 v2, v6  }
0x10b: {  	[tilespmem:s29], [sflag:$0x5] =	stream.indirect_vreg.gather [hbm4b:s11+s3], $0x80, v8, vm0, $0xb8;
	[tilespmem:$0x1AC80] =	vst v63  }
0x10c: {  	_ = 	snop  }
0x10d: {  	[tilespmem:s30], [sflag:$0x5] =	stream.indirect_vreg.gather [hbm4b:s12+s3], $0x80, v8, vm0, $0xb8;
	[tilespmem:$0x1AC80] =	vst v63  }
0x10e: {  	_ = 	snop  }
0x10f: {  	[tilespmem:s31], [sflag:$0x5] =	stream.indirect_vreg.gather [hbm4b:s1+s3], $0x80, v6, vm0, $0xb8;
	[tilespmem:$0x1AC80] =	vst v63  }
0x110: {  	_ = 	snop  }
0x111: {  	[tilespmem:s0], [sflag:$0x5] =	stream.indirect_vreg.gather [hbm4b:s10+s3], $0x80, v6, vm0, $0xb8;
	[tilespmem:$0x1AC80] =	vst v63  }
0x112: {  	_ = 	snop  }
0x113: {  	[tilespmem:s2], [sflag:$0x5] =	stream.indirect_vreg.gather [hbm4b:s11+s3], $0x80, v6, vm0, $0xb8;
	[tilespmem:$0x1AC80] =	vst v63  }
0x114: {  	s14 =	sadd.s32 $0x1, s14  }
0x115: {  	[tilespmem:s15], [sflag:$0x5] =	stream.indirect_vreg.gather [hbm4b:s12+s3], $0x80, v6, vm0, $0xb8;
	[tilespmem:$0x1AC80] =	vst v63  }
.LBB2_3:
0x116: {  	_ =	swait.ge [sflag:s16], $0x4000  }
0x117: {  	[sflag:s16] =	ssyncset.done $0x0  }
0x118: {  	[sflag:s16] =	ssyncadd.s32 $0xFFFFC000  }
0x119: {  	_ =	swait.ge [sflag:s17], $0x4000  }
0x11a: {  	p0 =	seq.s32 s14, $0x0;
	[sflag:s17] =	ssyncset.done $0x0  }
0x11b: {  	s18 =	simm.s32 @!p0 $0x3;
	[sflag:s17] =	ssyncadd.s32 $0xFFFFC000  }
0x11c: {  	_ =	swait.ge @!p0 [sflag:s18], $0x4000  }
0x11d: {  	[sflag:s18] =	ssyncset.done @!p0 $0x0  }
0x11e: {  	s13 =	sshll.u32 s14, $0x5;
	[sflag:s18] =	ssyncadd.s32 @!p0 $0xFFFFC000  }
0x11f: {  	s19 =	sand.u32 $0x1E0, s13;
	v6 =	vld [tilespmem:s13+$0x2400]  }
0x120: {  	v7 =	vld [tilespmem:s19+$0x2600]  }
0x121: {  	s20 =	simm.s32 $0x0;
	v8 =	vld [tilespmem:s19+$0x2800]  }
0x122: {  	s21 =	simm.s32 $0x0;
	s18 =	simm.s32 $0x0;
	v9 =	vld [tilespmem:s19+$0x2A00];
	s19 =	simm.s32 $0x0  }
.LBB2_4:
0x123: {  	s22 =	sand.u32 $0x2000, s19;
	s23 =	sand.u32 $0x380, s20  }
0x124: {  	s22 =	sor.u32 s23, s22  }
0x125: {  	v14 =	vld [tilespmem:s22+$0x2C80]  }
0x126: {  	v15 =	vld [tilespmem:s22+$0x6C80]  }
0x127: {  	v16 =	vld [tilespmem:s22+$0x2C90]  }
0x128: {  	v17 =	vld [tilespmem:s22+$0x6C90]  }
0x129: {  	v18 =	vld [tilespmem:s22+$0x2CA0]  }
0x12a: {  	v19 =	vld [tilespmem:s22+$0x6CA0]  }
0x12b: {  	v10 =	vmov s21;
	v21 =	vld [tilespmem:s22+$0x2CB0]  }
0x12c: {  	v10 =	vand.u32 $0xF, v10;
	v23 =	vld [tilespmem:s22+$0x6CB0]  }
0x12d: {  	v13 =	vbroadcast v10, $0x0;
	v24 =	vld [tilespmem:s22+$0x2CC0]  }
0x12e: {  	v25 =	vld [tilespmem:s22+$0x6CC0]  }
0x12f: {  	v26 =	vld [tilespmem:s22+$0x2CD0];
	v11 =	vperm.xlane v7, v13  }
0x130: {  	v27 =	vld [tilespmem:s22+$0x6CD0];
	v10 =	vperm.xlane v6, v13;
	v12 =	vperm.xlane v8, v13  }
0x131: {  	v49 =	vld [tilespmem:s22+$0x2CE0];
	v13 =	vperm.xlane v9, v13;
	v20 =	vmul.f32 v14, v11  }
0x132: {  	v51 =	vld [tilespmem:s22+$0x6CE0];
	v14 =	vmul.f32 v15, v14;
	v15 =	vmul.f32 v15, v12  }
0x133: {  	v28 =	vld [tilespmem:s22+$0x2CF0];
	v22 =	vmul.f32 v17, v16;
	v16 =	vmul.f32 v16, v11  }
0x134: {  	v29 =	vld [tilespmem:s22+$0x6CF0];
	v17 =	vmul.f32 v17, v12;
	v43 =	vmul.f32 v18, v11  }
0x135: {  	v58 =	vld [tilespmem:s22+$0x3080];
	v18 =	vmul.f32 v19, v18;
	v19 =	vmul.f32 v19, v12  }
0x136: {  	v60 =	vld [tilespmem:s22+$0x7080];
	v44 =	vmul.f32 v23, v21;
	v46 =	vmul.f32 v21, v11  }
0x137: {  	v31 =	vld [tilespmem:s22+$0x30B0];
	v48 =	vmul.f32 v23, v12;
	v52 =	vmul.f32 v24, v11  }
0x138: {  	v32 =	vld [tilespmem:s22+$0x70B0];
	v24 =	vmul.f32 v25, v24;
	v53 =	vmul.f32 v25, v12  }
0x139: {  	v54 =	vmul.f32 v27, v26;
	v56 =	vmul.f32 v26, v11  }
0x13a: {  	v57 =	vmul.f32 v27, v12;
	v62 =	vmul.f32 v49, v11  }
0x13b: {  	v36 =	vmul.f32 v51, v12;
	v37 =	vmul.f32 v29, v28  }
0x13c: {  	v39 =	vmul.f32 v28, v11;
	v40 =	vmul.f32 v29, v12  }
0x13d: {  	v63 =	vld [tilespmem:s22+$0x3090];
	v26 =	vmul.f32 v60, v58;
	v34 =	vmul.f32 v32, v31  }
0x13e: {  	v30 =	vld [tilespmem:s22+$0x7090];
	v14 =	vmul.f32 v14, v13;
	v20 =	vadd.f32 v20, v10;
	v22 =	vmul.f32 v22, v13  }
0x13f: {  	v16 =	vadd.f32 v16, v10;
	v45 =	vmul.f32 v18, v13;
	v47 =	vadd.f32 v43, v10  }
0x140: {  	v41 =	vld [tilespmem:s22+$0x30A0];
	v50 =	vadd.f32 v46, v10;
	v55 =	vmul.f32 v24, v13;
	v21 =	vadd.f32 v52, v10  }
0x141: {  	v35 =	vld [tilespmem:s22+$0x70D0];
	v25 =	vmul.f32 v54, v13;
	v59 =	vadd.f32 v56, v10;
	v24 =	vadd.f32 v62, v10  }
0x142: {  	v23 =	vmul.f32 v37, v13;
	v42 =	vadd.f32 v39, v10;
	v14 =	vadd.f32 v14, v15  }
0x143: {  	v46 =	vmul.f32 v30, v63;
	v17 =	vadd.f32 v22, v17;
	v18 =	vadd.f32 v55, v53  }
0x144: {  	v61 =	vadd.f32 v25, v57;
	v22 =	vmul.f32 v51, v49;
	v25 =	vmul.f32 v63, v11  }
0x145: {  	v23 =	vadd.f32 v23, v40;
	v49 =	vmul.f32 v30, v12;
	v27 =	vmul.f32 v46, v13  }
0x146: {  	v53 =	vmul.f32 v41, v11;
	v46 =	vmul.f32 v35, v12;
	v15 =	vadd.f32 v14, v20  }
0x147: {  	v43 =	vld [tilespmem:s22+$0x70A0];
	v14 =	vadd.f32 v17, v16;
	v20 =	vmul.f32 v44, v13;
	v16 =	vadd.f32 v45, v19  }
0x148: {  	v33 =	vld [tilespmem:s22+$0x70C0];
	v18 =	vadd.f32 v18, v21;
	v19 =	vadd.f32 v61, v59;
	v38 =	vmul.f32 v22, v13  }
0x149: {  	v44 =	vmul.f32 v58, v11;
	v45 =	vmul.f32 v60, v12;
	v21 =	vadd.f32 v23, v42  }
0x14a: {  	v55 =	vld [tilespmem:s22+$0x30D0];
	v51 =	vadd.f32 v25, v10;
	v52 =	vadd.f32 v27, v49;
	v58 =	vmul.f32 v31, v11  }
0x14b: {  	v63 =	vld [tilespmem:s22+$0x70E0];
	v27 =	vadd.f32 v53, v10;
	v59 =	vmul.f32 v32, v12;
	v60 =	vmul.f32 v34, v13  }
0x14c: {  	v61 =	vld [tilespmem:s22+$0x30E0];
	v54 =	vmul.f32 v43, v41;
	v56 =	vmul.f32 v43, v12;
	v20 =	vadd.f32 v20, v48  }
0x14d: {  	v37 =	vld [tilespmem:s22+$0x70F0];
	v41 =	vmul.f32 v33, v12;
	v17 =	vadd.f32 v16, v47;
	v48 =	vadd.f32 v44, v10  }
0x14e: {  	v39 =	vld [tilespmem:s22+$0x7490];
	v47 =	vmul.f32 v26, v13;
	v22 =	vadd.f32 v52, v51;
	v62 =	vadd.f32 v58, v10  }
0x14f: {  	v49 =	vld [tilespmem:s22+$0x7480];
	v28 =	vadd.f32 v60, v59;
	v57 =	vmul.f32 v54, v13;
	v42 =	vmul.f32 v35, v55  }
0x150: {  	v44 =	vmul.f32 v55, v11;
	v16 =	vadd.f32 v20, v50;
	v20 =	vadd.f32 v38, v36;
	v50 =	vld [tilespmem:s22+$0x30C0]  }
0x151: {  	v51 =	vmul.f32 v63, v12;
	v23 =	vadd.f32 v47, v45;
	v32 =	vmul.f32 v63, v61  }
0x152: {  	v55 =	vmul.f32 v37, v12;
	v36 =	vld [tilespmem:s22+$0x30F0];
	v20 =	vadd.f32 v20, v24;
	v24 =	vadd.f32 v57, v56  }
0x153: {  	v38 =	vld [tilespmem:s22+$0x3490];
	v47 =	vmul.f32 v42, v13;
	v23 =	vadd.f32 v23, v48;
	v53 =	vmul.f32 v32, v13  }
0x154: {  	v25 =	vadd.f32 v24, v27;
	v24 =	vadd.f32 v28, v62;
	v62 =	vmul.f32 v49, v12  }
0x155: {  	v48 =	vld [tilespmem:s22+$0x3480];
	v28 =	vadd.f32 v44, v10;
	v44 =	vmul.f32 v39, v12;
	v40 =	vmul.f32 v50, v11  }
0x156: {  	v56 =	vld [tilespmem:s22+$0x34A0];
	v30 =	vmul.f32 v33, v50;
	v50 =	vmul.f32 v61, v11  }
0x157: {  	v58 =	vld [tilespmem:s22+$0x74A0];
	v52 =	vmul.f32 v37, v36;
	v54 =	vmul.f32 v36, v11  }
0x158: {  	v63 =	vmul.f32 v39, v38;
	v43 =	vmul.f32 v30, v13  }
0x159: {  	v45 =	vadd.f32 v40, v10;
	v30 =	vadd.f32 v47, v46;
	v34 =	vmul.f32 v52, v13  }
0x15a: {  	v61 =	vld [tilespmem:s22+$0x34B0];
	v31 =	vadd.f32 v50, v10;
	v60 =	vmul.f32 v48, v11;
	v33 =	vmul.f32 v49, v48  }
0x15b: {  	v57 =	vadd.f32 v54, v10;
	v40 =	vld [tilespmem:s22+$0x74B0];
	v35 =	vmul.f32 v63, v13;
	v48 =	vmul.f32 v56, v11  }
0x15c: {  	v36 =	vmul.f32 v58, v56;
	v49 =	vld [tilespmem:s22+$0x34D0];
	v50 =	vmul.f32 v58, v12;
	v26 =	vadd.f32 v43, v41  }
0x15d: {  	v54 =	vld [tilespmem:s22+$0x34E0];
	v59 =	vadd.f32 v34, v55;
	v42 =	vmul.f32 v33, v13;
	v32 =	vadd.f32 v60, v10  }
0x15e: {  	v63 =	vld [tilespmem:s22+$0x7880];
	v43 =	vmul.f32 v38, v11;
	v47 =	vadd.f32 v35, v44;
	v35 =	vadd.f32 v48, v10  }
0x15f: {  	v41 =	vld [tilespmem:s22+$0x74C0];
	v52 =	vmul.f32 v36, v13;
	v27 =	vadd.f32 v26, v45;
	v26 =	vadd.f32 v30, v28  }
0x160: {  	v34 =	vmul.f32 v61, v11;
	v28 =	vadd.f32 v53, v51;
	v29 =	vadd.f32 v59, v57;
	v45 =	vld [tilespmem:s22+$0x34C0]  }
0x161: {  	v30 =	vadd.f32 v42, v62;
	v46 =	vadd.f32 v43, v10;
	v42 =	vld [tilespmem:s22+$0x74D0];
	v51 =	vmul.f32 v40, v61  }
0x162: {  	v43 =	vld [tilespmem:s22+$0x74E0];
	v53 =	vmul.f32 v40, v12;
	v34 =	vadd.f32 v34, v10;
	v59 =	vmul.f32 v49, v11  }
0x163: {  	v62 =	vld [tilespmem:s22+$0x3880];
	v30 =	vadd.f32 v30, v32;
	v32 =	vadd.f32 v52, v50;
	v52 =	vmul.f32 v54, v11  }
0x164: {  	v44 =	vld [tilespmem:s22+$0x34F0];
	v28 =	vadd.f32 v28, v31;
	v37 =	vmul.f32 v51, v13;
	v56 =	vmul.f32 v41, v12  }
0x165: {  	v31 =	vadd.f32 v47, v46;
	v46 =	vld [tilespmem:s22+$0x3890];
	v55 =	vmul.f32 v45, v11;
	v39 =	vmul.f32 v41, v45  }
0x166: {  	v47 =	vld [tilespmem:s22+$0x7890];
	v36 =	vadd.f32 v37, v53;
	v57 =	vmul.f32 v42, v49;
	v60 =	vmul.f32 v42, v12  }
0x167: {  	v33 =	vadd.f32 v32, v35;
	v40 =	vmul.f32 v43, v54;
	v53 =	vmul.f32 v43, v12  }
0x168: {  	v41 =	vmul.f32 v63, v62;
	v32 =	vadd.f32 v36, v34;
	v58 =	vmul.f32 v39, v13  }
0x169: {  	v45 =	vld [tilespmem:s22+$0x74F0];
	v37 =	vadd.f32 v55, v10;
	v61 =	vmul.f32 v57, v13;
	v36 =	vadd.f32 v59, v10  }
0x16a: {  	v55 =	vmul.f32 v40, v13;
	v39 =	vadd.f32 v52, v10;
	v50 =	vmul.f32 v46, v11  }
0x16b: {  	v49 =	vld [tilespmem:s22+$0x78B0];
	v52 =	vmul.f32 v47, v12;
	v34 =	vadd.f32 v58, v56;
	v56 =	vmul.f32 v44, v11  }
0x16c: {  	v59 =	vld [tilespmem:s22+$0x78A0];
	v38 =	vadd.f32 v61, v60;
	v60 =	vmul.f32 v62, v11;
	v61 =	vmul.f32 v63, v12  }
0x16d: {  	v58 =	vld [tilespmem:s22+$0x38A0];
	v62 =	vmul.f32 v47, v46;
	v63 =	vmul.f32 v41, v13  }
0x16e: {  	v48 =	vld [tilespmem:s22+$0x38B0];
	v54 =	vmul.f32 v45, v44;
	v57 =	vmul.f32 v45, v12;
	v35 =	vadd.f32 v34, v37  }
0x16f: {  	v46 =	vld [tilespmem:s22+$0x38C0];
	v34 =	vadd.f32 v38, v36;
	v36 =	vadd.f32 v55, v53;
	v42 =	vmul.f32 v62, v13  }
0x170: {  	v44 =	vld [tilespmem:s22+$0x38D0];
	v38 =	vadd.f32 v56, v10;
	v51 =	vadd.f32 v60, v10;
	v43 =	vmul.f32 v54, v13  }
0x171: {  	v53 =	vadd.f32 v50, v10;
	v50 =	vld [tilespmem:s22+$0x78D0];
	v62 =	vmul.f32 v49, v12;
	v55 =	vadd.f32 v42, v52  }
0x172: {  	v40 =	vadd.f32 v43, v57;
	v56 =	vmul.f32 v58, v11;
	v57 =	vmul.f32 v59, v58  }
0x173: {  	v54 =	vld [tilespmem:s22+$0x78C0];
	v37 =	vadd.f32 v36, v39;
	v58 =	vmul.f32 v59, v12;
	v59 =	vmul.f32 v49, v48  }
0x174: {  	v39 =	vadd.f32 v55, v53;
	v36 =	vadd.f32 v40, v38;
	v60 =	vmul.f32 v57, v13  }
0x175: {  	v52 =	vld [tilespmem:s22+$0x78F0];
	v38 =	vadd.f32 v63, v61;
	v61 =	vmul.f32 v48, v11;
	v45 =	vmul.f32 v59, v13  }
0x176: {  	v49 =	vld [tilespmem:s22+$0x38E0];
	v42 =	vadd.f32 v56, v10;
	v57 =	vmul.f32 v46, v11;
	v59 =	vmul.f32 v50, v44  }
0x177: {  	v48 =	vld [tilespmem:s22+$0x38F0];
	v44 =	vmul.f32 v44, v11;
	v38 =	vadd.f32 v38, v51;
	v40 =	vadd.f32 v60, v58  }
0x178: {  	v46 =	vmul.f32 v54, v46;
	v63 =	vadd.f32 v61, v10;
	v51 =	vld [tilespmem:s22+$0x78E0];
	v56 =	vadd.f32 v45, v62  }
0x179: {  	v58 =	vmul.f32 v54, v12;
	v45 =	vadd.f32 v57, v10;
	v61 =	vmul.f32 v50, v12;
	v50 =	vld [tilespmem:s22+$0x3C80]  }
0x17a: {  	v53 =	vld [tilespmem:s22+$0x7C80];
	v47 =	vmul.f32 v59, v13;
	v44 =	vadd.f32 v44, v10;
	v60 =	vmul.f32 v46, v13  }
0x17b: {  	v62 =	vmul.f32 v49, v11;
	v40 =	vadd.f32 v40, v42;
	v41 =	vadd.f32 v56, v63  }
0x17c: {  	v55 =	vld [tilespmem:s22+$0x7C90];
	v42 =	vadd.f32 v60, v58;
	v57 =	vmul.f32 v52, v48;
	v60 =	vmul.f32 v52, v12  }
0x17d: {  	v54 =	vld [tilespmem:s22+$0x3C90];
	v46 =	vadd.f32 v47, v61;
	v49 =	vmul.f32 v51, v49;
	v63 =	vmul.f32 v51, v12  }
0x17e: {  	v47 =	vadd.f32 v62, v10;
	v61 =	vmul.f32 v57, v13;
	v62 =	vmul.f32 v50, v11  }
0x17f: {  	v56 =	vld [tilespmem:s22+$0x3CB0];
	v50 =	vmul.f32 v53, v50;
	v58 =	vmul.f32 v49, v13  }
0x180: {  	v59 =	vmul.f32 v48, v11;
	v52 =	vld [tilespmem:s22+$0x7CA0];
	v43 =	vadd.f32 v42, v45;
	v42 =	vadd.f32 v46, v44  }
0x181: {  	v51 =	vld [tilespmem:s22+$0x3CA0];
	v48 =	vadd.f32 v61, v60;
	v60 =	vmul.f32 v50, v13;
	v44 =	vadd.f32 v58, v63  }
0x182: {  	v46 =	vadd.f32 v59, v10;
	v57 =	vld [tilespmem:s22+$0x7CB0];
	v61 =	vmul.f32 v54, v11;
	v63 =	vmul.f32 v55, v54  }
0x183: {  	v49 =	vadd.f32 v62, v10;
	v45 =	vadd.f32 v44, v47;
	v47 =	vmul.f32 v53, v12  }
0x184: {  	v59 =	vld [tilespmem:s22+$0x7CD0];
	v62 =	vmul.f32 v55, v12;
	v44 =	vadd.f32 v48, v46;
	v53 =	vmul.f32 v63, v13  }
0x185: {  	v54 =	vld [tilespmem:s22+$0x3CC0];
	v48 =	vadd.f32 v61, v10;
	v46 =	vadd.f32 v60, v47  }
0x186: {  	v55 =	vld [tilespmem:s22+$0x7CC0];
	v63 =	vmul.f32 v51, v11;
	v51 =	vmul.f32 v52, v51;
	v50 =	vadd.f32 v53, v62  }
0x187: {  	[tilespmem:s22+$0xAC80] =	vst v15;
	v58 =	vld [tilespmem:s22+$0x3CD0];
	v47 =	vadd.f32 v46, v49;
	v49 =	vmul.f32 v52, v12;
	v52 =	vmul.f32 v57, v56  }
0x188: {  	[tilespmem:s22+$0xACC0] =	vst v18;
	v18 =	vld [tilespmem:s22+$0x8080];
	v61 =	vmul.f32 v56, v11;
	v60 =	vmul.f32 v51, v13;
	v62 =	vadd.f32 v63, v10  }
0x189: {  	[tilespmem:s22+$0xAC90] =	vst v14;
	v63 =	vmul.f32 v57, v12;
	v53 =	vld [tilespmem:s22+$0x3CE0];
	v46 =	vadd.f32 v50, v48;
	v52 =	vmul.f32 v52, v13  }
0x18a: {  	[tilespmem:s22+$0xACD0] =	vst v19;
	v48 =	vadd.f32 v61, v10;
	v56 =	vadd.f32 v60, v49;
	v49 =	vld [tilespmem:s22+$0x7CE0]  }
0x18b: {  	[tilespmem:s22+$0xACA0] =	vst v17;
	v51 =	vld [tilespmem:s22+$0x4080];
	v61 =	vmul.f32 v55, v54;
	v60 =	vmul.f32 v54, v11;
	v57 =	vadd.f32 v52, v63  }
0x18c: {  	[tilespmem:s22+$0xACF0] =	vst v21;
	v52 =	vld [tilespmem:s22+$0x3CF0];
	v14 =	vadd.f32 v56, v62;
	v62 =	vmul.f32 v55, v12;
	v63 =	vmul.f32 v59, v58  }
0x18d: {  	[tilespmem:s22+$0xB090] =	vst v22;
	v55 =	vld [tilespmem:s22+$0x7CF0];
	v56 =	vmul.f32 v61, v13;
	v59 =	vmul.f32 v59, v12;
	v15 =	vadd.f32 v57, v48  }
0x18e: {  	[tilespmem:s22+$0xACB0] =	vst v16;
	v57 =	vmul.f32 v58, v11;
	v58 =	vadd.f32 v60, v10;
	v60 =	vmul.f32 v63, v13  }
0x18f: {  	v22 =	vld [tilespmem:s22+$0x80A0];
	[tilespmem:s22+$0xACE0] =	vst v20;
	v16 =	vadd.f32 v56, v62;
	v63 =	vmul.f32 v53, v11;
	v54 =	vmul.f32 v49, v53  }
0x190: {  	[tilespmem:s22+$0xB080] =	vst v23;
	v50 =	vld [tilespmem:s22+$0x4090];
	v56 =	vmul.f32 v49, v12;
	v61 =	vadd.f32 v57, v10;
	v62 =	vadd.f32 v60, v59  }
0x191: {  	[tilespmem:s22+$0xB0A0] =	vst v25;
	v48 =	vld [tilespmem:s22+$0x40A0];
	v21 =	vadd.f32 v63, v10;
	v63 =	vmul.f32 v51, v11;
	v51 =	vmul.f32 v18, v51  }
0x192: {  	[tilespmem:s22+$0xB0B0] =	vst v24;
	v16 =	vadd.f32 v16, v58;
	v58 =	vld [tilespmem:s22+$0x8090];
	v18 =	vmul.f32 v18, v12;
	v57 =	vmul.f32 v55, v52  }
0x193: {  	[tilespmem:s22+$0xB0C0] =	vst v27;
	v59 =	vmul.f32 v54, v13;
	v60 =	vmul.f32 v52, v11;
	v52 =	vld [tilespmem:s22+$0x40B0]  }
0x194: {  	[tilespmem:s22+$0xB0D0] =	vst v26;
	v54 =	vld [tilespmem:s22+$0x80B0];
	v17 =	vadd.f32 v62, v61;
	v61 =	vmul.f32 v55, v12;
	v55 =	vmul.f32 v51, v13  }
0x195: {  	[tilespmem:s22+$0xB0F0] =	vst v29;
	v49 =	vld [tilespmem:s22+$0x80D0];
	v24 =	vadd.f32 v63, v10;
	v23 =	vmul.f32 v57, v13;
	v19 =	vadd.f32 v59, v56  }
0x196: {  	[tilespmem:s22+$0xB0E0] =	vst v28;
	v63 =	vld [tilespmem:s22+$0x40D0];
	v62 =	vadd.f32 v60, v10;
	v56 =	vmul.f32 v50, v11;
	v18 =	vadd.f32 v55, v18  }
0x197: {  	[tilespmem:s22+$0xB480] =	vst v30;
	v51 =	vld [tilespmem:s22+$0x40E0];
	v23 =	vadd.f32 v23, v61;
	v19 =	vadd.f32 v19, v21;
	v53 =	vmul.f32 v58, v50  }
0x198: {  	[tilespmem:s22+$0xB490] =	vst v31;
	v60 =	vld [tilespmem:s22+$0x80C0];
	v57 =	vmul.f32 v58, v12;
	v59 =	vadd.f32 v56, v10;
	v61 =	vmul.f32 v48, v11  }
0x199: {  	[tilespmem:s22+$0xB4A0] =	vst v33;
	v58 =	vld [tilespmem:s22+$0x40C0];
	v18 =	vadd.f32 v18, v24;
	v27 =	vmul.f32 v52, v11;
	v26 =	vmul.f32 v54, v12  }
0x19a: {  	[tilespmem:s22+$0xB4B0] =	vst v32;
	v20 =	vadd.f32 v23, v62;
	v21 =	vmul.f32 v53, v13;
	v62 =	vmul.f32 v22, v48  }
0x19b: {  	[tilespmem:s22+$0xB4C0] =	vst v35;
	v22 =	vmul.f32 v22, v12;
	v48 =	vmul.f32 v54, v52;
	v28 =	vadd.f32 v61, v10  }
0x19c: {  	[tilespmem:s22+$0xB8A0] =	vst v40;
	v53 =	vld [tilespmem:s22+$0x80E0];
	v56 =	vmul.f32 v49, v63;
	v40 =	vmul.f32 v51, v11;
	v52 =	vadd.f32 v27, v10  }
0x19d: {  	[tilespmem:s22+$0xB4D0] =	vst v34;
	v25 =	vmul.f32 v60, v12;
	v21 =	vadd.f32 v21, v57;
	v50 =	vmul.f32 v62, v13  }
0x19e: {  	[tilespmem:s22+$0xB4E0] =	vst v37;
	v55 =	vld [tilespmem:s22+$0x40F0];
	v24 =	vmul.f32 v48, v13;
	v31 =	vadd.f32 v40, v10;
	v54 =	vmul.f32 v58, v11  }
0x19f: {  	[tilespmem:s22+$0xB890] =	vst v39;
	v57 =	vld [tilespmem:s22+$0x80F0];
	v29 =	vmul.f32 v60, v58;
	v60 =	vmul.f32 v49, v12;
	v21 =	vadd.f32 v21, v59  }
0x1a0: {  	[tilespmem:s22+$0xB4F0] =	vst v36;
	v61 =	vld [tilespmem:s22+$0x4480];
	v22 =	vadd.f32 v50, v22;
	v24 =	vadd.f32 v24, v26;
	v59 =	vmul.f32 v63, v11  }
0x1a1: {  	[tilespmem:s22+$0xB8B0] =	vst v41;
	v41 =	vld [tilespmem:s22+$0x4490];
	v58 =	vmul.f32 v29, v13;
	v26 =	vadd.f32 v54, v10;
	v30 =	vmul.f32 v53, v51  }
0x1a2: {  	[tilespmem:s22+$0xB880] =	vst v38;
	v63 =	vld [tilespmem:s22+$0x8480];
	v48 =	vmul.f32 v53, v12;
	v22 =	vadd.f32 v22, v28;
	v23 =	vadd.f32 v24, v52  }
0x1a3: {  	[tilespmem:s22+$0xB8C0] =	vst v43;
	v50 =	vld [tilespmem:s22+$0x8490];
	v28 =	vmul.f32 v56, v13;
	v62 =	vadd.f32 v59, v10;
	v52 =	vmul.f32 v55, v11  }
0x1a4: {  	[tilespmem:s22+$0xB8D0] =	vst v42;
	v54 =	vld [tilespmem:s22+$0x44A0];
	v24 =	vadd.f32 v58, v25;
	v49 =	vmul.f32 v57, v55;
	v51 =	vmul.f32 v30, v13  }
0x1a5: {  	[tilespmem:s22+$0xBC80] =	vst v47;
	v47 =	vld [tilespmem:s22+$0x44D0];
	v53 =	vmul.f32 v57, v12;
	v57 =	vmul.f32 v61, v11;
	v28 =	vadd.f32 v28, v60  }
0x1a6: {  	[tilespmem:s22+$0xB8E0] =	vst v45;
	v56 =	vld [tilespmem:s22+$0x84A0];
	v55 =	vadd.f32 v52, v10;
	v24 =	vadd.f32 v24, v26;
	v27 =	vmul.f32 v49, v13  }
0x1a7: {  	[tilespmem:s22+$0xB8F0] =	vst v44;
	v58 =	vld [tilespmem:s22+$0x44B0];
	v26 =	vadd.f32 v51, v48;
	v33 =	vmul.f32 v63, v61;
	v29 =	vmul.f32 v63, v12  }
0x1a8: {  	[tilespmem:s22+$0xBC90] =	vst v46;
	v60 =	vld [tilespmem:s22+$0x84B0];
	v59 =	vmul.f32 v50, v41;
	v39 =	vadd.f32 v57, v10;
	v40 =	vmul.f32 v50, v12  }
0x1a9: {  	[tilespmem:s22+$0xBCA0] =	vst v14;
	v63 =	vld [tilespmem:s22+$0x44C0];
	v25 =	vadd.f32 v28, v62;
	v62 =	vmul.f32 v41, v11;
	v46 =	vmul.f32 v54, v11  }
0x1aa: {  	[tilespmem:s22+$0xBCB0] =	vst v15;
	v50 =	vld [tilespmem:s22+$0x84D0];
	v26 =	vadd.f32 v26, v31;
	v61 =	vmul.f32 v33, v13;
	v31 =	vmul.f32 v59, v13  }
0x1ab: {  	[tilespmem:s22+$0xBCC0] =	vst v16;
	v27 =	vadd.f32 v27, v53;
	v44 =	vmul.f32 v56, v54;
	v30 =	vmul.f32 v56, v12  }
0x1ac: {  	[tilespmem:s22+$0xBCD0] =	vst v17;
	v41 =	vld [tilespmem:s22+$0x84C0];
	v43 =	vadd.f32 v62, v10;
	v51 =	vmul.f32 v58, v11;
	v54 =	vadd.f32 v46, v10  }
0x1ad: {  	[tilespmem:s22+$0xBCE0] =	vst v19;
	v57 =	vld [tilespmem:s22+$0x44F0];
	v14 =	vadd.f32 v27, v55;
	v42 =	vadd.f32 v61, v29;
	v48 =	vmul.f32 v44, v13  }
0x1ae: {  	[tilespmem:s22+$0xC080] =	vst v18;
	v53 =	vld [tilespmem:s22+$0x44E0];
	v45 =	vadd.f32 v31, v40;
	v49 =	vmul.f32 v60, v58;
	v52 =	vmul.f32 v60, v12  }
0x1af: {  	[tilespmem:s22+$0xBCF0] =	vst v20;
	v56 =	vld [tilespmem:s22+$0x84E0];
	v20 =	vadd.f32 v51, v10;
	v61 =	vmul.f32 v63, v11;
	v62 =	vmul.f32 v50, v47  }
0x1b0: {  	[tilespmem:s22+$0xC090] =	vst v21;
	v31 =	vmul.f32 v50, v12;
	v15 =	vadd.f32 v42, v39;
	v19 =	vmul.f32 v49, v13  }
0x1b1: {  	[tilespmem:s22+$0xC0A0] =	vst v22;
	v60 =	vld [tilespmem:s22+$0x84F0];
	v17 =	vadd.f32 v45, v43;
	v55 =	vmul.f32 v41, v63;
	v58 =	vmul.f32 v41, v12  }
0x1b2: {  	[tilespmem:s22+$0xC0B0] =	vst v23;
	v16 =	vadd.f32 v48, v30;
	v30 =	vmul.f32 v47, v11;
	v41 =	vmul.f32 v57, v11  }
0x1b3: {  	[tilespmem:s22+$0xC0C0] =	vst v24;
	v18 =	vadd.f32 v61, v10;
	v23 =	vmul.f32 v62, v13;
	v33 =	vmul.f32 v53, v11  }
0x1b4: {  	[tilespmem:s22+$0xC0D0] =	vst v25;
	v35 =	vmul.f32 v56, v53;
	v37 =	vmul.f32 v56, v12;
	v19 =	vadd.f32 v19, v52  }
0x1b5: {  	[tilespmem:s22+$0xC0E0] =	vst v26;
	v59 =	vmul.f32 v55, v13;
	v16 =	vadd.f32 v16, v54;
	v22 =	vadd.f32 v30, v10  }
0x1b6: {  	[tilespmem:s22+$0xC0F0] =	vst v14;
	v46 =	vadd.f32 v41, v10;
	v36 =	vadd.f32 v23, v31;
	v38 =	vmul.f32 v60, v57  }
0x1b7: {  	[tilespmem:s22+$0xC480] =	vst v15;
	v40 =	vmul.f32 v35, v13;
	v42 =	vmul.f32 v60, v12;
	v45 =	vadd.f32 v33, v10  }
0x1b8: {  	[tilespmem:s22+$0xC490] =	vst v17;
	v19 =	vadd.f32 v19, v20;
	v63 =	vadd.f32 v59, v58;
	v43 =	vmul.f32 v38, v13  }
0x1b9: {  	[tilespmem:s22+$0xC4A0] =	vst v16;
	v14 =	vadd.f32 v36, v22;
	v44 =	vadd.f32 v40, v37  }
0x1ba: {  	v39 =	vadd.f32 v63, v18;
	[tilespmem:s22+$0xC4B0] =	vst v19;
	v17 =	vadd.f32 v43, v42  }
0x1bb: {  	s24 =	sand.u32 $0x7, s18;
	v47 =	vadd.f32 v44, v45;
	[tilespmem:s22+$0xC4D0] =	vst v14  }
0x1bc: {  	s23 =	sshll.u32 s24, $0x7;
	[tilespmem:s22+$0xC4C0] =	vst v39;
	v48 =	vadd.f32 v17, v46  }
0x1bd: {  	s23 =	sadd.s32 s23, s19;
	[tilespmem:s22+$0xC4E0] =	vst v47  }
0x1be: {  	s24 =	sor.u32 $0x1C00, s23;
	[tilespmem:s22+$0xC4F0] =	vst v48  }
0x1bf: {  	v14 =	vld [tilespmem:s24+$0x2C80]  }
0x1c0: {  	v15 =	vld [tilespmem:s24+$0x6C80];
	_ =	sdelay $0x4  }
0x1c1: {  	v49 =	vmul.f32 v15, v14  }
0x1c2: {  	v14 =	vmul.f32 v14, v11  }
0x1c3: {  	v15 =	vmul.f32 v15, v12;
	v16 =	vmul.f32 v49, v13;
	_ =	sdelay $0x1  }
0x1c4: {  	v14 =	vadd.f32 v14, v10;
	v15 =	vadd.f32 v16, v15;
	_ =	sdelay $0x1  }
0x1c5: {  	v14 =	vadd.f32 v15, v14;
	_ =	sdelay $0x1  }
0x1c6: {  	[tilespmem:s24+$0xAC80] =	vst v14;
	s24 =	sor.u32 $0x1C10, s23  }
0x1c7: {  	v14 =	vld [tilespmem:s24+$0x2C80]  }
0x1c8: {  	v50 =	vld [tilespmem:s24+$0x6C80];
	_ =	sdelay $0x4  }
0x1c9: {  	v51 =	vmul.f32 v50, v14  }
0x1ca: {  	v14 =	vmul.f32 v14, v11  }
0x1cb: {  	v15 =	vmul.f32 v50, v12;
	v16 =	vmul.f32 v51, v13;
	_ =	sdelay $0x1  }
0x1cc: {  	v14 =	vadd.f32 v14, v10;
	v15 =	vadd.f32 v16, v15;
	_ =	sdelay $0x1  }
0x1cd: {  	v14 =	vadd.f32 v15, v14;
	_ =	sdelay $0x1  }
0x1ce: {  	[tilespmem:s24+$0xAC80] =	vst v14;
	s24 =	sor.u32 $0x1C20, s23  }
0x1cf: {  	v14 =	vld [tilespmem:s24+$0x2C80]  }
0x1d0: {  	v52 =	vld [tilespmem:s24+$0x6C80];
	_ =	sdelay $0x4  }
0x1d1: {  	v53 =	vmul.f32 v52, v14  }
0x1d2: {  	v14 =	vmul.f32 v14, v11  }
0x1d3: {  	v15 =	vmul.f32 v52, v12;
	v16 =	vmul.f32 v53, v13;
	_ =	sdelay $0x1  }
0x1d4: {  	v14 =	vadd.f32 v14, v10;
	v15 =	vadd.f32 v16, v15;
	_ =	sdelay $0x1  }
0x1d5: {  	v14 =	vadd.f32 v15, v14;
	_ =	sdelay $0x1  }
0x1d6: {  	[tilespmem:s24+$0xAC80] =	vst v14;
	s24 =	sor.u32 $0x1C30, s23  }
0x1d7: {  	v14 =	vld [tilespmem:s24+$0x2C80]  }
0x1d8: {  	v54 =	vld [tilespmem:s24+$0x6C80];
	_ =	sdelay $0x4  }
0x1d9: {  	v55 =	vmul.f32 v54, v14  }
0x1da: {  	v14 =	vmul.f32 v14, v11  }
0x1db: {  	v15 =	vmul.f32 v54, v12;
	v16 =	vmul.f32 v55, v13;
	_ =	sdelay $0x1  }
0x1dc: {  	v14 =	vadd.f32 v14, v10;
	v15 =	vadd.f32 v16, v15;
	_ =	sdelay $0x1  }
0x1dd: {  	v14 =	vadd.f32 v15, v14;
	_ =	sdelay $0x1  }
0x1de: {  	[tilespmem:s24+$0xAC80] =	vst v14;
	s24 =	sor.u32 $0x1C40, s23  }
0x1df: {  	v14 =	vld [tilespmem:s24+$0x2C80]  }
0x1e0: {  	v56 =	vld [tilespmem:s24+$0x6C80];
	_ =	sdelay $0x4  }
0x1e1: {  	v57 =	vmul.f32 v56, v14  }
0x1e2: {  	v14 =	vmul.f32 v14, v11  }
0x1e3: {  	v15 =	vmul.f32 v56, v12;
	v16 =	vmul.f32 v57, v13;
	_ =	sdelay $0x1  }
0x1e4: {  	v14 =	vadd.f32 v14, v10;
	v15 =	vadd.f32 v16, v15;
	_ =	sdelay $0x1  }
0x1e5: {  	v14 =	vadd.f32 v15, v14;
	_ =	sdelay $0x1  }
0x1e6: {  	[tilespmem:s24+$0xAC80] =	vst v14;
	s24 =	sor.u32 $0x1C50, s23  }
0x1e7: {  	v14 =	vld [tilespmem:s24+$0x2C80]  }
0x1e8: {  	v58 =	vld [tilespmem:s24+$0x6C80];
	_ =	sdelay $0x4  }
0x1e9: {  	v59 =	vmul.f32 v58, v14  }
0x1ea: {  	v14 =	vmul.f32 v14, v11  }
0x1eb: {  	v15 =	vmul.f32 v58, v12;
	v16 =	vmul.f32 v59, v13;
	_ =	sdelay $0x1  }
0x1ec: {  	v14 =	vadd.f32 v14, v10;
	v15 =	vadd.f32 v16, v15;
	_ =	sdelay $0x1  }
0x1ed: {  	v14 =	vadd.f32 v15, v14;
	_ =	sdelay $0x1  }
0x1ee: {  	[tilespmem:s24+$0xAC80] =	vst v14;
	s24 =	sor.u32 $0x1C60, s23  }
0x1ef: {  	v14 =	vld [tilespmem:s24+$0x2C80]  }
0x1f0: {  	v60 =	vld [tilespmem:s24+$0x6C80];
	_ =	sdelay $0x4  }
0x1f1: {  	v61 =	vmul.f32 v60, v14  }
0x1f2: {  	v14 =	vmul.f32 v14, v11  }
0x1f3: {  	v15 =	vmul.f32 v60, v12;
	v16 =	vmul.f32 v61, v13;
	_ =	sdelay $0x1  }
0x1f4: {  	v14 =	vadd.f32 v14, v10;
	v15 =	vadd.f32 v16, v15;
	_ =	sdelay $0x1  }
0x1f5: {  	v14 =	vadd.f32 v15, v14;
	_ =	sdelay $0x1  }
0x1f6: {  	[tilespmem:s24+$0xAC80] =	vst v14;
	s24 =	sor.u32 $0x1C70, s23  }
0x1f7: {  	v14 =	vld [tilespmem:s24+$0x2C80]  }
0x1f8: {  	v62 =	vld [tilespmem:s24+$0x6C80];
	_ =	sdelay $0x4  }
0x1f9: {  	v63 =	vmul.f32 v62, v14  }
0x1fa: {  	v11 =	vmul.f32 v14, v11  }
0x1fb: {  	v12 =	vmul.f32 v62, v12;
	v13 =	vmul.f32 v63, v13  }
0x1fc: {  	p1 =	sne.s32 s21, $0xF  }
.Ltmp2:
0x1fd: {  	v10 =	vadd.f32 v11, v10;
	v11 =	vadd.f32 v13, v12;
	(pc) =	sbr.rel @p1 .LBB2_4-.Ltmp2, $4  }
0x1fe: {  	_ = 	snop  }
0x1ff: {  	v10 =	vadd.f32 v11, v10  }
0x200: {  	s20 =	sadd.s32 $0x80, s20  }
0x201: {  	s18 =	sadd.s32 $0x1, s18;
	s21 =	sadd.s32 $0x1, s21;
	s19 =	sadd.s32 $0x400, s19;
	[tilespmem:s24+$0xAC80] =	vst v10  }
0x202: {  	s18 =	sadd.s32 s5, s13  }
0x203: {  	s18 =	sshll.u32 s18, $0x7  }
0x204: {  	p1 =	seq.s32 s14, $0xF;
	s18 =	sadd.s32 s6, s18  }
0x205: {  	[hbm4b:s18+s3] =	stream.linear.scatter [tilespmem:s4], [sflag:$0x3], $0x4000, $0x38;
	[tilespmem:$0x1AC80] =	vst v63  }
0x206: {  	v6 =	vld @!p1 [tilespmem:s13+$0x20];
	_ =	sdelay $0x4  }
0x207: {  	v7 =	vshll.u32 @!p1 v6, $0x3  }
0x208: {  	v8 =	vlaneseq.u32 @!p1;
	v6 =	vand.u32 @!p1 $0x7, v6;
	v7 =	vand.u32 @!p1 $0xFFFFFFC0, v7  }
0x209: {  	v9 =	vshrl.u32 @!p1 v8, $0x3;
	v6 =	vor.u32 @!p1 v6, v7;
	v7 =	vand.u32 @!p1 $0x7, v8  }
0x20a: {  	v9 =	vmul.u32 @!p1 $0x8, v9;
	v10 =	vperm.xlane @!p1 v6, v7;
	_ =	sdelay $0x1  }
0x20b: {  	v10 =	vadd.s32 @!p1 v9, v10;
	_ =	sdelay $0x3  }
0x20c: {  	vm1 =	vmmov @!p1 $0xffff;
	s19 =	simm.s32 @!p1 $0x2C80;
	s18 =	simm.s32 @!p1 $0x0  }
0x20d: {  	v11 =	vld @!p1 [tilespmem:s13+$0x220];
	v8 =	vor.u32 @!p1 $0x8, v8;
	[tilespmem:s19], [sflag:$0x1] =	stream.indirect_vreg.gather @!p1 [hbm4b:s1+s18], $0x80, v10, vm1, $0xb8;
	[tilespmem:$0x1AC80] =	vst v63  }
0x20e: {  	v6 =	vperm.xlane @!p1 v6, v8;
	s19 =	simm.s32 @!p1 $0x3480  }
0x20f: {  	[tilespmem:s19], [sflag:$0x1] =	stream.indirect_vreg.gather @!p1 [hbm4b:s10+s18], $0x80, v10, vm1, $0xb8;
	[tilespmem:$0x1AC80] =	vst v63  }
0x210: {  	v6 =	vadd.s32 @!p1 v9, v6;
	s19 =	simm.s32 @!p1 $0x3C80  }
0x211: {  	[tilespmem:s19], [sflag:$0x1] =	stream.indirect_vreg.gather @!p1 [hbm4b:s11+s18], $0x80, v10, vm1, $0xb8;
	[tilespmem:$0x1AC80] =	vst v63  }
0x212: {  	s19 =	simm.s32 @!p1 $0x4480  }
0x213: {  	[tilespmem:s19], [sflag:$0x1] =	stream.indirect_vreg.gather @!p1 [hbm4b:s12+s18], $0x80, v10, vm1, $0xb8;
	v10 =	vshll.u32 @!p1 v11, $0x3;
	[tilespmem:$0x1AC80] =	vst v63  }
0x214: {  	s19 =	simm.s32 @!p1 $0x4C80;
	v11 =	vand.u32 @!p1 $0x7, v11;
	v10 =	vand.u32 @!p1 $0xFFFFFFC0, v10  }
0x215: {  	[tilespmem:s19], [sflag:$0x1] =	stream.indirect_vreg.gather @!p1 [hbm4b:s1+s18], $0x80, v6, vm1, $0xb8;
	v10 =	vor.u32 @!p1 v11, v10;
	[tilespmem:$0x1AC80] =	vst v63  }
0x216: {  	s19 =	simm.s32 @!p1 $0x5480;
	v7 =	vperm.xlane @!p1 v10, v7  }
0x217: {  	[tilespmem:s19], [sflag:$0x1] =	stream.indirect_vreg.gather @!p1 [hbm4b:s10+s18], $0x80, v6, vm1, $0xb8;
	[tilespmem:$0x1AC80] =	vst v63  }
0x218: {  	s19 =	simm.s32 @!p1 $0x5C80;
	v7 =	vadd.s32 @!p1 v9, v7  }
0x219: {  	[tilespmem:s19], [sflag:$0x1] =	stream.indirect_vreg.gather @!p1 [hbm4b:s11+s18], $0x80, v6, vm1, $0xb8;
	[tilespmem:$0x1AC80] =	vst v63  }
0x21a: {  	s19 =	simm.s32 @!p1 $0x6480  }
0x21b: {  	[tilespmem:s19], [sflag:$0x1] =	stream.indirect_vreg.gather @!p1 [hbm4b:s12+s18], $0x80, v6, vm1, $0xb8;
	[tilespmem:$0x1AC80] =	vst v63  }
0x21c: {  	s19 =	simm.s32 @!p1 $0x6C80  }
0x21d: {  	[tilespmem:s19], [sflag:$0x2] =	stream.indirect_vreg.gather @!p1 [hbm4b:s1+s18], $0x80, v7, vm1, $0xb8;
	[tilespmem:$0x1AC80] =	vst v63  }
0x21e: {  	v6 =	vperm.xlane @!p1 v10, v8;
	s19 =	simm.s32 @!p1 $0x7480  }
0x21f: {  	[tilespmem:s19], [sflag:$0x2] =	stream.indirect_vreg.gather @!p1 [hbm4b:s10+s18], $0x80, v7, vm1, $0xb8;
	[tilespmem:$0x1AC80] =	vst v63  }
0x220: {  	v6 =	vadd.s32 @!p1 v9, v6;
	s19 =	simm.s32 @!p1 $0x7C80  }
0x221: {  	[tilespmem:s19], [sflag:$0x2] =	stream.indirect_vreg.gather @!p1 [hbm4b:s11+s18], $0x80, v7, vm1, $0xb8;
	[tilespmem:$0x1AC80] =	vst v63  }
0x222: {  	s19 =	simm.s32 @!p1 $0x8480  }
0x223: {  	[tilespmem:s19], [sflag:$0x2] =	stream.indirect_vreg.gather @!p1 [hbm4b:s12+s18], $0x80, v7, vm1, $0xb8;
	[tilespmem:$0x1AC80] =	vst v63  }
0x224: {  	s19 =	simm.s32 @!p1 $0x8C80  }
0x225: {  	[tilespmem:s19], [sflag:$0x2] =	stream.indirect_vreg.gather @!p1 [hbm4b:s1+s18], $0x80, v6, vm1, $0xb8;
	[tilespmem:$0x1AC80] =	vst v63  }
0x226: {  	s19 =	simm.s32 @!p1 $0x9480  }
0x227: {  	[tilespmem:s19], [sflag:$0x2] =	stream.indirect_vreg.gather @!p1 [hbm4b:s10+s18], $0x80, v6, vm1, $0xb8;
	[tilespmem:$0x1AC80] =	vst v63  }
0x228: {  	s19 =	simm.s32 @!p1 $0x9C80  }
0x229: {  	[tilespmem:s19], [sflag:$0x2] =	stream.indirect_vreg.gather @!p1 [hbm4b:s11+s18], $0x80, v6, vm1, $0xb8;
	[tilespmem:$0x1AC80] =	vst v63  }
0x22a: {  	s19 =	simm.s32 @!p1 $0xA480  }
0x22b: {  	[tilespmem:s19], [sflag:$0x2] =	stream.indirect_vreg.gather @!p1 [hbm4b:s12+s18], $0x80, v6, vm1, $0xb8;
	[tilespmem:$0x1AC80] =	vst v63  }
0x22c: {  	_ =	swait.ge [sflag:s7], $0x4000  }
0x22d: {  	[sflag:s7] =	ssyncset.done $0x0  }
0x22e: {  	[sflag:s7] =	ssyncadd.s32 $0xFFFFC000  }
0x22f: {  	_ =	swait.ge [sflag:s8], $0x4000  }
0x230: {  	[sflag:s8] =	ssyncset.done $0x0  }
0x231: {  	s18 =	simm.s32 @!p0 $0x6;
	[sflag:s8] =	ssyncadd.s32 $0xFFFFC000  }
0x232: {  	_ =	swait.ge @!p0 [sflag:s18], $0x4000  }
0x233: {  	[sflag:s18] =	ssyncset.done @!p0 $0x0  }
0x234: {  	[sflag:s18] =	ssyncadd.s32 @!p0 $0xFFFFC000  }
0x235: {  	v6 =	vld [tilespmem:s13+$0x2410]  }
0x236: {  	v7 =	vld [tilespmem:s13+$0x2610]  }
0x237: {  	s20 =	simm.s32 $0x0;
	s21 =	simm.s32 $0x0;
	v8 =	vld [tilespmem:s13+$0x2810]  }
0x238: {  	s22 =	simm.s32 $0x0;
	s19 =	simm.s32 $0x0;
	s18 =	sor.u32 $0x10, s13;
	v9 =	vld [tilespmem:s13+$0x2A10]  }
.LBB2_6:
0x239: {  	s23 =	sand.u32 $0x2000, s20;
	s24 =	sand.u32 $0x380, s21  }
0x23a: {  	s23 =	sor.u32 s24, s23  }
0x23b: {  	v14 =	vld [tilespmem:s23+$0xEC80]  }
0x23c: {  	v15 =	vld [tilespmem:s23+$0x12C80]  }
0x23d: {  	v16 =	vld [tilespmem:s23+$0xEC90]  }
0x23e: {  	v17 =	vld [tilespmem:s23+$0x12C90]  }
0x23f: {  	v18 =	vld [tilespmem:s23+$0xECA0]  }
0x240: {  	v19 =	vld [tilespmem:s23+$0x12CA0]  }
0x241: {  	v10 =	vmov s22;
	v21 =	vld [tilespmem:s23+$0xECB0]  }
0x242: {  	v10 =	vand.u32 $0xF, v10;
	v23 =	vld [tilespmem:s23+$0x12CB0]  }
0x243: {  	v13 =	vbroadcast v10, $0x0;
	v24 =	vld [tilespmem:s23+$0xECC0]  }
0x244: {  	v25 =	vld [tilespmem:s23+$0x12CC0]  }
0x245: {  	v26 =	vld [tilespmem:s23+$0xECD0];
	v11 =	vperm.xlane v7, v13  }
0x246: {  	v27 =	vld [tilespmem:s23+$0x12CD0];
	v10 =	vperm.xlane v6, v13;
	v12 =	vperm.xlane v8, v13  }
0x247: {  	v49 =	vld [tilespmem:s23+$0xECE0];
	v13 =	vperm.xlane v9, v13;
	v20 =	vmul.f32 v14, v11  }
0x248: {  	v51 =	vld [tilespmem:s23+$0x12CE0];
	v14 =	vmul.f32 v15, v14;
	v15 =	vmul.f32 v15, v12  }
0x249: {  	v28 =	vld [tilespmem:s23+$0xECF0];
	v22 =	vmul.f32 v17, v16;
	v16 =	vmul.f32 v16, v11  }
0x24a: {  	v29 =	vld [tilespmem:s23+$0x12CF0];
	v17 =	vmul.f32 v17, v12;
	v43 =	vmul.f32 v18, v11  }
0x24b: {  	v58 =	vld [tilespmem:s23+$0xF080];
	v18 =	vmul.f32 v19, v18;
	v19 =	vmul.f32 v19, v12  }
0x24c: {  	v60 =	vld [tilespmem:s23+$0x13080];
	v44 =	vmul.f32 v23, v21;
	v46 =	vmul.f32 v21, v11  }
0x24d: {  	v31 =	vld [tilespmem:s23+$0xF0B0];
	v48 =	vmul.f32 v23, v12;
	v52 =	vmul.f32 v24, v11  }
0x24e: {  	v32 =	vld [tilespmem:s23+$0x130B0];
	v24 =	vmul.f32 v25, v24;
	v53 =	vmul.f32 v25, v12  }
0x24f: {  	v54 =	vmul.f32 v27, v26;
	v56 =	vmul.f32 v26, v11  }
0x250: {  	v57 =	vmul.f32 v27, v12;
	v62 =	vmul.f32 v49, v11  }
0x251: {  	v36 =	vmul.f32 v51, v12;
	v37 =	vmul.f32 v29, v28  }
0x252: {  	v39 =	vmul.f32 v28, v11;
	v40 =	vmul.f32 v29, v12  }
0x253: {  	v63 =	vld [tilespmem:s23+$0xF090];
	v26 =	vmul.f32 v60, v58;
	v34 =	vmul.f32 v32, v31  }
0x254: {  	v30 =	vld [tilespmem:s23+$0x13090];
	v14 =	vmul.f32 v14, v13;
	v20 =	vadd.f32 v20, v10;
	v22 =	vmul.f32 v22, v13  }
0x255: {  	v16 =	vadd.f32 v16, v10;
	v45 =	vmul.f32 v18, v13;
	v47 =	vadd.f32 v43, v10  }
0x256: {  	v41 =	vld [tilespmem:s23+$0xF0A0];
	v50 =	vadd.f32 v46, v10;
	v55 =	vmul.f32 v24, v13;
	v21 =	vadd.f32 v52, v10  }
0x257: {  	v35 =	vld [tilespmem:s23+$0x130D0];
	v25 =	vmul.f32 v54, v13;
	v59 =	vadd.f32 v56, v10;
	v24 =	vadd.f32 v62, v10  }
0x258: {  	v23 =	vmul.f32 v37, v13;
	v42 =	vadd.f32 v39, v10;
	v14 =	vadd.f32 v14, v15  }
0x259: {  	v46 =	vmul.f32 v30, v63;
	v17 =	vadd.f32 v22, v17;
	v18 =	vadd.f32 v55, v53  }
0x25a: {  	v61 =	vadd.f32 v25, v57;
	v22 =	vmul.f32 v51, v49;
	v25 =	vmul.f32 v63, v11  }
0x25b: {  	v23 =	vadd.f32 v23, v40;
	v49 =	vmul.f32 v30, v12;
	v27 =	vmul.f32 v46, v13  }
0x25c: {  	v53 =	vmul.f32 v41, v11;
	v46 =	vmul.f32 v35, v12;
	v15 =	vadd.f32 v14, v20  }
0x25d: {  	v43 =	vld [tilespmem:s23+$0x130A0];
	v14 =	vadd.f32 v17, v16;
	v20 =	vmul.f32 v44, v13;
	v16 =	vadd.f32 v45, v19  }
0x25e: {  	v33 =	vld [tilespmem:s23+$0x130C0];
	v18 =	vadd.f32 v18, v21;
	v19 =	vadd.f32 v61, v59;
	v38 =	vmul.f32 v22, v13  }
0x25f: {  	v44 =	vmul.f32 v58, v11;
	v45 =	vmul.f32 v60, v12;
	v21 =	vadd.f32 v23, v42  }
0x260: {  	v55 =	vld [tilespmem:s23+$0xF0D0];
	v51 =	vadd.f32 v25, v10;
	v52 =	vadd.f32 v27, v49;
	v58 =	vmul.f32 v31, v11  }
0x261: {  	v63 =	vld [tilespmem:s23+$0x130E0];
	v27 =	vadd.f32 v53, v10;
	v59 =	vmul.f32 v32, v12;
	v60 =	vmul.f32 v34, v13  }
0x262: {  	v61 =	vld [tilespmem:s23+$0xF0E0];
	v54 =	vmul.f32 v43, v41;
	v56 =	vmul.f32 v43, v12;
	v20 =	vadd.f32 v20, v48  }
0x263: {  	v37 =	vld [tilespmem:s23+$0x130F0];
	v41 =	vmul.f32 v33, v12;
	v17 =	vadd.f32 v16, v47;
	v48 =	vadd.f32 v44, v10  }
0x264: {  	v39 =	vld [tilespmem:s23+$0x13490];
	v47 =	vmul.f32 v26, v13;
	v22 =	vadd.f32 v52, v51;
	v62 =	vadd.f32 v58, v10  }
0x265: {  	v49 =	vld [tilespmem:s23+$0x13480];
	v28 =	vadd.f32 v60, v59;
	v57 =	vmul.f32 v54, v13;
	v42 =	vmul.f32 v35, v55  }
0x266: {  	v44 =	vmul.f32 v55, v11;
	v16 =	vadd.f32 v20, v50;
	v20 =	vadd.f32 v38, v36;
	v50 =	vld [tilespmem:s23+$0xF0C0]  }
0x267: {  	v51 =	vmul.f32 v63, v12;
	v23 =	vadd.f32 v47, v45;
	v32 =	vmul.f32 v63, v61  }
0x268: {  	v55 =	vmul.f32 v37, v12;
	v36 =	vld [tilespmem:s23+$0xF0F0];
	v20 =	vadd.f32 v20, v24;
	v24 =	vadd.f32 v57, v56  }
0x269: {  	v38 =	vld [tilespmem:s23+$0xF490];
	v47 =	vmul.f32 v42, v13;
	v23 =	vadd.f32 v23, v48;
	v53 =	vmul.f32 v32, v13  }
0x26a: {  	v25 =	vadd.f32 v24, v27;
	v24 =	vadd.f32 v28, v62;
	v62 =	vmul.f32 v49, v12  }
0x26b: {  	v48 =	vld [tilespmem:s23+$0xF480];
	v28 =	vadd.f32 v44, v10;
	v44 =	vmul.f32 v39, v12;
	v40 =	vmul.f32 v50, v11  }
0x26c: {  	v56 =	vld [tilespmem:s23+$0xF4A0];
	v30 =	vmul.f32 v33, v50;
	v50 =	vmul.f32 v61, v11  }
0x26d: {  	v58 =	vld [tilespmem:s23+$0x134A0];
	v52 =	vmul.f32 v37, v36;
	v54 =	vmul.f32 v36, v11  }
0x26e: {  	v63 =	vmul.f32 v39, v38;
	v43 =	vmul.f32 v30, v13  }
0x26f: {  	v45 =	vadd.f32 v40, v10;
	v30 =	vadd.f32 v47, v46;
	v34 =	vmul.f32 v52, v13  }
0x270: {  	v61 =	vld [tilespmem:s23+$0xF4B0];
	v31 =	vadd.f32 v50, v10;
	v60 =	vmul.f32 v48, v11;
	v33 =	vmul.f32 v49, v48  }
0x271: {  	v57 =	vadd.f32 v54, v10;
	v40 =	vld [tilespmem:s23+$0x134B0];
	v35 =	vmul.f32 v63, v13;
	v48 =	vmul.f32 v56, v11  }
0x272: {  	v36 =	vmul.f32 v58, v56;
	v49 =	vld [tilespmem:s23+$0xF4D0];
	v50 =	vmul.f32 v58, v12;
	v26 =	vadd.f32 v43, v41  }
0x273: {  	v54 =	vld [tilespmem:s23+$0xF4E0];
	v59 =	vadd.f32 v34, v55;
	v42 =	vmul.f32 v33, v13;
	v32 =	vadd.f32 v60, v10  }
0x274: {  	v63 =	vld [tilespmem:s23+$0x13880];
	v43 =	vmul.f32 v38, v11;
	v47 =	vadd.f32 v35, v44;
	v35 =	vadd.f32 v48, v10  }
0x275: {  	v41 =	vld [tilespmem:s23+$0x134C0];
	v52 =	vmul.f32 v36, v13;
	v27 =	vadd.f32 v26, v45;
	v26 =	vadd.f32 v30, v28  }
0x276: {  	v34 =	vmul.f32 v61, v11;
	v28 =	vadd.f32 v53, v51;
	v29 =	vadd.f32 v59, v57;
	v45 =	vld [tilespmem:s23+$0xF4C0]  }
0x277: {  	v30 =	vadd.f32 v42, v62;
	v46 =	vadd.f32 v43, v10;
	v42 =	vld [tilespmem:s23+$0x134D0];
	v51 =	vmul.f32 v40, v61  }
0x278: {  	v43 =	vld [tilespmem:s23+$0x134E0];
	v53 =	vmul.f32 v40, v12;
	v34 =	vadd.f32 v34, v10;
	v59 =	vmul.f32 v49, v11  }
0x279: {  	v62 =	vld [tilespmem:s23+$0xF880];
	v30 =	vadd.f32 v30, v32;
	v32 =	vadd.f32 v52, v50;
	v52 =	vmul.f32 v54, v11  }
0x27a: {  	v44 =	vld [tilespmem:s23+$0xF4F0];
	v28 =	vadd.f32 v28, v31;
	v37 =	vmul.f32 v51, v13;
	v56 =	vmul.f32 v41, v12  }
0x27b: {  	v31 =	vadd.f32 v47, v46;
	v46 =	vld [tilespmem:s23+$0xF890];
	v55 =	vmul.f32 v45, v11;
	v39 =	vmul.f32 v41, v45  }
0x27c: {  	v47 =	vld [tilespmem:s23+$0x13890];
	v36 =	vadd.f32 v37, v53;
	v57 =	vmul.f32 v42, v49;
	v60 =	vmul.f32 v42, v12  }
0x27d: {  	v33 =	vadd.f32 v32, v35;
	v40 =	vmul.f32 v43, v54;
	v53 =	vmul.f32 v43, v12  }
0x27e: {  	v41 =	vmul.f32 v63, v62;
	v32 =	vadd.f32 v36, v34;
	v58 =	vmul.f32 v39, v13  }
0x27f: {  	v45 =	vld [tilespmem:s23+$0x134F0];
	v37 =	vadd.f32 v55, v10;
	v61 =	vmul.f32 v57, v13;
	v36 =	vadd.f32 v59, v10  }
0x280: {  	v55 =	vmul.f32 v40, v13;
	v39 =	vadd.f32 v52, v10;
	v50 =	vmul.f32 v46, v11  }
0x281: {  	v49 =	vld [tilespmem:s23+$0x138B0];
	v52 =	vmul.f32 v47, v12;
	v34 =	vadd.f32 v58, v56;
	v56 =	vmul.f32 v44, v11  }
0x282: {  	v59 =	vld [tilespmem:s23+$0x138A0];
	v38 =	vadd.f32 v61, v60;
	v60 =	vmul.f32 v62, v11;
	v61 =	vmul.f32 v63, v12  }
0x283: {  	v58 =	vld [tilespmem:s23+$0xF8A0];
	v62 =	vmul.f32 v47, v46;
	v63 =	vmul.f32 v41, v13  }
0x284: {  	v48 =	vld [tilespmem:s23+$0xF8B0];
	v54 =	vmul.f32 v45, v44;
	v57 =	vmul.f32 v45, v12;
	v35 =	vadd.f32 v34, v37  }
0x285: {  	v46 =	vld [tilespmem:s23+$0xF8C0];
	v34 =	vadd.f32 v38, v36;
	v36 =	vadd.f32 v55, v53;
	v42 =	vmul.f32 v62, v13  }
0x286: {  	v44 =	vld [tilespmem:s23+$0xF8D0];
	v38 =	vadd.f32 v56, v10;
	v51 =	vadd.f32 v60, v10;
	v43 =	vmul.f32 v54, v13  }
0x287: {  	v53 =	vadd.f32 v50, v10;
	v50 =	vld [tilespmem:s23+$0x138D0];
	v62 =	vmul.f32 v49, v12;
	v55 =	vadd.f32 v42, v52  }
0x288: {  	v40 =	vadd.f32 v43, v57;
	v56 =	vmul.f32 v58, v11;
	v57 =	vmul.f32 v59, v58  }
0x289: {  	v54 =	vld [tilespmem:s23+$0x138C0];
	v37 =	vadd.f32 v36, v39;
	v58 =	vmul.f32 v59, v12;
	v59 =	vmul.f32 v49, v48  }
0x28a: {  	v39 =	vadd.f32 v55, v53;
	v36 =	vadd.f32 v40, v38;
	v60 =	vmul.f32 v57, v13  }
0x28b: {  	v52 =	vld [tilespmem:s23+$0x138F0];
	v38 =	vadd.f32 v63, v61;
	v61 =	vmul.f32 v48, v11;
	v45 =	vmul.f32 v59, v13  }
0x28c: {  	v49 =	vld [tilespmem:s23+$0xF8E0];
	v42 =	vadd.f32 v56, v10;
	v57 =	vmul.f32 v46, v11;
	v59 =	vmul.f32 v50, v44  }
0x28d: {  	v48 =	vld [tilespmem:s23+$0xF8F0];
	v44 =	vmul.f32 v44, v11;
	v38 =	vadd.f32 v38, v51;
	v40 =	vadd.f32 v60, v58  }
0x28e: {  	v46 =	vmul.f32 v54, v46;
	v63 =	vadd.f32 v61, v10;
	v51 =	vld [tilespmem:s23+$0x138E0];
	v56 =	vadd.f32 v45, v62  }
0x28f: {  	v58 =	vmul.f32 v54, v12;
	v45 =	vadd.f32 v57, v10;
	v61 =	vmul.f32 v50, v12;
	v50 =	vld [tilespmem:s23+$0xFC80]  }
0x290: {  	v53 =	vld [tilespmem:s23+$0x13C80];
	v47 =	vmul.f32 v59, v13;
	v44 =	vadd.f32 v44, v10;
	v60 =	vmul.f32 v46, v13  }
0x291: {  	v62 =	vmul.f32 v49, v11;
	v40 =	vadd.f32 v40, v42;
	v41 =	vadd.f32 v56, v63  }
0x292: {  	v55 =	vld [tilespmem:s23+$0x13C90];
	v42 =	vadd.f32 v60, v58;
	v57 =	vmul.f32 v52, v48;
	v60 =	vmul.f32 v52, v12  }
0x293: {  	v54 =	vld [tilespmem:s23+$0xFC90];
	v46 =	vadd.f32 v47, v61;
	v49 =	vmul.f32 v51, v49;
	v63 =	vmul.f32 v51, v12  }
0x294: {  	v47 =	vadd.f32 v62, v10;
	v61 =	vmul.f32 v57, v13;
	v62 =	vmul.f32 v50, v11  }
0x295: {  	v56 =	vld [tilespmem:s23+$0xFCB0];
	v50 =	vmul.f32 v53, v50;
	v58 =	vmul.f32 v49, v13  }
0x296: {  	v59 =	vmul.f32 v48, v11;
	v52 =	vld [tilespmem:s23+$0x13CA0];
	v43 =	vadd.f32 v42, v45;
	v42 =	vadd.f32 v46, v44  }
0x297: {  	v51 =	vld [tilespmem:s23+$0xFCA0];
	v48 =	vadd.f32 v61, v60;
	v60 =	vmul.f32 v50, v13;
	v44 =	vadd.f32 v58, v63  }
0x298: {  	v46 =	vadd.f32 v59, v10;
	v57 =	vld [tilespmem:s23+$0x13CB0];
	v61 =	vmul.f32 v54, v11;
	v63 =	vmul.f32 v55, v54  }
0x299: {  	v49 =	vadd.f32 v62, v10;
	v45 =	vadd.f32 v44, v47;
	v47 =	vmul.f32 v53, v12  }
0x29a: {  	v59 =	vld [tilespmem:s23+$0x13CD0];
	v62 =	vmul.f32 v55, v12;
	v44 =	vadd.f32 v48, v46;
	v53 =	vmul.f32 v63, v13  }
0x29b: {  	v54 =	vld [tilespmem:s23+$0xFCC0];
	v48 =	vadd.f32 v61, v10;
	v46 =	vadd.f32 v60, v47  }
0x29c: {  	v55 =	vld [tilespmem:s23+$0x13CC0];
	v63 =	vmul.f32 v51, v11;
	v51 =	vmul.f32 v52, v51;
	v50 =	vadd.f32 v53, v62  }
0x29d: {  	[tilespmem:s23+$0x16C80] =	vst v15;
	v58 =	vld [tilespmem:s23+$0xFCD0];
	v47 =	vadd.f32 v46, v49;
	v49 =	vmul.f32 v52, v12;
	v52 =	vmul.f32 v57, v56  }
0x29e: {  	[tilespmem:s23+$0x16CC0] =	vst v18;
	v18 =	vld [tilespmem:s23+$0x14080];
	v61 =	vmul.f32 v56, v11;
	v60 =	vmul.f32 v51, v13;
	v62 =	vadd.f32 v63, v10  }
0x29f: {  	[tilespmem:s23+$0x16C90] =	vst v14;
	v63 =	vmul.f32 v57, v12;
	v53 =	vld [tilespmem:s23+$0xFCE0];
	v46 =	vadd.f32 v50, v48;
	v52 =	vmul.f32 v52, v13  }
0x2a0: {  	[tilespmem:s23+$0x16CD0] =	vst v19;
	v48 =	vadd.f32 v61, v10;
	v56 =	vadd.f32 v60, v49;
	v49 =	vld [tilespmem:s23+$0x13CE0]  }
0x2a1: {  	[tilespmem:s23+$0x16CA0] =	vst v17;
	v51 =	vld [tilespmem:s23+$0x10080];
	v61 =	vmul.f32 v55, v54;
	v60 =	vmul.f32 v54, v11;
	v57 =	vadd.f32 v52, v63  }
0x2a2: {  	[tilespmem:s23+$0x16CF0] =	vst v21;
	v52 =	vld [tilespmem:s23+$0xFCF0];
	v14 =	vadd.f32 v56, v62;
	v62 =	vmul.f32 v55, v12;
	v63 =	vmul.f32 v59, v58  }
0x2a3: {  	[tilespmem:s23+$0x17090] =	vst v22;
	v55 =	vld [tilespmem:s23+$0x13CF0];
	v56 =	vmul.f32 v61, v13;
	v59 =	vmul.f32 v59, v12;
	v15 =	vadd.f32 v57, v48  }
0x2a4: {  	[tilespmem:s23+$0x16CB0] =	vst v16;
	v57 =	vmul.f32 v58, v11;
	v58 =	vadd.f32 v60, v10;
	v60 =	vmul.f32 v63, v13  }
0x2a5: {  	v22 =	vld [tilespmem:s23+$0x140A0];
	[tilespmem:s23+$0x16CE0] =	vst v20;
	v16 =	vadd.f32 v56, v62;
	v63 =	vmul.f32 v53, v11;
	v54 =	vmul.f32 v49, v53  }
0x2a6: {  	[tilespmem:s23+$0x17080] =	vst v23;
	v50 =	vld [tilespmem:s23+$0x10090];
	v56 =	vmul.f32 v49, v12;
	v61 =	vadd.f32 v57, v10;
	v62 =	vadd.f32 v60, v59  }
0x2a7: {  	[tilespmem:s23+$0x170A0] =	vst v25;
	v48 =	vld [tilespmem:s23+$0x100A0];
	v21 =	vadd.f32 v63, v10;
	v63 =	vmul.f32 v51, v11;
	v51 =	vmul.f32 v18, v51  }
0x2a8: {  	[tilespmem:s23+$0x170B0] =	vst v24;
	v16 =	vadd.f32 v16, v58;
	v58 =	vld [tilespmem:s23+$0x14090];
	v18 =	vmul.f32 v18, v12;
	v57 =	vmul.f32 v55, v52  }
0x2a9: {  	[tilespmem:s23+$0x170C0] =	vst v27;
	v59 =	vmul.f32 v54, v13;
	v60 =	vmul.f32 v52, v11;
	v52 =	vld [tilespmem:s23+$0x100B0]  }
0x2aa: {  	[tilespmem:s23+$0x170D0] =	vst v26;
	v54 =	vld [tilespmem:s23+$0x140B0];
	v17 =	vadd.f32 v62, v61;
	v61 =	vmul.f32 v55, v12;
	v55 =	vmul.f32 v51, v13  }
0x2ab: {  	[tilespmem:s23+$0x170F0] =	vst v29;
	v49 =	vld [tilespmem:s23+$0x140D0];
	v24 =	vadd.f32 v63, v10;
	v23 =	vmul.f32 v57, v13;
	v19 =	vadd.f32 v59, v56  }
0x2ac: {  	[tilespmem:s23+$0x170E0] =	vst v28;
	v63 =	vld [tilespmem:s23+$0x100D0];
	v62 =	vadd.f32 v60, v10;
	v56 =	vmul.f32 v50, v11;
	v18 =	vadd.f32 v55, v18  }
0x2ad: {  	[tilespmem:s23+$0x17480] =	vst v30;
	v51 =	vld [tilespmem:s23+$0x100E0];
	v23 =	vadd.f32 v23, v61;
	v19 =	vadd.f32 v19, v21;
	v53 =	vmul.f32 v58, v50  }
0x2ae: {  	[tilespmem:s23+$0x17490] =	vst v31;
	v60 =	vld [tilespmem:s23+$0x140C0];
	v57 =	vmul.f32 v58, v12;
	v59 =	vadd.f32 v56, v10;
	v61 =	vmul.f32 v48, v11  }
0x2af: {  	[tilespmem:s23+$0x174A0] =	vst v33;
	v58 =	vld [tilespmem:s23+$0x100C0];
	v18 =	vadd.f32 v18, v24;
	v27 =	vmul.f32 v52, v11;
	v26 =	vmul.f32 v54, v12  }
0x2b0: {  	[tilespmem:s23+$0x174B0] =	vst v32;
	v20 =	vadd.f32 v23, v62;
	v21 =	vmul.f32 v53, v13;
	v62 =	vmul.f32 v22, v48  }
0x2b1: {  	[tilespmem:s23+$0x174C0] =	vst v35;
	v22 =	vmul.f32 v22, v12;
	v48 =	vmul.f32 v54, v52;
	v28 =	vadd.f32 v61, v10  }
0x2b2: {  	[tilespmem:s23+$0x178A0] =	vst v40;
	v53 =	vld [tilespmem:s23+$0x140E0];
	v56 =	vmul.f32 v49, v63;
	v40 =	vmul.f32 v51, v11;
	v52 =	vadd.f32 v27, v10  }
0x2b3: {  	[tilespmem:s23+$0x174D0] =	vst v34;
	v25 =	vmul.f32 v60, v12;
	v21 =	vadd.f32 v21, v57;
	v50 =	vmul.f32 v62, v13  }
0x2b4: {  	[tilespmem:s23+$0x174E0] =	vst v37;
	v55 =	vld [tilespmem:s23+$0x100F0];
	v24 =	vmul.f32 v48, v13;
	v31 =	vadd.f32 v40, v10;
	v54 =	vmul.f32 v58, v11  }
0x2b5: {  	[tilespmem:s23+$0x17890] =	vst v39;
	v57 =	vld [tilespmem:s23+$0x140F0];
	v29 =	vmul.f32 v60, v58;
	v60 =	vmul.f32 v49, v12;
	v21 =	vadd.f32 v21, v59  }
0x2b6: {  	[tilespmem:s23+$0x174F0] =	vst v36;
	v61 =	vld [tilespmem:s23+$0x10480];
	v22 =	vadd.f32 v50, v22;
	v24 =	vadd.f32 v24, v26;
	v59 =	vmul.f32 v63, v11  }
0x2b7: {  	[tilespmem:s23+$0x178B0] =	vst v41;
	v41 =	vld [tilespmem:s23+$0x10490];
	v58 =	vmul.f32 v29, v13;
	v26 =	vadd.f32 v54, v10;
	v30 =	vmul.f32 v53, v51  }
0x2b8: {  	[tilespmem:s23+$0x17880] =	vst v38;
	v63 =	vld [tilespmem:s23+$0x14480];
	v48 =	vmul.f32 v53, v12;
	v22 =	vadd.f32 v22, v28;
	v23 =	vadd.f32 v24, v52  }
0x2b9: {  	[tilespmem:s23+$0x178C0] =	vst v43;
	v50 =	vld [tilespmem:s23+$0x14490];
	v28 =	vmul.f32 v56, v13;
	v62 =	vadd.f32 v59, v10;
	v52 =	vmul.f32 v55, v11  }
0x2ba: {  	[tilespmem:s23+$0x178D0] =	vst v42;
	v54 =	vld [tilespmem:s23+$0x104A0];
	v24 =	vadd.f32 v58, v25;
	v49 =	vmul.f32 v57, v55;
	v51 =	vmul.f32 v30, v13  }
0x2bb: {  	[tilespmem:s23+$0x17C80] =	vst v47;
	v47 =	vld [tilespmem:s23+$0x104D0];
	v53 =	vmul.f32 v57, v12;
	v57 =	vmul.f32 v61, v11;
	v28 =	vadd.f32 v28, v60  }
0x2bc: {  	[tilespmem:s23+$0x178E0] =	vst v45;
	v56 =	vld [tilespmem:s23+$0x144A0];
	v55 =	vadd.f32 v52, v10;
	v24 =	vadd.f32 v24, v26;
	v27 =	vmul.f32 v49, v13  }
0x2bd: {  	[tilespmem:s23+$0x178F0] =	vst v44;
	v58 =	vld [tilespmem:s23+$0x104B0];
	v26 =	vadd.f32 v51, v48;
	v33 =	vmul.f32 v63, v61;
	v29 =	vmul.f32 v63, v12  }
0x2be: {  	[tilespmem:s23+$0x17C90] =	vst v46;
	v60 =	vld [tilespmem:s23+$0x144B0];
	v59 =	vmul.f32 v50, v41;
	v39 =	vadd.f32 v57, v10;
	v40 =	vmul.f32 v50, v12  }
0x2bf: {  	[tilespmem:s23+$0x17CA0] =	vst v14;
	v63 =	vld [tilespmem:s23+$0x104C0];
	v25 =	vadd.f32 v28, v62;
	v62 =	vmul.f32 v41, v11;
	v46 =	vmul.f32 v54, v11  }
0x2c0: {  	[tilespmem:s23+$0x17CB0] =	vst v15;
	v50 =	vld [tilespmem:s23+$0x144D0];
	v26 =	vadd.f32 v26, v31;
	v61 =	vmul.f32 v33, v13;
	v31 =	vmul.f32 v59, v13  }
0x2c1: {  	[tilespmem:s23+$0x17CC0] =	vst v16;
	v27 =	vadd.f32 v27, v53;
	v44 =	vmul.f32 v56, v54;
	v30 =	vmul.f32 v56, v12  }
0x2c2: {  	[tilespmem:s23+$0x17CD0] =	vst v17;
	v41 =	vld [tilespmem:s23+$0x144C0];
	v43 =	vadd.f32 v62, v10;
	v51 =	vmul.f32 v58, v11;
	v54 =	vadd.f32 v46, v10  }
0x2c3: {  	[tilespmem:s23+$0x17CE0] =	vst v19;
	v57 =	vld [tilespmem:s23+$0x104F0];
	v14 =	vadd.f32 v27, v55;
	v42 =	vadd.f32 v61, v29;
	v48 =	vmul.f32 v44, v13  }
0x2c4: {  	[tilespmem:s23+$0x18080] =	vst v18;
	v53 =	vld [tilespmem:s23+$0x104E0];
	v45 =	vadd.f32 v31, v40;
	v49 =	vmul.f32 v60, v58;
	v52 =	vmul.f32 v60, v12  }
0x2c5: {  	[tilespmem:s23+$0x17CF0] =	vst v20;
	v56 =	vld [tilespmem:s23+$0x144E0];
	v20 =	vadd.f32 v51, v10;
	v61 =	vmul.f32 v63, v11;
	v62 =	vmul.f32 v50, v47  }
0x2c6: {  	[tilespmem:s23+$0x18090] =	vst v21;
	v31 =	vmul.f32 v50, v12;
	v15 =	vadd.f32 v42, v39;
	v19 =	vmul.f32 v49, v13  }
0x2c7: {  	[tilespmem:s23+$0x180A0] =	vst v22;
	v60 =	vld [tilespmem:s23+$0x144F0];
	v17 =	vadd.f32 v45, v43;
	v55 =	vmul.f32 v41, v63;
	v58 =	vmul.f32 v41, v12  }
0x2c8: {  	[tilespmem:s23+$0x180B0] =	vst v23;
	v16 =	vadd.f32 v48, v30;
	v30 =	vmul.f32 v47, v11;
	v41 =	vmul.f32 v57, v11  }
0x2c9: {  	[tilespmem:s23+$0x180C0] =	vst v24;
	v18 =	vadd.f32 v61, v10;
	v23 =	vmul.f32 v62, v13;
	v33 =	vmul.f32 v53, v11  }
0x2ca: {  	[tilespmem:s23+$0x180D0] =	vst v25;
	v35 =	vmul.f32 v56, v53;
	v37 =	vmul.f32 v56, v12;
	v19 =	vadd.f32 v19, v52  }
0x2cb: {  	[tilespmem:s23+$0x180E0] =	vst v26;
	v59 =	vmul.f32 v55, v13;
	v16 =	vadd.f32 v16, v54;
	v22 =	vadd.f32 v30, v10  }
0x2cc: {  	[tilespmem:s23+$0x180F0] =	vst v14;
	v46 =	vadd.f32 v41, v10;
	v36 =	vadd.f32 v23, v31;
	v38 =	vmul.f32 v60, v57  }
0x2cd: {  	[tilespmem:s23+$0x18480] =	vst v15;
	v40 =	vmul.f32 v35, v13;
	v42 =	vmul.f32 v60, v12;
	v45 =	vadd.f32 v33, v10  }
0x2ce: {  	[tilespmem:s23+$0x18490] =	vst v17;
	v19 =	vadd.f32 v19, v20;
	v63 =	vadd.f32 v59, v58;
	v43 =	vmul.f32 v38, v13  }
0x2cf: {  	[tilespmem:s23+$0x184A0] =	vst v16;
	v14 =	vadd.f32 v36, v22;
	v44 =	vadd.f32 v40, v37  }
0x2d0: {  	v39 =	vadd.f32 v63, v18;
	[tilespmem:s23+$0x184B0] =	vst v19;
	v17 =	vadd.f32 v43, v42  }
0x2d1: {  	s24 =	sand.u32 $0x7, s19;
	v47 =	vadd.f32 v44, v45;
	[tilespmem:s23+$0x184D0] =	vst v14  }
0x2d2: {  	s24 =	sshll.u32 s24, $0x7;
	[tilespmem:s23+$0x184C0] =	vst v39;
	v48 =	vadd.f32 v17, v46  }
0x2d3: {  	s24 =	sadd.s32 s24, s20;
	[tilespmem:s23+$0x184E0] =	vst v47  }
0x2d4: {  	[tilespmem:s23+$0x184F0] =	vst v48;
	s23 =	sor.u32 $0x1C00, s24  }
0x2d5: {  	v14 =	vld [tilespmem:s23+$0xEC80]  }
0x2d6: {  	v15 =	vld [tilespmem:s23+$0x12C80];
	_ =	sdelay $0x4  }
0x2d7: {  	v49 =	vmul.f32 v15, v14  }
0x2d8: {  	v14 =	vmul.f32 v14, v11  }
0x2d9: {  	v15 =	vmul.f32 v15, v12;
	v16 =	vmul.f32 v49, v13;
	_ =	sdelay $0x1  }
0x2da: {  	v14 =	vadd.f32 v14, v10;
	v15 =	vadd.f32 v16, v15;
	_ =	sdelay $0x1  }
0x2db: {  	v14 =	vadd.f32 v15, v14;
	_ =	sdelay $0x1  }
0x2dc: {  	[tilespmem:s23+$0x16C80] =	vst v14;
	s23 =	sor.u32 $0x1C10, s24  }
0x2dd: {  	v14 =	vld [tilespmem:s23+$0xEC80]  }
0x2de: {  	v50 =	vld [tilespmem:s23+$0x12C80];
	_ =	sdelay $0x4  }
0x2df: {  	v51 =	vmul.f32 v50, v14  }
0x2e0: {  	v14 =	vmul.f32 v14, v11  }
0x2e1: {  	v15 =	vmul.f32 v50, v12;
	v16 =	vmul.f32 v51, v13;
	_ =	sdelay $0x1  }
0x2e2: {  	v14 =	vadd.f32 v14, v10;
	v15 =	vadd.f32 v16, v15;
	_ =	sdelay $0x1  }
0x2e3: {  	v14 =	vadd.f32 v15, v14;
	_ =	sdelay $0x1  }
0x2e4: {  	[tilespmem:s23+$0x16C80] =	vst v14;
	s23 =	sor.u32 $0x1C20, s24  }
0x2e5: {  	v14 =	vld [tilespmem:s23+$0xEC80]  }
0x2e6: {  	v52 =	vld [tilespmem:s23+$0x12C80];
	_ =	sdelay $0x4  }
0x2e7: {  	v53 =	vmul.f32 v52, v14  }
0x2e8: {  	v14 =	vmul.f32 v14, v11  }
0x2e9: {  	v15 =	vmul.f32 v52, v12;
	v16 =	vmul.f32 v53, v13;
	_ =	sdelay $0x1  }
0x2ea: {  	v14 =	vadd.f32 v14, v10;
	v15 =	vadd.f32 v16, v15;
	_ =	sdelay $0x1  }
0x2eb: {  	v14 =	vadd.f32 v15, v14;
	_ =	sdelay $0x1  }
0x2ec: {  	[tilespmem:s23+$0x16C80] =	vst v14;
	s23 =	sor.u32 $0x1C30, s24  }
0x2ed: {  	v14 =	vld [tilespmem:s23+$0xEC80]  }
0x2ee: {  	v54 =	vld [tilespmem:s23+$0x12C80];
	_ =	sdelay $0x4  }
0x2ef: {  	v55 =	vmul.f32 v54, v14  }
0x2f0: {  	v14 =	vmul.f32 v14, v11  }
0x2f1: {  	v15 =	vmul.f32 v54, v12;
	v16 =	vmul.f32 v55, v13;
	_ =	sdelay $0x1  }
0x2f2: {  	v14 =	vadd.f32 v14, v10;
	v15 =	vadd.f32 v16, v15;
	_ =	sdelay $0x1  }
0x2f3: {  	v14 =	vadd.f32 v15, v14;
	_ =	sdelay $0x1  }
0x2f4: {  	[tilespmem:s23+$0x16C80] =	vst v14;
	s23 =	sor.u32 $0x1C40, s24  }
0x2f5: {  	v14 =	vld [tilespmem:s23+$0xEC80]  }
0x2f6: {  	v56 =	vld [tilespmem:s23+$0x12C80];
	_ =	sdelay $0x4  }
0x2f7: {  	v57 =	vmul.f32 v56, v14  }
0x2f8: {  	v14 =	vmul.f32 v14, v11  }
0x2f9: {  	v15 =	vmul.f32 v56, v12;
	v16 =	vmul.f32 v57, v13;
	_ =	sdelay $0x1  }
0x2fa: {  	v14 =	vadd.f32 v14, v10;
	v15 =	vadd.f32 v16, v15;
	_ =	sdelay $0x1  }
0x2fb: {  	v14 =	vadd.f32 v15, v14;
	_ =	sdelay $0x1  }
0x2fc: {  	[tilespmem:s23+$0x16C80] =	vst v14;
	s23 =	sor.u32 $0x1C50, s24  }
0x2fd: {  	v14 =	vld [tilespmem:s23+$0xEC80]  }
0x2fe: {  	v58 =	vld [tilespmem:s23+$0x12C80];
	_ =	sdelay $0x4  }
0x2ff: {  	v59 =	vmul.f32 v58, v14  }
0x300: {  	v14 =	vmul.f32 v14, v11  }
0x301: {  	v15 =	vmul.f32 v58, v12;
	v16 =	vmul.f32 v59, v13;
	_ =	sdelay $0x1  }
0x302: {  	v14 =	vadd.f32 v14, v10;
	v15 =	vadd.f32 v16, v15;
	_ =	sdelay $0x1  }
0x303: {  	v14 =	vadd.f32 v15, v14;
	_ =	sdelay $0x1  }
0x304: {  	[tilespmem:s23+$0x16C80] =	vst v14;
	s23 =	sor.u32 $0x1C60, s24  }
0x305: {  	v14 =	vld [tilespmem:s23+$0xEC80]  }
0x306: {  	v60 =	vld [tilespmem:s23+$0x12C80];
	_ =	sdelay $0x4  }
0x307: {  	v61 =	vmul.f32 v60, v14  }
0x308: {  	v14 =	vmul.f32 v14, v11  }
0x309: {  	v15 =	vmul.f32 v60, v12;
	v16 =	vmul.f32 v61, v13;
	_ =	sdelay $0x1  }
0x30a: {  	v14 =	vadd.f32 v14, v10;
	v15 =	vadd.f32 v16, v15;
	_ =	sdelay $0x1  }
0x30b: {  	v14 =	vadd.f32 v15, v14;
	_ =	sdelay $0x1  }
0x30c: {  	s24 =	sor.u32 $0x1C70, s24;
	[tilespmem:s23+$0x16C80] =	vst v14  }
0x30d: {  	v14 =	vld [tilespmem:s24+$0xEC80]  }
0x30e: {  	v62 =	vld [tilespmem:s24+$0x12C80];
	_ =	sdelay $0x4  }
0x30f: {  	v63 =	vmul.f32 v62, v14  }
0x310: {  	v11 =	vmul.f32 v14, v11  }
0x311: {  	v12 =	vmul.f32 v62, v12;
	v13 =	vmul.f32 v63, v13  }
0x312: {  	p0 =	sne.s32 s22, $0xF  }
.Ltmp3:
0x313: {  	v10 =	vadd.f32 v11, v10;
	v11 =	vadd.f32 v13, v12;
	(pc) =	sbr.rel @p0 .LBB2_6-.Ltmp3, $4  }
0x314: {  	_ = 	snop  }
0x315: {  	v10 =	vadd.f32 v11, v10  }
0x316: {  	s21 =	sadd.s32 $0x80, s21  }
0x317: {  	s22 =	sadd.s32 $0x1, s22;
	s19 =	sadd.s32 $0x1, s19;
	s20 =	sadd.s32 $0x400, s20;
	[tilespmem:s24+$0x16C80] =	vst v10  }
.Ltmp4:
0x318: {  	(pc) =	sbr.rel @!p1 .LBB2_8-.Ltmp4, $4  }
0x319: {  	s18 =	sadd.s32 s5, s18  }
0x31a: {  	s18 =	sshll.u32 s18, $0x7  }
0x31b: {  	s18 =	sadd.s32 s6, s18  }
0x31c: {  	[hbm4b:s18+s3] =	stream.linear.scatter [tilespmem:s9], [sflag:$0x6], $0x4000, $0x38;
	[tilespmem:$0x1AC80] =	vst v63  }
0x31d: {  	s13 =	simm.s32 $0x3  }
0x31e: {  	_ =	swait.ge [sflag:s13], $0x4000  }
0x31f: {  	[sflag:s13] =	ssyncset.done $0x0  }
0x320: {  	s14 =	simm.s32 $0x6;
	[sflag:s13] =	ssyncadd.s32 $0xFFFFC000  }
0x321: {  	_ =	swait.ge [sflag:s14], $0x4000  }
0x322: {  	s18 =	rddreg [dreg:$0xb]  }
0x323: {  	s24 =	rddreg [dreg:$0xa];
	s18 =	sadd.s32 $0x1, s18  }
0x324: {  	p0 =	sne.s32 s18, s24  }
.Ltmp5:
0x325: {  	_ = 	snop;
	(pc) =	sbr.rel @p0 .LBB2_1-.Ltmp5, $3  }
0x326: {  	_ =	sdelay $0x1  }
0x327: {  	[sflag:s14] =	ssyncset.done $0x0  }
0x328: {  	[sflag:s14] =	ssyncadd.s32 $0xFFFFC000  }
0x329: {  	_ =	sfence.sel $0x180000  }
0x32a: {  	[bflag:$0x0] =	sbarrier.arrive $0xFFFF  }
0x32b: {  	_ =	strace $0x90000047  }
0x32c: {  	s0 =	stileid.u32;
	[bflag:$0x2] =	sbarrier.arrive $0xFFFF  }
0x32d: {  	p0 =	sne.s32 s0, $0x0;
	s0 =	rddreg [dreg:$0x5]  }
0x32e: {  	s0 =	sadd.s32 @!p0 $0x100000, s0  }
0x32f: {  	[sflag:s0] =	ssyncadd.tile.s32 @!p0 $0x1;
	_ =	shalt  }
.Lfunc_end2:
_tile_overlayer_lowered:
.L_overlay_start_2:
0x330: {  	(tag) =	ssettag $0x2  }
0x331: {  	s0 =	rddreg [dreg:$0x0];
	s2 =	stileid.u32  }
0x332: {  	s1 =	rddreg [dreg:$0x1];
	p0 =	sne.s32 s2, $0x0  }
0x333: {  	s3 =	rddreg [dreg:$0x2];
	[bflag:$0x3] =	sbarrier.arrive $0xFFFF;
	s2 =	simm.s32 @!p0 $0x1C07  }
0x334: {  	[timem:s3], [sflag:s2] =	dma.local @!p0 [hbm:s0], s1  }
0x335: {  	s0 =	simm.s32 @!p0 $0x7  }
0x336: {  	_ =	swait.ge @!p0 [sflag:s0], s1  }
0x337: {  	s1 =	ssub.s32 @!p0 $0x0, s1;
	[sflag:s0] =	ssyncset.done @!p0 $0x0  }
0x338: {  	[sflag:s0] =	ssyncadd.s32 @!p0 s1  }
0x339: {  	[bflag:$0x3] =	sbarrier.arrive $0xFFFF  }
0x33a: {  	_ =	shalt  }

// kernel: sparse-core-data-format-call.cloned.1.call-start
scs
called_computation_lowered:
.L_overlay_start_0:
0x0: {  	s2 =	sld [smem:$0x3FD9]  }
0x1: {  	s3 =	sld [smem:$0x3FFE];
	_ =	sdelay $0x1  }
0x2: {  	s1 =	srdreg.scid  }
0x3: {  	s0 =	sand.u32 $0x1, s1  }
0x4: {  	s18 =	sshll.u32 s0, $0xA;
	s2 =	sadd.s32 s3, s2  }
0x5: {  	s2 =	sadd.s32 s2, s18  }
0x6: {  	[smem:$0x3FC3] =	sst s2  }
0x7: {  	_ = 	snop  }
0x8: {  	s2 =	sld [smem:$0x3FD0];
	(tm) =	ssettm $0x1  }
0x9: {  	s19 =	sld [smem:$0x3FFB];
	_ =	sdelay $0x3  }
0xa: {  	_ =	strace s19  }
0xb: {  	s3 =	sld [smem:$0x3FFC];
	_ =	sdelay $0x3  }
0xc: {  	_ =	strace s3  }
0xd: {  	s3 =	sld [smem:$0x3FFD];
	_ =	sdelay $0x3  }
0xe: {  	_ =	strace s3  }
0xf: {  	_ =	strace $0x8FFFFFFF  }
0x10: {  	s20 =	sld [smem:$0x3FDB];
	_ =	sdelay $0x1  }
0x11: {  	s4 =	simm.s32 $_scs_section_size  }
0x12: {  	s5 =	simm.s32 $_size__tile_overlayer_lowered;
	s6 =	simm.s32 $_tile_overlayer_lowered  }
0x13: {  	s23 =	simm.s32 $0x1BFF;
	s22 =	sshll.u32 s6, $0x1;
	s3 =	sadd.s32 s4, s20  }
0x14: {  	s7 =	simm.s32 $0x0;
	s21 =	sshll.u32 s5, $0x1;
	s5 =	sadd.s32 s22, s3  }
0x15: {  	[timem:s7], [sflag:s23] =	dma.local [hbm:s5], s21  }
0x16: {  	_ =	swait.ge [sflag:s23], s21  }
0x17: {  	s4 =	ssub.s32 $0x0, s21;
	[sflag:s23] =	ssyncset.done $0x0  }
0x18: {  	[sflag:s23] =	ssyncadd.s32 s4;
	_ =	sdelay $0x1  }
0x19: {  	s24 =	simm.s32 $0x1B8B  }
0x1a: {  	_ =	swait.ge [sflag:s24], $0x1  }
0x1b: {  	[sflag:s24] =	ssyncset.done $0x0  }
0x1c: {  	s26 =	simm.s32 $0x1B8E;
	s25 =	sld [smem:$0x3FFE];
	[sflag:s24] =	ssyncadd.s32 $0xFFFFFFFF  }
0x1d: {  	s27 =	simm.s32 $execute0_lowered;
	[smem:$0x3FD2] =	sst s26  }
0x1e: {  	s5 =	sshll.u32 s27, $0x1;
	_ =	strace $0x80000049;
	[dreg:$0x1] =	wrdreg $0xFFFFFFFF  }
0x1f: {  	s28 =	simm.s32 $_size_execute0_lowered;
	s3 =	sadd.s32 s3, s5;
	[dreg:$0x0] =	wrdreg $0x0  }
0x20: {  	s5 =	sshll.u32 s28, $0x1;
	[dreg:$0x2] =	wrdreg s3  }
0x21: {  	[dreg:$0x3] =	wrdreg s5  }
0x22: {  	[dreg:$0x4] =	wrdreg $0xC0  }
0x23: {  	_ =	task [dreg:s7], $0x5FFFF  }
0x24: {  	[dreg:$0x1] =	wrdreg $0xFFFFFFFF  }
0x25: {  	[dreg:$0x0] =	wrdreg $0x60  }
0x26: {  	[dreg:$0x2] =	wrdreg s25  }
0x27: {  	[dreg:$0x3] =	wrdreg s2  }
0x28: {  	[dreg:$0x4] =	wrdreg $0x9  }
0x29: {  	_ =	task.clear_ibuf [dreg:s7], $0x5FFFF;
	_ =	strace $0x90000049  }
0x2a: {  	s29 =	simm.s32 $0x9;
	_ =	strace $0x8000004B  }
0x2b: {  	_ =	swait.ge [sflag:s29], $0x1  }
0x2c: {  	[sflag:s29] =	ssyncadd.s32 $0xFFFFFFFF  }
0x2d: {  	_ =	strace $0x9000004B  }
0x2e: {  	_ =	sfence  }
0x2f: {  	s30 =	sld [smem:$0x0];
	_ =	sdelay $0x2  }
0x30: {  	s31 =	sshll.u32 s1, $0xD;
	s1 =	sshrl.u32 s1, $0x2  }
0x31: {  	s3 =	sand.u32 $0x4000, s31;
	s1 =	sadd.s32 s1, s30  }
0x32: {  	s0 =	sor.u32 s3, s0;
	s1 =	sshll.u32 s1, $0x11  }
0x33: {  	s0 =	sor.u32 s1, s0  }
0x34: {  	s0 =	sadd.s32 $0x8F2B, s0  }
0x35: {  	[sflag:s0] =	ssyncadd.remote.s32 $0x1  }
0x36: {  	_ =	sfence.sel $0xFFFF  }
0x37: {  	[dreg:$0x0] =	wrdreg $0xFFFFFFFF;
	(pc) =	sbr.abs _section_cstart, $3  }
0x38: {  	[dreg:$0x1] =	wrdreg $0xFFFFFFFF  }
0x39: {  	_ =	task.clear_ibuf [dreg:s7], $0x2FFFF;
	_ =	strace $0x9FFFFFFF  }
0x3a: {  	(tm) =	ssettm $0x7FFFFFFF  }
0x3b: {  	_ =	shalt  }
tec
execute0_lowered:
.L_overlay_start_1:
0x0: {  	(tag) =	ssettag $0x1  }
0x1: {  	s0 =	srdreg.scid  }
0x2: {  	s1 =	sshll.u32 s0, $0x4  }
0x3: {  	s6 =	rddreg [dreg:$0x0];
	s0 =	stileid.u32;
	s1 =	sand.u32 $0x10, s1  }
0x4: {  	s3 =	rddreg [dreg:$0x1];
	s5 =	simm.s32 $0x1;
	s1 =	sor.u32 s0, s1  }
0x5: {  	s31 =	simm.s32 $0x2;
	s13 =	simm.s32 $0x0;
	s2 =	sshll.u32 s1, $0x7  }
0x6: {  	s8 =	simm.s32 $0x20000;
	s12 =	simm.s32 $0x0;
	s4 =	ssub.s32 $0x4000, s2  }
0x7: {  	s9 =	simm.s32 $0x0;
	s11 =	simm.s32 $0x0;
	s30 =	sand.u32 $0xF80, s4  }
.Ltmp0:
0x8: {  	s6 =	sadd.s32 $0xA00, s6;
	p0 =	sne.s32 s30, $0x0;
	(pc) =	sbr.rel .LBB1_1-.Ltmp0, $4  }
0x9: {  	s1 =	rddreg [dreg:$0x2];
	s7 =	sshrl.u32 s4, $0xC;
	s5 =	simm.s32 @!p0 $0x0  }
0xa: {  	_ =	strace $0x8000004A;
	s4 =	simm.s32 $0x1;
	s5 =	sadd.s32 s5, s7  }
0xb: {  	s10 =	smov.u32 s2;
	[sflag:s4] =	ssyncpa.u1 $0x0;
	s5 =	sshll.u32 s5, $0x3  }
0xc: {  	[sflag:s31] =	ssyncpa.u1 $0x0;
	p0 =	por $0x0, $0x0;
	s7 =	sor.u32 $0x1, s5  }
.LBB1_4:
0xd: {  	v5 =	vld [tilespmem:s16+$0xFFFFFFD0]  }
0xe: {  	[tilespmem:s17+$0x2040 ss:$0x81] =	vst.msk $0xffff, v1;
	v58 =	vld [tilespmem:s16+$0xFFFFFFE0]  }
0xf: {  	[tilespmem:s17+$0x2850 ss:$0x81] =	vst.msk $0xffff, v2;
	v59 =	vld [tilespmem:s16+$0xFFFFFFF0]  }
0x10: {  	s18 =	sshra.s32 s18, $0x2;
	[tilespmem:s17+$0x3060 ss:$0x81] =	vst.msk $0xffff, v3;
	v60 =	vld [tilespmem:s16+$0x0]  }
0x11: {  	[tilespmem:s17+$0x0 ss:$0x81] =	vst.msk $0xffff, v0;
	v61 =	vld [tilespmem:s16+$0x10];
	s15 =	sadd.s32 s18, s15  }
0x12: {  	s26 =	sshll.u32 s13, $0xE;
	v62 =	vld [tilespmem:s16+$0x20];
	[tilespmem:s15+$0x3870 ss:$0x81] =	vst.msk $0xffff, v4  }
0x13: {  	s27 =	sand.u32 $0x78, s12;
	s19 =	sshll.u32 s12, $0x3;
	v63 =	vld [tilespmem:s16+$0xFFFFFFC0];
	s29 =	sshll.u32 s13, $0x7;
	[tilespmem:s15+$0x810 ss:$0x81] =	vst.msk $0xffff, v5  }
0x14: {  	s17 =	sand.u32 $0xFE0000, s26;
	s28 =	sand.u32 $0xFFFC00, s19;
	s19 =	sand.u32 $0x3C00, s19;
	[tilespmem:s15+$0x1020 ss:$0x81] =	vst.msk $0xffff, v58  }
0x15: {  	s13 =	sand.u32 $0x380, s29;
	s16 =	sadd.s32 s28, s17;
	s30 =	sor.u32 s27, s19;
	[tilespmem:s15+$0x1830 ss:$0x81] =	vst.msk $0xffff, v59  }
0x16: {  	s16 =	sand.u32 $0xFFC000, s16;
	s13 =	sor.u32 s13, s30;
	[tilespmem:s15+$0x2040 ss:$0x81] =	vst.msk $0xffff, v60  }
0x17: {  	s31 =	sand.u32 $0x7, s12;
	s13 =	sor.u32 s16, s13;
	[tilespmem:s15+$0x2850 ss:$0x81] =	vst.msk $0xffff, v61  }
0x18: {  	s12 =	sshll.u32 s31, $0x12;
	[tilespmem:s15+$0x3060 ss:$0x81] =	vst.msk $0xffff, v62;
	s13 =	sshrl.u32 s13, $0x3  }
0x19: {  	s12 =	sor.u32 $0x400, s12;
	[tilespmem:s15+$0x0 ss:$0x81] =	vst.msk $0xffff, v63;
	s13 =	sadd.s32 s3, s13  }
0x1a: {  	[hbm4b:s13+s12] =	stream.strided.scatter [tilespmem:s14], [sflag:$0x2], $0x4000, s8, s12, $0x20;
	[tilespmem:$0x10100] =	vst v63  }
.LBB1_5:
0x1b: {  	s14 =	sadd.s32 $0x80, s9  }
0x1c: {  	s12 =	sadd.s32 $0x1000, s10;
	s16 =	smov.u32 s10;
	p2 =	sgt.s32 s14, $0x3FF  }
0x1d: {  	s16 =	smov.u32 @p2 s12  }
0x1e: {  	s14 =	simm.s32 @p2 $0x0;
	p2 =	sgt.s32 s16, $0x3FFF  }
0x1f: {  	s16 =	smov.u32 @p2 s2;
	p2 =	sne.s32 s11, s7  }
.Ltmp1:
0x20: {  	p1 =	slt.u32 s11, $0x2;
	(pc) =	sbr.rel @!p2 .LBB1_6-.Ltmp1, $4  }
0x21: {  	s15 =	simm.s32 @!p1 $0x2  }
0x22: {  	s13 =	smov.u32 s9;
	p0 =	por !p0, !p0;
	_ =	swait.ge @!p1 [sflag:s15], $0x4000  }
0x23: {  	s12 =	smov.u32 s10;
	[sflag:s15] =	ssyncset.done @!p1 $0x0;
	s9 =	smov.u32 s14  }
0x24: {  	s11 =	sadd.s32 $0x1, s11;
	[sflag:s15] =	ssyncadd.s32 @!p1 $0xFFFFC000;
	s10 =	smov.u32 s16  }
.LBB1_1:
0x25: {  	p1 =	sge.u32 s11, s5  }
0x26: {  	s31 =	sadd.s32 $0xFFFFFFFF, s11;
	s14 =	sshll.u32 @!p1 s10, $0xA  }
0x27: {  	s15 =	sshll.u32 @!p1 s9, $0x3;
	s16 =	sshll.u32 @!p1 s10, $0x7;
	s14 =	sand.u32 @!p1 $0xFFE000, s14  }
0x28: {  	s17 =	sand.u32 @!p1 $0x78, s9;
	s14 =	sadd.s32 @!p1 s14, s15;
	s15 =	sand.u32 @!p1 $0x380, s16  }
0x29: {  	s16 =	sxor.u32 @!p1 $0xFFFFFFFF, s11;
	s14 =	sand.u32 @!p1 $0xFFFC00, s14;
	s15 =	sor.u32 @!p1 s15, s17  }
0x2a: {  	s16 =	sshll.u32 @!p1 s16, $0xE;
	s14 =	sor.u32 @!p1 s14, s15;
	s15 =	sand.u32 @!p1 $0x7, s9  }
0x2b: {  	s17 =	simm.s32 @!p1 $0x2000;
	s14 =	sshrl.u32 @!p1 s14, $0x3;
	s15 =	sshll.u32 @!p1 s15, $0x12  }
0x2c: {  	s16 =	sand.u32 @!p1 $0x4000, s16;
	s14 =	sadd.s32 @!p1 s6, s14;
	s15 =	sor.u32 @!p1 $0x400, s15  }
0x2d: {  	[tilespmem:s16], [sflag:$0x1] =	stream.strided.gather @!p1 [hbm4b:s14+s15], $0x4000, s17, s15, $0x38;
	[tilespmem:$0x10100] =	vst v63  }
0x2e: {  	p1 =	sge.u32 s31, s5  }
.Ltmp2:
0x2f: {  	_ = 	snop;
	(pc) =	sbr.rel @p1 .LBB1_5-.Ltmp2, $1  }
0x30: {  	_ =	sdelay $0x3  }
0x31: {  	s14 =	simm.s32 $0x1  }
0x32: {  	_ =	swait.ge [sflag:s4], $0x4000;
	s14 =	simm.s32 @!p0 $0x0  }
0x33: {  	[sflag:s4] =	ssyncset.done $0x0;
	s15 =	sshll.u32 s14, $0xE  }
0x34: {  	[sflag:s4] =	ssyncadd.s32 $0xFFFFC000;
	s16 =	sor.u32 $0x40, s15  }
0x35: {  	s14 =	smul.u32 $0x10200, s14;
	v0 =	vld [tilespmem:s16+$0x30]  }
0x36: {  	v3 =	vld [tilespmem:s16+$0xFFFFFFD0]  }
0x37: {  	s14 =	sshrl.u32 s14, $0x2;
	v4 =	vld [tilespmem:s16+$0xFFFFFFE0]  }
0x38: {  	v5 =	vld [tilespmem:s16+$0xFFFFFFF0];
	s15 =	sor.u32 $0x8000, s14  }
0x39: {  	s31 =	sand.u32 $0x1, s11;
	v1 =	vld [tilespmem:s16+$0x0];
	s17 =	sadd.s32 $0x0, s15  }
0x3a: {  	v2 =	vld [tilespmem:s16+$0x10];
	s14 =	smul.u32 $0x10200, s31;
	[tilespmem:s17+$0x3870 ss:$0x81] =	vst.msk $0xffff, v0  }
0x3b: {  	[tilespmem:s17+$0x810 ss:$0x81] =	vst.msk $0xffff, v3;
	v3 =	vld [tilespmem:s16+$0x20]  }
0x3c: {  	s14 =	sshrl.u32 s14, $0x2;
	v0 =	vld [tilespmem:s16+$0xFFFFFFC0];
	[tilespmem:s17+$0x1020 ss:$0x81] =	vst.msk $0xffff, v4;
	s16 =	sadd.s32 $0x80, s16  }
0x3d: {  	s18 =	simm.s32 $0x4;
	s19 =	simm.s32 $0x8;
	s14 =	sor.u32 $0x8000, s14;
	[tilespmem:s17+$0x1830 ss:$0x81] =	vst.msk $0xffff, v5;
	v4 =	vld [tilespmem:s16+$0x30]  }
.LBB1_3:
0x3e: {  	p1 =	sne.s32 s19, $0x1FC;
	v5 =	vld [tilespmem:s16+$0xFFFFFFD0];
	[tilespmem:s17+$0x2040 ss:$0x81] =	vst.msk $0xffff, v1  }
0x3f: {  	v6 =	vld [tilespmem:s16+$0xFFFFFFE0];
	[tilespmem:s17+$0x2850 ss:$0x81] =	vst.msk $0xffff, v2  }
0x40: {  	s20 =	sshra.s32 s18, $0x2;
	s18 =	smov.u32 s19;
	v7 =	vld [tilespmem:s16+$0xFFFFFFF0];
	[tilespmem:s17+$0x3060 ss:$0x81] =	vst.msk $0xffff, v3  }
.Ltmp3:
0x41: {  	v1 =	vld [tilespmem:s16+$0x0];
	[tilespmem:s17+$0x0 ss:$0x81] =	vst.msk $0xffff, v0;
	s17 =	sadd.s32 s20, s15;
	(pc) =	sbr.rel @p1 .LBB1_3-.Ltmp3, $4  }
0x42: {  	v2 =	vld [tilespmem:s16+$0x10];
	[tilespmem:s17+$0x3870 ss:$0x81] =	vst.msk $0xffff, v4  }
0x43: {  	[tilespmem:s17+$0x810 ss:$0x81] =	vst.msk $0xffff, v5;
	v3 =	vld [tilespmem:s16+$0x20]  }
0x44: {  	v0 =	vld [tilespmem:s16+$0xFFFFFFC0];
	[tilespmem:s17+$0x1020 ss:$0x81] =	vst.msk $0xffff, v6;
	s16 =	sadd.s32 $0x80, s16  }
0x45: {  	s19 =	sadd.s32 $0x4, s19;
	v4 =	vld [tilespmem:s16+$0x30];
	[tilespmem:s17+$0x1830 ss:$0x81] =	vst.msk $0xffff, v7  }
.Ltmp4:
0x46: {  	_ = 	snop;
	(pc) =	sbr.rel .LBB1_4-.Ltmp4, $1  }
0x47: {  	_ =	sdelay $0x3  }
.LBB1_6:
0x48: {  	_ =	sfence.sel $0x180000  }
0x49: {  	s2 =	simm.s32 $0x1;
	[bflag:$0x0] =	sbarrier.arrive $0xFFFF  }
0x4a: {  	s31 =	simm.s32 $0x2;
	[sflag:s2] =	ssyncpa.u1 $0x1  }
0x4b: {  	[sflag:s31] =	ssyncpa.u1 $0x1  }
0x4c: {  	p0 =	sne.s32 s0, $0x0;
	_ =	strace $0x9000004A  }
0x4d: {  	s0 =	sadd.s32 @!p0 $0x100000, s1;
	[bflag:$0x2] =	sbarrier.arrive $0xFFFF  }
0x4e: {  	[sflag:s0] =	ssyncadd.tile.s32 @!p0 $0x1;
	_ =	shalt  }
.Lfunc_end1:
_tile_overlayer_lowered:
.L_overlay_start_2:
0x4f: {  	(tag) =	ssettag $0x2  }
0x50: {  	s0 =	rddreg [dreg:$0x0];
	s2 =	stileid.u32  }
0x51: {  	s1 =	rddreg [dreg:$0x1];
	p0 =	sne.s32 s2, $0x0  }
0x52: {  	s3 =	rddreg [dreg:$0x2];
	[bflag:$0x3] =	sbarrier.arrive $0xFFFF;
	s2 =	simm.s32 @!p0 $0x1C01  }
0x53: {  	[timem:s3], [sflag:s2] =	dma.local @!p0 [hbm:s0], s1  }
0x54: {  	s0 =	simm.s32 @!p0 $0x1  }
0x55: {  	_ =	swait.ge @!p0 [sflag:s0], s1  }
0x56: {  	s1 =	ssub.s32 @!p0 $0x0, s1;
	[sflag:s0] =	ssyncset.done @!p0 $0x0  }
0x57: {  	[sflag:s0] =	ssyncadd.s32 @!p0 s1  }
0x58: {  	[bflag:$0x3] =	sbarrier.arrive $0xFFFF  }
0x59: {  	_ =	shalt  }

</sc_bundles>
